<compile_context>
chip_gen: v7x
topology: tpu7x:2x2x1
jax: 0.10.2.dev20260603
libtpu: 0.0.44.dev20260713+nightly
codegen_flags: <defaults>
</compile_context>

<pallas_src>
import functools

import jax
import jax.numpy as jnp
from jax import lax
from jax.experimental import pallas as pl
from jax.experimental.pallas import tpu as pltpu
from jax.experimental.pallas import tpu_sc as plsc

LANES = 16
TRASH = 64


def _eproj_call(edge_attr, Weh, E, DE, HALF):
    BE = 2048

    def body(ea_ref, we_ref, out_ref):
        out_ref[0] = jnp.dot(ea_ref[...], we_ref[0],
                             precision=lax.Precision.HIGHEST,
                             preferred_element_type=jnp.float32)

    return pl.pallas_call(
        body,
        grid=(2, E // BE),
        in_specs=[
            pl.BlockSpec((BE, DE), lambda h, i: (i, 0)),
            pl.BlockSpec((1, DE, HALF), lambda h, i: (h, 0, 0)),
        ],
        out_specs=pl.BlockSpec((1, BE, HALF), lambda h, i: (h, i, 0)),
        out_shape=jax.ShapeDtypeStruct((2, E, HALF), jnp.float32),
    )(edge_attr, Weh)


def _sc_agg_call(x2, ep2, src, dst, N, E, HALF, ph):
    NS = 16
    EperS = E // NS
    K = 64
    NCHUNK = EperS // K
    ZK = 40
    N2 = N // 2

    src3d = src.reshape(NS * NCHUNK, K)
    dst3d = dst.reshape(NS * NCHUNK, K)

    mesh = plsc.VectorSubcoreMesh(core_axis_name="c", subcore_axis_name="s")

    @functools.partial(
        pl.kernel,
        out_type=jax.ShapeDtypeStruct((N, HALF), jnp.float32),
        mesh=mesh,
        scratch_types=[
            pltpu.VMEM((NCHUNK, K), jnp.int32),
            pltpu.VMEM((NCHUNK, K), jnp.int32),
            pltpu.VMEM((2, K, HALF), jnp.float32),
            pltpu.VMEM((2, K, HALF), jnp.float32),
            pltpu.VMEM((2, K, HALF), jnp.float32),
            pltpu.VMEM_SHARED((N2 + TRASH, HALF), jnp.float32),
            pltpu.SemaphoreType.DMA,
            pltpu.SemaphoreType.DMA,
            pltpu.SemaphoreType.DMA,
            pltpu.SemaphoreType.DMA,
            pltpu.SemaphoreType.DMA,
            pltpu.SemaphoreType.DMA,
        ],
    )
    def sc_agg(x2_hbm, ep_hbm, src_hbm, dst_hbm, out_hbm,
               srcv, dstv, xbuf, ebuf, mbuf, agg_sh,
               gsem0, gsem1, esem0, esem1, ssem0, ssem1):
        c = lax.axis_index("c")
        s = lax.axis_index("s")
        ebase = s * EperS
        gsems = (gsem0, gsem1)
        esems = (esem0, esem1)
        ssems = (ssem0, ssem1)

        pltpu.sync_copy(src_hbm.at[pl.ds(s * NCHUNK, NCHUNK), :], srcv)
        pltpu.sync_copy(dst_hbm.at[pl.ds(s * NCHUNK, NCHUNK), :], dstv)

        def shift_body(r, carry):
            for j in range(K // LANES):
                sl = pl.ds(j * LANES, LANES)
                srcv[r, sl] = srcv[r, sl] * 2 + c
                d = dstv[r, sl] - ph * N2
                inr = (d >= 0) & (d < N2)
                dstv[r, sl] = jnp.where(inr, d,
                                        N2 + (dstv[r, sl] & (TRASH - 1)))
            return carry

        lax.fori_loop(0, NCHUNK, shift_body, 0, unroll=2)

        def issue_fetch(i, b):
            pltpu.async_copy(x2_hbm.at[srcv.at[i]],
                             xbuf.at[b], gsems[b])
            pltpu.async_copy(ep_hbm.at[pl.ds(c * E + ebase + i * K, K)],
                             ebuf.at[b], esems[b])

        issue_fetch(0, 0)
        issue_fetch(1, 1)

        def zrow(r, carry):
            for j in range(HALF // LANES):
                mbuf[0, r, pl.ds(j * LANES, LANES)] = jnp.zeros((LANES,),
                                                                jnp.float32)
            return carry

        lax.fori_loop(0, ZK, zrow, 0)
        nchunk_a = (N2 + TRASH) // ZK
        for t in range(-(-nchunk_a // NS)):
            idx = s + NS * t

            @pl.when(idx < nchunk_a)
            def _():
                pltpu.sync_copy(mbuf.at[0, pl.ds(0, ZK)],
                                agg_sh.at[pl.ds(idx * ZK, ZK)])

        plsc.subcore_barrier()

        def process(i, b):
            pltpu.make_async_copy(x2_hbm.at[pl.ds(0, K)], xbuf.at[b],
                                  gsems[b]).wait()
            pltpu.make_async_copy(ep_hbm.at[pl.ds(0, K)], ebuf.at[b],
                                  esems[b]).wait()

            @pl.when(i >= 2)
            def _():
                pltpu.make_async_copy(x2_hbm.at[pl.ds(0, K)],
                                      agg_sh.at[pl.ds(0, K)],
                                      ssems[b]).wait()

            def row(r, rcarry):
                for j in range(HALF // LANES):
                    sl = pl.ds(j * LANES, LANES)
                    mbuf[b, r, sl] = jnp.maximum(
                        xbuf[b, r, sl] + ebuf[b, r, sl], 0.0)
                return rcarry

            lax.fori_loop(0, K, row, 0, unroll=2)

            pltpu.async_copy(mbuf.at[b], agg_sh.at[dstv.at[i]],
                             ssems[b], add=True)

            @pl.when(i + 2 < NCHUNK)
            def _():
                issue_fetch(i + 2, b)

        def pair(p, carry):
            process(2 * p, 0)
            process(2 * p + 1, 1)
            return carry

        lax.fori_loop(0, NCHUNK // 2, pair, 0)
        if NCHUNK % 2:
            process(NCHUNK - 1, 0)

        last = NCHUNK - 1
        pltpu.make_async_copy(x2_hbm.at[pl.ds(0, K)], agg_sh.at[pl.ds(0, K)],
                              ssems[last % 2]).wait()
        pltpu.make_async_copy(x2_hbm.at[pl.ds(0, K)], agg_sh.at[pl.ds(0, K)],
                              ssems[(last - 1) % 2]).wait()
        plsc.subcore_barrier()

        nchunk_n = N2 // ZK
        for t in range(-(-nchunk_n // NS)):
            idx = s + NS * t

            @pl.when(idx < nchunk_n)
            def _():
                pltpu.sync_copy(agg_sh.at[pl.ds(idx * ZK, ZK)],
                                out_hbm.at[pl.ds(c * N2 + idx * ZK, ZK)])

    return sc_agg(x2, ep2, src3d, dst3d)


def _mlp_call(x, agg, Wc, bc2, W1, b12, W2, b22, N, DF, HALF, DC, DH):
    BN = 1000
    nb = N // BN
    hb = nb // 2

    def body(x_ref, g0_ref, g1_ref, wc_ref, bc_ref, w1_ref, b1_ref,
             w2_ref, b2_ref, out_ref):
        hi = lax.Precision.HIGHEST
        a0 = x_ref[:, :HALF] + g0_ref[...]
        a1 = x_ref[:, HALF:] + g1_ref[...]
        h = (jnp.dot(a0, wc_ref[:HALF, :], precision=hi,
                     preferred_element_type=jnp.float32)
             + jnp.dot(a1, wc_ref[HALF:, :], precision=hi,
                       preferred_element_type=jnp.float32)
             + bc_ref[...])
        h = jnp.maximum(
            jnp.dot(h, w1_ref[...], precision=hi,
                    preferred_element_type=jnp.float32)
            + b1_ref[...], 0.0)
        out_ref[...] = (jnp.dot(h, w2_ref[...], precision=hi,
                                preferred_element_type=jnp.float32)
                        + b2_ref[...])

    return pl.pallas_call(
        body,
        grid=(nb,),
        in_specs=[
            pl.BlockSpec((BN, DF), lambda i: (i, 0)),
            pl.BlockSpec((BN, HALF), lambda i, _hb=hb: (i + (i // _hb) * _hb,
                                                        0)),
            pl.BlockSpec((BN, HALF),
                         lambda i, _hb=hb: (i + (i // _hb) * _hb + _hb, 0)),
            pl.BlockSpec((DF, DC), lambda i: (0, 0)),
            pl.BlockSpec((1, DC), lambda i: (0, 0)),
            pl.BlockSpec((DC, DH), lambda i: (0, 0)),
            pl.BlockSpec((1, DH), lambda i: (0, 0)),
            pl.BlockSpec((DH, DF), lambda i: (0, 0)),
            pl.BlockSpec((1, DF), lambda i: (0, 0)),
        ],
        out_specs=pl.BlockSpec((BN, DF), lambda i: (i, 0)),
        out_shape=jax.ShapeDtypeStruct((N, DF), jnp.float32),
    )(x, agg, agg, Wc, bc2, W1, b12, W2, b22)


def kernel(x, edge_index, edge_attr, We, Wc, bc, W1, b1, W2, b2):
    N, DF = x.shape
    E = edge_index.shape[1]
    DE = edge_attr.shape[1]
    DC = Wc.shape[1]
    DH = W1.shape[1]
    HALF = DF // 2

    EP = 16 * 128 * 80
    pad = EP - E
    src = jnp.concatenate([edge_index[0], jnp.zeros((pad,), jnp.int32)])
    dst = jnp.concatenate([edge_index[1], jnp.full((pad,), -1, jnp.int32)])
    ea_p = jnp.concatenate(
        [edge_attr, jnp.zeros((pad, DE), jnp.float32)], axis=0)

    x2 = x.reshape(2 * N, HALF)
    Weh = We.reshape(DE, 2, HALF).transpose(1, 0, 2)

    ep = _eproj_call(ea_p, Weh, EP, DE, HALF)
    ep2 = ep.reshape(2 * EP, HALF)

    aggA = _sc_agg_call(x2, ep2, src, dst, N, EP, HALF, 0)
    aggB = _sc_agg_call(x2, ep2, src, dst, N, EP, HALF, 1)
    agg = jnp.concatenate([aggA, aggB], axis=0)

    out = _mlp_call(x, agg, Wc, bc.reshape(1, DC), W1, b1.reshape(1, DH),
                    W2, b2.reshape(1, DF), N, DF, HALF, DC, DH)
    return out

# --- scband reference (transcript-rebuilt; emitter-appended) ---
"""Pipeline reference for scband-conv-wrapper-14130442404257 (READ-ONLY COPY).

The authoritative reference and input builder live on the scoring server;
editing this copy changes nothing except your own understanding.
"""

import jax, jax.numpy as jnp
import numpy as np

N_NODES = 10000
N_EDGES = 160000
D_FEAT = 256
D_EDGE = 16
D_CONV = 128
D_HIDDEN = 1024


def setup_inputs(seed: int = 0) -> dict:
    key = jax.random.key(seed)
    ks = jax.random.split(key, 12)
    x = jax.random.normal(ks[0], (N_NODES, D_FEAT), dtype=jnp.float32)
    edge_index = jax.random.randint(ks[1], (2, N_EDGES), 0, N_NODES, dtype=jnp.int64 if jax.config.jax_enable_x64 else jnp.int32).astype(jnp.int32)
    edge_attr = jax.random.normal(ks[2], (N_EDGES, D_EDGE), dtype=jnp.float32)
    # conv parameters: edge-feature projection + output linear (GINE-like, small conv)
    We = jax.random.normal(ks[3], (D_EDGE, D_FEAT), dtype=jnp.float32) * (1.0 / np.sqrt(D_EDGE))
    Wc = jax.random.normal(ks[4], (D_FEAT, D_CONV), dtype=jnp.float32) * (1.0 / np.sqrt(D_FEAT))
    bc = jnp.zeros((D_CONV,), dtype=jnp.float32)
    # wrapper nn parameters: larger MLP
    W1 = jax.random.normal(ks[5], (D_CONV, D_HIDDEN), dtype=jnp.float32) * (1.0 / np.sqrt(D_CONV))
    b1 = jnp.zeros((D_HIDDEN,), dtype=jnp.float32)
    W2 = jax.random.normal(ks[6], (D_HIDDEN, D_FEAT), dtype=jnp.float32) * (1.0 / np.sqrt(D_HIDDEN))
    b2 = jnp.zeros((D_FEAT,), dtype=jnp.float32)
    return {"x": x, "edge_index": edge_index, "edge_attr": edge_attr,
            "We": We, "Wc": Wc, "bc": bc, "W1": W1, "b1": b1, "W2": W2, "b2": b2}


def reference(x, edge_index, edge_attr, We, Wc, bc, W1, b1, W2, b2):
    # --- conv: GINE-like message passing with small output width ---
    src = edge_index[0]
    dst = edge_index[1]
    # gather source node features, mix in projected edge attributes
    msg = jax.nn.relu(jnp.take(x, src, axis=0) + edge_attr @ We)  # [E, D_FEAT]
    # scatter-add aggregation to destination nodes
    agg = jax.ops.segment_sum(msg, dst, num_segments=x.shape[0])  # [N, D_FEAT]
    h = (x + agg) @ Wc + bc  # [N, D_CONV]
    # --- nn: larger MLP applied to conv output ---
    h = jax.nn.relu(h @ W1 + b1)  # [N, D_HIDDEN]
    out = h @ W2 + b2             # [N, D_FEAT]
    return out

if __name__ == "__main__":
    import jax
    _d = setup_inputs()
    print(jax.jit(kernel)(*tuple(_d.values())))

</pallas_src>

<mosaic_0001>
#map = affine_map<(d0, d1) -> (0, 0)>
module attributes {stable_mosaic.version = 14 : i64} {
  func.func @sc_agg(%arg0: i32, %arg1: i32, %arg2: memref<20000x128xf32, #tpu.memory_space<hbm>>, %arg3: memref<327680x128xf32, #tpu.memory_space<hbm>>, %arg4: memref<2560x64xi32, #tpu.memory_space<hbm>>, %arg5: memref<2560x64xi32, #tpu.memory_space<hbm>>, %arg6: memref<10000x128xf32, #tpu.memory_space<hbm>>, %arg7: memref<160x64xi32, #tpu.memory_space<vmem>>, %arg8: memref<160x64xi32, #tpu.memory_space<vmem>>, %arg9: memref<2x64x128xf32, #tpu.memory_space<vmem>>, %arg10: memref<2x64x128xf32, #tpu.memory_space<vmem>>, %arg11: memref<2x64x128xf32, #tpu.memory_space<vmem>>, %arg12: memref<5064x128xf32, #tpu.memory_space<vmem_shared>>, %arg13: memref<!tpu.dma_semaphore, #tpu.memory_space<semaphore_mem>>, %arg14: memref<!tpu.dma_semaphore, #tpu.memory_space<semaphore_mem>>, %arg15: memref<!tpu.dma_semaphore, #tpu.memory_space<semaphore_mem>>, %arg16: memref<!tpu.dma_semaphore, #tpu.memory_space<semaphore_mem>>, %arg17: memref<!tpu.dma_semaphore, #tpu.memory_space<semaphore_mem>>, %arg18: memref<!tpu.dma_semaphore, #tpu.memory_space<semaphore_mem>>) attributes {dimension_semantics = [#tpu.dimension_semantics<core_parallel>, #tpu.dimension_semantics<subcore_parallel>], iteration_bounds = array<i64: 2, 16>, scalar_prefetch = 0 : i64, scratch_operands = 12 : i64, tpu.core_type = #tpu.core_type<sc_vector_subcore>, window_params = [{transform_indices = #map}, {transform_indices = #map}, {transform_indices = #map}, {transform_indices = #map}, {transform_indices = #map}]} {
    %mul3A = arith.constant 10240 : i32
    %mul3A_0 = arith.muli %arg1, %mul3A : i32
    %mul3A_1 = arith.constant 160 : i32
    %mul3A_2 = arith.muli %arg1, %mul3A_1 : i32
    "tpu.region"() ({
      %run_scoped3A = tpu.sem_alloc : memref<!tpu.dma_semaphore, #tpu.memory_space<semaphore_mem>>
      %dma_start3A_201 = arith.constant 0 : i32
      %dma_start3A_202 = tpu.memref_slice %arg4[%mul3A_2, %dma_start3A_201] : memref<2560x64xi32, #tpu.memory_space<hbm>> -> memref<160x64xi32, #tpu.memory_space<hbm>>
      %dma_start3A_203 = arith.constant 0 : i32
      %dma_start3A_204 = tpu.memref_slice %arg4[%mul3A_2, %dma_start3A_203] : memref<2560x64xi32, #tpu.memory_space<hbm>> -> memref<160x64xi32, #tpu.memory_space<hbm>>
      tpu.enqueue_dma source(%dma_start3A_204 : memref<160x64xi32, #tpu.memory_space<hbm>>) target(%arg7 : memref<160x64xi32, #tpu.memory_space<vmem>>) target_semaphore(%run_scoped3A : memref<!tpu.dma_semaphore, #tpu.memory_space<semaphore_mem>>)
      %dma_wait3A_205 = arith.constant 0 : i32
      %dma_wait3A_206 = tpu.memref_slice %arg4[%mul3A_2, %dma_wait3A_205] : memref<2560x64xi32, #tpu.memory_space<hbm>> -> memref<160x64xi32, #tpu.memory_space<hbm>>
      %dma_wait3A_207 = arith.constant 0 : i32
      %dma_wait3A_208 = tpu.memref_slice %arg4[%mul3A_2, %dma_wait3A_207] : memref<2560x64xi32, #tpu.memory_space<hbm>> -> memref<160x64xi32, #tpu.memory_space<hbm>>
      tpu.wait_dma2 semaphore(%run_scoped3A : memref<!tpu.dma_semaphore, #tpu.memory_space<semaphore_mem>>) src(%dma_wait3A_208 : memref<160x64xi32, #tpu.memory_space<hbm>>) dst(%arg7 : memref<160x64xi32, #tpu.memory_space<vmem>>)
      tpu.yield
    }) : () -> ()
    %mul3A_3 = arith.constant 160 : i32
    %mul3A_4 = arith.muli %arg1, %mul3A_3 : i32
    "tpu.region"() ({
      %run_scoped3A = tpu.sem_alloc : memref<!tpu.dma_semaphore, #tpu.memory_space<semaphore_mem>>
      %dma_start3A_201 = arith.constant 0 : i32
      %dma_start3A_202 = tpu.memref_slice %arg5[%mul3A_4, %dma_start3A_201] : memref<2560x64xi32, #tpu.memory_space<hbm>> -> memref<160x64xi32, #tpu.memory_space<hbm>>
      %dma_start3A_203 = arith.constant 0 : i32
      %dma_start3A_204 = tpu.memref_slice %arg5[%mul3A_4, %dma_start3A_203] : memref<2560x64xi32, #tpu.memory_space<hbm>> -> memref<160x64xi32, #tpu.memory_space<hbm>>
      tpu.enqueue_dma source(%dma_start3A_204 : memref<160x64xi32, #tpu.memory_space<hbm>>) target(%arg8 : memref<160x64xi32, #tpu.memory_space<vmem>>) target_semaphore(%run_scoped3A : memref<!tpu.dma_semaphore, #tpu.memory_space<semaphore_mem>>)
      %dma_wait3A_205 = arith.constant 0 : i32
      %dma_wait3A_206 = tpu.memref_slice %arg5[%mul3A_4, %dma_wait3A_205] : memref<2560x64xi32, #tpu.memory_space<hbm>> -> memref<160x64xi32, #tpu.memory_space<hbm>>
      %dma_wait3A_207 = arith.constant 0 : i32
      %dma_wait3A_208 = tpu.memref_slice %arg5[%mul3A_4, %dma_wait3A_207] : memref<2560x64xi32, #tpu.memory_space<hbm>> -> memref<160x64xi32, #tpu.memory_space<hbm>>
      tpu.wait_dma2 semaphore(%run_scoped3A : memref<!tpu.dma_semaphore, #tpu.memory_space<semaphore_mem>>) src(%dma_wait3A_208 : memref<160x64xi32, #tpu.memory_space<hbm>>) dst(%arg8 : memref<160x64xi32, #tpu.memory_space<vmem>>)
      tpu.yield
    }) : () -> ()
    %scan3A = arith.constant 0 : i32
    %scan3A_5 = arith.constant 0 : i32
    %scan3A_6 = arith.constant 160 : i32
    %scan3A_7 = arith.addi %scan3A_5, %scan3A_6 : i32
    %scan3A_8 = arith.constant 2 : i32
    scf.for %scan3A_201 = %scan3A_5 to %scan3A_7 step %scan3A_8  : i32 {
      %get3A = arith.index_cast %scan3A_201 : i32 to index
      %get3A_202 = arith.constant 0 : index
      %get3A_203 = tpu.vector_load %arg7[%get3A, %get3A_202] {strides = array<i32>} : memref<160x64xi32, #tpu.memory_space<vmem>>, vector<1x16xi32>,
      %get3A_204 = vector.shape_cast %get3A_203 : vector<1x16xi32> to vector<16xi32>
      %mul3A_205 = arith.constant 2 : i32
      %mul3A_206 = vector.broadcast %mul3A_205 : i32 to vector<16xi32>
      %mul3A_207 = arith.muli %get3A_204, %mul3A_206 : vector<16xi32>
      %add3A_208 = vector.broadcast %arg0 : i32 to vector<16xi32>
      %add3A_209 = arith.addi %mul3A_207, %add3A_208 : vector<16xi32>
      %swap3A = arith.index_cast %scan3A_201 : i32 to index
      %swap3A_210 = arith.constant 0 : index
      %swap3A_211 = tpu.vector_load %arg7[%swap3A, %swap3A_210] {strides = array<i32>} : memref<160x64xi32, #tpu.memory_space<vmem>>, vector<1x16xi32>,
      %swap3A_212 = vector.shape_cast %swap3A_211 : vector<1x16xi32> to vector<16xi32>
      %swap3A_213 = vector.shape_cast %add3A_209 : vector<16xi32> to vector<1x16xi32>
      tpu.vector_store %arg7[%swap3A, %swap3A_210], %swap3A_213 {strides = array<i32>} : memref<160x64xi32, #tpu.memory_space<vmem>>, vector<1x16xi32>,
      %get3A_214 = arith.index_cast %scan3A_201 : i32 to index
      %get3A_215 = arith.constant 0 : index
      %get3A_216 = tpu.vector_load %arg8[%get3A_214, %get3A_215] {strides = array<i32>} : memref<160x64xi32, #tpu.memory_space<vmem>>, vector<1x16xi32>,
      %get3A_217 = vector.shape_cast %get3A_216 : vector<1x16xi32> to vector<16xi32>
      %sub3A = arith.constant 0 : i32
      %sub3A_218 = vector.broadcast %sub3A : i32 to vector<16xi32>
      %sub3A_219 = arith.subi %get3A_217, %sub3A_218 : vector<16xi32>
      %ge3A = arith.constant 0 : i32
      %ge3A_220 = vector.broadcast %ge3A : i32 to vector<16xi32>
      %ge3A_221 = arith.cmpi sge, %sub3A_219, %ge3A_220 : vector<16xi32>
      %lt3A_222 = arith.constant 5000 : i32
      %lt3A_223 = vector.broadcast %lt3A_222 : i32 to vector<16xi32>
      %lt3A_224 = arith.cmpi slt, %sub3A_219, %lt3A_223 : vector<16xi32>
      %and3A = arith.andi %ge3A_221, %lt3A_224 : vector<16xi1>
      %get3A_225 = arith.index_cast %scan3A_201 : i32 to index
      %get3A_226 = arith.constant 0 : index
      %get3A_227 = tpu.vector_load %arg8[%get3A_225, %get3A_226] {strides = array<i32>} : memref<160x64xi32, #tpu.memory_space<vmem>>, vector<1x16xi32>,
      %get3A_228 = vector.shape_cast %get3A_227 : vector<1x16xi32> to vector<16xi32>
      %and3A_229 = arith.constant 63 : i32
      %and3A_230 = vector.broadcast %and3A_229 : i32 to vector<16xi32>
      %and3A_231 = arith.andi %get3A_228, %and3A_230 : vector<16xi32>
      %add3A_232 = arith.constant 5000 : i32
      %add3A_233 = vector.broadcast %add3A_232 : i32 to vector<16xi32>
      %add3A_234 = arith.addi %add3A_233, %and3A_231 : vector<16xi32>
      %select_n3A = arith.select %and3A, %sub3A_219, %add3A_234 : vector<16xi1>, vector<16xi32>
      %swap3A_235 = arith.index_cast %scan3A_201 : i32 to index
      %swap3A_236 = arith.constant 0 : index
      %swap3A_237 = tpu.vector_load %arg8[%swap3A_235, %swap3A_236] {strides = array<i32>} : memref<160x64xi32, #tpu.memory_space<vmem>>, vector<1x16xi32>,
      %swap3A_238 = vector.shape_cast %swap3A_237 : vector<1x16xi32> to vector<16xi32>
      %swap3A_239 = vector.shape_cast %select_n3A : vector<16xi32> to vector<1x16xi32>
      tpu.vector_store %arg8[%swap3A_235, %swap3A_236], %swap3A_239 {strides = array<i32>} : memref<160x64xi32, #tpu.memory_space<vmem>>, vector<1x16xi32>,
      %get3A_240 = arith.index_cast %scan3A_201 : i32 to index
      %get3A_241 = arith.constant 16 : index
      %get3A_242 = tpu.vector_load %arg7[%get3A_240, %get3A_241] {strides = array<i32>} : memref<160x64xi32, #tpu.memory_space<vmem>>, vector<1x16xi32>,
      %get3A_243 = vector.shape_cast %get3A_242 : vector<1x16xi32> to vector<16xi32>
      %mul3A_244 = arith.constant 2 : i32
      %mul3A_245 = vector.broadcast %mul3A_244 : i32 to vector<16xi32>
      %mul3A_246 = arith.muli %get3A_243, %mul3A_245 : vector<16xi32>
      %add3A_247 = vector.broadcast %arg0 : i32 to vector<16xi32>
      %add3A_248 = arith.addi %mul3A_246, %add3A_247 : vector<16xi32>
      %swap3A_249 = arith.index_cast %scan3A_201 : i32 to index
      %swap3A_250 = arith.constant 16 : index
      %swap3A_251 = tpu.vector_load %arg7[%swap3A_249, %swap3A_250] {strides = array<i32>} : memref<160x64xi32, #tpu.memory_space<vmem>>, vector<1x16xi32>,
      %swap3A_252 = vector.shape_cast %swap3A_251 : vector<1x16xi32> to vector<16xi32>
      %swap3A_253 = vector.shape_cast %add3A_248 : vector<16xi32> to vector<1x16xi32>
      tpu.vector_store %arg7[%swap3A_249, %swap3A_250], %swap3A_253 {strides = array<i32>} : memref<160x64xi32, #tpu.memory_space<vmem>>, vector<1x16xi32>,
      %get3A_254 = arith.index_cast %scan3A_201 : i32 to index
      %get3A_255 = arith.constant 16 : index
      %get3A_256 = tpu.vector_load %arg8[%get3A_254, %get3A_255] {strides = array<i32>} : memref<160x64xi32, #tpu.memory_space<vmem>>, vector<1x16xi32>,
      %get3A_257 = vector.shape_cast %get3A_256 : vector<1x16xi32> to vector<16xi32>
      %sub3A_258 = arith.constant 0 : i32
      %sub3A_259 = vector.broadcast %sub3A_258 : i32 to vector<16xi32>
      %sub3A_260 = arith.subi %get3A_257, %sub3A_259 : vector<16xi32>
      %ge3A_261 = arith.constant 0 : i32
      %ge3A_262 = vector.broadcast %ge3A_261 : i32 to vector<16xi32>
      %ge3A_263 = arith.cmpi sge, %sub3A_260, %ge3A_262 : vector<16xi32>
      %lt3A_264 = arith.constant 5000 : i32
      %lt3A_265 = vector.broadcast %lt3A_264 : i32 to vector<16xi32>
      %lt3A_266 = arith.cmpi slt, %sub3A_260, %lt3A_265 : vector<16xi32>
      %and3A_267 = arith.andi %ge3A_263, %lt3A_266 : vector<16xi1>
      %get3A_268 = arith.index_cast %scan3A_201 : i32 to index
      %get3A_269 = arith.constant 16 : index
      %get3A_270 = tpu.vector_load %arg8[%get3A_268, %get3A_269] {strides = array<i32>} : memref<160x64xi32, #tpu.memory_space<vmem>>, vector<1x16xi32>,
      %get3A_271 = vector.shape_cast %get3A_270 : vector<1x16xi32> to vector<16xi32>
      %and3A_272 = arith.constant 63 : i32
      %and3A_273 = vector.broadcast %and3A_272 : i32 to vector<16xi32>
      %and3A_274 = arith.andi %get3A_271, %and3A_273 : vector<16xi32>
      %add3A_275 = arith.constant 5000 : i32
      %add3A_276 = vector.broadcast %add3A_275 : i32 to vector<16xi32>
      %add3A_277 = arith.addi %add3A_276, %and3A_274 : vector<16xi32>
      %select_n3A_278 = arith.select %and3A_267, %sub3A_260, %add3A_277 : vector<16xi1>, vector<16xi32>
      %swap3A_279 = arith.index_cast %scan3A_201 : i32 to index
      %swap3A_280 = arith.constant 16 : index
      %swap3A_281 = tpu.vector_load %arg8[%swap3A_279, %swap3A_280] {strides = array<i32>} : memref<160x64xi32, #tpu.memory_space<vmem>>, vector<1x16xi32>,
      %swap3A_282 = vector.shape_cast %swap3A_281 : vector<1x16xi32> to vector<16xi32>
      %swap3A_283 = vector.shape_cast %select_n3A_278 : vector<16xi32> to vector<1x16xi32>
      tpu.vector_store %arg8[%swap3A_279, %swap3A_280], %swap3A_283 {strides = array<i32>} : memref<160x64xi32, #tpu.memory_space<vmem>>, vector<1x16xi32>,
      %get3A_284 = arith.index_cast %scan3A_201 : i32 to index
      %get3A_285 = arith.constant 32 : index
      %get3A_286 = tpu.vector_load %arg7[%get3A_284, %get3A_285] {strides = array<i32>} : memref<160x64xi32, #tpu.memory_space<vmem>>, vector<1x16xi32>,
      %get3A_287 = vector.shape_cast %get3A_286 : vector<1x16xi32> to vector<16xi32>
      %mul3A_288 = arith.constant 2 : i32
      %mul3A_289 = vector.broadcast %mul3A_288 : i32 to vector<16xi32>
      %mul3A_290 = arith.muli %get3A_287, %mul3A_289 : vector<16xi32>
      %add3A_291 = vector.broadcast %arg0 : i32 to vector<16xi32>
      %add3A_292 = arith.addi %mul3A_290, %add3A_291 : vector<16xi32>
      %swap3A_293 = arith.index_cast %scan3A_201 : i32 to index
      %swap3A_294 = arith.constant 32 : index
      %swap3A_295 = tpu.vector_load %arg7[%swap3A_293, %swap3A_294] {strides = array<i32>} : memref<160x64xi32, #tpu.memory_space<vmem>>, vector<1x16xi32>,
      %swap3A_296 = vector.shape_cast %swap3A_295 : vector<1x16xi32> to vector<16xi32>
      %swap3A_297 = vector.shape_cast %add3A_292 : vector<16xi32> to vector<1x16xi32>
      tpu.vector_store %arg7[%swap3A_293, %swap3A_294], %swap3A_297 {strides = array<i32>} : memref<160x64xi32, #tpu.memory_space<vmem>>, vector<1x16xi32>,
      %get3A_298 = arith.index_cast %scan3A_201 : i32 to index
      %get3A_299 = arith.constant 32 : index
      %get3A_300 = tpu.vector_load %arg8[%get3A_298, %get3A_299] {strides = array<i32>} : memref<160x64xi32, #tpu.memory_space<vmem>>, vector<1x16xi32>,
      %get3A_301 = vector.shape_cast %get3A_300 : vector<1x16xi32> to vector<16xi32>
      %sub3A_302 = arith.constant 0 : i32
      %sub3A_303 = vector.broadcast %sub3A_302 : i32 to vector<16xi32>
      %sub3A_304 = arith.subi %get3A_301, %sub3A_303 : vector<16xi32>
      %ge3A_305 = arith.constant 0 : i32
      %ge3A_306 = vector.broadcast %ge3A_305 : i32 to vector<16xi32>
      %ge3A_307 = arith.cmpi sge, %sub3A_304, %ge3A_306 : vector<16xi32>
      %lt3A_308 = arith.constant 5000 : i32
      %lt3A_309 = vector.broadcast %lt3A_308 : i32 to vector<16xi32>
      %lt3A_310 = arith.cmpi slt, %sub3A_304, %lt3A_309 : vector<16xi32>
      %and3A_311 = arith.andi %ge3A_307, %lt3A_310 : vector<16xi1>
      %get3A_312 = arith.index_cast %scan3A_201 : i32 to index
      %get3A_313 = arith.constant 32 : index
      %get3A_314 = tpu.vector_load %arg8[%get3A_312, %get3A_313] {strides = array<i32>} : memref<160x64xi32, #tpu.memory_space<vmem>>, vector<1x16xi32>,
      %get3A_315 = vector.shape_cast %get3A_314 : vector<1x16xi32> to vector<16xi32>
      %and3A_316 = arith.constant 63 : i32
      %and3A_317 = vector.broadcast %and3A_316 : i32 to vector<16xi32>
      %and3A_318 = arith.andi %get3A_315, %and3A_317 : vector<16xi32>
      %add3A_319 = arith.constant 5000 : i32
      %add3A_320 = vector.broadcast %add3A_319 : i32 to vector<16xi32>
      %add3A_321 = arith.addi %add3A_320, %and3A_318 : vector<16xi32>
      %select_n3A_322 = arith.select %and3A_311, %sub3A_304, %add3A_321 : vector<16xi1>, vector<16xi32>
      %swap3A_323 = arith.index_cast %scan3A_201 : i32 to index
      %swap3A_324 = arith.constant 32 : index
      %swap3A_325 = tpu.vector_load %arg8[%swap3A_323, %swap3A_324] {strides = array<i32>} : memref<160x64xi32, #tpu.memory_space<vmem>>, vector<1x16xi32>,
      %swap3A_326 = vector.shape_cast %swap3A_325 : vector<1x16xi32> to vector<16xi32>
      %swap3A_327 = vector.shape_cast %select_n3A_322 : vector<16xi32> to vector<1x16xi32>
      tpu.vector_store %arg8[%swap3A_323, %swap3A_324], %swap3A_327 {strides = array<i32>} : memref<160x64xi32, #tpu.memory_space<vmem>>, vector<1x16xi32>,
      %get3A_328 = arith.index_cast %scan3A_201 : i32 to index
      %get3A_329 = arith.constant 48 : index
      %get3A_330 = tpu.vector_load %arg7[%get3A_328, %get3A_329] {strides = array<i32>} : memref<160x64xi32, #tpu.memory_space<vmem>>, vector<1x16xi32>,
      %get3A_331 = vector.shape_cast %get3A_330 : vector<1x16xi32> to vector<16xi32>
      %mul3A_332 = arith.constant 2 : i32
      %mul3A_333 = vector.broadcast %mul3A_332 : i32 to vector<16xi32>
      %mul3A_334 = arith.muli %get3A_331, %mul3A_333 : vector<16xi32>
      %add3A_335 = vector.broadcast %arg0 : i32 to vector<16xi32>
      %add3A_336 = arith.addi %mul3A_334, %add3A_335 : vector<16xi32>
      %swap3A_337 = arith.index_cast %scan3A_201 : i32 to index
      %swap3A_338 = arith.constant 48 : index
      %swap3A_339 = tpu.vector_load %arg7[%swap3A_337, %swap3A_338] {strides = array<i32>} : memref<160x64xi32, #tpu.memory_space<vmem>>, vector<1x16xi32>,
      %swap3A_340 = vector.shape_cast %swap3A_339 : vector<1x16xi32> to vector<16xi32>
      %swap3A_341 = vector.shape_cast %add3A_336 : vector<16xi32> to vector<1x16xi32>
      tpu.vector_store %arg7[%swap3A_337, %swap3A_338], %swap3A_341 {strides = array<i32>} : memref<160x64xi32, #tpu.memory_space<vmem>>, vector<1x16xi32>,
      %get3A_342 = arith.index_cast %scan3A_201 : i32 to index
      %get3A_343 = arith.constant 48 : index
      %get3A_344 = tpu.vector_load %arg8[%get3A_342, %get3A_343] {strides = array<i32>} : memref<160x64xi32, #tpu.memory_space<vmem>>, vector<1x16xi32>,
      %get3A_345 = vector.shape_cast %get3A_344 : vector<1x16xi32> to vector<16xi32>
      %sub3A_346 = arith.constant 0 : i32
      %sub3A_347 = vector.broadcast %sub3A_346 : i32 to vector<16xi32>
      %sub3A_348 = arith.subi %get3A_345, %sub3A_347 : vector<16xi32>
      %ge3A_349 = arith.constant 0 : i32
      %ge3A_350 = vector.broadcast %ge3A_349 : i32 to vector<16xi32>
      %ge3A_351 = arith.cmpi sge, %sub3A_348, %ge3A_350 : vector<16xi32>
      %lt3A_352 = arith.constant 5000 : i32
      %lt3A_353 = vector.broadcast %lt3A_352 : i32 to vector<16xi32>
      %lt3A_354 = arith.cmpi slt, %sub3A_348, %lt3A_353 : vector<16xi32>
      %and3A_355 = arith.andi %ge3A_351, %lt3A_354 : vector<16xi1>
      %get3A_356 = arith.index_cast %scan3A_201 : i32 to index
      %get3A_357 = arith.constant 48 : index
      %get3A_358 = tpu.vector_load %arg8[%get3A_356, %get3A_357] {strides = array<i32>} : memref<160x64xi32, #tpu.memory_space<vmem>>, vector<1x16xi32>,
      %get3A_359 = vector.shape_cast %get3A_358 : vector<1x16xi32> to vector<16xi32>
      %and3A_360 = arith.constant 63 : i32
      %and3A_361 = vector.broadcast %and3A_360 : i32 to vector<16xi32>
      %and3A_362 = arith.andi %get3A_359, %and3A_361 : vector<16xi32>
      %add3A_363 = arith.constant 5000 : i32
      %add3A_364 = vector.broadcast %add3A_363 : i32 to vector<16xi32>
      %add3A_365 = arith.addi %add3A_364, %and3A_362 : vector<16xi32>
      %select_n3A_366 = arith.select %and3A_355, %sub3A_348, %add3A_365 : vector<16xi1>, vector<16xi32>
      %swap3A_367 = arith.index_cast %scan3A_201 : i32 to index
      %swap3A_368 = arith.constant 48 : index
      %swap3A_369 = tpu.vector_load %arg8[%swap3A_367, %swap3A_368] {strides = array<i32>} : memref<160x64xi32, #tpu.memory_space<vmem>>, vector<1x16xi32>,
      %swap3A_370 = vector.shape_cast %swap3A_369 : vector<1x16xi32> to vector<16xi32>
      %swap3A_371 = vector.shape_cast %select_n3A_366 : vector<16xi32> to vector<1x16xi32>
      tpu.vector_store %arg8[%swap3A_367, %swap3A_368], %swap3A_371 {strides = array<i32>} : memref<160x64xi32, #tpu.memory_space<vmem>>, vector<1x16xi32>,
      %scan3A_372 = arith.constant 1 : i32
      %scan3A_373 = arith.addi %scan3A_201, %scan3A_372 : i32
      %get3A_374 = arith.index_cast %scan3A_373 : i32 to index
      %get3A_375 = arith.constant 0 : index
      %get3A_376 = tpu.vector_load %arg7[%get3A_374, %get3A_375] {strides = array<i32>} : memref<160x64xi32, #tpu.memory_space<vmem>>, vector<1x16xi32>,
      %get3A_377 = vector.shape_cast %get3A_376 : vector<1x16xi32> to vector<16xi32>
      %mul3A_378 = arith.constant 2 : i32
      %mul3A_379 = vector.broadcast %mul3A_378 : i32 to vector<16xi32>
      %mul3A_380 = arith.muli %get3A_377, %mul3A_379 : vector<16xi32>
      %add3A_381 = vector.broadcast %arg0 : i32 to vector<16xi32>
      %add3A_382 = arith.addi %mul3A_380, %add3A_381 : vector<16xi32>
      %swap3A_383 = arith.index_cast %scan3A_373 : i32 to index
      %swap3A_384 = arith.constant 0 : index
      %swap3A_385 = tpu.vector_load %arg7[%swap3A_383, %swap3A_384] {strides = array<i32>} : memref<160x64xi32, #tpu.memory_space<vmem>>, vector<1x16xi32>,
      %swap3A_386 = vector.shape_cast %swap3A_385 : vector<1x16xi32> to vector<16xi32>
      %swap3A_387 = vector.shape_cast %add3A_382 : vector<16xi32> to vector<1x16xi32>
      tpu.vector_store %arg7[%swap3A_383, %swap3A_384], %swap3A_387 {strides = array<i32>} : memref<160x64xi32, #tpu.memory_space<vmem>>, vector<1x16xi32>,
      %get3A_388 = arith.index_cast %scan3A_373 : i32 to index
      %get3A_389 = arith.constant 0 : index
      %get3A_390 = tpu.vector_load %arg8[%get3A_388, %get3A_389] {strides = array<i32>} : memref<160x64xi32, #tpu.memory_space<vmem>>, vector<1x16xi32>,
      %get3A_391 = vector.shape_cast %get3A_390 : vector<1x16xi32> to vector<16xi32>
      %sub3A_392 = arith.constant 0 : i32
      %sub3A_393 = vector.broadcast %sub3A_392 : i32 to vector<16xi32>
      %sub3A_394 = arith.subi %get3A_391, %sub3A_393 : vector<16xi32>
      %ge3A_395 = arith.constant 0 : i32
      %ge3A_396 = vector.broadcast %ge3A_395 : i32 to vector<16xi32>
      %ge3A_397 = arith.cmpi sge, %sub3A_394, %ge3A_396 : vector<16xi32>
      %lt3A_398 = arith.constant 5000 : i32
      %lt3A_399 = vector.broadcast %lt3A_398 : i32 to vector<16xi32>
      %lt3A_400 = arith.cmpi slt, %sub3A_394, %lt3A_399 : vector<16xi32>
      %and3A_401 = arith.andi %ge3A_397, %lt3A_400 : vector<16xi1>
      %get3A_402 = arith.index_cast %scan3A_373 : i32 to index
      %get3A_403 = arith.constant 0 : index
      %get3A_404 = tpu.vector_load %arg8[%get3A_402, %get3A_403] {strides = array<i32>} : memref<160x64xi32, #tpu.memory_space<vmem>>, vector<1x16xi32>,
      %get3A_405 = vector.shape_cast %get3A_404 : vector<1x16xi32> to vector<16xi32>
      %and3A_406 = arith.constant 63 : i32
      %and3A_407 = vector.broadcast %and3A_406 : i32 to vector<16xi32>
      %and3A_408 = arith.andi %get3A_405, %and3A_407 : vector<16xi32>
      %add3A_409 = arith.constant 5000 : i32
      %add3A_410 = vector.broadcast %add3A_409 : i32 to vector<16xi32>
      %add3A_411 = arith.addi %add3A_410, %and3A_408 : vector<16xi32>
      %select_n3A_412 = arith.select %and3A_401, %sub3A_394, %add3A_411 : vector<16xi1>, vector<16xi32>
      %swap3A_413 = arith.index_cast %scan3A_373 : i32 to index
      %swap3A_414 = arith.constant 0 : index
      %swap3A_415 = tpu.vector_load %arg8[%swap3A_413, %swap3A_414] {strides = array<i32>} : memref<160x64xi32, #tpu.memory_space<vmem>>, vector<1x16xi32>,
      %swap3A_416 = vector.shape_cast %swap3A_415 : vector<1x16xi32> to vector<16xi32>
      %swap3A_417 = vector.shape_cast %select_n3A_412 : vector<16xi32> to vector<1x16xi32>
      tpu.vector_store %arg8[%swap3A_413, %swap3A_414], %swap3A_417 {strides = array<i32>} : memref<160x64xi32, #tpu.memory_space<vmem>>, vector<1x16xi32>,
      %get3A_418 = arith.index_cast %scan3A_373 : i32 to index
      %get3A_419 = arith.constant 16 : index
      %get3A_420 = tpu.vector_load %arg7[%get3A_418, %get3A_419] {strides = array<i32>} : memref<160x64xi32, #tpu.memory_space<vmem>>, vector<1x16xi32>,
      %get3A_421 = vector.shape_cast %get3A_420 : vector<1x16xi32> to vector<16xi32>
      %mul3A_422 = arith.constant 2 : i32
      %mul3A_423 = vector.broadcast %mul3A_422 : i32 to vector<16xi32>
      %mul3A_424 = arith.muli %get3A_421, %mul3A_423 : vector<16xi32>
      %add3A_425 = vector.broadcast %arg0 : i32 to vector<16xi32>
      %add3A_426 = arith.addi %mul3A_424, %add3A_425 : vector<16xi32>
      %swap3A_427 = arith.index_cast %scan3A_373 : i32 to index
      %swap3A_428 = arith.constant 16 : index
      %swap3A_429 = tpu.vector_load %arg7[%swap3A_427, %swap3A_428] {strides = array<i32>} : memref<160x64xi32, #tpu.memory_space<vmem>>, vector<1x16xi32>,
      %swap3A_430 = vector.shape_cast %swap3A_429 : vector<1x16xi32> to vector<16xi32>
      %swap3A_431 = vector.shape_cast %add3A_426 : vector<16xi32> to vector<1x16xi32>
      tpu.vector_store %arg7[%swap3A_427, %swap3A_428], %swap3A_431 {strides = array<i32>} : memref<160x64xi32, #tpu.memory_space<vmem>>, vector<1x16xi32>,
      %get3A_432 = arith.index_cast %scan3A_373 : i32 to index
      %get3A_433 = arith.constant 16 : index
      %get3A_434 = tpu.vector_load %arg8[%get3A_432, %get3A_433] {strides = array<i32>} : memref<160x64xi32, #tpu.memory_space<vmem>>, vector<1x16xi32>,
      %get3A_435 = vector.shape_cast %get3A_434 : vector<1x16xi32> to vector<16xi32>
      %sub3A_436 = arith.constant 0 : i32
      %sub3A_437 = vector.broadcast %sub3A_436 : i32 to vector<16xi32>
      %sub3A_438 = arith.subi %get3A_435, %sub3A_437 : vector<16xi32>
      %ge3A_439 = arith.constant 0 : i32
      %ge3A_440 = vector.broadcast %ge3A_439 : i32 to vector<16xi32>
      %ge3A_441 = arith.cmpi sge, %sub3A_438, %ge3A_440 : vector<16xi32>
      %lt3A_442 = arith.constant 5000 : i32
      %lt3A_443 = vector.broadcast %lt3A_442 : i32 to vector<16xi32>
      %lt3A_444 = arith.cmpi slt, %sub3A_438, %lt3A_443 : vector<16xi32>
      %and3A_445 = arith.andi %ge3A_441, %lt3A_444 : vector<16xi1>
      %get3A_446 = arith.index_cast %scan3A_373 : i32 to index
      %get3A_447 = arith.constant 16 : index
      %get3A_448 = tpu.vector_load %arg8[%get3A_446, %get3A_447] {strides = array<i32>} : memref<160x64xi32, #tpu.memory_space<vmem>>, vector<1x16xi32>,
      %get3A_449 = vector.shape_cast %get3A_448 : vector<1x16xi32> to vector<16xi32>
      %and3A_450 = arith.constant 63 : i32
      %and3A_451 = vector.broadcast %and3A_450 : i32 to vector<16xi32>
      %and3A_452 = arith.andi %get3A_449, %and3A_451 : vector<16xi32>
      %add3A_453 = arith.constant 5000 : i32
      %add3A_454 = vector.broadcast %add3A_453 : i32 to vector<16xi32>
      %add3A_455 = arith.addi %add3A_454, %and3A_452 : vector<16xi32>
      %select_n3A_456 = arith.select %and3A_445, %sub3A_438, %add3A_455 : vector<16xi1>, vector<16xi32>
      %swap3A_457 = arith.index_cast %scan3A_373 : i32 to index
      %swap3A_458 = arith.constant 16 : index
      %swap3A_459 = tpu.vector_load %arg8[%swap3A_457, %swap3A_458] {strides = array<i32>} : memref<160x64xi32, #tpu.memory_space<vmem>>, vector<1x16xi32>,
      %swap3A_460 = vector.shape_cast %swap3A_459 : vector<1x16xi32> to vector<16xi32>
      %swap3A_461 = vector.shape_cast %select_n3A_456 : vector<16xi32> to vector<1x16xi32>
      tpu.vector_store %arg8[%swap3A_457, %swap3A_458], %swap3A_461 {strides = array<i32>} : memref<160x64xi32, #tpu.memory_space<vmem>>, vector<1x16xi32>,
      %get3A_462 = arith.index_cast %scan3A_373 : i32 to index
      %get3A_463 = arith.constant 32 : index
      %get3A_464 = tpu.vector_load %arg7[%get3A_462, %get3A_463] {strides = array<i32>} : memref<160x64xi32, #tpu.memory_space<vmem>>, vector<1x16xi32>,
      %get3A_465 = vector.shape_cast %get3A_464 : vector<1x16xi32> to vector<16xi32>
      %mul3A_466 = arith.constant 2 : i32
      %mul3A_467 = vector.broadcast %mul3A_466 : i32 to vector<16xi32>
      %mul3A_468 = arith.muli %get3A_465, %mul3A_467 : vector<16xi32>
      %add3A_469 = vector.broadcast %arg0 : i32 to vector<16xi32>
      %add3A_470 = arith.addi %mul3A_468, %add3A_469 : vector<16xi32>
      %swap3A_471 = arith.index_cast %scan3A_373 : i32 to index
      %swap3A_472 = arith.constant 32 : index
      %swap3A_473 = tpu.vector_load %arg7[%swap3A_471, %swap3A_472] {strides = array<i32>} : memref<160x64xi32, #tpu.memory_space<vmem>>, vector<1x16xi32>,
      %swap3A_474 = vector.shape_cast %swap3A_473 : vector<1x16xi32> to vector<16xi32>
      %swap3A_475 = vector.shape_cast %add3A_470 : vector<16xi32> to vector<1x16xi32>
      tpu.vector_store %arg7[%swap3A_471, %swap3A_472], %swap3A_475 {strides = array<i32>} : memref<160x64xi32, #tpu.memory_space<vmem>>, vector<1x16xi32>,
      %get3A_476 = arith.index_cast %scan3A_373 : i32 to index
      %get3A_477 = arith.constant 32 : index
      %get3A_478 = tpu.vector_load %arg8[%get3A_476, %get3A_477] {strides = array<i32>} : memref<160x64xi32, #tpu.memory_space<vmem>>, vector<1x16xi32>,
      %get3A_479 = vector.shape_cast %get3A_478 : vector<1x16xi32> to vector<16xi32>
      %sub3A_480 = arith.constant 0 : i32
      %sub3A_481 = vector.broadcast %sub3A_480 : i32 to vector<16xi32>
      %sub3A_482 = arith.subi %get3A_479, %sub3A_481 : vector<16xi32>
      %ge3A_483 = arith.constant 0 : i32
      %ge3A_484 = vector.broadcast %ge3A_483 : i32 to vector<16xi32>
      %ge3A_485 = arith.cmpi sge, %sub3A_482, %ge3A_484 : vector<16xi32>
      %lt3A_486 = arith.constant 5000 : i32
      %lt3A_487 = vector.broadcast %lt3A_486 : i32 to vector<16xi32>
      %lt3A_488 = arith.cmpi slt, %sub3A_482, %lt3A_487 : vector<16xi32>
      %and3A_489 = arith.andi %ge3A_485, %lt3A_488 : vector<16xi1>
      %get3A_490 = arith.index_cast %scan3A_373 : i32 to index
      %get3A_491 = arith.constant 32 : index
      %get3A_492 = tpu.vector_load %arg8[%get3A_490, %get3A_491] {strides = array<i32>} : memref<160x64xi32, #tpu.memory_space<vmem>>, vector<1x16xi32>,
      %get3A_493 = vector.shape_cast %get3A_492 : vector<1x16xi32> to vector<16xi32>
      %and3A_494 = arith.constant 63 : i32
      %and3A_495 = vector.broadcast %and3A_494 : i32 to vector<16xi32>
      %and3A_496 = arith.andi %get3A_493, %and3A_495 : vector<16xi32>
      %add3A_497 = arith.constant 5000 : i32
      %add3A_498 = vector.broadcast %add3A_497 : i32 to vector<16xi32>
      %add3A_499 = arith.addi %add3A_498, %and3A_496 : vector<16xi32>
      %select_n3A_500 = arith.select %and3A_489, %sub3A_482, %add3A_499 : vector<16xi1>, vector<16xi32>
      %swap3A_501 = arith.index_cast %scan3A_373 : i32 to index
      %swap3A_502 = arith.constant 32 : index
      %swap3A_503 = tpu.vector_load %arg8[%swap3A_501, %swap3A_502] {strides = array<i32>} : memref<160x64xi32, #tpu.memory_space<vmem>>, vector<1x16xi32>,
      %swap3A_504 = vector.shape_cast %swap3A_503 : vector<1x16xi32> to vector<16xi32>
      %swap3A_505 = vector.shape_cast %select_n3A_500 : vector<16xi32> to vector<1x16xi32>
      tpu.vector_store %arg8[%swap3A_501, %swap3A_502], %swap3A_505 {strides = array<i32>} : memref<160x64xi32, #tpu.memory_space<vmem>>, vector<1x16xi32>,
      %get3A_506 = arith.index_cast %scan3A_373 : i32 to index
      %get3A_507 = arith.constant 48 : index
      %get3A_508 = tpu.vector_load %arg7[%get3A_506, %get3A_507] {strides = array<i32>} : memref<160x64xi32, #tpu.memory_space<vmem>>, vector<1x16xi32>,
      %get3A_509 = vector.shape_cast %get3A_508 : vector<1x16xi32> to vector<16xi32>
      %mul3A_510 = arith.constant 2 : i32
      %mul3A_511 = vector.broadcast %mul3A_510 : i32 to vector<16xi32>
      %mul3A_512 = arith.muli %get3A_509, %mul3A_511 : vector<16xi32>
      %add3A_513 = vector.broadcast %arg0 : i32 to vector<16xi32>
      %add3A_514 = arith.addi %mul3A_512, %add3A_513 : vector<16xi32>
      %swap3A_515 = arith.index_cast %scan3A_373 : i32 to index
      %swap3A_516 = arith.constant 48 : index
      %swap3A_517 = tpu.vector_load %arg7[%swap3A_515, %swap3A_516] {strides = array<i32>} : memref<160x64xi32, #tpu.memory_space<vmem>>, vector<1x16xi32>,
      %swap3A_518 = vector.shape_cast %swap3A_517 : vector<1x16xi32> to vector<16xi32>
      %swap3A_519 = vector.shape_cast %add3A_514 : vector<16xi32> to vector<1x16xi32>
      tpu.vector_store %arg7[%swap3A_515, %swap3A_516], %swap3A_519 {strides = array<i32>} : memref<160x64xi32, #tpu.memory_space<vmem>>, vector<1x16xi32>,
      %get3A_520 = arith.index_cast %scan3A_373 : i32 to index
      %get3A_521 = arith.constant 48 : index
      %get3A_522 = tpu.vector_load %arg8[%get3A_520, %get3A_521] {strides = array<i32>} : memref<160x64xi32, #tpu.memory_space<vmem>>, vector<1x16xi32>,
      %get3A_523 = vector.shape_cast %get3A_522 : vector<1x16xi32> to vector<16xi32>
      %sub3A_524 = arith.constant 0 : i32
      %sub3A_525 = vector.broadcast %sub3A_524 : i32 to vector<16xi32>
      %sub3A_526 = arith.subi %get3A_523, %sub3A_525 : vector<16xi32>
      %ge3A_527 = arith.constant 0 : i32
      %ge3A_528 = vector.broadcast %ge3A_527 : i32 to vector<16xi32>
      %ge3A_529 = arith.cmpi sge, %sub3A_526, %ge3A_528 : vector<16xi32>
      %lt3A_530 = arith.constant 5000 : i32
      %lt3A_531 = vector.broadcast %lt3A_530 : i32 to vector<16xi32>
      %lt3A_532 = arith.cmpi slt, %sub3A_526, %lt3A_531 : vector<16xi32>
      %and3A_533 = arith.andi %ge3A_529, %lt3A_532 : vector<16xi1>
      %get3A_534 = arith.index_cast %scan3A_373 : i32 to index
      %get3A_535 = arith.constant 48 : index
      %get3A_536 = tpu.vector_load %arg8[%get3A_534, %get3A_535] {strides = array<i32>} : memref<160x64xi32, #tpu.memory_space<vmem>>, vector<1x16xi32>,
      %get3A_537 = vector.shape_cast %get3A_536 : vector<1x16xi32> to vector<16xi32>
      %and3A_538 = arith.constant 63 : i32
      %and3A_539 = vector.broadcast %and3A_538 : i32 to vector<16xi32>
      %and3A_540 = arith.andi %get3A_537, %and3A_539 : vector<16xi32>
      %add3A_541 = arith.constant 5000 : i32
      %add3A_542 = vector.broadcast %add3A_541 : i32 to vector<16xi32>
      %add3A_543 = arith.addi %add3A_542, %and3A_540 : vector<16xi32>
      %select_n3A_544 = arith.select %and3A_533, %sub3A_526, %add3A_543 : vector<16xi1>, vector<16xi32>
      %swap3A_545 = arith.index_cast %scan3A_373 : i32 to index
      %swap3A_546 = arith.constant 48 : index
      %swap3A_547 = tpu.vector_load %arg8[%swap3A_545, %swap3A_546] {strides = array<i32>} : memref<160x64xi32, #tpu.memory_space<vmem>>, vector<1x16xi32>,
      %swap3A_548 = vector.shape_cast %swap3A_547 : vector<1x16xi32> to vector<16xi32>
      %swap3A_549 = vector.shape_cast %select_n3A_544 : vector<16xi32> to vector<1x16xi32>
      tpu.vector_store %arg8[%swap3A_545, %swap3A_546], %swap3A_549 {strides = array<i32>} : memref<160x64xi32, #tpu.memory_space<vmem>>, vector<1x16xi32>,
    }
    %scan3A_9 = arith.constant 160 : i32
    %dma_start3A = arith.constant 0 : i32
    %dma_start3A_10 = arith.constant 0 : i32
    %dma_start3A_11 = arith.constant 0 : i32
    %dma_start3A_12 = arith.constant 0 : i32
    %dma_start3A_13 = tpu.memref_slice %arg9[%dma_start3A_10, %dma_start3A_11, %dma_start3A_12] : memref<2x64x128xf32, #tpu.memory_space<vmem>> -> memref<1x64x128xf32, #tpu.memory_space<vmem>>
    %dma_start3A_14 = tpu.memref_squeeze %dma_start3A_13 : memref<1x64x128xf32, #tpu.memory_space<vmem>> -> memref<64x128xf32, #tpu.memory_space<vmem>>
    %dma_start3A_15 = arith.constant 0 : i32
    %dma_start3A_16 = tpu.memref_slice %arg7[%dma_start3A, %dma_start3A_15] : memref<160x64xi32, #tpu.memory_space<vmem>> -> memref<1x64xi32, #tpu.memory_space<vmem>>
    %dma_start3A_17 = tpu.memref_squeeze %dma_start3A_16 : memref<1x64xi32, #tpu.memory_space<vmem>> -> memref<64xi32, #tpu.memory_space<vmem>>
    %dma_start3A_18 = arith.constant 0 : i32
    %dma_start3A_19 = arith.constant 0 : i32
    %dma_start3A_20 = tpu.memref_slice %arg2[%dma_start3A_18, %dma_start3A_19] : memref<20000x128xf32, #tpu.memory_space<hbm>> -> memref<20000x128xf32, #tpu.memory_space<hbm>>
    tpu.enqueue_indirect_dma source(%dma_start3A_20 : memref<20000x128xf32, #tpu.memory_space<hbm>>) target(%dma_start3A_14 : memref<64x128xf32, #tpu.memory_space<vmem>>) offsets(%dma_start3A_17 : memref<64xi32, #tpu.memory_space<vmem>>) semaphore(%arg13 : memref<!tpu.dma_semaphore, #tpu.memory_space<semaphore_mem>>)
    %mul3A_21 = arith.constant 163840 : i32
    %mul3A_22 = arith.muli %arg0, %mul3A_21 : i32
    %add3A = arith.addi %mul3A_22, %mul3A_0 : i32
    %add3A_23 = arith.constant 0 : i32
    %add3A_24 = arith.addi %add3A, %add3A_23 : i32
    %dma_start3A_25 = arith.constant 0 : i32
    %dma_start3A_26 = arith.constant 0 : i32
    %dma_start3A_27 = arith.constant 0 : i32
    %dma_start3A_28 = tpu.memref_slice %arg10[%dma_start3A_25, %dma_start3A_26, %dma_start3A_27] : memref<2x64x128xf32, #tpu.memory_space<vmem>> -> memref<1x64x128xf32, #tpu.memory_space<vmem>>
    %dma_start3A_29 = tpu.memref_squeeze %dma_start3A_28 : memref<1x64x128xf32, #tpu.memory_space<vmem>> -> memref<64x128xf32, #tpu.memory_space<vmem>>
    %dma_start3A_30 = arith.constant 0 : i32
    %dma_start3A_31 = tpu.memref_slice %arg3[%add3A_24, %dma_start3A_30] : memref<327680x128xf32, #tpu.memory_space<hbm>> -> memref<64x128xf32, #tpu.memory_space<hbm>>
    %dma_start3A_32 = arith.constant 0 : i32
    %dma_start3A_33 = arith.constant 0 : i32
    %dma_start3A_34 = tpu.memref_slice %arg10[%dma_start3A_25, %dma_start3A_32, %dma_start3A_33] : memref<2x64x128xf32, #tpu.memory_space<vmem>> -> memref<1x64x128xf32, #tpu.memory_space<vmem>>
    %dma_start3A_35 = tpu.memref_squeeze %dma_start3A_34 : memref<1x64x128xf32, #tpu.memory_space<vmem>> -> memref<64x128xf32, #tpu.memory_space<vmem>>
    %dma_start3A_36 = arith.constant 0 : i32
    %dma_start3A_37 = tpu.memref_slice %arg3[%add3A_24, %dma_start3A_36] : memref<327680x128xf32, #tpu.memory_space<hbm>> -> memref<64x128xf32, #tpu.memory_space<hbm>>
    tpu.enqueue_dma source(%dma_start3A_37 : memref<64x128xf32, #tpu.memory_space<hbm>>) target(%dma_start3A_35 : memref<64x128xf32, #tpu.memory_space<vmem>>) target_semaphore(%arg15 : memref<!tpu.dma_semaphore, #tpu.memory_space<semaphore_mem>>)
    %dma_start3A_38 = arith.constant 1 : i32
    %dma_start3A_39 = arith.constant 1 : i32
    %dma_start3A_40 = arith.constant 0 : i32
    %dma_start3A_41 = arith.constant 0 : i32
    %dma_start3A_42 = tpu.memref_slice %arg9[%dma_start3A_39, %dma_start3A_40, %dma_start3A_41] : memref<2x64x128xf32, #tpu.memory_space<vmem>> -> memref<1x64x128xf32, #tpu.memory_space<vmem>>
    %dma_start3A_43 = tpu.memref_squeeze %dma_start3A_42 : memref<1x64x128xf32, #tpu.memory_space<vmem>> -> memref<64x128xf32, #tpu.memory_space<vmem>>
    %dma_start3A_44 = arith.constant 0 : i32
    %dma_start3A_45 = tpu.memref_slice %arg7[%dma_start3A_38, %dma_start3A_44] : memref<160x64xi32, #tpu.memory_space<vmem>> -> memref<1x64xi32, #tpu.memory_space<vmem>>
    %dma_start3A_46 = tpu.memref_squeeze %dma_start3A_45 : memref<1x64xi32, #tpu.memory_space<vmem>> -> memref<64xi32, #tpu.memory_space<vmem>>
    %dma_start3A_47 = arith.constant 0 : i32
    %dma_start3A_48 = arith.constant 0 : i32
    %dma_start3A_49 = tpu.memref_slice %arg2[%dma_start3A_47, %dma_start3A_48] : memref<20000x128xf32, #tpu.memory_space<hbm>> -> memref<20000x128xf32, #tpu.memory_space<hbm>>
    tpu.enqueue_indirect_dma source(%dma_start3A_49 : memref<20000x128xf32, #tpu.memory_space<hbm>>) target(%dma_start3A_43 : memref<64x128xf32, #tpu.memory_space<vmem>>) offsets(%dma_start3A_46 : memref<64xi32, #tpu.memory_space<vmem>>) semaphore(%arg14 : memref<!tpu.dma_semaphore, #tpu.memory_space<semaphore_mem>>)
    %mul3A_50 = arith.constant 163840 : i32
    %mul3A_51 = arith.muli %arg0, %mul3A_50 : i32
    %add3A_52 = arith.addi %mul3A_51, %mul3A_0 : i32
    %add3A_53 = arith.constant 64 : i32
    %add3A_54 = arith.addi %add3A_52, %add3A_53 : i32
    %dma_start3A_55 = arith.constant 1 : i32
    %dma_start3A_56 = arith.constant 0 : i32
    %dma_start3A_57 = arith.constant 0 : i32
    %dma_start3A_58 = tpu.memref_slice %arg10[%dma_start3A_55, %dma_start3A_56, %dma_start3A_57] : memref<2x64x128xf32, #tpu.memory_space<vmem>> -> memref<1x64x128xf32, #tpu.memory_space<vmem>>
    %dma_start3A_59 = tpu.memref_squeeze %dma_start3A_58 : memref<1x64x128xf32, #tpu.memory_space<vmem>> -> memref<64x128xf32, #tpu.memory_space<vmem>>
    %dma_start3A_60 = arith.constant 0 : i32
    %dma_start3A_61 = tpu.memref_slice %arg3[%add3A_54, %dma_start3A_60] : memref<327680x128xf32, #tpu.memory_space<hbm>> -> memref<64x128xf32, #tpu.memory_space<hbm>>
    %dma_start3A_62 = arith.constant 0 : i32
    %dma_start3A_63 = arith.constant 0 : i32
    %dma_start3A_64 = tpu.memref_slice %arg10[%dma_start3A_55, %dma_start3A_62, %dma_start3A_63] : memref<2x64x128xf32, #tpu.memory_space<vmem>> -> memref<1x64x128xf32, #tpu.memory_space<vmem>>
    %dma_start3A_65 = tpu.memref_squeeze %dma_start3A_64 : memref<1x64x128xf32, #tpu.memory_space<vmem>> -> memref<64x128xf32, #tpu.memory_space<vmem>>
    %dma_start3A_66 = arith.constant 0 : i32
    %dma_start3A_67 = tpu.memref_slice %arg3[%add3A_54, %dma_start3A_66] : memref<327680x128xf32, #tpu.memory_space<hbm>> -> memref<64x128xf32, #tpu.memory_space<hbm>>
    tpu.enqueue_dma source(%dma_start3A_67 : memref<64x128xf32, #tpu.memory_space<hbm>>) target(%dma_start3A_65 : memref<64x128xf32, #tpu.memory_space<vmem>>) target_semaphore(%arg16 : memref<!tpu.dma_semaphore, #tpu.memory_space<semaphore_mem>>)
    %scan3A_68 = arith.constant 0 : i32
    %scan3A_69 = arith.constant 0 : i32
    %scan3A_70 = arith.constant 40 : i32
    %scan3A_71 = arith.addi %scan3A_69, %scan3A_70 : i32
    %scan3A_72 = arith.constant 1 : i32
    scf.for %scan3A_201 = %scan3A_69 to %scan3A_71 step %scan3A_72  : i32 {
      %broadcast_in_dim3A = arith.constant 0.000000e+00 : f32
      %broadcast_in_dim3A_202 = vector.broadcast %broadcast_in_dim3A : f32 to vector<16xf32>
      %swap3A = arith.constant 0 : i32
      %swap3A_203 = arith.index_cast %swap3A : i32 to index
      %swap3A_204 = arith.index_cast %scan3A_201 : i32 to index
      %swap3A_205 = arith.constant 0 : index
      %swap3A_206 = tpu.vector_load %arg11[%swap3A_203, %swap3A_204, %swap3A_205] {strides = array<i32>} : memref<2x64x128xf32, #tpu.memory_space<vmem>>, vector<1x1x16xf32>,
      %swap3A_207 = vector.shape_cast %swap3A_206 : vector<1x1x16xf32> to vector<16xf32>
      %swap3A_208 = vector.shape_cast %broadcast_in_dim3A_202 : vector<16xf32> to vector<1x1x16xf32>
      tpu.vector_store %arg11[%swap3A_203, %swap3A_204, %swap3A_205], %swap3A_208 {strides = array<i32>} : memref<2x64x128xf32, #tpu.memory_space<vmem>>, vector<1x1x16xf32>,
      %broadcast_in_dim3A_209 = arith.constant 0.000000e+00 : f32
      %broadcast_in_dim3A_210 = vector.broadcast %broadcast_in_dim3A_209 : f32 to vector<16xf32>
      %swap3A_211 = arith.constant 0 : i32
      %swap3A_212 = arith.index_cast %swap3A_211 : i32 to index
      %swap3A_213 = arith.index_cast %scan3A_201 : i32 to index
      %swap3A_214 = arith.constant 16 : index
      %swap3A_215 = tpu.vector_load %arg11[%swap3A_212, %swap3A_213, %swap3A_214] {strides = array<i32>} : memref<2x64x128xf32, #tpu.memory_space<vmem>>, vector<1x1x16xf32>,
      %swap3A_216 = vector.shape_cast %swap3A_215 : vector<1x1x16xf32> to vector<16xf32>
      %swap3A_217 = vector.shape_cast %broadcast_in_dim3A_210 : vector<16xf32> to vector<1x1x16xf32>
      tpu.vector_store %arg11[%swap3A_212, %swap3A_213, %swap3A_214], %swap3A_217 {strides = array<i32>} : memref<2x64x128xf32, #tpu.memory_space<vmem>>, vector<1x1x16xf32>,
      %broadcast_in_dim3A_218 = arith.constant 0.000000e+00 : f32
      %broadcast_in_dim3A_219 = vector.broadcast %broadcast_in_dim3A_218 : f32 to vector<16xf32>
      %swap3A_220 = arith.constant 0 : i32
      %swap3A_221 = arith.index_cast %swap3A_220 : i32 to index
      %swap3A_222 = arith.index_cast %scan3A_201 : i32 to index
      %swap3A_223 = arith.constant 32 : index
      %swap3A_224 = tpu.vector_load %arg11[%swap3A_221, %swap3A_222, %swap3A_223] {strides = array<i32>} : memref<2x64x128xf32, #tpu.memory_space<vmem>>, vector<1x1x16xf32>,
      %swap3A_225 = vector.shape_cast %swap3A_224 : vector<1x1x16xf32> to vector<16xf32>
      %swap3A_226 = vector.shape_cast %broadcast_in_dim3A_219 : vector<16xf32> to vector<1x1x16xf32>
      tpu.vector_store %arg11[%swap3A_221, %swap3A_222, %swap3A_223], %swap3A_226 {strides = array<i32>} : memref<2x64x128xf32, #tpu.memory_space<vmem>>, vector<1x1x16xf32>,
      %broadcast_in_dim3A_227 = arith.constant 0.000000e+00 : f32
      %broadcast_in_dim3A_228 = vector.broadcast %broadcast_in_dim3A_227 : f32 to vector<16xf32>
      %swap3A_229 = arith.constant 0 : i32
      %swap3A_230 = arith.index_cast %swap3A_229 : i32 to index
      %swap3A_231 = arith.index_cast %scan3A_201 : i32 to index
      %swap3A_232 = arith.constant 48 : index
      %swap3A_233 = tpu.vector_load %arg11[%swap3A_230, %swap3A_231, %swap3A_232] {strides = array<i32>} : memref<2x64x128xf32, #tpu.memory_space<vmem>>, vector<1x1x16xf32>,
      %swap3A_234 = vector.shape_cast %swap3A_233 : vector<1x1x16xf32> to vector<16xf32>
      %swap3A_235 = vector.shape_cast %broadcast_in_dim3A_228 : vector<16xf32> to vector<1x1x16xf32>
      tpu.vector_store %arg11[%swap3A_230, %swap3A_231, %swap3A_232], %swap3A_235 {strides = array<i32>} : memref<2x64x128xf32, #tpu.memory_space<vmem>>, vector<1x1x16xf32>,
      %broadcast_in_dim3A_236 = arith.constant 0.000000e+00 : f32
      %broadcast_in_dim3A_237 = vector.broadcast %broadcast_in_dim3A_236 : f32 to vector<16xf32>
      %swap3A_238 = arith.constant 0 : i32
      %swap3A_239 = arith.index_cast %swap3A_238 : i32 to index
      %swap3A_240 = arith.index_cast %scan3A_201 : i32 to index
      %swap3A_241 = arith.constant 64 : index
      %swap3A_242 = tpu.vector_load %arg11[%swap3A_239, %swap3A_240, %swap3A_241] {strides = array<i32>} : memref<2x64x128xf32, #tpu.memory_space<vmem>>, vector<1x1x16xf32>,
      %swap3A_243 = vector.shape_cast %swap3A_242 : vector<1x1x16xf32> to vector<16xf32>
      %swap3A_244 = vector.shape_cast %broadcast_in_dim3A_237 : vector<16xf32> to vector<1x1x16xf32>
      tpu.vector_store %arg11[%swap3A_239, %swap3A_240, %swap3A_241], %swap3A_244 {strides = array<i32>} : memref<2x64x128xf32, #tpu.memory_space<vmem>>, vector<1x1x16xf32>,
      %broadcast_in_dim3A_245 = arith.constant 0.000000e+00 : f32
      %broadcast_in_dim3A_246 = vector.broadcast %broadcast_in_dim3A_245 : f32 to vector<16xf32>
      %swap3A_247 = arith.constant 0 : i32
      %swap3A_248 = arith.index_cast %swap3A_247 : i32 to index
      %swap3A_249 = arith.index_cast %scan3A_201 : i32 to index
      %swap3A_250 = arith.constant 80 : index
      %swap3A_251 = tpu.vector_load %arg11[%swap3A_248, %swap3A_249, %swap3A_250] {strides = array<i32>} : memref<2x64x128xf32, #tpu.memory_space<vmem>>, vector<1x1x16xf32>,
      %swap3A_252 = vector.shape_cast %swap3A_251 : vector<1x1x16xf32> to vector<16xf32>
      %swap3A_253 = vector.shape_cast %broadcast_in_dim3A_246 : vector<16xf32> to vector<1x1x16xf32>
      tpu.vector_store %arg11[%swap3A_248, %swap3A_249, %swap3A_250], %swap3A_253 {strides = array<i32>} : memref<2x64x128xf32, #tpu.memory_space<vmem>>, vector<1x1x16xf32>,
      %broadcast_in_dim3A_254 = arith.constant 0.000000e+00 : f32
      %broadcast_in_dim3A_255 = vector.broadcast %broadcast_in_dim3A_254 : f32 to vector<16xf32>
      %swap3A_256 = arith.constant 0 : i32
      %swap3A_257 = arith.index_cast %swap3A_256 : i32 to index
      %swap3A_258 = arith.index_cast %scan3A_201 : i32 to index
      %swap3A_259 = arith.constant 96 : index
      %swap3A_260 = tpu.vector_load %arg11[%swap3A_257, %swap3A_258, %swap3A_259] {strides = array<i32>} : memref<2x64x128xf32, #tpu.memory_space<vmem>>, vector<1x1x16xf32>,
      %swap3A_261 = vector.shape_cast %swap3A_260 : vector<1x1x16xf32> to vector<16xf32>
      %swap3A_262 = vector.shape_cast %broadcast_in_dim3A_255 : vector<16xf32> to vector<1x1x16xf32>
      tpu.vector_store %arg11[%swap3A_257, %swap3A_258, %swap3A_259], %swap3A_262 {strides = array<i32>} : memref<2x64x128xf32, #tpu.memory_space<vmem>>, vector<1x1x16xf32>,
      %broadcast_in_dim3A_263 = arith.constant 0.000000e+00 : f32
      %broadcast_in_dim3A_264 = vector.broadcast %broadcast_in_dim3A_263 : f32 to vector<16xf32>
      %swap3A_265 = arith.constant 0 : i32
      %swap3A_266 = arith.index_cast %swap3A_265 : i32 to index
      %swap3A_267 = arith.index_cast %scan3A_201 : i32 to index
      %swap3A_268 = arith.constant 112 : index
      %swap3A_269 = tpu.vector_load %arg11[%swap3A_266, %swap3A_267, %swap3A_268] {strides = array<i32>} : memref<2x64x128xf32, #tpu.memory_space<vmem>>, vector<1x1x16xf32>,
      %swap3A_270 = vector.shape_cast %swap3A_269 : vector<1x1x16xf32> to vector<16xf32>
      %swap3A_271 = vector.shape_cast %broadcast_in_dim3A_264 : vector<16xf32> to vector<1x1x16xf32>
      tpu.vector_store %arg11[%swap3A_266, %swap3A_267, %swap3A_268], %swap3A_271 {strides = array<i32>} : memref<2x64x128xf32, #tpu.memory_space<vmem>>, vector<1x1x16xf32>,
    }
    %scan3A_73 = arith.constant 40 : i32
    %add3A_74 = arith.constant 0 : i32
    %add3A_75 = arith.addi %arg1, %add3A_74 : i32
    %lt3A = arith.constant 126 : i32
    %lt3A_76 = arith.cmpi slt, %add3A_75, %lt3A : i32
    %convert_element_type3A = arith.extui %lt3A_76 : i1 to i32
    %cond3A = arith.constant 0 : i32
    %cond3A_77 = arith.cmpi ne, %convert_element_type3A, %cond3A : i32
    scf.if %cond3A_77 {
      %mul3A_201 = arith.constant 40 : i32
      %mul3A_202 = arith.muli %add3A_75, %mul3A_201 : i32
      %run_scoped3A = arith.constant 0 : i32
      "tpu.region"() ({
        %run_scoped3A_203 = tpu.sem_alloc : memref<!tpu.dma_semaphore, #tpu.memory_space<semaphore_mem>>
        %dma_start3A_204 = arith.constant 0 : i32
        %dma_start3A_205 = arith.constant 0 : i32
        %dma_start3A_206 = tpu.memref_slice %arg11[%run_scoped3A, %dma_start3A_204, %dma_start3A_205] : memref<2x64x128xf32, #tpu.memory_space<vmem>> -> memref<1x40x128xf32, #tpu.memory_space<vmem>>
        %dma_start3A_207 = tpu.memref_squeeze %dma_start3A_206 : memref<1x40x128xf32, #tpu.memory_space<vmem>> -> memref<40x128xf32, #tpu.memory_space<vmem>>
        %dma_start3A_208 = arith.constant 0 : i32
        %dma_start3A_209 = tpu.memref_slice %arg12[%mul3A_202, %dma_start3A_208] : memref<5064x128xf32, #tpu.memory_space<vmem_shared>> -> memref<40x128xf32, #tpu.memory_space<vmem_shared>>
        %dma_start3A_210 = arith.constant 0 : i32
        %dma_start3A_211 = tpu.memref_slice %arg12[%mul3A_202, %dma_start3A_210] : memref<5064x128xf32, #tpu.memory_space<vmem_shared>> -> memref<40x128xf32, #tpu.memory_space<vmem_shared>>
        %dma_start3A_212 = arith.constant 0 : i32
        %dma_start3A_213 = arith.constant 0 : i32
        %dma_start3A_214 = tpu.memref_slice %arg11[%run_scoped3A, %dma_start3A_212, %dma_start3A_213] : memref<2x64x128xf32, #tpu.memory_space<vmem>> -> memref<1x40x128xf32, #tpu.memory_space<vmem>>
        %dma_start3A_215 = tpu.memref_squeeze %dma_start3A_214 : memref<1x40x128xf32, #tpu.memory_space<vmem>> -> memref<40x128xf32, #tpu.memory_space<vmem>>
        tpu.enqueue_dma source(%dma_start3A_215 : memref<40x128xf32, #tpu.memory_space<vmem>>) target(%dma_start3A_211 : memref<40x128xf32, #tpu.memory_space<vmem_shared>>) target_semaphore(%run_scoped3A_203 : memref<!tpu.dma_semaphore, #tpu.memory_space<semaphore_mem>>)
        %dma_wait3A_216 = arith.constant 0 : i32
        %dma_wait3A_217 = arith.constant 0 : i32
        %dma_wait3A_218 = tpu.memref_slice %arg11[%run_scoped3A, %dma_wait3A_216, %dma_wait3A_217] : memref<2x64x128xf32, #tpu.memory_space<vmem>> -> memref<1x40x128xf32, #tpu.memory_space<vmem>>
        %dma_wait3A_219 = tpu.memref_squeeze %dma_wait3A_218 : memref<1x40x128xf32, #tpu.memory_space<vmem>> -> memref<40x128xf32, #tpu.memory_space<vmem>>
        %dma_wait3A_220 = arith.constant 0 : i32
        %dma_wait3A_221 = tpu.memref_slice %arg12[%mul3A_202, %dma_wait3A_220] : memref<5064x128xf32, #tpu.memory_space<vmem_shared>> -> memref<40x128xf32, #tpu.memory_space<vmem_shared>>
        %dma_wait3A_222 = arith.constant 0 : i32
        %dma_wait3A_223 = tpu.memref_slice %arg12[%mul3A_202, %dma_wait3A_222] : memref<5064x128xf32, #tpu.memory_space<vmem_shared>> -> memref<40x128xf32, #tpu.memory_space<vmem_shared>>
        %dma_wait3A_224 = arith.constant 0 : i32
        %dma_wait3A_225 = arith.constant 0 : i32
        %dma_wait3A_226 = tpu.memref_slice %arg11[%run_scoped3A, %dma_wait3A_224, %dma_wait3A_225] : memref<2x64x128xf32, #tpu.memory_space<vmem>> -> memref<1x40x128xf32, #tpu.memory_space<vmem>>
        %dma_wait3A_227 = tpu.memref_squeeze %dma_wait3A_226 : memref<1x40x128xf32, #tpu.memory_space<vmem>> -> memref<40x128xf32, #tpu.memory_space<vmem>>
        tpu.wait_dma2 semaphore(%run_scoped3A_203 : memref<!tpu.dma_semaphore, #tpu.memory_space<semaphore_mem>>) src(%dma_wait3A_227 : memref<40x128xf32, #tpu.memory_space<vmem>>) dst(%dma_wait3A_223 : memref<40x128xf32, #tpu.memory_space<vmem_shared>>)
        tpu.yield
      }) : () -> ()
    } else {
    }
    %add3A_78 = arith.constant 16 : i32
    %add3A_79 = arith.addi %arg1, %add3A_78 : i32
    %lt3A_80 = arith.constant 126 : i32
    %lt3A_81 = arith.cmpi slt, %add3A_79, %lt3A_80 : i32
    %convert_element_type3A_82 = arith.extui %lt3A_81 : i1 to i32
    %cond3A_83 = arith.constant 0 : i32
    %cond3A_84 = arith.cmpi ne, %convert_element_type3A_82, %cond3A_83 : i32
    scf.if %cond3A_84 {
      %mul3A_201 = arith.constant 40 : i32
      %mul3A_202 = arith.muli %add3A_79, %mul3A_201 : i32
      %run_scoped3A = arith.constant 0 : i32
      "tpu.region"() ({
        %run_scoped3A_203 = tpu.sem_alloc : memref<!tpu.dma_semaphore, #tpu.memory_space<semaphore_mem>>
        %dma_start3A_204 = arith.constant 0 : i32
        %dma_start3A_205 = arith.constant 0 : i32
        %dma_start3A_206 = tpu.memref_slice %arg11[%run_scoped3A, %dma_start3A_204, %dma_start3A_205] : memref<2x64x128xf32, #tpu.memory_space<vmem>> -> memref<1x40x128xf32, #tpu.memory_space<vmem>>
        %dma_start3A_207 = tpu.memref_squeeze %dma_start3A_206 : memref<1x40x128xf32, #tpu.memory_space<vmem>> -> memref<40x128xf32, #tpu.memory_space<vmem>>
        %dma_start3A_208 = arith.constant 0 : i32
        %dma_start3A_209 = tpu.memref_slice %arg12[%mul3A_202, %dma_start3A_208] : memref<5064x128xf32, #tpu.memory_space<vmem_shared>> -> memref<40x128xf32, #tpu.memory_space<vmem_shared>>
        %dma_start3A_210 = arith.constant 0 : i32
        %dma_start3A_211 = tpu.memref_slice %arg12[%mul3A_202, %dma_start3A_210] : memref<5064x128xf32, #tpu.memory_space<vmem_shared>> -> memref<40x128xf32, #tpu.memory_space<vmem_shared>>
        %dma_start3A_212 = arith.constant 0 : i32
        %dma_start3A_213 = arith.constant 0 : i32
        %dma_start3A_214 = tpu.memref_slice %arg11[%run_scoped3A, %dma_start3A_212, %dma_start3A_213] : memref<2x64x128xf32, #tpu.memory_space<vmem>> -> memref<1x40x128xf32, #tpu.memory_space<vmem>>
        %dma_start3A_215 = tpu.memref_squeeze %dma_start3A_214 : memref<1x40x128xf32, #tpu.memory_space<vmem>> -> memref<40x128xf32, #tpu.memory_space<vmem>>
        tpu.enqueue_dma source(%dma_start3A_215 : memref<40x128xf32, #tpu.memory_space<vmem>>) target(%dma_start3A_211 : memref<40x128xf32, #tpu.memory_space<vmem_shared>>) target_semaphore(%run_scoped3A_203 : memref<!tpu.dma_semaphore, #tpu.memory_space<semaphore_mem>>)
        %dma_wait3A_216 = arith.constant 0 : i32
        %dma_wait3A_217 = arith.constant 0 : i32
        %dma_wait3A_218 = tpu.memref_slice %arg11[%run_scoped3A, %dma_wait3A_216, %dma_wait3A_217] : memref<2x64x128xf32, #tpu.memory_space<vmem>> -> memref<1x40x128xf32, #tpu.memory_space<vmem>>
        %dma_wait3A_219 = tpu.memref_squeeze %dma_wait3A_218 : memref<1x40x128xf32, #tpu.memory_space<vmem>> -> memref<40x128xf32, #tpu.memory_space<vmem>>
        %dma_wait3A_220 = arith.constant 0 : i32
        %dma_wait3A_221 = tpu.memref_slice %arg12[%mul3A_202, %dma_wait3A_220] : memref<5064x128xf32, #tpu.memory_space<vmem_shared>> -> memref<40x128xf32, #tpu.memory_space<vmem_shared>>
        %dma_wait3A_222 = arith.constant 0 : i32
        %dma_wait3A_223 = tpu.memref_slice %arg12[%mul3A_202, %dma_wait3A_222] : memref<5064x128xf32, #tpu.memory_space<vmem_shared>> -> memref<40x128xf32, #tpu.memory_space<vmem_shared>>
        %dma_wait3A_224 = arith.constant 0 : i32
        %dma_wait3A_225 = arith.constant 0 : i32
        %dma_wait3A_226 = tpu.memref_slice %arg11[%run_scoped3A, %dma_wait3A_224, %dma_wait3A_225] : memref<2x64x128xf32, #tpu.memory_space<vmem>> -> memref<1x40x128xf32, #tpu.memory_space<vmem>>
        %dma_wait3A_227 = tpu.memref_squeeze %dma_wait3A_226 : memref<1x40x128xf32, #tpu.memory_space<vmem>> -> memref<40x128xf32, #tpu.memory_space<vmem>>
        tpu.wait_dma2 semaphore(%run_scoped3A_203 : memref<!tpu.dma_semaphore, #tpu.memory_space<semaphore_mem>>) src(%dma_wait3A_227 : memref<40x128xf32, #tpu.memory_space<vmem>>) dst(%dma_wait3A_223 : memref<40x128xf32, #tpu.memory_space<vmem_shared>>)
        tpu.yield
      }) : () -> ()
    } else {
    }
    %add3A_85 = arith.constant 32 : i32
    %add3A_86 = arith.addi %arg1, %add3A_85 : i32
    %lt3A_87 = arith.constant 126 : i32
    %lt3A_88 = arith.cmpi slt, %add3A_86, %lt3A_87 : i32
    %convert_element_type3A_89 = arith.extui %lt3A_88 : i1 to i32
    %cond3A_90 = arith.constant 0 : i32
    %cond3A_91 = arith.cmpi ne, %convert_element_type3A_89, %cond3A_90 : i32
    scf.if %cond3A_91 {
      %mul3A_201 = arith.constant 40 : i32
      %mul3A_202 = arith.muli %add3A_86, %mul3A_201 : i32
      %run_scoped3A = arith.constant 0 : i32
      "tpu.region"() ({
        %run_scoped3A_203 = tpu.sem_alloc : memref<!tpu.dma_semaphore, #tpu.memory_space<semaphore_mem>>
        %dma_start3A_204 = arith.constant 0 : i32
        %dma_start3A_205 = arith.constant 0 : i32
        %dma_start3A_206 = tpu.memref_slice %arg11[%run_scoped3A, %dma_start3A_204, %dma_start3A_205] : memref<2x64x128xf32, #tpu.memory_space<vmem>> -> memref<1x40x128xf32, #tpu.memory_space<vmem>>
        %dma_start3A_207 = tpu.memref_squeeze %dma_start3A_206 : memref<1x40x128xf32, #tpu.memory_space<vmem>> -> memref<40x128xf32, #tpu.memory_space<vmem>>
        %dma_start3A_208 = arith.constant 0 : i32
        %dma_start3A_209 = tpu.memref_slice %arg12[%mul3A_202, %dma_start3A_208] : memref<5064x128xf32, #tpu.memory_space<vmem_shared>> -> memref<40x128xf32, #tpu.memory_space<vmem_shared>>
        %dma_start3A_210 = arith.constant 0 : i32
        %dma_start3A_211 = tpu.memref_slice %arg12[%mul3A_202, %dma_start3A_210] : memref<5064x128xf32, #tpu.memory_space<vmem_shared>> -> memref<40x128xf32, #tpu.memory_space<vmem_shared>>
        %dma_start3A_212 = arith.constant 0 : i32
        %dma_start3A_213 = arith.constant 0 : i32
        %dma_start3A_214 = tpu.memref_slice %arg11[%run_scoped3A, %dma_start3A_212, %dma_start3A_213] : memref<2x64x128xf32, #tpu.memory_space<vmem>> -> memref<1x40x128xf32, #tpu.memory_space<vmem>>
        %dma_start3A_215 = tpu.memref_squeeze %dma_start3A_214 : memref<1x40x128xf32, #tpu.memory_space<vmem>> -> memref<40x128xf32, #tpu.memory_space<vmem>>
        tpu.enqueue_dma source(%dma_start3A_215 : memref<40x128xf32, #tpu.memory_space<vmem>>) target(%dma_start3A_211 : memref<40x128xf32, #tpu.memory_space<vmem_shared>>) target_semaphore(%run_scoped3A_203 : memref<!tpu.dma_semaphore, #tpu.memory_space<semaphore_mem>>)
        %dma_wait3A_216 = arith.constant 0 : i32
        %dma_wait3A_217 = arith.constant 0 : i32
        %dma_wait3A_218 = tpu.memref_slice %arg11[%run_scoped3A, %dma_wait3A_216, %dma_wait3A_217] : memref<2x64x128xf32, #tpu.memory_space<vmem>> -> memref<1x40x128xf32, #tpu.memory_space<vmem>>
        %dma_wait3A_219 = tpu.memref_squeeze %dma_wait3A_218 : memref<1x40x128xf32, #tpu.memory_space<vmem>> -> memref<40x128xf32, #tpu.memory_space<vmem>>
        %dma_wait3A_220 = arith.constant 0 : i32
        %dma_wait3A_221 = tpu.memref_slice %arg12[%mul3A_202, %dma_wait3A_220] : memref<5064x128xf32, #tpu.memory_space<vmem_shared>> -> memref<40x128xf32, #tpu.memory_space<vmem_shared>>
        %dma_wait3A_222 = arith.constant 0 : i32
        %dma_wait3A_223 = tpu.memref_slice %arg12[%mul3A_202, %dma_wait3A_222] : memref<5064x128xf32, #tpu.memory_space<vmem_shared>> -> memref<40x128xf32, #tpu.memory_space<vmem_shared>>
        %dma_wait3A_224 = arith.constant 0 : i32
        %dma_wait3A_225 = arith.constant 0 : i32
        %dma_wait3A_226 = tpu.memref_slice %arg11[%run_scoped3A, %dma_wait3A_224, %dma_wait3A_225] : memref<2x64x128xf32, #tpu.memory_space<vmem>> -> memref<1x40x128xf32, #tpu.memory_space<vmem>>
        %dma_wait3A_227 = tpu.memref_squeeze %dma_wait3A_226 : memref<1x40x128xf32, #tpu.memory_space<vmem>> -> memref<40x128xf32, #tpu.memory_space<vmem>>
        tpu.wait_dma2 semaphore(%run_scoped3A_203 : memref<!tpu.dma_semaphore, #tpu.memory_space<semaphore_mem>>) src(%dma_wait3A_227 : memref<40x128xf32, #tpu.memory_space<vmem>>) dst(%dma_wait3A_223 : memref<40x128xf32, #tpu.memory_space<vmem_shared>>)
        tpu.yield
      }) : () -> ()
    } else {
    }
    %add3A_92 = arith.constant 48 : i32
    %add3A_93 = arith.addi %arg1, %add3A_92 : i32
    %lt3A_94 = arith.constant 126 : i32
    %lt3A_95 = arith.cmpi slt, %add3A_93, %lt3A_94 : i32
    %convert_element_type3A_96 = arith.extui %lt3A_95 : i1 to i32
    %cond3A_97 = arith.constant 0 : i32
    %cond3A_98 = arith.cmpi ne, %convert_element_type3A_96, %cond3A_97 : i32
    scf.if %cond3A_98 {
      %mul3A_201 = arith.constant 40 : i32
      %mul3A_202 = arith.muli %add3A_93, %mul3A_201 : i32
      %run_scoped3A = arith.constant 0 : i32
      "tpu.region"() ({
        %run_scoped3A_203 = tpu.sem_alloc : memref<!tpu.dma_semaphore, #tpu.memory_space<semaphore_mem>>
        %dma_start3A_204 = arith.constant 0 : i32
        %dma_start3A_205 = arith.constant 0 : i32
        %dma_start3A_206 = tpu.memref_slice %arg11[%run_scoped3A, %dma_start3A_204, %dma_start3A_205] : memref<2x64x128xf32, #tpu.memory_space<vmem>> -> memref<1x40x128xf32, #tpu.memory_space<vmem>>
        %dma_start3A_207 = tpu.memref_squeeze %dma_start3A_206 : memref<1x40x128xf32, #tpu.memory_space<vmem>> -> memref<40x128xf32, #tpu.memory_space<vmem>>
        %dma_start3A_208 = arith.constant 0 : i32
        %dma_start3A_209 = tpu.memref_slice %arg12[%mul3A_202, %dma_start3A_208] : memref<5064x128xf32, #tpu.memory_space<vmem_shared>> -> memref<40x128xf32, #tpu.memory_space<vmem_shared>>
        %dma_start3A_210 = arith.constant 0 : i32
        %dma_start3A_211 = tpu.memref_slice %arg12[%mul3A_202, %dma_start3A_210] : memref<5064x128xf32, #tpu.memory_space<vmem_shared>> -> memref<40x128xf32, #tpu.memory_space<vmem_shared>>
        %dma_start3A_212 = arith.constant 0 : i32
        %dma_start3A_213 = arith.constant 0 : i32
        %dma_start3A_214 = tpu.memref_slice %arg11[%run_scoped3A, %dma_start3A_212, %dma_start3A_213] : memref<2x64x128xf32, #tpu.memory_space<vmem>> -> memref<1x40x128xf32, #tpu.memory_space<vmem>>
        %dma_start3A_215 = tpu.memref_squeeze %dma_start3A_214 : memref<1x40x128xf32, #tpu.memory_space<vmem>> -> memref<40x128xf32, #tpu.memory_space<vmem>>
        tpu.enqueue_dma source(%dma_start3A_215 : memref<40x128xf32, #tpu.memory_space<vmem>>) target(%dma_start3A_211 : memref<40x128xf32, #tpu.memory_space<vmem_shared>>) target_semaphore(%run_scoped3A_203 : memref<!tpu.dma_semaphore, #tpu.memory_space<semaphore_mem>>)
        %dma_wait3A_216 = arith.constant 0 : i32
        %dma_wait3A_217 = arith.constant 0 : i32
        %dma_wait3A_218 = tpu.memref_slice %arg11[%run_scoped3A, %dma_wait3A_216, %dma_wait3A_217] : memref<2x64x128xf32, #tpu.memory_space<vmem>> -> memref<1x40x128xf32, #tpu.memory_space<vmem>>
        %dma_wait3A_219 = tpu.memref_squeeze %dma_wait3A_218 : memref<1x40x128xf32, #tpu.memory_space<vmem>> -> memref<40x128xf32, #tpu.memory_space<vmem>>
        %dma_wait3A_220 = arith.constant 0 : i32
        %dma_wait3A_221 = tpu.memref_slice %arg12[%mul3A_202, %dma_wait3A_220] : memref<5064x128xf32, #tpu.memory_space<vmem_shared>> -> memref<40x128xf32, #tpu.memory_space<vmem_shared>>
        %dma_wait3A_222 = arith.constant 0 : i32
        %dma_wait3A_223 = tpu.memref_slice %arg12[%mul3A_202, %dma_wait3A_222] : memref<5064x128xf32, #tpu.memory_space<vmem_shared>> -> memref<40x128xf32, #tpu.memory_space<vmem_shared>>
        %dma_wait3A_224 = arith.constant 0 : i32
        %dma_wait3A_225 = arith.constant 0 : i32
        %dma_wait3A_226 = tpu.memref_slice %arg11[%run_scoped3A, %dma_wait3A_224, %dma_wait3A_225] : memref<2x64x128xf32, #tpu.memory_space<vmem>> -> memref<1x40x128xf32, #tpu.memory_space<vmem>>
        %dma_wait3A_227 = tpu.memref_squeeze %dma_wait3A_226 : memref<1x40x128xf32, #tpu.memory_space<vmem>> -> memref<40x128xf32, #tpu.memory_space<vmem>>
        tpu.wait_dma2 semaphore(%run_scoped3A_203 : memref<!tpu.dma_semaphore, #tpu.memory_space<semaphore_mem>>) src(%dma_wait3A_227 : memref<40x128xf32, #tpu.memory_space<vmem>>) dst(%dma_wait3A_223 : memref<40x128xf32, #tpu.memory_space<vmem_shared>>)
        tpu.yield
      }) : () -> ()
    } else {
    }
    %add3A_99 = arith.constant 64 : i32
    %add3A_100 = arith.addi %arg1, %add3A_99 : i32
    %lt3A_101 = arith.constant 126 : i32
    %lt3A_102 = arith.cmpi slt, %add3A_100, %lt3A_101 : i32
    %convert_element_type3A_103 = arith.extui %lt3A_102 : i1 to i32
    %cond3A_104 = arith.constant 0 : i32
    %cond3A_105 = arith.cmpi ne, %convert_element_type3A_103, %cond3A_104 : i32
    scf.if %cond3A_105 {
      %mul3A_201 = arith.constant 40 : i32
      %mul3A_202 = arith.muli %add3A_100, %mul3A_201 : i32
      %run_scoped3A = arith.constant 0 : i32
      "tpu.region"() ({
        %run_scoped3A_203 = tpu.sem_alloc : memref<!tpu.dma_semaphore, #tpu.memory_space<semaphore_mem>>
        %dma_start3A_204 = arith.constant 0 : i32
        %dma_start3A_205 = arith.constant 0 : i32
        %dma_start3A_206 = tpu.memref_slice %arg11[%run_scoped3A, %dma_start3A_204, %dma_start3A_205] : memref<2x64x128xf32, #tpu.memory_space<vmem>> -> memref<1x40x128xf32, #tpu.memory_space<vmem>>
        %dma_start3A_207 = tpu.memref_squeeze %dma_start3A_206 : memref<1x40x128xf32, #tpu.memory_space<vmem>> -> memref<40x128xf32, #tpu.memory_space<vmem>>
        %dma_start3A_208 = arith.constant 0 : i32
        %dma_start3A_209 = tpu.memref_slice %arg12[%mul3A_202, %dma_start3A_208] : memref<5064x128xf32, #tpu.memory_space<vmem_shared>> -> memref<40x128xf32, #tpu.memory_space<vmem_shared>>
        %dma_start3A_210 = arith.constant 0 : i32
        %dma_start3A_211 = tpu.memref_slice %arg12[%mul3A_202, %dma_start3A_210] : memref<5064x128xf32, #tpu.memory_space<vmem_shared>> -> memref<40x128xf32, #tpu.memory_space<vmem_shared>>
        %dma_start3A_212 = arith.constant 0 : i32
        %dma_start3A_213 = arith.constant 0 : i32
        %dma_start3A_214 = tpu.memref_slice %arg11[%run_scoped3A, %dma_start3A_212, %dma_start3A_213] : memref<2x64x128xf32, #tpu.memory_space<vmem>> -> memref<1x40x128xf32, #tpu.memory_space<vmem>>
        %dma_start3A_215 = tpu.memref_squeeze %dma_start3A_214 : memref<1x40x128xf32, #tpu.memory_space<vmem>> -> memref<40x128xf32, #tpu.memory_space<vmem>>
        tpu.enqueue_dma source(%dma_start3A_215 : memref<40x128xf32, #tpu.memory_space<vmem>>) target(%dma_start3A_211 : memref<40x128xf32, #tpu.memory_space<vmem_shared>>) target_semaphore(%run_scoped3A_203 : memref<!tpu.dma_semaphore, #tpu.memory_space<semaphore_mem>>)
        %dma_wait3A_216 = arith.constant 0 : i32
        %dma_wait3A_217 = arith.constant 0 : i32
        %dma_wait3A_218 = tpu.memref_slice %arg11[%run_scoped3A, %dma_wait3A_216, %dma_wait3A_217] : memref<2x64x128xf32, #tpu.memory_space<vmem>> -> memref<1x40x128xf32, #tpu.memory_space<vmem>>
        %dma_wait3A_219 = tpu.memref_squeeze %dma_wait3A_218 : memref<1x40x128xf32, #tpu.memory_space<vmem>> -> memref<40x128xf32, #tpu.memory_space<vmem>>
        %dma_wait3A_220 = arith.constant 0 : i32
        %dma_wait3A_221 = tpu.memref_slice %arg12[%mul3A_202, %dma_wait3A_220] : memref<5064x128xf32, #tpu.memory_space<vmem_shared>> -> memref<40x128xf32, #tpu.memory_space<vmem_shared>>
        %dma_wait3A_222 = arith.constant 0 : i32
        %dma_wait3A_223 = tpu.memref_slice %arg12[%mul3A_202, %dma_wait3A_222] : memref<5064x128xf32, #tpu.memory_space<vmem_shared>> -> memref<40x128xf32, #tpu.memory_space<vmem_shared>>
        %dma_wait3A_224 = arith.constant 0 : i32
        %dma_wait3A_225 = arith.constant 0 : i32
        %dma_wait3A_226 = tpu.memref_slice %arg11[%run_scoped3A, %dma_wait3A_224, %dma_wait3A_225] : memref<2x64x128xf32, #tpu.memory_space<vmem>> -> memref<1x40x128xf32, #tpu.memory_space<vmem>>
        %dma_wait3A_227 = tpu.memref_squeeze %dma_wait3A_226 : memref<1x40x128xf32, #tpu.memory_space<vmem>> -> memref<40x128xf32, #tpu.memory_space<vmem>>
        tpu.wait_dma2 semaphore(%run_scoped3A_203 : memref<!tpu.dma_semaphore, #tpu.memory_space<semaphore_mem>>) src(%dma_wait3A_227 : memref<40x128xf32, #tpu.memory_space<vmem>>) dst(%dma_wait3A_223 : memref<40x128xf32, #tpu.memory_space<vmem_shared>>)
        tpu.yield
      }) : () -> ()
    } else {
    }
    %add3A_106 = arith.constant 80 : i32
    %add3A_107 = arith.addi %arg1, %add3A_106 : i32
    %lt3A_108 = arith.constant 126 : i32
    %lt3A_109 = arith.cmpi slt, %add3A_107, %lt3A_108 : i32
    %convert_element_type3A_110 = arith.extui %lt3A_109 : i1 to i32
    %cond3A_111 = arith.constant 0 : i32
    %cond3A_112 = arith.cmpi ne, %convert_element_type3A_110, %cond3A_111 : i32
    scf.if %cond3A_112 {
      %mul3A_201 = arith.constant 40 : i32
      %mul3A_202 = arith.muli %add3A_107, %mul3A_201 : i32
      %run_scoped3A = arith.constant 0 : i32
      "tpu.region"() ({
        %run_scoped3A_203 = tpu.sem_alloc : memref<!tpu.dma_semaphore, #tpu.memory_space<semaphore_mem>>
        %dma_start3A_204 = arith.constant 0 : i32
        %dma_start3A_205 = arith.constant 0 : i32
        %dma_start3A_206 = tpu.memref_slice %arg11[%run_scoped3A, %dma_start3A_204, %dma_start3A_205] : memref<2x64x128xf32, #tpu.memory_space<vmem>> -> memref<1x40x128xf32, #tpu.memory_space<vmem>>
        %dma_start3A_207 = tpu.memref_squeeze %dma_start3A_206 : memref<1x40x128xf32, #tpu.memory_space<vmem>> -> memref<40x128xf32, #tpu.memory_space<vmem>>
        %dma_start3A_208 = arith.constant 0 : i32
        %dma_start3A_209 = tpu.memref_slice %arg12[%mul3A_202, %dma_start3A_208] : memref<5064x128xf32, #tpu.memory_space<vmem_shared>> -> memref<40x128xf32, #tpu.memory_space<vmem_shared>>
        %dma_start3A_210 = arith.constant 0 : i32
        %dma_start3A_211 = tpu.memref_slice %arg12[%mul3A_202, %dma_start3A_210] : memref<5064x128xf32, #tpu.memory_space<vmem_shared>> -> memref<40x128xf32, #tpu.memory_space<vmem_shared>>
        %dma_start3A_212 = arith.constant 0 : i32
        %dma_start3A_213 = arith.constant 0 : i32
        %dma_start3A_214 = tpu.memref_slice %arg11[%run_scoped3A, %dma_start3A_212, %dma_start3A_213] : memref<2x64x128xf32, #tpu.memory_space<vmem>> -> memref<1x40x128xf32, #tpu.memory_space<vmem>>
        %dma_start3A_215 = tpu.memref_squeeze %dma_start3A_214 : memref<1x40x128xf32, #tpu.memory_space<vmem>> -> memref<40x128xf32, #tpu.memory_space<vmem>>
        tpu.enqueue_dma source(%dma_start3A_215 : memref<40x128xf32, #tpu.memory_space<vmem>>) target(%dma_start3A_211 : memref<40x128xf32, #tpu.memory_space<vmem_shared>>) target_semaphore(%run_scoped3A_203 : memref<!tpu.dma_semaphore, #tpu.memory_space<semaphore_mem>>)
        %dma_wait3A_216 = arith.constant 0 : i32
        %dma_wait3A_217 = arith.constant 0 : i32
        %dma_wait3A_218 = tpu.memref_slice %arg11[%run_scoped3A, %dma_wait3A_216, %dma_wait3A_217] : memref<2x64x128xf32, #tpu.memory_space<vmem>> -> memref<1x40x128xf32, #tpu.memory_space<vmem>>
        %dma_wait3A_219 = tpu.memref_squeeze %dma_wait3A_218 : memref<1x40x128xf32, #tpu.memory_space<vmem>> -> memref<40x128xf32, #tpu.memory_space<vmem>>
        %dma_wait3A_220 = arith.constant 0 : i32
        %dma_wait3A_221 = tpu.memref_slice %arg12[%mul3A_202, %dma_wait3A_220] : memref<5064x128xf32, #tpu.memory_space<vmem_shared>> -> memref<40x128xf32, #tpu.memory_space<vmem_shared>>
        %dma_wait3A_222 = arith.constant 0 : i32
        %dma_wait3A_223 = tpu.memref_slice %arg12[%mul3A_202, %dma_wait3A_222] : memref<5064x128xf32, #tpu.memory_space<vmem_shared>> -> memref<40x128xf32, #tpu.memory_space<vmem_shared>>
        %dma_wait3A_224 = arith.constant 0 : i32
        %dma_wait3A_225 = arith.constant 0 : i32
        %dma_wait3A_226 = tpu.memref_slice %arg11[%run_scoped3A, %dma_wait3A_224, %dma_wait3A_225] : memref<2x64x128xf32, #tpu.memory_space<vmem>> -> memref<1x40x128xf32, #tpu.memory_space<vmem>>
        %dma_wait3A_227 = tpu.memref_squeeze %dma_wait3A_226 : memref<1x40x128xf32, #tpu.memory_space<vmem>> -> memref<40x128xf32, #tpu.memory_space<vmem>>
        tpu.wait_dma2 semaphore(%run_scoped3A_203 : memref<!tpu.dma_semaphore, #tpu.memory_space<semaphore_mem>>) src(%dma_wait3A_227 : memref<40x128xf32, #tpu.memory_space<vmem>>) dst(%dma_wait3A_223 : memref<40x128xf32, #tpu.memory_space<vmem_shared>>)
        tpu.yield
      }) : () -> ()
    } else {
    }
    %add3A_113 = arith.constant 96 : i32
    %add3A_114 = arith.addi %arg1, %add3A_113 : i32
    %lt3A_115 = arith.constant 126 : i32
    %lt3A_116 = arith.cmpi slt, %add3A_114, %lt3A_115 : i32
    %convert_element_type3A_117 = arith.extui %lt3A_116 : i1 to i32
    %cond3A_118 = arith.constant 0 : i32
    %cond3A_119 = arith.cmpi ne, %convert_element_type3A_117, %cond3A_118 : i32
    scf.if %cond3A_119 {
      %mul3A_201 = arith.constant 40 : i32
      %mul3A_202 = arith.muli %add3A_114, %mul3A_201 : i32
      %run_scoped3A = arith.constant 0 : i32
      "tpu.region"() ({
        %run_scoped3A_203 = tpu.sem_alloc : memref<!tpu.dma_semaphore, #tpu.memory_space<semaphore_mem>>
        %dma_start3A_204 = arith.constant 0 : i32
        %dma_start3A_205 = arith.constant 0 : i32
        %dma_start3A_206 = tpu.memref_slice %arg11[%run_scoped3A, %dma_start3A_204, %dma_start3A_205] : memref<2x64x128xf32, #tpu.memory_space<vmem>> -> memref<1x40x128xf32, #tpu.memory_space<vmem>>
        %dma_start3A_207 = tpu.memref_squeeze %dma_start3A_206 : memref<1x40x128xf32, #tpu.memory_space<vmem>> -> memref<40x128xf32, #tpu.memory_space<vmem>>
        %dma_start3A_208 = arith.constant 0 : i32
        %dma_start3A_209 = tpu.memref_slice %arg12[%mul3A_202, %dma_start3A_208] : memref<5064x128xf32, #tpu.memory_space<vmem_shared>> -> memref<40x128xf32, #tpu.memory_space<vmem_shared>>
        %dma_start3A_210 = arith.constant 0 : i32
        %dma_start3A_211 = tpu.memref_slice %arg12[%mul3A_202, %dma_start3A_210] : memref<5064x128xf32, #tpu.memory_space<vmem_shared>> -> memref<40x128xf32, #tpu.memory_space<vmem_shared>>
        %dma_start3A_212 = arith.constant 0 : i32
        %dma_start3A_213 = arith.constant 0 : i32
        %dma_start3A_214 = tpu.memref_slice %arg11[%run_scoped3A, %dma_start3A_212, %dma_start3A_213] : memref<2x64x128xf32, #tpu.memory_space<vmem>> -> memref<1x40x128xf32, #tpu.memory_space<vmem>>
        %dma_start3A_215 = tpu.memref_squeeze %dma_start3A_214 : memref<1x40x128xf32, #tpu.memory_space<vmem>> -> memref<40x128xf32, #tpu.memory_space<vmem>>
        tpu.enqueue_dma source(%dma_start3A_215 : memref<40x128xf32, #tpu.memory_space<vmem>>) target(%dma_start3A_211 : memref<40x128xf32, #tpu.memory_space<vmem_shared>>) target_semaphore(%run_scoped3A_203 : memref<!tpu.dma_semaphore, #tpu.memory_space<semaphore_mem>>)
        %dma_wait3A_216 = arith.constant 0 : i32
        %dma_wait3A_217 = arith.constant 0 : i32
        %dma_wait3A_218 = tpu.memref_slice %arg11[%run_scoped3A, %dma_wait3A_216, %dma_wait3A_217] : memref<2x64x128xf32, #tpu.memory_space<vmem>> -> memref<1x40x128xf32, #tpu.memory_space<vmem>>
        %dma_wait3A_219 = tpu.memref_squeeze %dma_wait3A_218 : memref<1x40x128xf32, #tpu.memory_space<vmem>> -> memref<40x128xf32, #tpu.memory_space<vmem>>
        %dma_wait3A_220 = arith.constant 0 : i32
        %dma_wait3A_221 = tpu.memref_slice %arg12[%mul3A_202, %dma_wait3A_220] : memref<5064x128xf32, #tpu.memory_space<vmem_shared>> -> memref<40x128xf32, #tpu.memory_space<vmem_shared>>
        %dma_wait3A_222 = arith.constant 0 : i32
        %dma_wait3A_223 = tpu.memref_slice %arg12[%mul3A_202, %dma_wait3A_222] : memref<5064x128xf32, #tpu.memory_space<vmem_shared>> -> memref<40x128xf32, #tpu.memory_space<vmem_shared>>
        %dma_wait3A_224 = arith.constant 0 : i32
        %dma_wait3A_225 = arith.constant 0 : i32
        %dma_wait3A_226 = tpu.memref_slice %arg11[%run_scoped3A, %dma_wait3A_224, %dma_wait3A_225] : memref<2x64x128xf32, #tpu.memory_space<vmem>> -> memref<1x40x128xf32, #tpu.memory_space<vmem>>
        %dma_wait3A_227 = tpu.memref_squeeze %dma_wait3A_226 : memref<1x40x128xf32, #tpu.memory_space<vmem>> -> memref<40x128xf32, #tpu.memory_space<vmem>>
        tpu.wait_dma2 semaphore(%run_scoped3A_203 : memref<!tpu.dma_semaphore, #tpu.memory_space<semaphore_mem>>) src(%dma_wait3A_227 : memref<40x128xf32, #tpu.memory_space<vmem>>) dst(%dma_wait3A_223 : memref<40x128xf32, #tpu.memory_space<vmem_shared>>)
        tpu.yield
      }) : () -> ()
    } else {
    }
    %add3A_120 = arith.constant 112 : i32
    %add3A_121 = arith.addi %arg1, %add3A_120 : i32
    %lt3A_122 = arith.constant 126 : i32
    %lt3A_123 = arith.cmpi slt, %add3A_121, %lt3A_122 : i32
    %convert_element_type3A_124 = arith.extui %lt3A_123 : i1 to i32
    %cond3A_125 = arith.constant 0 : i32
    %cond3A_126 = arith.cmpi ne, %convert_element_type3A_124, %cond3A_125 : i32
    scf.if %cond3A_126 {
      %mul3A_201 = arith.constant 40 : i32
      %mul3A_202 = arith.muli %add3A_121, %mul3A_201 : i32
      %run_scoped3A = arith.constant 0 : i32
      "tpu.region"() ({
        %run_scoped3A_203 = tpu.sem_alloc : memref<!tpu.dma_semaphore, #tpu.memory_space<semaphore_mem>>
        %dma_start3A_204 = arith.constant 0 : i32
        %dma_start3A_205 = arith.constant 0 : i32
        %dma_start3A_206 = tpu.memref_slice %arg11[%run_scoped3A, %dma_start3A_204, %dma_start3A_205] : memref<2x64x128xf32, #tpu.memory_space<vmem>> -> memref<1x40x128xf32, #tpu.memory_space<vmem>>
        %dma_start3A_207 = tpu.memref_squeeze %dma_start3A_206 : memref<1x40x128xf32, #tpu.memory_space<vmem>> -> memref<40x128xf32, #tpu.memory_space<vmem>>
        %dma_start3A_208 = arith.constant 0 : i32
        %dma_start3A_209 = tpu.memref_slice %arg12[%mul3A_202, %dma_start3A_208] : memref<5064x128xf32, #tpu.memory_space<vmem_shared>> -> memref<40x128xf32, #tpu.memory_space<vmem_shared>>
        %dma_start3A_210 = arith.constant 0 : i32
        %dma_start3A_211 = tpu.memref_slice %arg12[%mul3A_202, %dma_start3A_210] : memref<5064x128xf32, #tpu.memory_space<vmem_shared>> -> memref<40x128xf32, #tpu.memory_space<vmem_shared>>
        %dma_start3A_212 = arith.constant 0 : i32
        %dma_start3A_213 = arith.constant 0 : i32
        %dma_start3A_214 = tpu.memref_slice %arg11[%run_scoped3A, %dma_start3A_212, %dma_start3A_213] : memref<2x64x128xf32, #tpu.memory_space<vmem>> -> memref<1x40x128xf32, #tpu.memory_space<vmem>>
        %dma_start3A_215 = tpu.memref_squeeze %dma_start3A_214 : memref<1x40x128xf32, #tpu.memory_space<vmem>> -> memref<40x128xf32, #tpu.memory_space<vmem>>
        tpu.enqueue_dma source(%dma_start3A_215 : memref<40x128xf32, #tpu.memory_space<vmem>>) target(%dma_start3A_211 : memref<40x128xf32, #tpu.memory_space<vmem_shared>>) target_semaphore(%run_scoped3A_203 : memref<!tpu.dma_semaphore, #tpu.memory_space<semaphore_mem>>)
        %dma_wait3A_216 = arith.constant 0 : i32
        %dma_wait3A_217 = arith.constant 0 : i32
        %dma_wait3A_218 = tpu.memref_slice %arg11[%run_scoped3A, %dma_wait3A_216, %dma_wait3A_217] : memref<2x64x128xf32, #tpu.memory_space<vmem>> -> memref<1x40x128xf32, #tpu.memory_space<vmem>>
        %dma_wait3A_219 = tpu.memref_squeeze %dma_wait3A_218 : memref<1x40x128xf32, #tpu.memory_space<vmem>> -> memref<40x128xf32, #tpu.memory_space<vmem>>
        %dma_wait3A_220 = arith.constant 0 : i32
        %dma_wait3A_221 = tpu.memref_slice %arg12[%mul3A_202, %dma_wait3A_220] : memref<5064x128xf32, #tpu.memory_space<vmem_shared>> -> memref<40x128xf32, #tpu.memory_space<vmem_shared>>
        %dma_wait3A_222 = arith.constant 0 : i32
        %dma_wait3A_223 = tpu.memref_slice %arg12[%mul3A_202, %dma_wait3A_222] : memref<5064x128xf32, #tpu.memory_space<vmem_shared>> -> memref<40x128xf32, #tpu.memory_space<vmem_shared>>
        %dma_wait3A_224 = arith.constant 0 : i32
        %dma_wait3A_225 = arith.constant 0 : i32
        %dma_wait3A_226 = tpu.memref_slice %arg11[%run_scoped3A, %dma_wait3A_224, %dma_wait3A_225] : memref<2x64x128xf32, #tpu.memory_space<vmem>> -> memref<1x40x128xf32, #tpu.memory_space<vmem>>
        %dma_wait3A_227 = tpu.memref_squeeze %dma_wait3A_226 : memref<1x40x128xf32, #tpu.memory_space<vmem>> -> memref<40x128xf32, #tpu.memory_space<vmem>>
        tpu.wait_dma2 semaphore(%run_scoped3A_203 : memref<!tpu.dma_semaphore, #tpu.memory_space<semaphore_mem>>) src(%dma_wait3A_227 : memref<40x128xf32, #tpu.memory_space<vmem>>) dst(%dma_wait3A_223 : memref<40x128xf32, #tpu.memory_space<vmem_shared>>)
        tpu.yield
      }) : () -> ()
    } else {
    }
    %barrier3A = arith.constant 0 : index
    tpu.barrier barrier_id(%barrier3A)
    %scan3A_127 = arith.constant 0 : i32
    %scan3A_128 = arith.constant 0 : i32
    %scan3A_129 = arith.constant 80 : i32
    %scan3A_130 = arith.addi %scan3A_128, %scan3A_129 : i32
    %scan3A_131 = arith.constant 1 : i32
    scf.for %scan3A_201 = %scan3A_128 to %scan3A_130 step %scan3A_131  : i32 {
      %mul3A_202 = arith.constant 2 : i32
      %mul3A_203 = arith.muli %mul3A_202, %scan3A_201 : i32
      %dma_wait3A_204 = arith.constant 0 : i32
      %dma_wait3A_205 = arith.constant 0 : i32
      %dma_wait3A_206 = arith.constant 0 : i32
      %dma_wait3A_207 = tpu.memref_slice %arg9[%dma_wait3A_204, %dma_wait3A_205, %dma_wait3A_206] : memref<2x64x128xf32, #tpu.memory_space<vmem>> -> memref<1x64x128xf32, #tpu.memory_space<vmem>>
      %dma_wait3A_208 = tpu.memref_squeeze %dma_wait3A_207 : memref<1x64x128xf32, #tpu.memory_space<vmem>> -> memref<64x128xf32, #tpu.memory_space<vmem>>
      %dma_wait3A_209 = arith.constant 0 : i32
      %dma_wait3A_210 = arith.constant 0 : i32
      %dma_wait3A_211 = tpu.memref_slice %arg2[%dma_wait3A_209, %dma_wait3A_210] : memref<20000x128xf32, #tpu.memory_space<hbm>> -> memref<64x128xf32, #tpu.memory_space<hbm>>
      %dma_wait3A_212 = arith.constant 0 : i32
      %dma_wait3A_213 = arith.constant 0 : i32
      %dma_wait3A_214 = tpu.memref_slice %arg9[%dma_wait3A_204, %dma_wait3A_212, %dma_wait3A_213] : memref<2x64x128xf32, #tpu.memory_space<vmem>> -> memref<1x64x128xf32, #tpu.memory_space<vmem>>
      %dma_wait3A_215 = tpu.memref_squeeze %dma_wait3A_214 : memref<1x64x128xf32, #tpu.memory_space<vmem>> -> memref<64x128xf32, #tpu.memory_space<vmem>>
      %dma_wait3A_216 = arith.constant 0 : i32
      %dma_wait3A_217 = arith.constant 0 : i32
      %dma_wait3A_218 = tpu.memref_slice %arg2[%dma_wait3A_216, %dma_wait3A_217] : memref<20000x128xf32, #tpu.memory_space<hbm>> -> memref<64x128xf32, #tpu.memory_space<hbm>>
      tpu.wait_dma2 semaphore(%arg13 : memref<!tpu.dma_semaphore, #tpu.memory_space<semaphore_mem>>) src(%dma_wait3A_218 : memref<64x128xf32, #tpu.memory_space<hbm>>) dst(%dma_wait3A_215 : memref<64x128xf32, #tpu.memory_space<vmem>>)
      %dma_wait3A_219 = arith.constant 0 : i32
      %dma_wait3A_220 = arith.constant 0 : i32
      %dma_wait3A_221 = arith.constant 0 : i32
      %dma_wait3A_222 = tpu.memref_slice %arg10[%dma_wait3A_219, %dma_wait3A_220, %dma_wait3A_221] : memref<2x64x128xf32, #tpu.memory_space<vmem>> -> memref<1x64x128xf32, #tpu.memory_space<vmem>>
      %dma_wait3A_223 = tpu.memref_squeeze %dma_wait3A_222 : memref<1x64x128xf32, #tpu.memory_space<vmem>> -> memref<64x128xf32, #tpu.memory_space<vmem>>
      %dma_wait3A_224 = arith.constant 0 : i32
      %dma_wait3A_225 = arith.constant 0 : i32
      %dma_wait3A_226 = tpu.memref_slice %arg3[%dma_wait3A_224, %dma_wait3A_225] : memref<327680x128xf32, #tpu.memory_space<hbm>> -> memref<64x128xf32, #tpu.memory_space<hbm>>
      %dma_wait3A_227 = arith.constant 0 : i32
      %dma_wait3A_228 = arith.constant 0 : i32
      %dma_wait3A_229 = tpu.memref_slice %arg10[%dma_wait3A_219, %dma_wait3A_227, %dma_wait3A_228] : memref<2x64x128xf32, #tpu.memory_space<vmem>> -> memref<1x64x128xf32, #tpu.memory_space<vmem>>
      %dma_wait3A_230 = tpu.memref_squeeze %dma_wait3A_229 : memref<1x64x128xf32, #tpu.memory_space<vmem>> -> memref<64x128xf32, #tpu.memory_space<vmem>>
      %dma_wait3A_231 = arith.constant 0 : i32
      %dma_wait3A_232 = arith.constant 0 : i32
      %dma_wait3A_233 = tpu.memref_slice %arg3[%dma_wait3A_231, %dma_wait3A_232] : memref<327680x128xf32, #tpu.memory_space<hbm>> -> memref<64x128xf32, #tpu.memory_space<hbm>>
      tpu.wait_dma2 semaphore(%arg15 : memref<!tpu.dma_semaphore, #tpu.memory_space<semaphore_mem>>) src(%dma_wait3A_233 : memref<64x128xf32, #tpu.memory_space<hbm>>) dst(%dma_wait3A_230 : memref<64x128xf32, #tpu.memory_space<vmem>>)
      %ge3A = arith.constant 2 : i32
      %ge3A_234 = arith.cmpi sge, %mul3A_203, %ge3A : i32
      %convert_element_type3A_235 = arith.extui %ge3A_234 : i1 to i32
      %cond3A_236 = arith.constant 0 : i32
      %cond3A_237 = arith.cmpi ne, %convert_element_type3A_235, %cond3A_236 : i32
      scf.if %cond3A_237 {
        %dma_wait3A_325 = arith.constant 0 : i32
        %dma_wait3A_326 = arith.constant 0 : i32
        %dma_wait3A_327 = tpu.memref_slice %arg12[%dma_wait3A_325, %dma_wait3A_326] : memref<5064x128xf32, #tpu.memory_space<vmem_shared>> -> memref<64x128xf32, #tpu.memory_space<vmem_shared>>
        %dma_wait3A_328 = arith.constant 0 : i32
        %dma_wait3A_329 = arith.constant 0 : i32
        %dma_wait3A_330 = tpu.memref_slice %arg2[%dma_wait3A_328, %dma_wait3A_329] : memref<20000x128xf32, #tpu.memory_space<hbm>> -> memref<64x128xf32, #tpu.memory_space<hbm>>
        tpu.wait_dma2 semaphore(%arg17 : memref<!tpu.dma_semaphore, #tpu.memory_space<semaphore_mem>>) src(%dma_wait3A_330 : memref<64x128xf32, #tpu.memory_space<hbm>>) dst(%dma_wait3A_327 : memref<64x128xf32, #tpu.memory_space<vmem_shared>>)
      } else {
      }
      %scan3A_238 = arith.constant 0 : i32
      %scan3A_239 = arith.constant 0 : i32
      %scan3A_240 = arith.constant 64 : i32
      %scan3A_241 = arith.addi %scan3A_239, %scan3A_240 : i32
      %scan3A_242 = arith.constant 2 : i32
      scf.for %scan3A_325 = %scan3A_239 to %scan3A_241 step %scan3A_242  : i32 {
        %get3A = arith.constant 0 : i32
        %get3A_326 = arith.index_cast %get3A : i32 to index
        %get3A_327 = arith.index_cast %scan3A_325 : i32 to index
        %get3A_328 = arith.constant 0 : index
        %get3A_329 = tpu.vector_load %arg9[%get3A_326, %get3A_327, %get3A_328] {strides = array<i32>} : memref<2x64x128xf32, #tpu.memory_space<vmem>>, vector<1x1x16xf32>,
        %get3A_330 = vector.shape_cast %get3A_329 : vector<1x1x16xf32> to vector<16xf32>
        %get3A_331 = arith.constant 0 : i32
        %get3A_332 = arith.index_cast %get3A_331 : i32 to index
        %get3A_333 = arith.index_cast %scan3A_325 : i32 to index
        %get3A_334 = arith.constant 0 : index
        %get3A_335 = tpu.vector_load %arg10[%get3A_332, %get3A_333, %get3A_334] {strides = array<i32>} : memref<2x64x128xf32, #tpu.memory_space<vmem>>, vector<1x1x16xf32>,
        %get3A_336 = vector.shape_cast %get3A_335 : vector<1x1x16xf32> to vector<16xf32>
        %add3A_337 = arith.addf %get3A_330, %get3A_336 : vector<16xf32>
        %max3A = arith.constant 0.000000e+00 : f32
        %max3A_338 = vector.broadcast %max3A : f32 to vector<16xf32>
        %max3A_339 = arith.maximumf %add3A_337, %max3A_338 : vector<16xf32>
        %swap3A = arith.constant 0 : i32
        %swap3A_340 = arith.index_cast %swap3A : i32 to index
        %swap3A_341 = arith.index_cast %scan3A_325 : i32 to index
        %swap3A_342 = arith.constant 0 : index
        %swap3A_343 = tpu.vector_load %arg11[%swap3A_340, %swap3A_341, %swap3A_342] {strides = array<i32>} : memref<2x64x128xf32, #tpu.memory_space<vmem>>, vector<1x1x16xf32>,
        %swap3A_344 = vector.shape_cast %swap3A_343 : vector<1x1x16xf32> to vector<16xf32>
        %swap3A_345 = vector.shape_cast %max3A_339 : vector<16xf32> to vector<1x1x16xf32>
        tpu.vector_store %arg11[%swap3A_340, %swap3A_341, %swap3A_342], %swap3A_345 {strides = array<i32>} : memref<2x64x128xf32, #tpu.memory_space<vmem>>, vector<1x1x16xf32>,
        %get3A_346 = arith.constant 0 : i32
        %get3A_347 = arith.index_cast %get3A_346 : i32 to index
        %get3A_348 = arith.index_cast %scan3A_325 : i32 to index
        %get3A_349 = arith.constant 16 : index
        %get3A_350 = tpu.vector_load %arg9[%get3A_347, %get3A_348, %get3A_349] {strides = array<i32>} : memref<2x64x128xf32, #tpu.memory_space<vmem>>, vector<1x1x16xf32>,
        %get3A_351 = vector.shape_cast %get3A_350 : vector<1x1x16xf32> to vector<16xf32>
        %get3A_352 = arith.constant 0 : i32
        %get3A_353 = arith.index_cast %get3A_352 : i32 to index
        %get3A_354 = arith.index_cast %scan3A_325 : i32 to index
        %get3A_355 = arith.constant 16 : index
        %get3A_356 = tpu.vector_load %arg10[%get3A_353, %get3A_354, %get3A_355] {strides = array<i32>} : memref<2x64x128xf32, #tpu.memory_space<vmem>>, vector<1x1x16xf32>,
        %get3A_357 = vector.shape_cast %get3A_356 : vector<1x1x16xf32> to vector<16xf32>
        %add3A_358 = arith.addf %get3A_351, %get3A_357 : vector<16xf32>
        %max3A_359 = arith.constant 0.000000e+00 : f32
        %max3A_360 = vector.broadcast %max3A_359 : f32 to vector<16xf32>
        %max3A_361 = arith.maximumf %add3A_358, %max3A_360 : vector<16xf32>
        %swap3A_362 = arith.constant 0 : i32
        %swap3A_363 = arith.index_cast %swap3A_362 : i32 to index
        %swap3A_364 = arith.index_cast %scan3A_325 : i32 to index
        %swap3A_365 = arith.constant 16 : index
        %swap3A_366 = tpu.vector_load %arg11[%swap3A_363, %swap3A_364, %swap3A_365] {strides = array<i32>} : memref<2x64x128xf32, #tpu.memory_space<vmem>>, vector<1x1x16xf32>,
        %swap3A_367 = vector.shape_cast %swap3A_366 : vector<1x1x16xf32> to vector<16xf32>
        %swap3A_368 = vector.shape_cast %max3A_361 : vector<16xf32> to vector<1x1x16xf32>
        tpu.vector_store %arg11[%swap3A_363, %swap3A_364, %swap3A_365], %swap3A_368 {strides = array<i32>} : memref<2x64x128xf32, #tpu.memory_space<vmem>>, vector<1x1x16xf32>,
        %get3A_369 = arith.constant 0 : i32
        %get3A_370 = arith.index_cast %get3A_369 : i32 to index
        %get3A_371 = arith.index_cast %scan3A_325 : i32 to index
        %get3A_372 = arith.constant 32 : index
        %get3A_373 = tpu.vector_load %arg9[%get3A_370, %get3A_371, %get3A_372] {strides = array<i32>} : memref<2x64x128xf32, #tpu.memory_space<vmem>>, vector<1x1x16xf32>,
        %get3A_374 = vector.shape_cast %get3A_373 : vector<1x1x16xf32> to vector<16xf32>
        %get3A_375 = arith.constant 0 : i32
        %get3A_376 = arith.index_cast %get3A_375 : i32 to index
        %get3A_377 = arith.index_cast %scan3A_325 : i32 to index
        %get3A_378 = arith.constant 32 : index
        %get3A_379 = tpu.vector_load %arg10[%get3A_376, %get3A_377, %get3A_378] {strides = array<i32>} : memref<2x64x128xf32, #tpu.memory_space<vmem>>, vector<1x1x16xf32>,
        %get3A_380 = vector.shape_cast %get3A_379 : vector<1x1x16xf32> to vector<16xf32>
        %add3A_381 = arith.addf %get3A_374, %get3A_380 : vector<16xf32>
        %max3A_382 = arith.constant 0.000000e+00 : f32
        %max3A_383 = vector.broadcast %max3A_382 : f32 to vector<16xf32>
        %max3A_384 = arith.maximumf %add3A_381, %max3A_383 : vector<16xf32>
        %swap3A_385 = arith.constant 0 : i32
        %swap3A_386 = arith.index_cast %swap3A_385 : i32 to index
        %swap3A_387 = arith.index_cast %scan3A_325 : i32 to index
        %swap3A_388 = arith.constant 32 : index
        %swap3A_389 = tpu.vector_load %arg11[%swap3A_386, %swap3A_387, %swap3A_388] {strides = array<i32>} : memref<2x64x128xf32, #tpu.memory_space<vmem>>, vector<1x1x16xf32>,
        %swap3A_390 = vector.shape_cast %swap3A_389 : vector<1x1x16xf32> to vector<16xf32>
        %swap3A_391 = vector.shape_cast %max3A_384 : vector<16xf32> to vector<1x1x16xf32>
        tpu.vector_store %arg11[%swap3A_386, %swap3A_387, %swap3A_388], %swap3A_391 {strides = array<i32>} : memref<2x64x128xf32, #tpu.memory_space<vmem>>, vector<1x1x16xf32>,
        %get3A_392 = arith.constant 0 : i32
        %get3A_393 = arith.index_cast %get3A_392 : i32 to index
        %get3A_394 = arith.index_cast %scan3A_325 : i32 to index
        %get3A_395 = arith.constant 48 : index
        %get3A_396 = tpu.vector_load %arg9[%get3A_393, %get3A_394, %get3A_395] {strides = array<i32>} : memref<2x64x128xf32, #tpu.memory_space<vmem>>, vector<1x1x16xf32>,
        %get3A_397 = vector.shape_cast %get3A_396 : vector<1x1x16xf32> to vector<16xf32>
        %get3A_398 = arith.constant 0 : i32
        %get3A_399 = arith.index_cast %get3A_398 : i32 to index
        %get3A_400 = arith.index_cast %scan3A_325 : i32 to index
        %get3A_401 = arith.constant 48 : index
        %get3A_402 = tpu.vector_load %arg10[%get3A_399, %get3A_400, %get3A_401] {strides = array<i32>} : memref<2x64x128xf32, #tpu.memory_space<vmem>>, vector<1x1x16xf32>,
        %get3A_403 = vector.shape_cast %get3A_402 : vector<1x1x16xf32> to vector<16xf32>
        %add3A_404 = arith.addf %get3A_397, %get3A_403 : vector<16xf32>
        %max3A_405 = arith.constant 0.000000e+00 : f32
        %max3A_406 = vector.broadcast %max3A_405 : f32 to vector<16xf32>
        %max3A_407 = arith.maximumf %add3A_404, %max3A_406 : vector<16xf32>
        %swap3A_408 = arith.constant 0 : i32
        %swap3A_409 = arith.index_cast %swap3A_408 : i32 to index
        %swap3A_410 = arith.index_cast %scan3A_325 : i32 to index
        %swap3A_411 = arith.constant 48 : index
        %swap3A_412 = tpu.vector_load %arg11[%swap3A_409, %swap3A_410, %swap3A_411] {strides = array<i32>} : memref<2x64x128xf32, #tpu.memory_space<vmem>>, vector<1x1x16xf32>,
        %swap3A_413 = vector.shape_cast %swap3A_412 : vector<1x1x16xf32> to vector<16xf32>
        %swap3A_414 = vector.shape_cast %max3A_407 : vector<16xf32> to vector<1x1x16xf32>
        tpu.vector_store %arg11[%swap3A_409, %swap3A_410, %swap3A_411], %swap3A_414 {strides = array<i32>} : memref<2x64x128xf32, #tpu.memory_space<vmem>>, vector<1x1x16xf32>,
        %get3A_415 = arith.constant 0 : i32
        %get3A_416 = arith.index_cast %get3A_415 : i32 to index
        %get3A_417 = arith.index_cast %scan3A_325 : i32 to index
        %get3A_418 = arith.constant 64 : index
        %get3A_419 = tpu.vector_load %arg9[%get3A_416, %get3A_417, %get3A_418] {strides = array<i32>} : memref<2x64x128xf32, #tpu.memory_space<vmem>>, vector<1x1x16xf32>,
        %get3A_420 = vector.shape_cast %get3A_419 : vector<1x1x16xf32> to vector<16xf32>
        %get3A_421 = arith.constant 0 : i32
        %get3A_422 = arith.index_cast %get3A_421 : i32 to index
        %get3A_423 = arith.index_cast %scan3A_325 : i32 to index
        %get3A_424 = arith.constant 64 : index
        %get3A_425 = tpu.vector_load %arg10[%get3A_422, %get3A_423, %get3A_424] {strides = array<i32>} : memref<2x64x128xf32, #tpu.memory_space<vmem>>, vector<1x1x16xf32>,
        %get3A_426 = vector.shape_cast %get3A_425 : vector<1x1x16xf32> to vector<16xf32>
        %add3A_427 = arith.addf %get3A_420, %get3A_426 : vector<16xf32>
        %max3A_428 = arith.constant 0.000000e+00 : f32
        %max3A_429 = vector.broadcast %max3A_428 : f32 to vector<16xf32>
        %max3A_430 = arith.maximumf %add3A_427, %max3A_429 : vector<16xf32>
        %swap3A_431 = arith.constant 0 : i32
        %swap3A_432 = arith.index_cast %swap3A_431 : i32 to index
        %swap3A_433 = arith.index_cast %scan3A_325 : i32 to index
        %swap3A_434 = arith.constant 64 : index
        %swap3A_435 = tpu.vector_load %arg11[%swap3A_432, %swap3A_433, %swap3A_434] {strides = array<i32>} : memref<2x64x128xf32, #tpu.memory_space<vmem>>, vector<1x1x16xf32>,
        %swap3A_436 = vector.shape_cast %swap3A_435 : vector<1x1x16xf32> to vector<16xf32>
        %swap3A_437 = vector.shape_cast %max3A_430 : vector<16xf32> to vector<1x1x16xf32>
        tpu.vector_store %arg11[%swap3A_432, %swap3A_433, %swap3A_434], %swap3A_437 {strides = array<i32>} : memref<2x64x128xf32, #tpu.memory_space<vmem>>, vector<1x1x16xf32>,
        %get3A_438 = arith.constant 0 : i32
        %get3A_439 = arith.index_cast %get3A_438 : i32 to index
        %get3A_440 = arith.index_cast %scan3A_325 : i32 to index
        %get3A_441 = arith.constant 80 : index
        %get3A_442 = tpu.vector_load %arg9[%get3A_439, %get3A_440, %get3A_441] {strides = array<i32>} : memref<2x64x128xf32, #tpu.memory_space<vmem>>, vector<1x1x16xf32>,
        %get3A_443 = vector.shape_cast %get3A_442 : vector<1x1x16xf32> to vector<16xf32>
        %get3A_444 = arith.constant 0 : i32
        %get3A_445 = arith.index_cast %get3A_444 : i32 to index
        %get3A_446 = arith.index_cast %scan3A_325 : i32 to index
        %get3A_447 = arith.constant 80 : index
        %get3A_448 = tpu.vector_load %arg10[%get3A_445, %get3A_446, %get3A_447] {strides = array<i32>} : memref<2x64x128xf32, #tpu.memory_space<vmem>>, vector<1x1x16xf32>,
        %get3A_449 = vector.shape_cast %get3A_448 : vector<1x1x16xf32> to vector<16xf32>
        %add3A_450 = arith.addf %get3A_443, %get3A_449 : vector<16xf32>
        %max3A_451 = arith.constant 0.000000e+00 : f32
        %max3A_452 = vector.broadcast %max3A_451 : f32 to vector<16xf32>
        %max3A_453 = arith.maximumf %add3A_450, %max3A_452 : vector<16xf32>
        %swap3A_454 = arith.constant 0 : i32
        %swap3A_455 = arith.index_cast %swap3A_454 : i32 to index
        %swap3A_456 = arith.index_cast %scan3A_325 : i32 to index
        %swap3A_457 = arith.constant 80 : index
        %swap3A_458 = tpu.vector_load %arg11[%swap3A_455, %swap3A_456, %swap3A_457] {strides = array<i32>} : memref<2x64x128xf32, #tpu.memory_space<vmem>>, vector<1x1x16xf32>,
        %swap3A_459 = vector.shape_cast %swap3A_458 : vector<1x1x16xf32> to vector<16xf32>
        %swap3A_460 = vector.shape_cast %max3A_453 : vector<16xf32> to vector<1x1x16xf32>
        tpu.vector_store %arg11[%swap3A_455, %swap3A_456, %swap3A_457], %swap3A_460 {strides = array<i32>} : memref<2x64x128xf32, #tpu.memory_space<vmem>>, vector<1x1x16xf32>,
        %get3A_461 = arith.constant 0 : i32
        %get3A_462 = arith.index_cast %get3A_461 : i32 to index
        %get3A_463 = arith.index_cast %scan3A_325 : i32 to index
        %get3A_464 = arith.constant 96 : index
        %get3A_465 = tpu.vector_load %arg9[%get3A_462, %get3A_463, %get3A_464] {strides = array<i32>} : memref<2x64x128xf32, #tpu.memory_space<vmem>>, vector<1x1x16xf32>,
        %get3A_466 = vector.shape_cast %get3A_465 : vector<1x1x16xf32> to vector<16xf32>
        %get3A_467 = arith.constant 0 : i32
        %get3A_468 = arith.index_cast %get3A_467 : i32 to index
        %get3A_469 = arith.index_cast %scan3A_325 : i32 to index
        %get3A_470 = arith.constant 96 : index
        %get3A_471 = tpu.vector_load %arg10[%get3A_468, %get3A_469, %get3A_470] {strides = array<i32>} : memref<2x64x128xf32, #tpu.memory_space<vmem>>, vector<1x1x16xf32>,
        %get3A_472 = vector.shape_cast %get3A_471 : vector<1x1x16xf32> to vector<16xf32>
        %add3A_473 = arith.addf %get3A_466, %get3A_472 : vector<16xf32>
        %max3A_474 = arith.constant 0.000000e+00 : f32
        %max3A_475 = vector.broadcast %max3A_474 : f32 to vector<16xf32>
        %max3A_476 = arith.maximumf %add3A_473, %max3A_475 : vector<16xf32>
        %swap3A_477 = arith.constant 0 : i32
        %swap3A_478 = arith.index_cast %swap3A_477 : i32 to index
        %swap3A_479 = arith.index_cast %scan3A_325 : i32 to index
        %swap3A_480 = arith.constant 96 : index
        %swap3A_481 = tpu.vector_load %arg11[%swap3A_478, %swap3A_479, %swap3A_480] {strides = array<i32>} : memref<2x64x128xf32, #tpu.memory_space<vmem>>, vector<1x1x16xf32>,
        %swap3A_482 = vector.shape_cast %swap3A_481 : vector<1x1x16xf32> to vector<16xf32>
        %swap3A_483 = vector.shape_cast %max3A_476 : vector<16xf32> to vector<1x1x16xf32>
        tpu.vector_store %arg11[%swap3A_478, %swap3A_479, %swap3A_480], %swap3A_483 {strides = array<i32>} : memref<2x64x128xf32, #tpu.memory_space<vmem>>, vector<1x1x16xf32>,
        %get3A_484 = arith.constant 0 : i32
        %get3A_485 = arith.index_cast %get3A_484 : i32 to index
        %get3A_486 = arith.index_cast %scan3A_325 : i32 to index
        %get3A_487 = arith.constant 112 : index
        %get3A_488 = tpu.vector_load %arg9[%get3A_485, %get3A_486, %get3A_487] {strides = array<i32>} : memref<2x64x128xf32, #tpu.memory_space<vmem>>, vector<1x1x16xf32>,
        %get3A_489 = vector.shape_cast %get3A_488 : vector<1x1x16xf32> to vector<16xf32>
        %get3A_490 = arith.constant 0 : i32
        %get3A_491 = arith.index_cast %get3A_490 : i32 to index
        %get3A_492 = arith.index_cast %scan3A_325 : i32 to index
        %get3A_493 = arith.constant 112 : index
        %get3A_494 = tpu.vector_load %arg10[%get3A_491, %get3A_492, %get3A_493] {strides = array<i32>} : memref<2x64x128xf32, #tpu.memory_space<vmem>>, vector<1x1x16xf32>,
        %get3A_495 = vector.shape_cast %get3A_494 : vector<1x1x16xf32> to vector<16xf32>
        %add3A_496 = arith.addf %get3A_489, %get3A_495 : vector<16xf32>
        %max3A_497 = arith.constant 0.000000e+00 : f32
        %max3A_498 = vector.broadcast %max3A_497 : f32 to vector<16xf32>
        %max3A_499 = arith.maximumf %add3A_496, %max3A_498 : vector<16xf32>
        %swap3A_500 = arith.constant 0 : i32
        %swap3A_501 = arith.index_cast %swap3A_500 : i32 to index
        %swap3A_502 = arith.index_cast %scan3A_325 : i32 to index
        %swap3A_503 = arith.constant 112 : index
        %swap3A_504 = tpu.vector_load %arg11[%swap3A_501, %swap3A_502, %swap3A_503] {strides = array<i32>} : memref<2x64x128xf32, #tpu.memory_space<vmem>>, vector<1x1x16xf32>,
        %swap3A_505 = vector.shape_cast %swap3A_504 : vector<1x1x16xf32> to vector<16xf32>
        %swap3A_506 = vector.shape_cast %max3A_499 : vector<16xf32> to vector<1x1x16xf32>
        tpu.vector_store %arg11[%swap3A_501, %swap3A_502, %swap3A_503], %swap3A_506 {strides = array<i32>} : memref<2x64x128xf32, #tpu.memory_space<vmem>>, vector<1x1x16xf32>,
        %scan3A_507 = arith.constant 1 : i32
        %scan3A_508 = arith.addi %scan3A_325, %scan3A_507 : i32
        %get3A_509 = arith.constant 0 : i32
        %get3A_510 = arith.index_cast %get3A_509 : i32 to index
        %get3A_511 = arith.index_cast %scan3A_508 : i32 to index
        %get3A_512 = arith.constant 0 : index
        %get3A_513 = tpu.vector_load %arg9[%get3A_510, %get3A_511, %get3A_512] {strides = array<i32>} : memref<2x64x128xf32, #tpu.memory_space<vmem>>, vector<1x1x16xf32>,
        %get3A_514 = vector.shape_cast %get3A_513 : vector<1x1x16xf32> to vector<16xf32>
        %get3A_515 = arith.constant 0 : i32
        %get3A_516 = arith.index_cast %get3A_515 : i32 to index
        %get3A_517 = arith.index_cast %scan3A_508 : i32 to index
        %get3A_518 = arith.constant 0 : index
        %get3A_519 = tpu.vector_load %arg10[%get3A_516, %get3A_517, %get3A_518] {strides = array<i32>} : memref<2x64x128xf32, #tpu.memory_space<vmem>>, vector<1x1x16xf32>,
        %get3A_520 = vector.shape_cast %get3A_519 : vector<1x1x16xf32> to vector<16xf32>
        %add3A_521 = arith.addf %get3A_514, %get3A_520 : vector<16xf32>
        %max3A_522 = arith.constant 0.000000e+00 : f32
        %max3A_523 = vector.broadcast %max3A_522 : f32 to vector<16xf32>
        %max3A_524 = arith.maximumf %add3A_521, %max3A_523 : vector<16xf32>
        %swap3A_525 = arith.constant 0 : i32
        %swap3A_526 = arith.index_cast %swap3A_525 : i32 to index
        %swap3A_527 = arith.index_cast %scan3A_508 : i32 to index
        %swap3A_528 = arith.constant 0 : index
        %swap3A_529 = tpu.vector_load %arg11[%swap3A_526, %swap3A_527, %swap3A_528] {strides = array<i32>} : memref<2x64x128xf32, #tpu.memory_space<vmem>>, vector<1x1x16xf32>,
        %swap3A_530 = vector.shape_cast %swap3A_529 : vector<1x1x16xf32> to vector<16xf32>
        %swap3A_531 = vector.shape_cast %max3A_524 : vector<16xf32> to vector<1x1x16xf32>
        tpu.vector_store %arg11[%swap3A_526, %swap3A_527, %swap3A_528], %swap3A_531 {strides = array<i32>} : memref<2x64x128xf32, #tpu.memory_space<vmem>>, vector<1x1x16xf32>,
        %get3A_532 = arith.constant 0 : i32
        %get3A_533 = arith.index_cast %get3A_532 : i32 to index
        %get3A_534 = arith.index_cast %scan3A_508 : i32 to index
        %get3A_535 = arith.constant 16 : index
        %get3A_536 = tpu.vector_load %arg9[%get3A_533, %get3A_534, %get3A_535] {strides = array<i32>} : memref<2x64x128xf32, #tpu.memory_space<vmem>>, vector<1x1x16xf32>,
        %get3A_537 = vector.shape_cast %get3A_536 : vector<1x1x16xf32> to vector<16xf32>
        %get3A_538 = arith.constant 0 : i32
        %get3A_539 = arith.index_cast %get3A_538 : i32 to index
        %get3A_540 = arith.index_cast %scan3A_508 : i32 to index
        %get3A_541 = arith.constant 16 : index
        %get3A_542 = tpu.vector_load %arg10[%get3A_539, %get3A_540, %get3A_541] {strides = array<i32>} : memref<2x64x128xf32, #tpu.memory_space<vmem>>, vector<1x1x16xf32>,
        %get3A_543 = vector.shape_cast %get3A_542 : vector<1x1x16xf32> to vector<16xf32>
        %add3A_544 = arith.addf %get3A_537, %get3A_543 : vector<16xf32>
        %max3A_545 = arith.constant 0.000000e+00 : f32
        %max3A_546 = vector.broadcast %max3A_545 : f32 to vector<16xf32>
        %max3A_547 = arith.maximumf %add3A_544, %max3A_546 : vector<16xf32>
        %swap3A_548 = arith.constant 0 : i32
        %swap3A_549 = arith.index_cast %swap3A_548 : i32 to index
        %swap3A_550 = arith.index_cast %scan3A_508 : i32 to index
        %swap3A_551 = arith.constant 16 : index
        %swap3A_552 = tpu.vector_load %arg11[%swap3A_549, %swap3A_550, %swap3A_551] {strides = array<i32>} : memref<2x64x128xf32, #tpu.memory_space<vmem>>, vector<1x1x16xf32>,
        %swap3A_553 = vector.shape_cast %swap3A_552 : vector<1x1x16xf32> to vector<16xf32>
        %swap3A_554 = vector.shape_cast %max3A_547 : vector<16xf32> to vector<1x1x16xf32>
        tpu.vector_store %arg11[%swap3A_549, %swap3A_550, %swap3A_551], %swap3A_554 {strides = array<i32>} : memref<2x64x128xf32, #tpu.memory_space<vmem>>, vector<1x1x16xf32>,
        %get3A_555 = arith.constant 0 : i32
        %get3A_556 = arith.index_cast %get3A_555 : i32 to index
        %get3A_557 = arith.index_cast %scan3A_508 : i32 to index
        %get3A_558 = arith.constant 32 : index
        %get3A_559 = tpu.vector_load %arg9[%get3A_556, %get3A_557, %get3A_558] {strides = array<i32>} : memref<2x64x128xf32, #tpu.memory_space<vmem>>, vector<1x1x16xf32>,
        %get3A_560 = vector.shape_cast %get3A_559 : vector<1x1x16xf32> to vector<16xf32>
        %get3A_561 = arith.constant 0 : i32
        %get3A_562 = arith.index_cast %get3A_561 : i32 to index
        %get3A_563 = arith.index_cast %scan3A_508 : i32 to index
        %get3A_564 = arith.constant 32 : index
        %get3A_565 = tpu.vector_load %arg10[%get3A_562, %get3A_563, %get3A_564] {strides = array<i32>} : memref<2x64x128xf32, #tpu.memory_space<vmem>>, vector<1x1x16xf32>,
        %get3A_566 = vector.shape_cast %get3A_565 : vector<1x1x16xf32> to vector<16xf32>
        %add3A_567 = arith.addf %get3A_560, %get3A_566 : vector<16xf32>
        %max3A_568 = arith.constant 0.000000e+00 : f32
        %max3A_569 = vector.broadcast %max3A_568 : f32 to vector<16xf32>
        %max3A_570 = arith.maximumf %add3A_567, %max3A_569 : vector<16xf32>
        %swap3A_571 = arith.constant 0 : i32
        %swap3A_572 = arith.index_cast %swap3A_571 : i32 to index
        %swap3A_573 = arith.index_cast %scan3A_508 : i32 to index
        %swap3A_574 = arith.constant 32 : index
        %swap3A_575 = tpu.vector_load %arg11[%swap3A_572, %swap3A_573, %swap3A_574] {strides = array<i32>} : memref<2x64x128xf32, #tpu.memory_space<vmem>>, vector<1x1x16xf32>,
        %swap3A_576 = vector.shape_cast %swap3A_575 : vector<1x1x16xf32> to vector<16xf32>
        %swap3A_577 = vector.shape_cast %max3A_570 : vector<16xf32> to vector<1x1x16xf32>
        tpu.vector_store %arg11[%swap3A_572, %swap3A_573, %swap3A_574], %swap3A_577 {strides = array<i32>} : memref<2x64x128xf32, #tpu.memory_space<vmem>>, vector<1x1x16xf32>,
        %get3A_578 = arith.constant 0 : i32
        %get3A_579 = arith.index_cast %get3A_578 : i32 to index
        %get3A_580 = arith.index_cast %scan3A_508 : i32 to index
        %get3A_581 = arith.constant 48 : index
        %get3A_582 = tpu.vector_load %arg9[%get3A_579, %get3A_580, %get3A_581] {strides = array<i32>} : memref<2x64x128xf32, #tpu.memory_space<vmem>>, vector<1x1x16xf32>,
        %get3A_583 = vector.shape_cast %get3A_582 : vector<1x1x16xf32> to vector<16xf32>
        %get3A_584 = arith.constant 0 : i32
        %get3A_585 = arith.index_cast %get3A_584 : i32 to index
        %get3A_586 = arith.index_cast %scan3A_508 : i32 to index
        %get3A_587 = arith.constant 48 : index
        %get3A_588 = tpu.vector_load %arg10[%get3A_585, %get3A_586, %get3A_587] {strides = array<i32>} : memref<2x64x128xf32, #tpu.memory_space<vmem>>, vector<1x1x16xf32>,
        %get3A_589 = vector.shape_cast %get3A_588 : vector<1x1x16xf32> to vector<16xf32>
        %add3A_590 = arith.addf %get3A_583, %get3A_589 : vector<16xf32>
        %max3A_591 = arith.constant 0.000000e+00 : f32
        %max3A_592 = vector.broadcast %max3A_591 : f32 to vector<16xf32>
        %max3A_593 = arith.maximumf %add3A_590, %max3A_592 : vector<16xf32>
        %swap3A_594 = arith.constant 0 : i32
        %swap3A_595 = arith.index_cast %swap3A_594 : i32 to index
        %swap3A_596 = arith.index_cast %scan3A_508 : i32 to index
        %swap3A_597 = arith.constant 48 : index
        %swap3A_598 = tpu.vector_load %arg11[%swap3A_595, %swap3A_596, %swap3A_597] {strides = array<i32>} : memref<2x64x128xf32, #tpu.memory_space<vmem>>, vector<1x1x16xf32>,
        %swap3A_599 = vector.shape_cast %swap3A_598 : vector<1x1x16xf32> to vector<16xf32>
        %swap3A_600 = vector.shape_cast %max3A_593 : vector<16xf32> to vector<1x1x16xf32>
        tpu.vector_store %arg11[%swap3A_595, %swap3A_596, %swap3A_597], %swap3A_600 {strides = array<i32>} : memref<2x64x128xf32, #tpu.memory_space<vmem>>, vector<1x1x16xf32>,
        %get3A_601 = arith.constant 0 : i32
        %get3A_602 = arith.index_cast %get3A_601 : i32 to index
        %get3A_603 = arith.index_cast %scan3A_508 : i32 to index
        %get3A_604 = arith.constant 64 : index
        %get3A_605 = tpu.vector_load %arg9[%get3A_602, %get3A_603, %get3A_604] {strides = array<i32>} : memref<2x64x128xf32, #tpu.memory_space<vmem>>, vector<1x1x16xf32>,
        %get3A_606 = vector.shape_cast %get3A_605 : vector<1x1x16xf32> to vector<16xf32>
        %get3A_607 = arith.constant 0 : i32
        %get3A_608 = arith.index_cast %get3A_607 : i32 to index
        %get3A_609 = arith.index_cast %scan3A_508 : i32 to index
        %get3A_610 = arith.constant 64 : index
        %get3A_611 = tpu.vector_load %arg10[%get3A_608, %get3A_609, %get3A_610] {strides = array<i32>} : memref<2x64x128xf32, #tpu.memory_space<vmem>>, vector<1x1x16xf32>,
        %get3A_612 = vector.shape_cast %get3A_611 : vector<1x1x16xf32> to vector<16xf32>
        %add3A_613 = arith.addf %get3A_606, %get3A_612 : vector<16xf32>
        %max3A_614 = arith.constant 0.000000e+00 : f32
        %max3A_615 = vector.broadcast %max3A_614 : f32 to vector<16xf32>
        %max3A_616 = arith.maximumf %add3A_613, %max3A_615 : vector<16xf32>
        %swap3A_617 = arith.constant 0 : i32
        %swap3A_618 = arith.index_cast %swap3A_617 : i32 to index
        %swap3A_619 = arith.index_cast %scan3A_508 : i32 to index
        %swap3A_620 = arith.constant 64 : index
        %swap3A_621 = tpu.vector_load %arg11[%swap3A_618, %swap3A_619, %swap3A_620] {strides = array<i32>} : memref<2x64x128xf32, #tpu.memory_space<vmem>>, vector<1x1x16xf32>,
        %swap3A_622 = vector.shape_cast %swap3A_621 : vector<1x1x16xf32> to vector<16xf32>
        %swap3A_623 = vector.shape_cast %max3A_616 : vector<16xf32> to vector<1x1x16xf32>
        tpu.vector_store %arg11[%swap3A_618, %swap3A_619, %swap3A_620], %swap3A_623 {strides = array<i32>} : memref<2x64x128xf32, #tpu.memory_space<vmem>>, vector<1x1x16xf32>,
        %get3A_624 = arith.constant 0 : i32
        %get3A_625 = arith.index_cast %get3A_624 : i32 to index
        %get3A_626 = arith.index_cast %scan3A_508 : i32 to index
        %get3A_627 = arith.constant 80 : index
        %get3A_628 = tpu.vector_load %arg9[%get3A_625, %get3A_626, %get3A_627] {strides = array<i32>} : memref<2x64x128xf32, #tpu.memory_space<vmem>>, vector<1x1x16xf32>,
        %get3A_629 = vector.shape_cast %get3A_628 : vector<1x1x16xf32> to vector<16xf32>
        %get3A_630 = arith.constant 0 : i32
        %get3A_631 = arith.index_cast %get3A_630 : i32 to index
        %get3A_632 = arith.index_cast %scan3A_508 : i32 to index
        %get3A_633 = arith.constant 80 : index
        %get3A_634 = tpu.vector_load %arg10[%get3A_631, %get3A_632, %get3A_633] {strides = array<i32>} : memref<2x64x128xf32, #tpu.memory_space<vmem>>, vector<1x1x16xf32>,
        %get3A_635 = vector.shape_cast %get3A_634 : vector<1x1x16xf32> to vector<16xf32>
        %add3A_636 = arith.addf %get3A_629, %get3A_635 : vector<16xf32>
        %max3A_637 = arith.constant 0.000000e+00 : f32
        %max3A_638 = vector.broadcast %max3A_637 : f32 to vector<16xf32>
        %max3A_639 = arith.maximumf %add3A_636, %max3A_638 : vector<16xf32>
        %swap3A_640 = arith.constant 0 : i32
        %swap3A_641 = arith.index_cast %swap3A_640 : i32 to index
        %swap3A_642 = arith.index_cast %scan3A_508 : i32 to index
        %swap3A_643 = arith.constant 80 : index
        %swap3A_644 = tpu.vector_load %arg11[%swap3A_641, %swap3A_642, %swap3A_643] {strides = array<i32>} : memref<2x64x128xf32, #tpu.memory_space<vmem>>, vector<1x1x16xf32>,
        %swap3A_645 = vector.shape_cast %swap3A_644 : vector<1x1x16xf32> to vector<16xf32>
        %swap3A_646 = vector.shape_cast %max3A_639 : vector<16xf32> to vector<1x1x16xf32>
        tpu.vector_store %arg11[%swap3A_641, %swap3A_642, %swap3A_643], %swap3A_646 {strides = array<i32>} : memref<2x64x128xf32, #tpu.memory_space<vmem>>, vector<1x1x16xf32>,
        %get3A_647 = arith.constant 0 : i32
        %get3A_648 = arith.index_cast %get3A_647 : i32 to index
        %get3A_649 = arith.index_cast %scan3A_508 : i32 to index
        %get3A_650 = arith.constant 96 : index
        %get3A_651 = tpu.vector_load %arg9[%get3A_648, %get3A_649, %get3A_650] {strides = array<i32>} : memref<2x64x128xf32, #tpu.memory_space<vmem>>, vector<1x1x16xf32>,
        %get3A_652 = vector.shape_cast %get3A_651 : vector<1x1x16xf32> to vector<16xf32>
        %get3A_653 = arith.constant 0 : i32
        %get3A_654 = arith.index_cast %get3A_653 : i32 to index
        %get3A_655 = arith.index_cast %scan3A_508 : i32 to index
        %get3A_656 = arith.constant 96 : index
        %get3A_657 = tpu.vector_load %arg10[%get3A_654, %get3A_655, %get3A_656] {strides = array<i32>} : memref<2x64x128xf32, #tpu.memory_space<vmem>>, vector<1x1x16xf32>,
        %get3A_658 = vector.shape_cast %get3A_657 : vector<1x1x16xf32> to vector<16xf32>
        %add3A_659 = arith.addf %get3A_652, %get3A_658 : vector<16xf32>
        %max3A_660 = arith.constant 0.000000e+00 : f32
        %max3A_661 = vector.broadcast %max3A_660 : f32 to vector<16xf32>
        %max3A_662 = arith.maximumf %add3A_659, %max3A_661 : vector<16xf32>
        %swap3A_663 = arith.constant 0 : i32
        %swap3A_664 = arith.index_cast %swap3A_663 : i32 to index
        %swap3A_665 = arith.index_cast %scan3A_508 : i32 to index
        %swap3A_666 = arith.constant 96 : index
        %swap3A_667 = tpu.vector_load %arg11[%swap3A_664, %swap3A_665, %swap3A_666] {strides = array<i32>} : memref<2x64x128xf32, #tpu.memory_space<vmem>>, vector<1x1x16xf32>,
        %swap3A_668 = vector.shape_cast %swap3A_667 : vector<1x1x16xf32> to vector<16xf32>
        %swap3A_669 = vector.shape_cast %max3A_662 : vector<16xf32> to vector<1x1x16xf32>
        tpu.vector_store %arg11[%swap3A_664, %swap3A_665, %swap3A_666], %swap3A_669 {strides = array<i32>} : memref<2x64x128xf32, #tpu.memory_space<vmem>>, vector<1x1x16xf32>,
        %get3A_670 = arith.constant 0 : i32
        %get3A_671 = arith.index_cast %get3A_670 : i32 to index
        %get3A_672 = arith.index_cast %scan3A_508 : i32 to index
        %get3A_673 = arith.constant 112 : index
        %get3A_674 = tpu.vector_load %arg9[%get3A_671, %get3A_672, %get3A_673] {strides = array<i32>} : memref<2x64x128xf32, #tpu.memory_space<vmem>>, vector<1x1x16xf32>,
        %get3A_675 = vector.shape_cast %get3A_674 : vector<1x1x16xf32> to vector<16xf32>
        %get3A_676 = arith.constant 0 : i32
        %get3A_677 = arith.index_cast %get3A_676 : i32 to index
        %get3A_678 = arith.index_cast %scan3A_508 : i32 to index
        %get3A_679 = arith.constant 112 : index
        %get3A_680 = tpu.vector_load %arg10[%get3A_677, %get3A_678, %get3A_679] {strides = array<i32>} : memref<2x64x128xf32, #tpu.memory_space<vmem>>, vector<1x1x16xf32>,
        %get3A_681 = vector.shape_cast %get3A_680 : vector<1x1x16xf32> to vector<16xf32>
        %add3A_682 = arith.addf %get3A_675, %get3A_681 : vector<16xf32>
        %max3A_683 = arith.constant 0.000000e+00 : f32
        %max3A_684 = vector.broadcast %max3A_683 : f32 to vector<16xf32>
        %max3A_685 = arith.maximumf %add3A_682, %max3A_684 : vector<16xf32>
        %swap3A_686 = arith.constant 0 : i32
        %swap3A_687 = arith.index_cast %swap3A_686 : i32 to index
        %swap3A_688 = arith.index_cast %scan3A_508 : i32 to index
        %swap3A_689 = arith.constant 112 : index
        %swap3A_690 = tpu.vector_load %arg11[%swap3A_687, %swap3A_688, %swap3A_689] {strides = array<i32>} : memref<2x64x128xf32, #tpu.memory_space<vmem>>, vector<1x1x16xf32>,
        %swap3A_691 = vector.shape_cast %swap3A_690 : vector<1x1x16xf32> to vector<16xf32>
        %swap3A_692 = vector.shape_cast %max3A_685 : vector<16xf32> to vector<1x1x16xf32>
        tpu.vector_store %arg11[%swap3A_687, %swap3A_688, %swap3A_689], %swap3A_692 {strides = array<i32>} : memref<2x64x128xf32, #tpu.memory_space<vmem>>, vector<1x1x16xf32>,
      }
      %scan3A_243 = arith.constant 64 : i32
      %dma_start3A_244 = arith.constant 0 : i32
      %dma_start3A_245 = arith.constant 0 : i32
      %dma_start3A_246 = arith.constant 0 : i32
      %dma_start3A_247 = tpu.memref_slice %arg11[%dma_start3A_244, %dma_start3A_245, %dma_start3A_246] : memref<2x64x128xf32, #tpu.memory_space<vmem>> -> memref<1x64x128xf32, #tpu.memory_space<vmem>>
      %dma_start3A_248 = tpu.memref_squeeze %dma_start3A_247 : memref<1x64x128xf32, #tpu.memory_space<vmem>> -> memref<64x128xf32, #tpu.memory_space<vmem>>
      %dma_start3A_249 = arith.constant 0 : i32
      %dma_start3A_250 = tpu.memref_slice %arg8[%mul3A_203, %dma_start3A_249] : memref<160x64xi32, #tpu.memory_space<vmem>> -> memref<1x64xi32, #tpu.memory_space<vmem>>
      %dma_start3A_251 = tpu.memref_squeeze %dma_start3A_250 : memref<1x64xi32, #tpu.memory_space<vmem>> -> memref<64xi32, #tpu.memory_space<vmem>>
      %dma_start3A_252 = arith.constant 0 : i32
      %dma_start3A_253 = arith.constant 0 : i32
      %dma_start3A_254 = tpu.memref_slice %arg12[%dma_start3A_252, %dma_start3A_253] : memref<5064x128xf32, #tpu.memory_space<vmem_shared>> -> memref<5064x128xf32, #tpu.memory_space<vmem_shared>>
      tpu.enqueue_indirect_dma source(%dma_start3A_248 : memref<64x128xf32, #tpu.memory_space<vmem>>) target(%dma_start3A_254 : memref<5064x128xf32, #tpu.memory_space<vmem_shared>>) offsets(%dma_start3A_251 : memref<64xi32, #tpu.memory_space<vmem>>) semaphore(%arg17 : memref<!tpu.dma_semaphore, #tpu.memory_space<semaphore_mem>>) {add = true}
      %add3A_255 = arith.constant 2 : i32
      %add3A_256 = arith.addi %mul3A_203, %add3A_255 : i32
      %lt3A_257 = arith.constant 160 : i32
      %lt3A_258 = arith.cmpi slt, %add3A_256, %lt3A_257 : i32
      %convert_element_type3A_259 = arith.extui %lt3A_258 : i1 to i32
      %cond3A_260 = arith.constant 0 : i32
      %cond3A_261 = arith.cmpi ne, %convert_element_type3A_259, %cond3A_260 : i32
      scf.if %cond3A_261 {
        %add3A_325 = arith.constant 2 : i32
        %add3A_326 = arith.addi %mul3A_203, %add3A_325 : i32
        %dma_start3A_327 = arith.constant 0 : i32
        %dma_start3A_328 = arith.constant 0 : i32
        %dma_start3A_329 = arith.constant 0 : i32
        %dma_start3A_330 = tpu.memref_slice %arg9[%dma_start3A_327, %dma_start3A_328, %dma_start3A_329] : memref<2x64x128xf32, #tpu.memory_space<vmem>> -> memref<1x64x128xf32, #tpu.memory_space<vmem>>
        %dma_start3A_331 = tpu.memref_squeeze %dma_start3A_330 : memref<1x64x128xf32, #tpu.memory_space<vmem>> -> memref<64x128xf32, #tpu.memory_space<vmem>>
        %dma_start3A_332 = arith.constant 0 : i32
        %dma_start3A_333 = tpu.memref_slice %arg7[%add3A_326, %dma_start3A_332] : memref<160x64xi32, #tpu.memory_space<vmem>> -> memref<1x64xi32, #tpu.memory_space<vmem>>
        %dma_start3A_334 = tpu.memref_squeeze %dma_start3A_333 : memref<1x64xi32, #tpu.memory_space<vmem>> -> memref<64xi32, #tpu.memory_space<vmem>>
        %dma_start3A_335 = arith.constant 0 : i32
        %dma_start3A_336 = arith.constant 0 : i32
        %dma_start3A_337 = tpu.memref_slice %arg2[%dma_start3A_335, %dma_start3A_336] : memref<20000x128xf32, #tpu.memory_space<hbm>> -> memref<20000x128xf32, #tpu.memory_space<hbm>>
        tpu.enqueue_indirect_dma source(%dma_start3A_337 : memref<20000x128xf32, #tpu.memory_space<hbm>>) target(%dma_start3A_331 : memref<64x128xf32, #tpu.memory_space<vmem>>) offsets(%dma_start3A_334 : memref<64xi32, #tpu.memory_space<vmem>>) semaphore(%arg13 : memref<!tpu.dma_semaphore, #tpu.memory_space<semaphore_mem>>)
        %mul3A_338 = arith.constant 163840 : i32
        %mul3A_339 = arith.muli %arg0, %mul3A_338 : i32
        %add3A_340 = arith.addi %mul3A_339, %mul3A_0 : i32
        %mul3A_341 = arith.constant 64 : i32
        %mul3A_342 = arith.muli %add3A_326, %mul3A_341 : i32
        %add3A_343 = arith.addi %add3A_340, %mul3A_342 : i32
        %dma_start3A_344 = arith.constant 0 : i32
        %dma_start3A_345 = arith.constant 0 : i32
        %dma_start3A_346 = arith.constant 0 : i32
        %dma_start3A_347 = tpu.memref_slice %arg10[%dma_start3A_344, %dma_start3A_345, %dma_start3A_346] : memref<2x64x128xf32, #tpu.memory_space<vmem>> -> memref<1x64x128xf32, #tpu.memory_space<vmem>>
        %dma_start3A_348 = tpu.memref_squeeze %dma_start3A_347 : memref<1x64x128xf32, #tpu.memory_space<vmem>> -> memref<64x128xf32, #tpu.memory_space<vmem>>
        %dma_start3A_349 = arith.constant 0 : i32
        %dma_start3A_350 = tpu.memref_slice %arg3[%add3A_343, %dma_start3A_349] : memref<327680x128xf32, #tpu.memory_space<hbm>> -> memref<64x128xf32, #tpu.memory_space<hbm>>
        %dma_start3A_351 = arith.constant 0 : i32
        %dma_start3A_352 = arith.constant 0 : i32
        %dma_start3A_353 = tpu.memref_slice %arg10[%dma_start3A_344, %dma_start3A_351, %dma_start3A_352] : memref<2x64x128xf32, #tpu.memory_space<vmem>> -> memref<1x64x128xf32, #tpu.memory_space<vmem>>
        %dma_start3A_354 = tpu.memref_squeeze %dma_start3A_353 : memref<1x64x128xf32, #tpu.memory_space<vmem>> -> memref<64x128xf32, #tpu.memory_space<vmem>>
        %dma_start3A_355 = arith.constant 0 : i32
        %dma_start3A_356 = tpu.memref_slice %arg3[%add3A_343, %dma_start3A_355] : memref<327680x128xf32, #tpu.memory_space<hbm>> -> memref<64x128xf32, #tpu.memory_space<hbm>>
        tpu.enqueue_dma source(%dma_start3A_356 : memref<64x128xf32, #tpu.memory_space<hbm>>) target(%dma_start3A_354 : memref<64x128xf32, #tpu.memory_space<vmem>>) target_semaphore(%arg15 : memref<!tpu.dma_semaphore, #tpu.memory_space<semaphore_mem>>)
      } else {
      }
      %mul3A_262 = arith.constant 2 : i32
      %mul3A_263 = arith.muli %mul3A_262, %scan3A_201 : i32
      %add3A_264 = arith.constant 1 : i32
      %add3A_265 = arith.addi %mul3A_263, %add3A_264 : i32
      %dma_wait3A_266 = arith.constant 1 : i32
      %dma_wait3A_267 = arith.constant 0 : i32
      %dma_wait3A_268 = arith.constant 0 : i32
      %dma_wait3A_269 = tpu.memref_slice %arg9[%dma_wait3A_266, %dma_wait3A_267, %dma_wait3A_268] : memref<2x64x128xf32, #tpu.memory_space<vmem>> -> memref<1x64x128xf32, #tpu.memory_space<vmem>>
      %dma_wait3A_270 = tpu.memref_squeeze %dma_wait3A_269 : memref<1x64x128xf32, #tpu.memory_space<vmem>> -> memref<64x128xf32, #tpu.memory_space<vmem>>
      %dma_wait3A_271 = arith.constant 0 : i32
      %dma_wait3A_272 = arith.constant 0 : i32
      %dma_wait3A_273 = tpu.memref_slice %arg2[%dma_wait3A_271, %dma_wait3A_272] : memref<20000x128xf32, #tpu.memory_space<hbm>> -> memref<64x128xf32, #tpu.memory_space<hbm>>
      %dma_wait3A_274 = arith.constant 0 : i32
      %dma_wait3A_275 = arith.constant 0 : i32
      %dma_wait3A_276 = tpu.memref_slice %arg9[%dma_wait3A_266, %dma_wait3A_274, %dma_wait3A_275] : memref<2x64x128xf32, #tpu.memory_space<vmem>> -> memref<1x64x128xf32, #tpu.memory_space<vmem>>
      %dma_wait3A_277 = tpu.memref_squeeze %dma_wait3A_276 : memref<1x64x128xf32, #tpu.memory_space<vmem>> -> memref<64x128xf32, #tpu.memory_space<vmem>>
      %dma_wait3A_278 = arith.constant 0 : i32
      %dma_wait3A_279 = arith.constant 0 : i32
      %dma_wait3A_280 = tpu.memref_slice %arg2[%dma_wait3A_278, %dma_wait3A_279] : memref<20000x128xf32, #tpu.memory_space<hbm>> -> memref<64x128xf32, #tpu.memory_space<hbm>>
      tpu.wait_dma2 semaphore(%arg14 : memref<!tpu.dma_semaphore, #tpu.memory_space<semaphore_mem>>) src(%dma_wait3A_280 : memref<64x128xf32, #tpu.memory_space<hbm>>) dst(%dma_wait3A_277 : memref<64x128xf32, #tpu.memory_space<vmem>>)
      %dma_wait3A_281 = arith.constant 1 : i32
      %dma_wait3A_282 = arith.constant 0 : i32
      %dma_wait3A_283 = arith.constant 0 : i32
      %dma_wait3A_284 = tpu.memref_slice %arg10[%dma_wait3A_281, %dma_wait3A_282, %dma_wait3A_283] : memref<2x64x128xf32, #tpu.memory_space<vmem>> -> memref<1x64x128xf32, #tpu.memory_space<vmem>>
      %dma_wait3A_285 = tpu.memref_squeeze %dma_wait3A_284 : memref<1x64x128xf32, #tpu.memory_space<vmem>> -> memref<64x128xf32, #tpu.memory_space<vmem>>
      %dma_wait3A_286 = arith.constant 0 : i32
      %dma_wait3A_287 = arith.constant 0 : i32
      %dma_wait3A_288 = tpu.memref_slice %arg3[%dma_wait3A_286, %dma_wait3A_287] : memref<327680x128xf32, #tpu.memory_space<hbm>> -> memref<64x128xf32, #tpu.memory_space<hbm>>
      %dma_wait3A_289 = arith.constant 0 : i32
      %dma_wait3A_290 = arith.constant 0 : i32
      %dma_wait3A_291 = tpu.memref_slice %arg10[%dma_wait3A_281, %dma_wait3A_289, %dma_wait3A_290] : memref<2x64x128xf32, #tpu.memory_space<vmem>> -> memref<1x64x128xf32, #tpu.memory_space<vmem>>
      %dma_wait3A_292 = tpu.memref_squeeze %dma_wait3A_291 : memref<1x64x128xf32, #tpu.memory_space<vmem>> -> memref<64x128xf32, #tpu.memory_space<vmem>>
      %dma_wait3A_293 = arith.constant 0 : i32
      %dma_wait3A_294 = arith.constant 0 : i32
      %dma_wait3A_295 = tpu.memref_slice %arg3[%dma_wait3A_293, %dma_wait3A_294] : memref<327680x128xf32, #tpu.memory_space<hbm>> -> memref<64x128xf32, #tpu.memory_space<hbm>>
      tpu.wait_dma2 semaphore(%arg16 : memref<!tpu.dma_semaphore, #tpu.memory_space<semaphore_mem>>) src(%dma_wait3A_295 : memref<64x128xf32, #tpu.memory_space<hbm>>) dst(%dma_wait3A_292 : memref<64x128xf32, #tpu.memory_space<vmem>>)
      %ge3A_296 = arith.constant 2 : i32
      %ge3A_297 = arith.cmpi sge, %add3A_265, %ge3A_296 : i32
      %convert_element_type3A_298 = arith.extui %ge3A_297 : i1 to i32
      %cond3A_299 = arith.constant 0 : i32
      %cond3A_300 = arith.cmpi ne, %convert_element_type3A_298, %cond3A_299 : i32
      scf.if %cond3A_300 {
        %dma_wait3A_325 = arith.constant 0 : i32
        %dma_wait3A_326 = arith.constant 0 : i32
        %dma_wait3A_327 = tpu.memref_slice %arg12[%dma_wait3A_325, %dma_wait3A_326] : memref<5064x128xf32, #tpu.memory_space<vmem_shared>> -> memref<64x128xf32, #tpu.memory_space<vmem_shared>>
        %dma_wait3A_328 = arith.constant 0 : i32
        %dma_wait3A_329 = arith.constant 0 : i32
        %dma_wait3A_330 = tpu.memref_slice %arg2[%dma_wait3A_328, %dma_wait3A_329] : memref<20000x128xf32, #tpu.memory_space<hbm>> -> memref<64x128xf32, #tpu.memory_space<hbm>>
        tpu.wait_dma2 semaphore(%arg18 : memref<!tpu.dma_semaphore, #tpu.memory_space<semaphore_mem>>) src(%dma_wait3A_330 : memref<64x128xf32, #tpu.memory_space<hbm>>) dst(%dma_wait3A_327 : memref<64x128xf32, #tpu.memory_space<vmem_shared>>)
      } else {
      }
      %scan3A_301 = arith.constant 0 : i32
      %scan3A_302 = arith.constant 0 : i32
      %scan3A_303 = arith.constant 64 : i32
      %scan3A_304 = arith.addi %scan3A_302, %scan3A_303 : i32
      %scan3A_305 = arith.constant 2 : i32
      scf.for %scan3A_325 = %scan3A_302 to %scan3A_304 step %scan3A_305  : i32 {
        %get3A = arith.constant 1 : i32
        %get3A_326 = arith.index_cast %get3A : i32 to index
        %get3A_327 = arith.index_cast %scan3A_325 : i32 to index
        %get3A_328 = arith.constant 0 : index
        %get3A_329 = tpu.vector_load %arg9[%get3A_326, %get3A_327, %get3A_328] {strides = array<i32>} : memref<2x64x128xf32, #tpu.memory_space<vmem>>, vector<1x1x16xf32>,
        %get3A_330 = vector.shape_cast %get3A_329 : vector<1x1x16xf32> to vector<16xf32>
        %get3A_331 = arith.constant 1 : i32
        %get3A_332 = arith.index_cast %get3A_331 : i32 to index
        %get3A_333 = arith.index_cast %scan3A_325 : i32 to index
        %get3A_334 = arith.constant 0 : index
        %get3A_335 = tpu.vector_load %arg10[%get3A_332, %get3A_333, %get3A_334] {strides = array<i32>} : memref<2x64x128xf32, #tpu.memory_space<vmem>>, vector<1x1x16xf32>,
        %get3A_336 = vector.shape_cast %get3A_335 : vector<1x1x16xf32> to vector<16xf32>
        %add3A_337 = arith.addf %get3A_330, %get3A_336 : vector<16xf32>
        %max3A = arith.constant 0.000000e+00 : f32
        %max3A_338 = vector.broadcast %max3A : f32 to vector<16xf32>
        %max3A_339 = arith.maximumf %add3A_337, %max3A_338 : vector<16xf32>
        %swap3A = arith.constant 1 : i32
        %swap3A_340 = arith.index_cast %swap3A : i32 to index
        %swap3A_341 = arith.index_cast %scan3A_325 : i32 to index
        %swap3A_342 = arith.constant 0 : index
        %swap3A_343 = tpu.vector_load %arg11[%swap3A_340, %swap3A_341, %swap3A_342] {strides = array<i32>} : memref<2x64x128xf32, #tpu.memory_space<vmem>>, vector<1x1x16xf32>,
        %swap3A_344 = vector.shape_cast %swap3A_343 : vector<1x1x16xf32> to vector<16xf32>
        %swap3A_345 = vector.shape_cast %max3A_339 : vector<16xf32> to vector<1x1x16xf32>
        tpu.vector_store %arg11[%swap3A_340, %swap3A_341, %swap3A_342], %swap3A_345 {strides = array<i32>} : memref<2x64x128xf32, #tpu.memory_space<vmem>>, vector<1x1x16xf32>,
        %get3A_346 = arith.constant 1 : i32
        %get3A_347 = arith.index_cast %get3A_346 : i32 to index
        %get3A_348 = arith.index_cast %scan3A_325 : i32 to index
        %get3A_349 = arith.constant 16 : index
        %get3A_350 = tpu.vector_load %arg9[%get3A_347, %get3A_348, %get3A_349] {strides = array<i32>} : memref<2x64x128xf32, #tpu.memory_space<vmem>>, vector<1x1x16xf32>,
        %get3A_351 = vector.shape_cast %get3A_350 : vector<1x1x16xf32> to vector<16xf32>
        %get3A_352 = arith.constant 1 : i32
        %get3A_353 = arith.index_cast %get3A_352 : i32 to index
        %get3A_354 = arith.index_cast %scan3A_325 : i32 to index
        %get3A_355 = arith.constant 16 : index
        %get3A_356 = tpu.vector_load %arg10[%get3A_353, %get3A_354, %get3A_355] {strides = array<i32>} : memref<2x64x128xf32, #tpu.memory_space<vmem>>, vector<1x1x16xf32>,
        %get3A_357 = vector.shape_cast %get3A_356 : vector<1x1x16xf32> to vector<16xf32>
        %add3A_358 = arith.addf %get3A_351, %get3A_357 : vector<16xf32>
        %max3A_359 = arith.constant 0.000000e+00 : f32
        %max3A_360 = vector.broadcast %max3A_359 : f32 to vector<16xf32>
        %max3A_361 = arith.maximumf %add3A_358, %max3A_360 : vector<16xf32>
        %swap3A_362 = arith.constant 1 : i32
        %swap3A_363 = arith.index_cast %swap3A_362 : i32 to index
        %swap3A_364 = arith.index_cast %scan3A_325 : i32 to index
        %swap3A_365 = arith.constant 16 : index
        %swap3A_366 = tpu.vector_load %arg11[%swap3A_363, %swap3A_364, %swap3A_365] {strides = array<i32>} : memref<2x64x128xf32, #tpu.memory_space<vmem>>, vector<1x1x16xf32>,
        %swap3A_367 = vector.shape_cast %swap3A_366 : vector<1x1x16xf32> to vector<16xf32>
        %swap3A_368 = vector.shape_cast %max3A_361 : vector<16xf32> to vector<1x1x16xf32>
        tpu.vector_store %arg11[%swap3A_363, %swap3A_364, %swap3A_365], %swap3A_368 {strides = array<i32>} : memref<2x64x128xf32, #tpu.memory_space<vmem>>, vector<1x1x16xf32>,
        %get3A_369 = arith.constant 1 : i32
        %get3A_370 = arith.index_cast %get3A_369 : i32 to index
        %get3A_371 = arith.index_cast %scan3A_325 : i32 to index
        %get3A_372 = arith.constant 32 : index
        %get3A_373 = tpu.vector_load %arg9[%get3A_370, %get3A_371, %get3A_372] {strides = array<i32>} : memref<2x64x128xf32, #tpu.memory_space<vmem>>, vector<1x1x16xf32>,
        %get3A_374 = vector.shape_cast %get3A_373 : vector<1x1x16xf32> to vector<16xf32>
        %get3A_375 = arith.constant 1 : i32
        %get3A_376 = arith.index_cast %get3A_375 : i32 to index
        %get3A_377 = arith.index_cast %scan3A_325 : i32 to index
        %get3A_378 = arith.constant 32 : index
        %get3A_379 = tpu.vector_load %arg10[%get3A_376, %get3A_377, %get3A_378] {strides = array<i32>} : memref<2x64x128xf32, #tpu.memory_space<vmem>>, vector<1x1x16xf32>,
        %get3A_380 = vector.shape_cast %get3A_379 : vector<1x1x16xf32> to vector<16xf32>
        %add3A_381 = arith.addf %get3A_374, %get3A_380 : vector<16xf32>
        %max3A_382 = arith.constant 0.000000e+00 : f32
        %max3A_383 = vector.broadcast %max3A_382 : f32 to vector<16xf32>
        %max3A_384 = arith.maximumf %add3A_381, %max3A_383 : vector<16xf32>
        %swap3A_385 = arith.constant 1 : i32
        %swap3A_386 = arith.index_cast %swap3A_385 : i32 to index
        %swap3A_387 = arith.index_cast %scan3A_325 : i32 to index
        %swap3A_388 = arith.constant 32 : index
        %swap3A_389 = tpu.vector_load %arg11[%swap3A_386, %swap3A_387, %swap3A_388] {strides = array<i32>} : memref<2x64x128xf32, #tpu.memory_space<vmem>>, vector<1x1x16xf32>,
        %swap3A_390 = vector.shape_cast %swap3A_389 : vector<1x1x16xf32> to vector<16xf32>
        %swap3A_391 = vector.shape_cast %max3A_384 : vector<16xf32> to vector<1x1x16xf32>
        tpu.vector_store %arg11[%swap3A_386, %swap3A_387, %swap3A_388], %swap3A_391 {strides = array<i32>} : memref<2x64x128xf32, #tpu.memory_space<vmem>>, vector<1x1x16xf32>,
        %get3A_392 = arith.constant 1 : i32
        %get3A_393 = arith.index_cast %get3A_392 : i32 to index
        %get3A_394 = arith.index_cast %scan3A_325 : i32 to index
        %get3A_395 = arith.constant 48 : index
        %get3A_396 = tpu.vector_load %arg9[%get3A_393, %get3A_394, %get3A_395] {strides = array<i32>} : memref<2x64x128xf32, #tpu.memory_space<vmem>>, vector<1x1x16xf32>,
        %get3A_397 = vector.shape_cast %get3A_396 : vector<1x1x16xf32> to vector<16xf32>
        %get3A_398 = arith.constant 1 : i32
        %get3A_399 = arith.index_cast %get3A_398 : i32 to index
        %get3A_400 = arith.index_cast %scan3A_325 : i32 to index
        %get3A_401 = arith.constant 48 : index
        %get3A_402 = tpu.vector_load %arg10[%get3A_399, %get3A_400, %get3A_401] {strides = array<i32>} : memref<2x64x128xf32, #tpu.memory_space<vmem>>, vector<1x1x16xf32>,
        %get3A_403 = vector.shape_cast %get3A_402 : vector<1x1x16xf32> to vector<16xf32>
        %add3A_404 = arith.addf %get3A_397, %get3A_403 : vector<16xf32>
        %max3A_405 = arith.constant 0.000000e+00 : f32
        %max3A_406 = vector.broadcast %max3A_405 : f32 to vector<16xf32>
        %max3A_407 = arith.maximumf %add3A_404, %max3A_406 : vector<16xf32>
        %swap3A_408 = arith.constant 1 : i32
        %swap3A_409 = arith.index_cast %swap3A_408 : i32 to index
        %swap3A_410 = arith.index_cast %scan3A_325 : i32 to index
        %swap3A_411 = arith.constant 48 : index
        %swap3A_412 = tpu.vector_load %arg11[%swap3A_409, %swap3A_410, %swap3A_411] {strides = array<i32>} : memref<2x64x128xf32, #tpu.memory_space<vmem>>, vector<1x1x16xf32>,
        %swap3A_413 = vector.shape_cast %swap3A_412 : vector<1x1x16xf32> to vector<16xf32>
        %swap3A_414 = vector.shape_cast %max3A_407 : vector<16xf32> to vector<1x1x16xf32>
        tpu.vector_store %arg11[%swap3A_409, %swap3A_410, %swap3A_411], %swap3A_414 {strides = array<i32>} : memref<2x64x128xf32, #tpu.memory_space<vmem>>, vector<1x1x16xf32>,
        %get3A_415 = arith.constant 1 : i32
        %get3A_416 = arith.index_cast %get3A_415 : i32 to index
        %get3A_417 = arith.index_cast %scan3A_325 : i32 to index
        %get3A_418 = arith.constant 64 : index
        %get3A_419 = tpu.vector_load %arg9[%get3A_416, %get3A_417, %get3A_418] {strides = array<i32>} : memref<2x64x128xf32, #tpu.memory_space<vmem>>, vector<1x1x16xf32>,
        %get3A_420 = vector.shape_cast %get3A_419 : vector<1x1x16xf32> to vector<16xf32>
        %get3A_421 = arith.constant 1 : i32
        %get3A_422 = arith.index_cast %get3A_421 : i32 to index
        %get3A_423 = arith.index_cast %scan3A_325 : i32 to index
        %get3A_424 = arith.constant 64 : index
        %get3A_425 = tpu.vector_load %arg10[%get3A_422, %get3A_423, %get3A_424] {strides = array<i32>} : memref<2x64x128xf32, #tpu.memory_space<vmem>>, vector<1x1x16xf32>,
        %get3A_426 = vector.shape_cast %get3A_425 : vector<1x1x16xf32> to vector<16xf32>
        %add3A_427 = arith.addf %get3A_420, %get3A_426 : vector<16xf32>
        %max3A_428 = arith.constant 0.000000e+00 : f32
        %max3A_429 = vector.broadcast %max3A_428 : f32 to vector<16xf32>
        %max3A_430 = arith.maximumf %add3A_427, %max3A_429 : vector<16xf32>
        %swap3A_431 = arith.constant 1 : i32
        %swap3A_432 = arith.index_cast %swap3A_431 : i32 to index
        %swap3A_433 = arith.index_cast %scan3A_325 : i32 to index
        %swap3A_434 = arith.constant 64 : index
        %swap3A_435 = tpu.vector_load %arg11[%swap3A_432, %swap3A_433, %swap3A_434] {strides = array<i32>} : memref<2x64x128xf32, #tpu.memory_space<vmem>>, vector<1x1x16xf32>,
        %swap3A_436 = vector.shape_cast %swap3A_435 : vector<1x1x16xf32> to vector<16xf32>
        %swap3A_437 = vector.shape_cast %max3A_430 : vector<16xf32> to vector<1x1x16xf32>
        tpu.vector_store %arg11[%swap3A_432, %swap3A_433, %swap3A_434], %swap3A_437 {strides = array<i32>} : memref<2x64x128xf32, #tpu.memory_space<vmem>>, vector<1x1x16xf32>,
        %get3A_438 = arith.constant 1 : i32
        %get3A_439 = arith.index_cast %get3A_438 : i32 to index
        %get3A_440 = arith.index_cast %scan3A_325 : i32 to index
        %get3A_441 = arith.constant 80 : index
        %get3A_442 = tpu.vector_load %arg9[%get3A_439, %get3A_440, %get3A_441] {strides = array<i32>} : memref<2x64x128xf32, #tpu.memory_space<vmem>>, vector<1x1x16xf32>,
        %get3A_443 = vector.shape_cast %get3A_442 : vector<1x1x16xf32> to vector<16xf32>
        %get3A_444 = arith.constant 1 : i32
        %get3A_445 = arith.index_cast %get3A_444 : i32 to index
        %get3A_446 = arith.index_cast %scan3A_325 : i32 to index
        %get3A_447 = arith.constant 80 : index
        %get3A_448 = tpu.vector_load %arg10[%get3A_445, %get3A_446, %get3A_447] {strides = array<i32>} : memref<2x64x128xf32, #tpu.memory_space<vmem>>, vector<1x1x16xf32>,
        %get3A_449 = vector.shape_cast %get3A_448 : vector<1x1x16xf32> to vector<16xf32>
        %add3A_450 = arith.addf %get3A_443, %get3A_449 : vector<16xf32>
        %max3A_451 = arith.constant 0.000000e+00 : f32
        %max3A_452 = vector.broadcast %max3A_451 : f32 to vector<16xf32>
        %max3A_453 = arith.maximumf %add3A_450, %max3A_452 : vector<16xf32>
        %swap3A_454 = arith.constant 1 : i32
        %swap3A_455 = arith.index_cast %swap3A_454 : i32 to index
        %swap3A_456 = arith.index_cast %scan3A_325 : i32 to index
        %swap3A_457 = arith.constant 80 : index
        %swap3A_458 = tpu.vector_load %arg11[%swap3A_455, %swap3A_456, %swap3A_457] {strides = array<i32>} : memref<2x64x128xf32, #tpu.memory_space<vmem>>, vector<1x1x16xf32>,
        %swap3A_459 = vector.shape_cast %swap3A_458 : vector<1x1x16xf32> to vector<16xf32>
        %swap3A_460 = vector.shape_cast %max3A_453 : vector<16xf32> to vector<1x1x16xf32>
        tpu.vector_store %arg11[%swap3A_455, %swap3A_456, %swap3A_457], %swap3A_460 {strides = array<i32>} : memref<2x64x128xf32, #tpu.memory_space<vmem>>, vector<1x1x16xf32>,
        %get3A_461 = arith.constant 1 : i32
        %get3A_462 = arith.index_cast %get3A_461 : i32 to index
        %get3A_463 = arith.index_cast %scan3A_325 : i32 to index
        %get3A_464 = arith.constant 96 : index
        %get3A_465 = tpu.vector_load %arg9[%get3A_462, %get3A_463, %get3A_464] {strides = array<i32>} : memref<2x64x128xf32, #tpu.memory_space<vmem>>, vector<1x1x16xf32>,
        %get3A_466 = vector.shape_cast %get3A_465 : vector<1x1x16xf32> to vector<16xf32>
        %get3A_467 = arith.constant 1 : i32
        %get3A_468 = arith.index_cast %get3A_467 : i32 to index
        %get3A_469 = arith.index_cast %scan3A_325 : i32 to index
        %get3A_470 = arith.constant 96 : index
        %get3A_471 = tpu.vector_load %arg10[%get3A_468, %get3A_469, %get3A_470] {strides = array<i32>} : memref<2x64x128xf32, #tpu.memory_space<vmem>>, vector<1x1x16xf32>,
        %get3A_472 = vector.shape_cast %get3A_471 : vector<1x1x16xf32> to vector<16xf32>
        %add3A_473 = arith.addf %get3A_466, %get3A_472 : vector<16xf32>
        %max3A_474 = arith.constant 0.000000e+00 : f32
        %max3A_475 = vector.broadcast %max3A_474 : f32 to vector<16xf32>
        %max3A_476 = arith.maximumf %add3A_473, %max3A_475 : vector<16xf32>
        %swap3A_477 = arith.constant 1 : i32
        %swap3A_478 = arith.index_cast %swap3A_477 : i32 to index
        %swap3A_479 = arith.index_cast %scan3A_325 : i32 to index
        %swap3A_480 = arith.constant 96 : index
        %swap3A_481 = tpu.vector_load %arg11[%swap3A_478, %swap3A_479, %swap3A_480] {strides = array<i32>} : memref<2x64x128xf32, #tpu.memory_space<vmem>>, vector<1x1x16xf32>,
        %swap3A_482 = vector.shape_cast %swap3A_481 : vector<1x1x16xf32> to vector<16xf32>
        %swap3A_483 = vector.shape_cast %max3A_476 : vector<16xf32> to vector<1x1x16xf32>
        tpu.vector_store %arg11[%swap3A_478, %swap3A_479, %swap3A_480], %swap3A_483 {strides = array<i32>} : memref<2x64x128xf32, #tpu.memory_space<vmem>>, vector<1x1x16xf32>,
        %get3A_484 = arith.constant 1 : i32
        %get3A_485 = arith.index_cast %get3A_484 : i32 to index
        %get3A_486 = arith.index_cast %scan3A_325 : i32 to index
        %get3A_487 = arith.constant 112 : index
        %get3A_488 = tpu.vector_load %arg9[%get3A_485, %get3A_486, %get3A_487] {strides = array<i32>} : memref<2x64x128xf32, #tpu.memory_space<vmem>>, vector<1x1x16xf32>,
        %get3A_489 = vector.shape_cast %get3A_488 : vector<1x1x16xf32> to vector<16xf32>
        %get3A_490 = arith.constant 1 : i32
        %get3A_491 = arith.index_cast %get3A_490 : i32 to index
        %get3A_492 = arith.index_cast %scan3A_325 : i32 to index
        %get3A_493 = arith.constant 112 : index
        %get3A_494 = tpu.vector_load %arg10[%get3A_491, %get3A_492, %get3A_493] {strides = array<i32>} : memref<2x64x128xf32, #tpu.memory_space<vmem>>, vector<1x1x16xf32>,
        %get3A_495 = vector.shape_cast %get3A_494 : vector<1x1x16xf32> to vector<16xf32>
        %add3A_496 = arith.addf %get3A_489, %get3A_495 : vector<16xf32>
        %max3A_497 = arith.constant 0.000000e+00 : f32
        %max3A_498 = vector.broadcast %max3A_497 : f32 to vector<16xf32>
        %max3A_499 = arith.maximumf %add3A_496, %max3A_498 : vector<16xf32>
        %swap3A_500 = arith.constant 1 : i32
        %swap3A_501 = arith.index_cast %swap3A_500 : i32 to index
        %swap3A_502 = arith.index_cast %scan3A_325 : i32 to index
        %swap3A_503 = arith.constant 112 : index
        %swap3A_504 = tpu.vector_load %arg11[%swap3A_501, %swap3A_502, %swap3A_503] {strides = array<i32>} : memref<2x64x128xf32, #tpu.memory_space<vmem>>, vector<1x1x16xf32>,
        %swap3A_505 = vector.shape_cast %swap3A_504 : vector<1x1x16xf32> to vector<16xf32>
        %swap3A_506 = vector.shape_cast %max3A_499 : vector<16xf32> to vector<1x1x16xf32>
        tpu.vector_store %arg11[%swap3A_501, %swap3A_502, %swap3A_503], %swap3A_506 {strides = array<i32>} : memref<2x64x128xf32, #tpu.memory_space<vmem>>, vector<1x1x16xf32>,
        %scan3A_507 = arith.constant 1 : i32
        %scan3A_508 = arith.addi %scan3A_325, %scan3A_507 : i32
        %get3A_509 = arith.constant 1 : i32
        %get3A_510 = arith.index_cast %get3A_509 : i32 to index
        %get3A_511 = arith.index_cast %scan3A_508 : i32 to index
        %get3A_512 = arith.constant 0 : index
        %get3A_513 = tpu.vector_load %arg9[%get3A_510, %get3A_511, %get3A_512] {strides = array<i32>} : memref<2x64x128xf32, #tpu.memory_space<vmem>>, vector<1x1x16xf32>,
        %get3A_514 = vector.shape_cast %get3A_513 : vector<1x1x16xf32> to vector<16xf32>
        %get3A_515 = arith.constant 1 : i32
        %get3A_516 = arith.index_cast %get3A_515 : i32 to index
        %get3A_517 = arith.index_cast %scan3A_508 : i32 to index
        %get3A_518 = arith.constant 0 : index
        %get3A_519 = tpu.vector_load %arg10[%get3A_516, %get3A_517, %get3A_518] {strides = array<i32>} : memref<2x64x128xf32, #tpu.memory_space<vmem>>, vector<1x1x16xf32>,
        %get3A_520 = vector.shape_cast %get3A_519 : vector<1x1x16xf32> to vector<16xf32>
        %add3A_521 = arith.addf %get3A_514, %get3A_520 : vector<16xf32>
        %max3A_522 = arith.constant 0.000000e+00 : f32
        %max3A_523 = vector.broadcast %max3A_522 : f32 to vector<16xf32>
        %max3A_524 = arith.maximumf %add3A_521, %max3A_523 : vector<16xf32>
        %swap3A_525 = arith.constant 1 : i32
        %swap3A_526 = arith.index_cast %swap3A_525 : i32 to index
        %swap3A_527 = arith.index_cast %scan3A_508 : i32 to index
        %swap3A_528 = arith.constant 0 : index
        %swap3A_529 = tpu.vector_load %arg11[%swap3A_526, %swap3A_527, %swap3A_528] {strides = array<i32>} : memref<2x64x128xf32, #tpu.memory_space<vmem>>, vector<1x1x16xf32>,
        %swap3A_530 = vector.shape_cast %swap3A_529 : vector<1x1x16xf32> to vector<16xf32>
        %swap3A_531 = vector.shape_cast %max3A_524 : vector<16xf32> to vector<1x1x16xf32>
        tpu.vector_store %arg11[%swap3A_526, %swap3A_527, %swap3A_528], %swap3A_531 {strides = array<i32>} : memref<2x64x128xf32, #tpu.memory_space<vmem>>, vector<1x1x16xf32>,
        %get3A_532 = arith.constant 1 : i32
        %get3A_533 = arith.index_cast %get3A_532 : i32 to index
        %get3A_534 = arith.index_cast %scan3A_508 : i32 to index
        %get3A_535 = arith.constant 16 : index
        %get3A_536 = tpu.vector_load %arg9[%get3A_533, %get3A_534, %get3A_535] {strides = array<i32>} : memref<2x64x128xf32, #tpu.memory_space<vmem>>, vector<1x1x16xf32>,
        %get3A_537 = vector.shape_cast %get3A_536 : vector<1x1x16xf32> to vector<16xf32>
        %get3A_538 = arith.constant 1 : i32
        %get3A_539 = arith.index_cast %get3A_538 : i32 to index
        %get3A_540 = arith.index_cast %scan3A_508 : i32 to index
        %get3A_541 = arith.constant 16 : index
        %get3A_542 = tpu.vector_load %arg10[%get3A_539, %get3A_540, %get3A_541] {strides = array<i32>} : memref<2x64x128xf32, #tpu.memory_space<vmem>>, vector<1x1x16xf32>,
        %get3A_543 = vector.shape_cast %get3A_542 : vector<1x1x16xf32> to vector<16xf32>
        %add3A_544 = arith.addf %get3A_537, %get3A_543 : vector<16xf32>
        %max3A_545 = arith.constant 0.000000e+00 : f32
        %max3A_546 = vector.broadcast %max3A_545 : f32 to vector<16xf32>
        %max3A_547 = arith.maximumf %add3A_544, %max3A_546 : vector<16xf32>
        %swap3A_548 = arith.constant 1 : i32
        %swap3A_549 = arith.index_cast %swap3A_548 : i32 to index
        %swap3A_550 = arith.index_cast %scan3A_508 : i32 to index
        %swap3A_551 = arith.constant 16 : index
        %swap3A_552 = tpu.vector_load %arg11[%swap3A_549, %swap3A_550, %swap3A_551] {strides = array<i32>} : memref<2x64x128xf32, #tpu.memory_space<vmem>>, vector<1x1x16xf32>,
        %swap3A_553 = vector.shape_cast %swap3A_552 : vector<1x1x16xf32> to vector<16xf32>
        %swap3A_554 = vector.shape_cast %max3A_547 : vector<16xf32> to vector<1x1x16xf32>
        tpu.vector_store %arg11[%swap3A_549, %swap3A_550, %swap3A_551], %swap3A_554 {strides = array<i32>} : memref<2x64x128xf32, #tpu.memory_space<vmem>>, vector<1x1x16xf32>,
        %get3A_555 = arith.constant 1 : i32
        %get3A_556 = arith.index_cast %get3A_555 : i32 to index
        %get3A_557 = arith.index_cast %scan3A_508 : i32 to index
        %get3A_558 = arith.constant 32 : index
        %get3A_559 = tpu.vector_load %arg9[%get3A_556, %get3A_557, %get3A_558] {strides = array<i32>} : memref<2x64x128xf32, #tpu.memory_space<vmem>>, vector<1x1x16xf32>,
        %get3A_560 = vector.shape_cast %get3A_559 : vector<1x1x16xf32> to vector<16xf32>
        %get3A_561 = arith.constant 1 : i32
        %get3A_562 = arith.index_cast %get3A_561 : i32 to index
        %get3A_563 = arith.index_cast %scan3A_508 : i32 to index
        %get3A_564 = arith.constant 32 : index
        %get3A_565 = tpu.vector_load %arg10[%get3A_562, %get3A_563, %get3A_564] {strides = array<i32>} : memref<2x64x128xf32, #tpu.memory_space<vmem>>, vector<1x1x16xf32>,
        %get3A_566 = vector.shape_cast %get3A_565 : vector<1x1x16xf32> to vector<16xf32>
        %add3A_567 = arith.addf %get3A_560, %get3A_566 : vector<16xf32>
        %max3A_568 = arith.constant 0.000000e+00 : f32
        %max3A_569 = vector.broadcast %max3A_568 : f32 to vector<16xf32>
        %max3A_570 = arith.maximumf %add3A_567, %max3A_569 : vector<16xf32>
        %swap3A_571 = arith.constant 1 : i32
        %swap3A_572 = arith.index_cast %swap3A_571 : i32 to index
        %swap3A_573 = arith.index_cast %scan3A_508 : i32 to index
        %swap3A_574 = arith.constant 32 : index
        %swap3A_575 = tpu.vector_load %arg11[%swap3A_572, %swap3A_573, %swap3A_574] {strides = array<i32>} : memref<2x64x128xf32, #tpu.memory_space<vmem>>, vector<1x1x16xf32>,
        %swap3A_576 = vector.shape_cast %swap3A_575 : vector<1x1x16xf32> to vector<16xf32>
        %swap3A_577 = vector.shape_cast %max3A_570 : vector<16xf32> to vector<1x1x16xf32>
        tpu.vector_store %arg11[%swap3A_572, %swap3A_573, %swap3A_574], %swap3A_577 {strides = array<i32>} : memref<2x64x128xf32, #tpu.memory_space<vmem>>, vector<1x1x16xf32>,
        %get3A_578 = arith.constant 1 : i32
        %get3A_579 = arith.index_cast %get3A_578 : i32 to index
        %get3A_580 = arith.index_cast %scan3A_508 : i32 to index
        %get3A_581 = arith.constant 48 : index
        %get3A_582 = tpu.vector_load %arg9[%get3A_579, %get3A_580, %get3A_581] {strides = array<i32>} : memref<2x64x128xf32, #tpu.memory_space<vmem>>, vector<1x1x16xf32>,
        %get3A_583 = vector.shape_cast %get3A_582 : vector<1x1x16xf32> to vector<16xf32>
        %get3A_584 = arith.constant 1 : i32
        %get3A_585 = arith.index_cast %get3A_584 : i32 to index
        %get3A_586 = arith.index_cast %scan3A_508 : i32 to index
        %get3A_587 = arith.constant 48 : index
        %get3A_588 = tpu.vector_load %arg10[%get3A_585, %get3A_586, %get3A_587] {strides = array<i32>} : memref<2x64x128xf32, #tpu.memory_space<vmem>>, vector<1x1x16xf32>,
        %get3A_589 = vector.shape_cast %get3A_588 : vector<1x1x16xf32> to vector<16xf32>
        %add3A_590 = arith.addf %get3A_583, %get3A_589 : vector<16xf32>
        %max3A_591 = arith.constant 0.000000e+00 : f32
        %max3A_592 = vector.broadcast %max3A_591 : f32 to vector<16xf32>
        %max3A_593 = arith.maximumf %add3A_590, %max3A_592 : vector<16xf32>
        %swap3A_594 = arith.constant 1 : i32
        %swap3A_595 = arith.index_cast %swap3A_594 : i32 to index
        %swap3A_596 = arith.index_cast %scan3A_508 : i32 to index
        %swap3A_597 = arith.constant 48 : index
        %swap3A_598 = tpu.vector_load %arg11[%swap3A_595, %swap3A_596, %swap3A_597] {strides = array<i32>} : memref<2x64x128xf32, #tpu.memory_space<vmem>>, vector<1x1x16xf32>,
        %swap3A_599 = vector.shape_cast %swap3A_598 : vector<1x1x16xf32> to vector<16xf32>
        %swap3A_600 = vector.shape_cast %max3A_593 : vector<16xf32> to vector<1x1x16xf32>
        tpu.vector_store %arg11[%swap3A_595, %swap3A_596, %swap3A_597], %swap3A_600 {strides = array<i32>} : memref<2x64x128xf32, #tpu.memory_space<vmem>>, vector<1x1x16xf32>,
        %get3A_601 = arith.constant 1 : i32
        %get3A_602 = arith.index_cast %get3A_601 : i32 to index
        %get3A_603 = arith.index_cast %scan3A_508 : i32 to index
        %get3A_604 = arith.constant 64 : index
        %get3A_605 = tpu.vector_load %arg9[%get3A_602, %get3A_603, %get3A_604] {strides = array<i32>} : memref<2x64x128xf32, #tpu.memory_space<vmem>>, vector<1x1x16xf32>,
        %get3A_606 = vector.shape_cast %get3A_605 : vector<1x1x16xf32> to vector<16xf32>
        %get3A_607 = arith.constant 1 : i32
        %get3A_608 = arith.index_cast %get3A_607 : i32 to index
        %get3A_609 = arith.index_cast %scan3A_508 : i32 to index
        %get3A_610 = arith.constant 64 : index
        %get3A_611 = tpu.vector_load %arg10[%get3A_608, %get3A_609, %get3A_610] {strides = array<i32>} : memref<2x64x128xf32, #tpu.memory_space<vmem>>, vector<1x1x16xf32>,
        %get3A_612 = vector.shape_cast %get3A_611 : vector<1x1x16xf32> to vector<16xf32>
        %add3A_613 = arith.addf %get3A_606, %get3A_612 : vector<16xf32>
        %max3A_614 = arith.constant 0.000000e+00 : f32
        %max3A_615 = vector.broadcast %max3A_614 : f32 to vector<16xf32>
        %max3A_616 = arith.maximumf %add3A_613, %max3A_615 : vector<16xf32>
        %swap3A_617 = arith.constant 1 : i32
        %swap3A_618 = arith.index_cast %swap3A_617 : i32 to index
        %swap3A_619 = arith.index_cast %scan3A_508 : i32 to index
        %swap3A_620 = arith.constant 64 : index
        %swap3A_621 = tpu.vector_load %arg11[%swap3A_618, %swap3A_619, %swap3A_620] {strides = array<i32>} : memref<2x64x128xf32, #tpu.memory_space<vmem>>, vector<1x1x16xf32>,
        %swap3A_622 = vector.shape_cast %swap3A_621 : vector<1x1x16xf32> to vector<16xf32>
        %swap3A_623 = vector.shape_cast %max3A_616 : vector<16xf32> to vector<1x1x16xf32>
        tpu.vector_store %arg11[%swap3A_618, %swap3A_619, %swap3A_620], %swap3A_623 {strides = array<i32>} : memref<2x64x128xf32, #tpu.memory_space<vmem>>, vector<1x1x16xf32>,
        %get3A_624 = arith.constant 1 : i32
        %get3A_625 = arith.index_cast %get3A_624 : i32 to index
        %get3A_626 = arith.index_cast %scan3A_508 : i32 to index
        %get3A_627 = arith.constant 80 : index
        %get3A_628 = tpu.vector_load %arg9[%get3A_625, %get3A_626, %get3A_627] {strides = array<i32>} : memref<2x64x128xf32, #tpu.memory_space<vmem>>, vector<1x1x16xf32>,
        %get3A_629 = vector.shape_cast %get3A_628 : vector<1x1x16xf32> to vector<16xf32>
        %get3A_630 = arith.constant 1 : i32
        %get3A_631 = arith.index_cast %get3A_630 : i32 to index
        %get3A_632 = arith.index_cast %scan3A_508 : i32 to index
        %get3A_633 = arith.constant 80 : index
        %get3A_634 = tpu.vector_load %arg10[%get3A_631, %get3A_632, %get3A_633] {strides = array<i32>} : memref<2x64x128xf32, #tpu.memory_space<vmem>>, vector<1x1x16xf32>,
        %get3A_635 = vector.shape_cast %get3A_634 : vector<1x1x16xf32> to vector<16xf32>
        %add3A_636 = arith.addf %get3A_629, %get3A_635 : vector<16xf32>
        %max3A_637 = arith.constant 0.000000e+00 : f32
        %max3A_638 = vector.broadcast %max3A_637 : f32 to vector<16xf32>
        %max3A_639 = arith.maximumf %add3A_636, %max3A_638 : vector<16xf32>
        %swap3A_640 = arith.constant 1 : i32
        %swap3A_641 = arith.index_cast %swap3A_640 : i32 to index
        %swap3A_642 = arith.index_cast %scan3A_508 : i32 to index
        %swap3A_643 = arith.constant 80 : index
        %swap3A_644 = tpu.vector_load %arg11[%swap3A_641, %swap3A_642, %swap3A_643] {strides = array<i32>} : memref<2x64x128xf32, #tpu.memory_space<vmem>>, vector<1x1x16xf32>,
        %swap3A_645 = vector.shape_cast %swap3A_644 : vector<1x1x16xf32> to vector<16xf32>
        %swap3A_646 = vector.shape_cast %max3A_639 : vector<16xf32> to vector<1x1x16xf32>
        tpu.vector_store %arg11[%swap3A_641, %swap3A_642, %swap3A_643], %swap3A_646 {strides = array<i32>} : memref<2x64x128xf32, #tpu.memory_space<vmem>>, vector<1x1x16xf32>,
        %get3A_647 = arith.constant 1 : i32
        %get3A_648 = arith.index_cast %get3A_647 : i32 to index
        %get3A_649 = arith.index_cast %scan3A_508 : i32 to index
        %get3A_650 = arith.constant 96 : index
        %get3A_651 = tpu.vector_load %arg9[%get3A_648, %get3A_649, %get3A_650] {strides = array<i32>} : memref<2x64x128xf32, #tpu.memory_space<vmem>>, vector<1x1x16xf32>,
        %get3A_652 = vector.shape_cast %get3A_651 : vector<1x1x16xf32> to vector<16xf32>
        %get3A_653 = arith.constant 1 : i32
        %get3A_654 = arith.index_cast %get3A_653 : i32 to index
        %get3A_655 = arith.index_cast %scan3A_508 : i32 to index
        %get3A_656 = arith.constant 96 : index
        %get3A_657 = tpu.vector_load %arg10[%get3A_654, %get3A_655, %get3A_656] {strides = array<i32>} : memref<2x64x128xf32, #tpu.memory_space<vmem>>, vector<1x1x16xf32>,
        %get3A_658 = vector.shape_cast %get3A_657 : vector<1x1x16xf32> to vector<16xf32>
        %add3A_659 = arith.addf %get3A_652, %get3A_658 : vector<16xf32>
        %max3A_660 = arith.constant 0.000000e+00 : f32
        %max3A_661 = vector.broadcast %max3A_660 : f32 to vector<16xf32>
        %max3A_662 = arith.maximumf %add3A_659, %max3A_661 : vector<16xf32>
        %swap3A_663 = arith.constant 1 : i32
        %swap3A_664 = arith.index_cast %swap3A_663 : i32 to index
        %swap3A_665 = arith.index_cast %scan3A_508 : i32 to index
        %swap3A_666 = arith.constant 96 : index
        %swap3A_667 = tpu.vector_load %arg11[%swap3A_664, %swap3A_665, %swap3A_666] {strides = array<i32>} : memref<2x64x128xf32, #tpu.memory_space<vmem>>, vector<1x1x16xf32>,
        %swap3A_668 = vector.shape_cast %swap3A_667 : vector<1x1x16xf32> to vector<16xf32>
        %swap3A_669 = vector.shape_cast %max3A_662 : vector<16xf32> to vector<1x1x16xf32>
        tpu.vector_store %arg11[%swap3A_664, %swap3A_665, %swap3A_666], %swap3A_669 {strides = array<i32>} : memref<2x64x128xf32, #tpu.memory_space<vmem>>, vector<1x1x16xf32>,
        %get3A_670 = arith.constant 1 : i32
        %get3A_671 = arith.index_cast %get3A_670 : i32 to index
        %get3A_672 = arith.index_cast %scan3A_508 : i32 to index
        %get3A_673 = arith.constant 112 : index
        %get3A_674 = tpu.vector_load %arg9[%get3A_671, %get3A_672, %get3A_673] {strides = array<i32>} : memref<2x64x128xf32, #tpu.memory_space<vmem>>, vector<1x1x16xf32>,
        %get3A_675 = vector.shape_cast %get3A_674 : vector<1x1x16xf32> to vector<16xf32>
        %get3A_676 = arith.constant 1 : i32
        %get3A_677 = arith.index_cast %get3A_676 : i32 to index
        %get3A_678 = arith.index_cast %scan3A_508 : i32 to index
        %get3A_679 = arith.constant 112 : index
        %get3A_680 = tpu.vector_load %arg10[%get3A_677, %get3A_678, %get3A_679] {strides = array<i32>} : memref<2x64x128xf32, #tpu.memory_space<vmem>>, vector<1x1x16xf32>,
        %get3A_681 = vector.shape_cast %get3A_680 : vector<1x1x16xf32> to vector<16xf32>
        %add3A_682 = arith.addf %get3A_675, %get3A_681 : vector<16xf32>
        %max3A_683 = arith.constant 0.000000e+00 : f32
        %max3A_684 = vector.broadcast %max3A_683 : f32 to vector<16xf32>
        %max3A_685 = arith.maximumf %add3A_682, %max3A_684 : vector<16xf32>
        %swap3A_686 = arith.constant 1 : i32
        %swap3A_687 = arith.index_cast %swap3A_686 : i32 to index
        %swap3A_688 = arith.index_cast %scan3A_508 : i32 to index
        %swap3A_689 = arith.constant 112 : index
        %swap3A_690 = tpu.vector_load %arg11[%swap3A_687, %swap3A_688, %swap3A_689] {strides = array<i32>} : memref<2x64x128xf32, #tpu.memory_space<vmem>>, vector<1x1x16xf32>,
        %swap3A_691 = vector.shape_cast %swap3A_690 : vector<1x1x16xf32> to vector<16xf32>
        %swap3A_692 = vector.shape_cast %max3A_685 : vector<16xf32> to vector<1x1x16xf32>
        tpu.vector_store %arg11[%swap3A_687, %swap3A_688, %swap3A_689], %swap3A_692 {strides = array<i32>} : memref<2x64x128xf32, #tpu.memory_space<vmem>>, vector<1x1x16xf32>,
      }
      %scan3A_306 = arith.constant 64 : i32
      %dma_start3A_307 = arith.constant 1 : i32
      %dma_start3A_308 = arith.constant 0 : i32
      %dma_start3A_309 = arith.constant 0 : i32
      %dma_start3A_310 = tpu.memref_slice %arg11[%dma_start3A_307, %dma_start3A_308, %dma_start3A_309] : memref<2x64x128xf32, #tpu.memory_space<vmem>> -> memref<1x64x128xf32, #tpu.memory_space<vmem>>
      %dma_start3A_311 = tpu.memref_squeeze %dma_start3A_310 : memref<1x64x128xf32, #tpu.memory_space<vmem>> -> memref<64x128xf32, #tpu.memory_space<vmem>>
      %dma_start3A_312 = arith.constant 0 : i32
      %dma_start3A_313 = tpu.memref_slice %arg8[%add3A_265, %dma_start3A_312] : memref<160x64xi32, #tpu.memory_space<vmem>> -> memref<1x64xi32, #tpu.memory_space<vmem>>
      %dma_start3A_314 = tpu.memref_squeeze %dma_start3A_313 : memref<1x64xi32, #tpu.memory_space<vmem>> -> memref<64xi32, #tpu.memory_space<vmem>>
      %dma_start3A_315 = arith.constant 0 : i32
      %dma_start3A_316 = arith.constant 0 : i32
      %dma_start3A_317 = tpu.memref_slice %arg12[%dma_start3A_315, %dma_start3A_316] : memref<5064x128xf32, #tpu.memory_space<vmem_shared>> -> memref<5064x128xf32, #tpu.memory_space<vmem_shared>>
      tpu.enqueue_indirect_dma source(%dma_start3A_311 : memref<64x128xf32, #tpu.memory_space<vmem>>) target(%dma_start3A_317 : memref<5064x128xf32, #tpu.memory_space<vmem_shared>>) offsets(%dma_start3A_314 : memref<64xi32, #tpu.memory_space<vmem>>) semaphore(%arg18 : memref<!tpu.dma_semaphore, #tpu.memory_space<semaphore_mem>>) {add = true}
      %add3A_318 = arith.constant 2 : i32
      %add3A_319 = arith.addi %add3A_265, %add3A_318 : i32
      %lt3A_320 = arith.constant 160 : i32
      %lt3A_321 = arith.cmpi slt, %add3A_319, %lt3A_320 : i32
      %convert_element_type3A_322 = arith.extui %lt3A_321 : i1 to i32
      %cond3A_323 = arith.constant 0 : i32
      %cond3A_324 = arith.cmpi ne, %convert_element_type3A_322, %cond3A_323 : i32
      scf.if %cond3A_324 {
        %add3A_325 = arith.constant 2 : i32
        %add3A_326 = arith.addi %add3A_265, %add3A_325 : i32
        %dma_start3A_327 = arith.constant 1 : i32
        %dma_start3A_328 = arith.constant 0 : i32
        %dma_start3A_329 = arith.constant 0 : i32
        %dma_start3A_330 = tpu.memref_slice %arg9[%dma_start3A_327, %dma_start3A_328, %dma_start3A_329] : memref<2x64x128xf32, #tpu.memory_space<vmem>> -> memref<1x64x128xf32, #tpu.memory_space<vmem>>
        %dma_start3A_331 = tpu.memref_squeeze %dma_start3A_330 : memref<1x64x128xf32, #tpu.memory_space<vmem>> -> memref<64x128xf32, #tpu.memory_space<vmem>>
        %dma_start3A_332 = arith.constant 0 : i32
        %dma_start3A_333 = tpu.memref_slice %arg7[%add3A_326, %dma_start3A_332] : memref<160x64xi32, #tpu.memory_space<vmem>> -> memref<1x64xi32, #tpu.memory_space<vmem>>
        %dma_start3A_334 = tpu.memref_squeeze %dma_start3A_333 : memref<1x64xi32, #tpu.memory_space<vmem>> -> memref<64xi32, #tpu.memory_space<vmem>>
        %dma_start3A_335 = arith.constant 0 : i32
        %dma_start3A_336 = arith.constant 0 : i32
        %dma_start3A_337 = tpu.memref_slice %arg2[%dma_start3A_335, %dma_start3A_336] : memref<20000x128xf32, #tpu.memory_space<hbm>> -> memref<20000x128xf32, #tpu.memory_space<hbm>>
        tpu.enqueue_indirect_dma source(%dma_start3A_337 : memref<20000x128xf32, #tpu.memory_space<hbm>>) target(%dma_start3A_331 : memref<64x128xf32, #tpu.memory_space<vmem>>) offsets(%dma_start3A_334 : memref<64xi32, #tpu.memory_space<vmem>>) semaphore(%arg14 : memref<!tpu.dma_semaphore, #tpu.memory_space<semaphore_mem>>)
        %mul3A_338 = arith.constant 163840 : i32
        %mul3A_339 = arith.muli %arg0, %mul3A_338 : i32
        %add3A_340 = arith.addi %mul3A_339, %mul3A_0 : i32
        %mul3A_341 = arith.constant 64 : i32
        %mul3A_342 = arith.muli %add3A_326, %mul3A_341 : i32
        %add3A_343 = arith.addi %add3A_340, %mul3A_342 : i32
        %dma_start3A_344 = arith.constant 1 : i32
        %dma_start3A_345 = arith.constant 0 : i32
        %dma_start3A_346 = arith.constant 0 : i32
        %dma_start3A_347 = tpu.memref_slice %arg10[%dma_start3A_344, %dma_start3A_345, %dma_start3A_346] : memref<2x64x128xf32, #tpu.memory_space<vmem>> -> memref<1x64x128xf32, #tpu.memory_space<vmem>>
        %dma_start3A_348 = tpu.memref_squeeze %dma_start3A_347 : memref<1x64x128xf32, #tpu.memory_space<vmem>> -> memref<64x128xf32, #tpu.memory_space<vmem>>
        %dma_start3A_349 = arith.constant 0 : i32
        %dma_start3A_350 = tpu.memref_slice %arg3[%add3A_343, %dma_start3A_349] : memref<327680x128xf32, #tpu.memory_space<hbm>> -> memref<64x128xf32, #tpu.memory_space<hbm>>
        %dma_start3A_351 = arith.constant 0 : i32
        %dma_start3A_352 = arith.constant 0 : i32
        %dma_start3A_353 = tpu.memref_slice %arg10[%dma_start3A_344, %dma_start3A_351, %dma_start3A_352] : memref<2x64x128xf32, #tpu.memory_space<vmem>> -> memref<1x64x128xf32, #tpu.memory_space<vmem>>
        %dma_start3A_354 = tpu.memref_squeeze %dma_start3A_353 : memref<1x64x128xf32, #tpu.memory_space<vmem>> -> memref<64x128xf32, #tpu.memory_space<vmem>>
        %dma_start3A_355 = arith.constant 0 : i32
        %dma_start3A_356 = tpu.memref_slice %arg3[%add3A_343, %dma_start3A_355] : memref<327680x128xf32, #tpu.memory_space<hbm>> -> memref<64x128xf32, #tpu.memory_space<hbm>>
        tpu.enqueue_dma source(%dma_start3A_356 : memref<64x128xf32, #tpu.memory_space<hbm>>) target(%dma_start3A_354 : memref<64x128xf32, #tpu.memory_space<vmem>>) target_semaphore(%arg16 : memref<!tpu.dma_semaphore, #tpu.memory_space<semaphore_mem>>)
      } else {
      }
    }
    %scan3A_132 = arith.constant 80 : i32
    %dma_wait3A = arith.constant 0 : i32
    %dma_wait3A_133 = arith.constant 0 : i32
    %dma_wait3A_134 = tpu.memref_slice %arg12[%dma_wait3A, %dma_wait3A_133] : memref<5064x128xf32, #tpu.memory_space<vmem_shared>> -> memref<64x128xf32, #tpu.memory_space<vmem_shared>>
    %dma_wait3A_135 = arith.constant 0 : i32
    %dma_wait3A_136 = arith.constant 0 : i32
    %dma_wait3A_137 = tpu.memref_slice %arg2[%dma_wait3A_135, %dma_wait3A_136] : memref<20000x128xf32, #tpu.memory_space<hbm>> -> memref<64x128xf32, #tpu.memory_space<hbm>>
    tpu.wait_dma2 semaphore(%arg18 : memref<!tpu.dma_semaphore, #tpu.memory_space<semaphore_mem>>) src(%dma_wait3A_137 : memref<64x128xf32, #tpu.memory_space<hbm>>) dst(%dma_wait3A_134 : memref<64x128xf32, #tpu.memory_space<vmem_shared>>)
    %dma_wait3A_138 = arith.constant 0 : i32
    %dma_wait3A_139 = arith.constant 0 : i32
    %dma_wait3A_140 = tpu.memref_slice %arg12[%dma_wait3A_138, %dma_wait3A_139] : memref<5064x128xf32, #tpu.memory_space<vmem_shared>> -> memref<64x128xf32, #tpu.memory_space<vmem_shared>>
    %dma_wait3A_141 = arith.constant 0 : i32
    %dma_wait3A_142 = arith.constant 0 : i32
    %dma_wait3A_143 = tpu.memref_slice %arg2[%dma_wait3A_141, %dma_wait3A_142] : memref<20000x128xf32, #tpu.memory_space<hbm>> -> memref<64x128xf32, #tpu.memory_space<hbm>>
    tpu.wait_dma2 semaphore(%arg17 : memref<!tpu.dma_semaphore, #tpu.memory_space<semaphore_mem>>) src(%dma_wait3A_143 : memref<64x128xf32, #tpu.memory_space<hbm>>) dst(%dma_wait3A_140 : memref<64x128xf32, #tpu.memory_space<vmem_shared>>)
    %barrier3A_144 = arith.constant 0 : index
    tpu.barrier barrier_id(%barrier3A_144)
    %add3A_145 = arith.constant 0 : i32
    %add3A_146 = arith.addi %arg1, %add3A_145 : i32
    %lt3A_147 = arith.constant 125 : i32
    %lt3A_148 = arith.cmpi slt, %add3A_146, %lt3A_147 : i32
    %convert_element_type3A_149 = arith.extui %lt3A_148 : i1 to i32
    %cond3A_150 = arith.constant 0 : i32
    %cond3A_151 = arith.cmpi ne, %convert_element_type3A_149, %cond3A_150 : i32
    scf.if %cond3A_151 {
      %mul3A_201 = arith.constant 40 : i32
      %mul3A_202 = arith.muli %add3A_146, %mul3A_201 : i32
      %mul3A_203 = arith.constant 5000 : i32
      %mul3A_204 = arith.muli %arg0, %mul3A_203 : i32
      %mul3A_205 = arith.constant 40 : i32
      %mul3A_206 = arith.muli %add3A_146, %mul3A_205 : i32
      %add3A_207 = arith.addi %mul3A_204, %mul3A_206 : i32
      "tpu.region"() ({
        %run_scoped3A = tpu.sem_alloc : memref<!tpu.dma_semaphore, #tpu.memory_space<semaphore_mem>>
        %dma_start3A_208 = arith.constant 0 : i32
        %dma_start3A_209 = tpu.memref_slice %arg6[%add3A_207, %dma_start3A_208] : memref<10000x128xf32, #tpu.memory_space<hbm>> -> memref<40x128xf32, #tpu.memory_space<hbm>>
        %dma_start3A_210 = arith.constant 0 : i32
        %dma_start3A_211 = tpu.memref_slice %arg12[%mul3A_202, %dma_start3A_210] : memref<5064x128xf32, #tpu.memory_space<vmem_shared>> -> memref<40x128xf32, #tpu.memory_space<vmem_shared>>
        tpu.enqueue_dma source(%dma_start3A_211 : memref<40x128xf32, #tpu.memory_space<vmem_shared>>) target(%dma_start3A_209 : memref<40x128xf32, #tpu.memory_space<hbm>>) target_semaphore(%run_scoped3A : memref<!tpu.dma_semaphore, #tpu.memory_space<semaphore_mem>>)
        %dma_wait3A_212 = arith.constant 0 : i32
        %dma_wait3A_213 = tpu.memref_slice %arg6[%add3A_207, %dma_wait3A_212] : memref<10000x128xf32, #tpu.memory_space<hbm>> -> memref<40x128xf32, #tpu.memory_space<hbm>>
        %dma_wait3A_214 = arith.constant 0 : i32
        %dma_wait3A_215 = tpu.memref_slice %arg12[%mul3A_202, %dma_wait3A_214] : memref<5064x128xf32, #tpu.memory_space<vmem_shared>> -> memref<40x128xf32, #tpu.memory_space<vmem_shared>>
        tpu.wait_dma2 semaphore(%run_scoped3A : memref<!tpu.dma_semaphore, #tpu.memory_space<semaphore_mem>>) src(%dma_wait3A_215 : memref<40x128xf32, #tpu.memory_space<vmem_shared>>) dst(%dma_wait3A_213 : memref<40x128xf32, #tpu.memory_space<hbm>>)
        tpu.yield
      }) : () -> ()
    } else {
    }
    %add3A_152 = arith.constant 16 : i32
    %add3A_153 = arith.addi %arg1, %add3A_152 : i32
    %lt3A_154 = arith.constant 125 : i32
    %lt3A_155 = arith.cmpi slt, %add3A_153, %lt3A_154 : i32
    %convert_element_type3A_156 = arith.extui %lt3A_155 : i1 to i32
    %cond3A_157 = arith.constant 0 : i32
    %cond3A_158 = arith.cmpi ne, %convert_element_type3A_156, %cond3A_157 : i32
    scf.if %cond3A_158 {
      %mul3A_201 = arith.constant 40 : i32
      %mul3A_202 = arith.muli %add3A_153, %mul3A_201 : i32
      %mul3A_203 = arith.constant 5000 : i32
      %mul3A_204 = arith.muli %arg0, %mul3A_203 : i32
      %mul3A_205 = arith.constant 40 : i32
      %mul3A_206 = arith.muli %add3A_153, %mul3A_205 : i32
      %add3A_207 = arith.addi %mul3A_204, %mul3A_206 : i32
      "tpu.region"() ({
        %run_scoped3A = tpu.sem_alloc : memref<!tpu.dma_semaphore, #tpu.memory_space<semaphore_mem>>
        %dma_start3A_208 = arith.constant 0 : i32
        %dma_start3A_209 = tpu.memref_slice %arg6[%add3A_207, %dma_start3A_208] : memref<10000x128xf32, #tpu.memory_space<hbm>> -> memref<40x128xf32, #tpu.memory_space<hbm>>
        %dma_start3A_210 = arith.constant 0 : i32
        %dma_start3A_211 = tpu.memref_slice %arg12[%mul3A_202, %dma_start3A_210] : memref<5064x128xf32, #tpu.memory_space<vmem_shared>> -> memref<40x128xf32, #tpu.memory_space<vmem_shared>>
        tpu.enqueue_dma source(%dma_start3A_211 : memref<40x128xf32, #tpu.memory_space<vmem_shared>>) target(%dma_start3A_209 : memref<40x128xf32, #tpu.memory_space<hbm>>) target_semaphore(%run_scoped3A : memref<!tpu.dma_semaphore, #tpu.memory_space<semaphore_mem>>)
        %dma_wait3A_212 = arith.constant 0 : i32
        %dma_wait3A_213 = tpu.memref_slice %arg6[%add3A_207, %dma_wait3A_212] : memref<10000x128xf32, #tpu.memory_space<hbm>> -> memref<40x128xf32, #tpu.memory_space<hbm>>
        %dma_wait3A_214 = arith.constant 0 : i32
        %dma_wait3A_215 = tpu.memref_slice %arg12[%mul3A_202, %dma_wait3A_214] : memref<5064x128xf32, #tpu.memory_space<vmem_shared>> -> memref<40x128xf32, #tpu.memory_space<vmem_shared>>
        tpu.wait_dma2 semaphore(%run_scoped3A : memref<!tpu.dma_semaphore, #tpu.memory_space<semaphore_mem>>) src(%dma_wait3A_215 : memref<40x128xf32, #tpu.memory_space<vmem_shared>>) dst(%dma_wait3A_213 : memref<40x128xf32, #tpu.memory_space<hbm>>)
        tpu.yield
      }) : () -> ()
    } else {
    }
    %add3A_159 = arith.constant 32 : i32
    %add3A_160 = arith.addi %arg1, %add3A_159 : i32
    %lt3A_161 = arith.constant 125 : i32
    %lt3A_162 = arith.cmpi slt, %add3A_160, %lt3A_161 : i32
    %convert_element_type3A_163 = arith.extui %lt3A_162 : i1 to i32
    %cond3A_164 = arith.constant 0 : i32
    %cond3A_165 = arith.cmpi ne, %convert_element_type3A_163, %cond3A_164 : i32
    scf.if %cond3A_165 {
      %mul3A_201 = arith.constant 40 : i32
      %mul3A_202 = arith.muli %add3A_160, %mul3A_201 : i32
      %mul3A_203 = arith.constant 5000 : i32
      %mul3A_204 = arith.muli %arg0, %mul3A_203 : i32
      %mul3A_205 = arith.constant 40 : i32
      %mul3A_206 = arith.muli %add3A_160, %mul3A_205 : i32
      %add3A_207 = arith.addi %mul3A_204, %mul3A_206 : i32
      "tpu.region"() ({
        %run_scoped3A = tpu.sem_alloc : memref<!tpu.dma_semaphore, #tpu.memory_space<semaphore_mem>>
        %dma_start3A_208 = arith.constant 0 : i32
        %dma_start3A_209 = tpu.memref_slice %arg6[%add3A_207, %dma_start3A_208] : memref<10000x128xf32, #tpu.memory_space<hbm>> -> memref<40x128xf32, #tpu.memory_space<hbm>>
        %dma_start3A_210 = arith.constant 0 : i32
        %dma_start3A_211 = tpu.memref_slice %arg12[%mul3A_202, %dma_start3A_210] : memref<5064x128xf32, #tpu.memory_space<vmem_shared>> -> memref<40x128xf32, #tpu.memory_space<vmem_shared>>
        tpu.enqueue_dma source(%dma_start3A_211 : memref<40x128xf32, #tpu.memory_space<vmem_shared>>) target(%dma_start3A_209 : memref<40x128xf32, #tpu.memory_space<hbm>>) target_semaphore(%run_scoped3A : memref<!tpu.dma_semaphore, #tpu.memory_space<semaphore_mem>>)
        %dma_wait3A_212 = arith.constant 0 : i32
        %dma_wait3A_213 = tpu.memref_slice %arg6[%add3A_207, %dma_wait3A_212] : memref<10000x128xf32, #tpu.memory_space<hbm>> -> memref<40x128xf32, #tpu.memory_space<hbm>>
        %dma_wait3A_214 = arith.constant 0 : i32
        %dma_wait3A_215 = tpu.memref_slice %arg12[%mul3A_202, %dma_wait3A_214] : memref<5064x128xf32, #tpu.memory_space<vmem_shared>> -> memref<40x128xf32, #tpu.memory_space<vmem_shared>>
        tpu.wait_dma2 semaphore(%run_scoped3A : memref<!tpu.dma_semaphore, #tpu.memory_space<semaphore_mem>>) src(%dma_wait3A_215 : memref<40x128xf32, #tpu.memory_space<vmem_shared>>) dst(%dma_wait3A_213 : memref<40x128xf32, #tpu.memory_space<hbm>>)
        tpu.yield
      }) : () -> ()
    } else {
    }
    %add3A_166 = arith.constant 48 : i32
    %add3A_167 = arith.addi %arg1, %add3A_166 : i32
    %lt3A_168 = arith.constant 125 : i32
    %lt3A_169 = arith.cmpi slt, %add3A_167, %lt3A_168 : i32
    %convert_element_type3A_170 = arith.extui %lt3A_169 : i1 to i32
    %cond3A_171 = arith.constant 0 : i32
    %cond3A_172 = arith.cmpi ne, %convert_element_type3A_170, %cond3A_171 : i32
    scf.if %cond3A_172 {
      %mul3A_201 = arith.constant 40 : i32
      %mul3A_202 = arith.muli %add3A_167, %mul3A_201 : i32
      %mul3A_203 = arith.constant 5000 : i32
      %mul3A_204 = arith.muli %arg0, %mul3A_203 : i32
      %mul3A_205 = arith.constant 40 : i32
      %mul3A_206 = arith.muli %add3A_167, %mul3A_205 : i32
      %add3A_207 = arith.addi %mul3A_204, %mul3A_206 : i32
      "tpu.region"() ({
        %run_scoped3A = tpu.sem_alloc : memref<!tpu.dma_semaphore, #tpu.memory_space<semaphore_mem>>
        %dma_start3A_208 = arith.constant 0 : i32
        %dma_start3A_209 = tpu.memref_slice %arg6[%add3A_207, %dma_start3A_208] : memref<10000x128xf32, #tpu.memory_space<hbm>> -> memref<40x128xf32, #tpu.memory_space<hbm>>
        %dma_start3A_210 = arith.constant 0 : i32
        %dma_start3A_211 = tpu.memref_slice %arg12[%mul3A_202, %dma_start3A_210] : memref<5064x128xf32, #tpu.memory_space<vmem_shared>> -> memref<40x128xf32, #tpu.memory_space<vmem_shared>>
        tpu.enqueue_dma source(%dma_start3A_211 : memref<40x128xf32, #tpu.memory_space<vmem_shared>>) target(%dma_start3A_209 : memref<40x128xf32, #tpu.memory_space<hbm>>) target_semaphore(%run_scoped3A : memref<!tpu.dma_semaphore, #tpu.memory_space<semaphore_mem>>)
        %dma_wait3A_212 = arith.constant 0 : i32
        %dma_wait3A_213 = tpu.memref_slice %arg6[%add3A_207, %dma_wait3A_212] : memref<10000x128xf32, #tpu.memory_space<hbm>> -> memref<40x128xf32, #tpu.memory_space<hbm>>
        %dma_wait3A_214 = arith.constant 0 : i32
        %dma_wait3A_215 = tpu.memref_slice %arg12[%mul3A_202, %dma_wait3A_214] : memref<5064x128xf32, #tpu.memory_space<vmem_shared>> -> memref<40x128xf32, #tpu.memory_space<vmem_shared>>
        tpu.wait_dma2 semaphore(%run_scoped3A : memref<!tpu.dma_semaphore, #tpu.memory_space<semaphore_mem>>) src(%dma_wait3A_215 : memref<40x128xf32, #tpu.memory_space<vmem_shared>>) dst(%dma_wait3A_213 : memref<40x128xf32, #tpu.memory_space<hbm>>)
        tpu.yield
      }) : () -> ()
    } else {
    }
    %add3A_173 = arith.constant 64 : i32
    %add3A_174 = arith.addi %arg1, %add3A_173 : i32
    %lt3A_175 = arith.constant 125 : i32
    %lt3A_176 = arith.cmpi slt, %add3A_174, %lt3A_175 : i32
    %convert_element_type3A_177 = arith.extui %lt3A_176 : i1 to i32
    %cond3A_178 = arith.constant 0 : i32
    %cond3A_179 = arith.cmpi ne, %convert_element_type3A_177, %cond3A_178 : i32
    scf.if %cond3A_179 {
      %mul3A_201 = arith.constant 40 : i32
      %mul3A_202 = arith.muli %add3A_174, %mul3A_201 : i32
      %mul3A_203 = arith.constant 5000 : i32
      %mul3A_204 = arith.muli %arg0, %mul3A_203 : i32
      %mul3A_205 = arith.constant 40 : i32
      %mul3A_206 = arith.muli %add3A_174, %mul3A_205 : i32
      %add3A_207 = arith.addi %mul3A_204, %mul3A_206 : i32
      "tpu.region"() ({
        %run_scoped3A = tpu.sem_alloc : memref<!tpu.dma_semaphore, #tpu.memory_space<semaphore_mem>>
        %dma_start3A_208 = arith.constant 0 : i32
        %dma_start3A_209 = tpu.memref_slice %arg6[%add3A_207, %dma_start3A_208] : memref<10000x128xf32, #tpu.memory_space<hbm>> -> memref<40x128xf32, #tpu.memory_space<hbm>>
        %dma_start3A_210 = arith.constant 0 : i32
        %dma_start3A_211 = tpu.memref_slice %arg12[%mul3A_202, %dma_start3A_210] : memref<5064x128xf32, #tpu.memory_space<vmem_shared>> -> memref<40x128xf32, #tpu.memory_space<vmem_shared>>
        tpu.enqueue_dma source(%dma_start3A_211 : memref<40x128xf32, #tpu.memory_space<vmem_shared>>) target(%dma_start3A_209 : memref<40x128xf32, #tpu.memory_space<hbm>>) target_semaphore(%run_scoped3A : memref<!tpu.dma_semaphore, #tpu.memory_space<semaphore_mem>>)
        %dma_wait3A_212 = arith.constant 0 : i32
        %dma_wait3A_213 = tpu.memref_slice %arg6[%add3A_207, %dma_wait3A_212] : memref<10000x128xf32, #tpu.memory_space<hbm>> -> memref<40x128xf32, #tpu.memory_space<hbm>>
        %dma_wait3A_214 = arith.constant 0 : i32
        %dma_wait3A_215 = tpu.memref_slice %arg12[%mul3A_202, %dma_wait3A_214] : memref<5064x128xf32, #tpu.memory_space<vmem_shared>> -> memref<40x128xf32, #tpu.memory_space<vmem_shared>>
        tpu.wait_dma2 semaphore(%run_scoped3A : memref<!tpu.dma_semaphore, #tpu.memory_space<semaphore_mem>>) src(%dma_wait3A_215 : memref<40x128xf32, #tpu.memory_space<vmem_shared>>) dst(%dma_wait3A_213 : memref<40x128xf32, #tpu.memory_space<hbm>>)
        tpu.yield
      }) : () -> ()
    } else {
    }
    %add3A_180 = arith.constant 80 : i32
    %add3A_181 = arith.addi %arg1, %add3A_180 : i32
    %lt3A_182 = arith.constant 125 : i32
    %lt3A_183 = arith.cmpi slt, %add3A_181, %lt3A_182 : i32
    %convert_element_type3A_184 = arith.extui %lt3A_183 : i1 to i32
    %cond3A_185 = arith.constant 0 : i32
    %cond3A_186 = arith.cmpi ne, %convert_element_type3A_184, %cond3A_185 : i32
    scf.if %cond3A_186 {
      %mul3A_201 = arith.constant 40 : i32
      %mul3A_202 = arith.muli %add3A_181, %mul3A_201 : i32
      %mul3A_203 = arith.constant 5000 : i32
      %mul3A_204 = arith.muli %arg0, %mul3A_203 : i32
      %mul3A_205 = arith.constant 40 : i32
      %mul3A_206 = arith.muli %add3A_181, %mul3A_205 : i32
      %add3A_207 = arith.addi %mul3A_204, %mul3A_206 : i32
      "tpu.region"() ({
        %run_scoped3A = tpu.sem_alloc : memref<!tpu.dma_semaphore, #tpu.memory_space<semaphore_mem>>
        %dma_start3A_208 = arith.constant 0 : i32
        %dma_start3A_209 = tpu.memref_slice %arg6[%add3A_207, %dma_start3A_208] : memref<10000x128xf32, #tpu.memory_space<hbm>> -> memref<40x128xf32, #tpu.memory_space<hbm>>
        %dma_start3A_210 = arith.constant 0 : i32
        %dma_start3A_211 = tpu.memref_slice %arg12[%mul3A_202, %dma_start3A_210] : memref<5064x128xf32, #tpu.memory_space<vmem_shared>> -> memref<40x128xf32, #tpu.memory_space<vmem_shared>>
        tpu.enqueue_dma source(%dma_start3A_211 : memref<40x128xf32, #tpu.memory_space<vmem_shared>>) target(%dma_start3A_209 : memref<40x128xf32, #tpu.memory_space<hbm>>) target_semaphore(%run_scoped3A : memref<!tpu.dma_semaphore, #tpu.memory_space<semaphore_mem>>)
        %dma_wait3A_212 = arith.constant 0 : i32
        %dma_wait3A_213 = tpu.memref_slice %arg6[%add3A_207, %dma_wait3A_212] : memref<10000x128xf32, #tpu.memory_space<hbm>> -> memref<40x128xf32, #tpu.memory_space<hbm>>
        %dma_wait3A_214 = arith.constant 0 : i32
        %dma_wait3A_215 = tpu.memref_slice %arg12[%mul3A_202, %dma_wait3A_214] : memref<5064x128xf32, #tpu.memory_space<vmem_shared>> -> memref<40x128xf32, #tpu.memory_space<vmem_shared>>
        tpu.wait_dma2 semaphore(%run_scoped3A : memref<!tpu.dma_semaphore, #tpu.memory_space<semaphore_mem>>) src(%dma_wait3A_215 : memref<40x128xf32, #tpu.memory_space<vmem_shared>>) dst(%dma_wait3A_213 : memref<40x128xf32, #tpu.memory_space<hbm>>)
        tpu.yield
      }) : () -> ()
    } else {
    }
    %add3A_187 = arith.constant 96 : i32
    %add3A_188 = arith.addi %arg1, %add3A_187 : i32
    %lt3A_189 = arith.constant 125 : i32
    %lt3A_190 = arith.cmpi slt, %add3A_188, %lt3A_189 : i32
    %convert_element_type3A_191 = arith.extui %lt3A_190 : i1 to i32
    %cond3A_192 = arith.constant 0 : i32
    %cond3A_193 = arith.cmpi ne, %convert_element_type3A_191, %cond3A_192 : i32
    scf.if %cond3A_193 {
      %mul3A_201 = arith.constant 40 : i32
      %mul3A_202 = arith.muli %add3A_188, %mul3A_201 : i32
      %mul3A_203 = arith.constant 5000 : i32
      %mul3A_204 = arith.muli %arg0, %mul3A_203 : i32
      %mul3A_205 = arith.constant 40 : i32
      %mul3A_206 = arith.muli %add3A_188, %mul3A_205 : i32
      %add3A_207 = arith.addi %mul3A_204, %mul3A_206 : i32
      "tpu.region"() ({
        %run_scoped3A = tpu.sem_alloc : memref<!tpu.dma_semaphore, #tpu.memory_space<semaphore_mem>>
        %dma_start3A_208 = arith.constant 0 : i32
        %dma_start3A_209 = tpu.memref_slice %arg6[%add3A_207, %dma_start3A_208] : memref<10000x128xf32, #tpu.memory_space<hbm>> -> memref<40x128xf32, #tpu.memory_space<hbm>>
        %dma_start3A_210 = arith.constant 0 : i32
        %dma_start3A_211 = tpu.memref_slice %arg12[%mul3A_202, %dma_start3A_210] : memref<5064x128xf32, #tpu.memory_space<vmem_shared>> -> memref<40x128xf32, #tpu.memory_space<vmem_shared>>
        tpu.enqueue_dma source(%dma_start3A_211 : memref<40x128xf32, #tpu.memory_space<vmem_shared>>) target(%dma_start3A_209 : memref<40x128xf32, #tpu.memory_space<hbm>>) target_semaphore(%run_scoped3A : memref<!tpu.dma_semaphore, #tpu.memory_space<semaphore_mem>>)
        %dma_wait3A_212 = arith.constant 0 : i32
        %dma_wait3A_213 = tpu.memref_slice %arg6[%add3A_207, %dma_wait3A_212] : memref<10000x128xf32, #tpu.memory_space<hbm>> -> memref<40x128xf32, #tpu.memory_space<hbm>>
        %dma_wait3A_214 = arith.constant 0 : i32
        %dma_wait3A_215 = tpu.memref_slice %arg12[%mul3A_202, %dma_wait3A_214] : memref<5064x128xf32, #tpu.memory_space<vmem_shared>> -> memref<40x128xf32, #tpu.memory_space<vmem_shared>>
        tpu.wait_dma2 semaphore(%run_scoped3A : memref<!tpu.dma_semaphore, #tpu.memory_space<semaphore_mem>>) src(%dma_wait3A_215 : memref<40x128xf32, #tpu.memory_space<vmem_shared>>) dst(%dma_wait3A_213 : memref<40x128xf32, #tpu.memory_space<hbm>>)
        tpu.yield
      }) : () -> ()
    } else {
    }
    %add3A_194 = arith.constant 112 : i32
    %add3A_195 = arith.addi %arg1, %add3A_194 : i32
    %lt3A_196 = arith.constant 125 : i32
    %lt3A_197 = arith.cmpi slt, %add3A_195, %lt3A_196 : i32
    %convert_element_type3A_198 = arith.extui %lt3A_197 : i1 to i32
    %cond3A_199 = arith.constant 0 : i32
    %cond3A_200 = arith.cmpi ne, %convert_element_type3A_198, %cond3A_199 : i32
    scf.if %cond3A_200 {
      %mul3A_201 = arith.constant 40 : i32
      %mul3A_202 = arith.muli %add3A_195, %mul3A_201 : i32
      %mul3A_203 = arith.constant 5000 : i32
      %mul3A_204 = arith.muli %arg0, %mul3A_203 : i32
      %mul3A_205 = arith.constant 40 : i32
      %mul3A_206 = arith.muli %add3A_195, %mul3A_205 : i32
      %add3A_207 = arith.addi %mul3A_204, %mul3A_206 : i32
      "tpu.region"() ({
        %run_scoped3A = tpu.sem_alloc : memref<!tpu.dma_semaphore, #tpu.memory_space<semaphore_mem>>
        %dma_start3A_208 = arith.constant 0 : i32
        %dma_start3A_209 = tpu.memref_slice %arg6[%add3A_207, %dma_start3A_208] : memref<10000x128xf32, #tpu.memory_space<hbm>> -> memref<40x128xf32, #tpu.memory_space<hbm>>
        %dma_start3A_210 = arith.constant 0 : i32
        %dma_start3A_211 = tpu.memref_slice %arg12[%mul3A_202, %dma_start3A_210] : memref<5064x128xf32, #tpu.memory_space<vmem_shared>> -> memref<40x128xf32, #tpu.memory_space<vmem_shared>>
        tpu.enqueue_dma source(%dma_start3A_211 : memref<40x128xf32, #tpu.memory_space<vmem_shared>>) target(%dma_start3A_209 : memref<40x128xf32, #tpu.memory_space<hbm>>) target_semaphore(%run_scoped3A : memref<!tpu.dma_semaphore, #tpu.memory_space<semaphore_mem>>)
        %dma_wait3A_212 = arith.constant 0 : i32
        %dma_wait3A_213 = tpu.memref_slice %arg6[%add3A_207, %dma_wait3A_212] : memref<10000x128xf32, #tpu.memory_space<hbm>> -> memref<40x128xf32, #tpu.memory_space<hbm>>
        %dma_wait3A_214 = arith.constant 0 : i32
        %dma_wait3A_215 = tpu.memref_slice %arg12[%mul3A_202, %dma_wait3A_214] : memref<5064x128xf32, #tpu.memory_space<vmem_shared>> -> memref<40x128xf32, #tpu.memory_space<vmem_shared>>
        tpu.wait_dma2 semaphore(%run_scoped3A : memref<!tpu.dma_semaphore, #tpu.memory_space<semaphore_mem>>) src(%dma_wait3A_215 : memref<40x128xf32, #tpu.memory_space<vmem_shared>>) dst(%dma_wait3A_213 : memref<40x128xf32, #tpu.memory_space<hbm>>)
        tpu.yield
      }) : () -> ()
    } else {
    }
    return
  }
}

#map = affine_map<(d0, d1) -> (0, 0)>
module attributes {stable_mosaic.version = 14 : i64} {
  func.func @sc_agg(%arg0: i32, %arg1: i32, %arg2: memref<20000x128xf32, #tpu.memory_space<hbm>>, %arg3: memref<327680x128xf32, #tpu.memory_space<hbm>>, %arg4: memref<2560x64xi32, #tpu.memory_space<hbm>>, %arg5: memref<2560x64xi32, #tpu.memory_space<hbm>>, %arg6: memref<10000x128xf32, #tpu.memory_space<hbm>>, %arg7: memref<160x64xi32, #tpu.memory_space<vmem>>, %arg8: memref<160x64xi32, #tpu.memory_space<vmem>>, %arg9: memref<2x64x128xf32, #tpu.memory_space<vmem>>, %arg10: memref<2x64x128xf32, #tpu.memory_space<vmem>>, %arg11: memref<2x64x128xf32, #tpu.memory_space<vmem>>, %arg12: memref<5064x128xf32, #tpu.memory_space<vmem_shared>>, %arg13: memref<!tpu.dma_semaphore, #tpu.memory_space<semaphore_mem>>, %arg14: memref<!tpu.dma_semaphore, #tpu.memory_space<semaphore_mem>>, %arg15: memref<!tpu.dma_semaphore, #tpu.memory_space<semaphore_mem>>, %arg16: memref<!tpu.dma_semaphore, #tpu.memory_space<semaphore_mem>>, %arg17: memref<!tpu.dma_semaphore, #tpu.memory_space<semaphore_mem>>, %arg18: memref<!tpu.dma_semaphore, #tpu.memory_space<semaphore_mem>>) attributes {dimension_semantics = [#tpu.dimension_semantics<core_parallel>, #tpu.dimension_semantics<subcore_parallel>], iteration_bounds = array<i64: 2, 16>, scalar_prefetch = 0 : i64, scratch_operands = 12 : i64, tpu.core_type = #tpu.core_type<sc_vector_subcore>, window_params = [{transform_indices = #map}, {transform_indices = #map}, {transform_indices = #map}, {transform_indices = #map}, {transform_indices = #map}]} {
    %mul3A = arith.constant 10240 : i32
    %mul3A_0 = arith.muli %arg1, %mul3A : i32
    %mul3A_1 = arith.constant 160 : i32
    %mul3A_2 = arith.muli %arg1, %mul3A_1 : i32
    "tpu.region"() ({
      %run_scoped3A = tpu.sem_alloc : memref<!tpu.dma_semaphore, #tpu.memory_space<semaphore_mem>>
      %dma_start3A_201 = arith.constant 0 : i32
      %dma_start3A_202 = tpu.memref_slice %arg4[%mul3A_2, %dma_start3A_201] : memref<2560x64xi32, #tpu.memory_space<hbm>> -> memref<160x64xi32, #tpu.memory_space<hbm>>
      %dma_start3A_203 = arith.constant 0 : i32
      %dma_start3A_204 = tpu.memref_slice %arg4[%mul3A_2, %dma_start3A_203] : memref<2560x64xi32, #tpu.memory_space<hbm>> -> memref<160x64xi32, #tpu.memory_space<hbm>>
      tpu.enqueue_dma source(%dma_start3A_204 : memref<160x64xi32, #tpu.memory_space<hbm>>) target(%arg7 : memref<160x64xi32, #tpu.memory_space<vmem>>) target_semaphore(%run_scoped3A : memref<!tpu.dma_semaphore, #tpu.memory_space<semaphore_mem>>)
      %dma_wait3A_205 = arith.constant 0 : i32
      %dma_wait3A_206 = tpu.memref_slice %arg4[%mul3A_2, %dma_wait3A_205] : memref<2560x64xi32, #tpu.memory_space<hbm>> -> memref<160x64xi32, #tpu.memory_space<hbm>>
      %dma_wait3A_207 = arith.constant 0 : i32
      %dma_wait3A_208 = tpu.memref_slice %arg4[%mul3A_2, %dma_wait3A_207] : memref<2560x64xi32, #tpu.memory_space<hbm>> -> memref<160x64xi32, #tpu.memory_space<hbm>>
      tpu.wait_dma2 semaphore(%run_scoped3A : memref<!tpu.dma_semaphore, #tpu.memory_space<semaphore_mem>>) src(%dma_wait3A_208 : memref<160x64xi32, #tpu.memory_space<hbm>>) dst(%arg7 : memref<160x64xi32, #tpu.memory_space<vmem>>)
      tpu.yield
    }) : () -> ()
    %mul3A_3 = arith.constant 160 : i32
    %mul3A_4 = arith.muli %arg1, %mul3A_3 : i32
    "tpu.region"() ({
      %run_scoped3A = tpu.sem_alloc : memref<!tpu.dma_semaphore, #tpu.memory_space<semaphore_mem>>
      %dma_start3A_201 = arith.constant 0 : i32
      %dma_start3A_202 = tpu.memref_slice %arg5[%mul3A_4, %dma_start3A_201] : memref<2560x64xi32, #tpu.memory_space<hbm>> -> memref<160x64xi32, #tpu.memory_space<hbm>>
      %dma_start3A_203 = arith.constant 0 : i32
      %dma_start3A_204 = tpu.memref_slice %arg5[%mul3A_4, %dma_start3A_203] : memref<2560x64xi32, #tpu.memory_space<hbm>> -> memref<160x64xi32, #tpu.memory_space<hbm>>
      tpu.enqueue_dma source(%dma_start3A_204 : memref<160x64xi32, #tpu.memory_space<hbm>>) target(%arg8 : memref<160x64xi32, #tpu.memory_space<vmem>>) target_semaphore(%run_scoped3A : memref<!tpu.dma_semaphore, #tpu.memory_space<semaphore_mem>>)
      %dma_wait3A_205 = arith.constant 0 : i32
      %dma_wait3A_206 = tpu.memref_slice %arg5[%mul3A_4, %dma_wait3A_205] : memref<2560x64xi32, #tpu.memory_space<hbm>> -> memref<160x64xi32, #tpu.memory_space<hbm>>
      %dma_wait3A_207 = arith.constant 0 : i32
      %dma_wait3A_208 = tpu.memref_slice %arg5[%mul3A_4, %dma_wait3A_207] : memref<2560x64xi32, #tpu.memory_space<hbm>> -> memref<160x64xi32, #tpu.memory_space<hbm>>
      tpu.wait_dma2 semaphore(%run_scoped3A : memref<!tpu.dma_semaphore, #tpu.memory_space<semaphore_mem>>) src(%dma_wait3A_208 : memref<160x64xi32, #tpu.memory_space<hbm>>) dst(%arg8 : memref<160x64xi32, #tpu.memory_space<vmem>>)
      tpu.yield
    }) : () -> ()
    %scan3A = arith.constant 0 : i32
    %scan3A_5 = arith.constant 0 : i32
    %scan3A_6 = arith.constant 160 : i32
    %scan3A_7 = arith.addi %scan3A_5, %scan3A_6 : i32
    %scan3A_8 = arith.constant 2 : i32
    scf.for %scan3A_201 = %scan3A_5 to %scan3A_7 step %scan3A_8  : i32 {
      %get3A = arith.index_cast %scan3A_201 : i32 to index
      %get3A_202 = arith.constant 0 : index
      %get3A_203 = tpu.vector_load %arg7[%get3A, %get3A_202] {strides = array<i32>} : memref<160x64xi32, #tpu.memory_space<vmem>>, vector<1x16xi32>,
      %get3A_204 = vector.shape_cast %get3A_203 : vector<1x16xi32> to vector<16xi32>
      %mul3A_205 = arith.constant 2 : i32
      %mul3A_206 = vector.broadcast %mul3A_205 : i32 to vector<16xi32>
      %mul3A_207 = arith.muli %get3A_204, %mul3A_206 : vector<16xi32>
      %add3A_208 = vector.broadcast %arg0 : i32 to vector<16xi32>
      %add3A_209 = arith.addi %mul3A_207, %add3A_208 : vector<16xi32>
      %swap3A = arith.index_cast %scan3A_201 : i32 to index
      %swap3A_210 = arith.constant 0 : index
      %swap3A_211 = tpu.vector_load %arg7[%swap3A, %swap3A_210] {strides = array<i32>} : memref<160x64xi32, #tpu.memory_space<vmem>>, vector<1x16xi32>,
      %swap3A_212 = vector.shape_cast %swap3A_211 : vector<1x16xi32> to vector<16xi32>
      %swap3A_213 = vector.shape_cast %add3A_209 : vector<16xi32> to vector<1x16xi32>
      tpu.vector_store %arg7[%swap3A, %swap3A_210], %swap3A_213 {strides = array<i32>} : memref<160x64xi32, #tpu.memory_space<vmem>>, vector<1x16xi32>,
      %get3A_214 = arith.index_cast %scan3A_201 : i32 to index
      %get3A_215 = arith.constant 0 : index
      %get3A_216 = tpu.vector_load %arg8[%get3A_214, %get3A_215] {strides = array<i32>} : memref<160x64xi32, #tpu.memory_space<vmem>>, vector<1x16xi32>,
      %get3A_217 = vector.shape_cast %get3A_216 : vector<1x16xi32> to vector<16xi32>
      %sub3A = arith.constant 5000 : i32
      %sub3A_218 = vector.broadcast %sub3A : i32 to vector<16xi32>
      %sub3A_219 = arith.subi %get3A_217, %sub3A_218 : vector<16xi32>
      %ge3A = arith.constant 0 : i32
      %ge3A_220 = vector.broadcast %ge3A : i32 to vector<16xi32>
      %ge3A_221 = arith.cmpi sge, %sub3A_219, %ge3A_220 : vector<16xi32>
      %lt3A_222 = arith.constant 5000 : i32
      %lt3A_223 = vector.broadcast %lt3A_222 : i32 to vector<16xi32>
      %lt3A_224 = arith.cmpi slt, %sub3A_219, %lt3A_223 : vector<16xi32>
      %and3A = arith.andi %ge3A_221, %lt3A_224 : vector<16xi1>
      %get3A_225 = arith.index_cast %scan3A_201 : i32 to index
      %get3A_226 = arith.constant 0 : index
      %get3A_227 = tpu.vector_load %arg8[%get3A_225, %get3A_226] {strides = array<i32>} : memref<160x64xi32, #tpu.memory_space<vmem>>, vector<1x16xi32>,
      %get3A_228 = vector.shape_cast %get3A_227 : vector<1x16xi32> to vector<16xi32>
      %and3A_229 = arith.constant 63 : i32
      %and3A_230 = vector.broadcast %and3A_229 : i32 to vector<16xi32>
      %and3A_231 = arith.andi %get3A_228, %and3A_230 : vector<16xi32>
      %add3A_232 = arith.constant 5000 : i32
      %add3A_233 = vector.broadcast %add3A_232 : i32 to vector<16xi32>
      %add3A_234 = arith.addi %add3A_233, %and3A_231 : vector<16xi32>
      %select_n3A = arith.select %and3A, %sub3A_219, %add3A_234 : vector<16xi1>, vector<16xi32>
      %swap3A_235 = arith.index_cast %scan3A_201 : i32 to index
      %swap3A_236 = arith.constant 0 : index
      %swap3A_237 = tpu.vector_load %arg8[%swap3A_235, %swap3A_236] {strides = array<i32>} : memref<160x64xi32, #tpu.memory_space<vmem>>, vector<1x16xi32>,
      %swap3A_238 = vector.shape_cast %swap3A_237 : vector<1x16xi32> to vector<16xi32>
      %swap3A_239 = vector.shape_cast %select_n3A : vector<16xi32> to vector<1x16xi32>
      tpu.vector_store %arg8[%swap3A_235, %swap3A_236], %swap3A_239 {strides = array<i32>} : memref<160x64xi32, #tpu.memory_space<vmem>>, vector<1x16xi32>,
      %get3A_240 = arith.index_cast %scan3A_201 : i32 to index
      %get3A_241 = arith.constant 16 : index
      %get3A_242 = tpu.vector_load %arg7[%get3A_240, %get3A_241] {strides = array<i32>} : memref<160x64xi32, #tpu.memory_space<vmem>>, vector<1x16xi32>,
      %get3A_243 = vector.shape_cast %get3A_242 : vector<1x16xi32> to vector<16xi32>
      %mul3A_244 = arith.constant 2 : i32
      %mul3A_245 = vector.broadcast %mul3A_244 : i32 to vector<16xi32>
      %mul3A_246 = arith.muli %get3A_243, %mul3A_245 : vector<16xi32>
      %add3A_247 = vector.broadcast %arg0 : i32 to vector<16xi32>
      %add3A_248 = arith.addi %mul3A_246, %add3A_247 : vector<16xi32>
      %swap3A_249 = arith.index_cast %scan3A_201 : i32 to index
      %swap3A_250 = arith.constant 16 : index
      %swap3A_251 = tpu.vector_load %arg7[%swap3A_249, %swap3A_250] {strides = array<i32>} : memref<160x64xi32, #tpu.memory_space<vmem>>, vector<1x16xi32>,
      %swap3A_252 = vector.shape_cast %swap3A_251 : vector<1x16xi32> to vector<16xi32>
      %swap3A_253 = vector.shape_cast %add3A_248 : vector<16xi32> to vector<1x16xi32>
      tpu.vector_store %arg7[%swap3A_249, %swap3A_250], %swap3A_253 {strides = array<i32>} : memref<160x64xi32, #tpu.memory_space<vmem>>, vector<1x16xi32>,
      %get3A_254 = arith.index_cast %scan3A_201 : i32 to index
      %get3A_255 = arith.constant 16 : index
      %get3A_256 = tpu.vector_load %arg8[%get3A_254, %get3A_255] {strides = array<i32>} : memref<160x64xi32, #tpu.memory_space<vmem>>, vector<1x16xi32>,
      %get3A_257 = vector.shape_cast %get3A_256 : vector<1x16xi32> to vector<16xi32>
      %sub3A_258 = arith.constant 5000 : i32
      %sub3A_259 = vector.broadcast %sub3A_258 : i32 to vector<16xi32>
      %sub3A_260 = arith.subi %get3A_257, %sub3A_259 : vector<16xi32>
      %ge3A_261 = arith.constant 0 : i32
      %ge3A_262 = vector.broadcast %ge3A_261 : i32 to vector<16xi32>
      %ge3A_263 = arith.cmpi sge, %sub3A_260, %ge3A_262 : vector<16xi32>
      %lt3A_264 = arith.constant 5000 : i32
      %lt3A_265 = vector.broadcast %lt3A_264 : i32 to vector<16xi32>
      %lt3A_266 = arith.cmpi slt, %sub3A_260, %lt3A_265 : vector<16xi32>
      %and3A_267 = arith.andi %ge3A_263, %lt3A_266 : vector<16xi1>
      %get3A_268 = arith.index_cast %scan3A_201 : i32 to index
      %get3A_269 = arith.constant 16 : index
      %get3A_270 = tpu.vector_load %arg8[%get3A_268, %get3A_269] {strides = array<i32>} : memref<160x64xi32, #tpu.memory_space<vmem>>, vector<1x16xi32>,
      %get3A_271 = vector.shape_cast %get3A_270 : vector<1x16xi32> to vector<16xi32>
      %and3A_272 = arith.constant 63 : i32
      %and3A_273 = vector.broadcast %and3A_272 : i32 to vector<16xi32>
      %and3A_274 = arith.andi %get3A_271, %and3A_273 : vector<16xi32>
      %add3A_275 = arith.constant 5000 : i32
      %add3A_276 = vector.broadcast %add3A_275 : i32 to vector<16xi32>
      %add3A_277 = arith.addi %add3A_276, %and3A_274 : vector<16xi32>
      %select_n3A_278 = arith.select %and3A_267, %sub3A_260, %add3A_277 : vector<16xi1>, vector<16xi32>
      %swap3A_279 = arith.index_cast %scan3A_201 : i32 to index
      %swap3A_280 = arith.constant 16 : index
      %swap3A_281 = tpu.vector_load %arg8[%swap3A_279, %swap3A_280] {strides = array<i32>} : memref<160x64xi32, #tpu.memory_space<vmem>>, vector<1x16xi32>,
      %swap3A_282 = vector.shape_cast %swap3A_281 : vector<1x16xi32> to vector<16xi32>
      %swap3A_283 = vector.shape_cast %select_n3A_278 : vector<16xi32> to vector<1x16xi32>
      tpu.vector_store %arg8[%swap3A_279, %swap3A_280], %swap3A_283 {strides = array<i32>} : memref<160x64xi32, #tpu.memory_space<vmem>>, vector<1x16xi32>,
      %get3A_284 = arith.index_cast %scan3A_201 : i32 to index
      %get3A_285 = arith.constant 32 : index
      %get3A_286 = tpu.vector_load %arg7[%get3A_284, %get3A_285] {strides = array<i32>} : memref<160x64xi32, #tpu.memory_space<vmem>>, vector<1x16xi32>,
      %get3A_287 = vector.shape_cast %get3A_286 : vector<1x16xi32> to vector<16xi32>
      %mul3A_288 = arith.constant 2 : i32
      %mul3A_289 = vector.broadcast %mul3A_288 : i32 to vector<16xi32>
      %mul3A_290 = arith.muli %get3A_287, %mul3A_289 : vector<16xi32>
      %add3A_291 = vector.broadcast %arg0 : i32 to vector<16xi32>
      %add3A_292 = arith.addi %mul3A_290, %add3A_291 : vector<16xi32>
      %swap3A_293 = arith.index_cast %scan3A_201 : i32 to index
      %swap3A_294 = arith.constant 32 : index
      %swap3A_295 = tpu.vector_load %arg7[%swap3A_293, %swap3A_294] {strides = array<i32>} : memref<160x64xi32, #tpu.memory_space<vmem>>, vector<1x16xi32>,
      %swap3A_296 = vector.shape_cast %swap3A_295 : vector<1x16xi32> to vector<16xi32>
      %swap3A_297 = vector.shape_cast %add3A_292 : vector<16xi32> to vector<1x16xi32>
      tpu.vector_store %arg7[%swap3A_293, %swap3A_294], %swap3A_297 {strides = array<i32>} : memref<160x64xi32, #tpu.memory_space<vmem>>, vector<1x16xi32>,
      %get3A_298 = arith.index_cast %scan3A_201 : i32 to index
      %get3A_299 = arith.constant 32 : index
      %get3A_300 = tpu.vector_load %arg8[%get3A_298, %get3A_299] {strides = array<i32>} : memref<160x64xi32, #tpu.memory_space<vmem>>, vector<1x16xi32>,
      %get3A_301 = vector.shape_cast %get3A_300 : vector<1x16xi32> to vector<16xi32>
      %sub3A_302 = arith.constant 5000 : i32
      %sub3A_303 = vector.broadcast %sub3A_302 : i32 to vector<16xi32>
      %sub3A_304 = arith.subi %get3A_301, %sub3A_303 : vector<16xi32>
      %ge3A_305 = arith.constant 0 : i32
      %ge3A_306 = vector.broadcast %ge3A_305 : i32 to vector<16xi32>
      %ge3A_307 = arith.cmpi sge, %sub3A_304, %ge3A_306 : vector<16xi32>
      %lt3A_308 = arith.constant 5000 : i32
      %lt3A_309 = vector.broadcast %lt3A_308 : i32 to vector<16xi32>
      %lt3A_310 = arith.cmpi slt, %sub3A_304, %lt3A_309 : vector<16xi32>
      %and3A_311 = arith.andi %ge3A_307, %lt3A_310 : vector<16xi1>
      %get3A_312 = arith.index_cast %scan3A_201 : i32 to index
      %get3A_313 = arith.constant 32 : index
      %get3A_314 = tpu.vector_load %arg8[%get3A_312, %get3A_313] {strides = array<i32>} : memref<160x64xi32, #tpu.memory_space<vmem>>, vector<1x16xi32>,
      %get3A_315 = vector.shape_cast %get3A_314 : vector<1x16xi32> to vector<16xi32>
      %and3A_316 = arith.constant 63 : i32
      %and3A_317 = vector.broadcast %and3A_316 : i32 to vector<16xi32>
      %and3A_318 = arith.andi %get3A_315, %and3A_317 : vector<16xi32>
      %add3A_319 = arith.constant 5000 : i32
      %add3A_320 = vector.broadcast %add3A_319 : i32 to vector<16xi32>
      %add3A_321 = arith.addi %add3A_320, %and3A_318 : vector<16xi32>
      %select_n3A_322 = arith.select %and3A_311, %sub3A_304, %add3A_321 : vector<16xi1>, vector<16xi32>
      %swap3A_323 = arith.index_cast %scan3A_201 : i32 to index
      %swap3A_324 = arith.constant 32 : index
      %swap3A_325 = tpu.vector_load %arg8[%swap3A_323, %swap3A_324] {strides = array<i32>} : memref<160x64xi32, #tpu.memory_space<vmem>>, vector<1x16xi32>,
      %swap3A_326 = vector.shape_cast %swap3A_325 : vector<1x16xi32> to vector<16xi32>
      %swap3A_327 = vector.shape_cast %select_n3A_322 : vector<16xi32> to vector<1x16xi32>
      tpu.vector_store %arg8[%swap3A_323, %swap3A_324], %swap3A_327 {strides = array<i32>} : memref<160x64xi32, #tpu.memory_space<vmem>>, vector<1x16xi32>,
      %get3A_328 = arith.index_cast %scan3A_201 : i32 to index
      %get3A_329 = arith.constant 48 : index
      %get3A_330 = tpu.vector_load %arg7[%get3A_328, %get3A_329] {strides = array<i32>} : memref<160x64xi32, #tpu.memory_space<vmem>>, vector<1x16xi32>,
      %get3A_331 = vector.shape_cast %get3A_330 : vector<1x16xi32> to vector<16xi32>
      %mul3A_332 = arith.constant 2 : i32
      %mul3A_333 = vector.broadcast %mul3A_332 : i32 to vector<16xi32>
      %mul3A_334 = arith.muli %get3A_331, %mul3A_333 : vector<16xi32>
      %add3A_335 = vector.broadcast %arg0 : i32 to vector<16xi32>
      %add3A_336 = arith.addi %mul3A_334, %add3A_335 : vector<16xi32>
      %swap3A_337 = arith.index_cast %scan3A_201 : i32 to index
      %swap3A_338 = arith.constant 48 : index
      %swap3A_339 = tpu.vector_load %arg7[%swap3A_337, %swap3A_338] {strides = array<i32>} : memref<160x64xi32, #tpu.memory_space<vmem>>, vector<1x16xi32>,
      %swap3A_340 = vector.shape_cast %swap3A_339 : vector<1x16xi32> to vector<16xi32>
      %swap3A_341 = vector.shape_cast %add3A_336 : vector<16xi32> to vector<1x16xi32>
      tpu.vector_store %arg7[%swap3A_337, %swap3A_338], %swap3A_341 {strides = array<i32>} : memref<160x64xi32, #tpu.memory_space<vmem>>, vector<1x16xi32>,
      %get3A_342 = arith.index_cast %scan3A_201 : i32 to index
      %get3A_343 = arith.constant 48 : index
      %get3A_344 = tpu.vector_load %arg8[%get3A_342, %get3A_343] {strides = array<i32>} : memref<160x64xi32, #tpu.memory_space<vmem>>, vector<1x16xi32>,
      %get3A_345 = vector.shape_cast %get3A_344 : vector<1x16xi32> to vector<16xi32>
      %sub3A_346 = arith.constant 5000 : i32
      %sub3A_347 = vector.broadcast %sub3A_346 : i32 to vector<16xi32>
      %sub3A_348 = arith.subi %get3A_345, %sub3A_347 : vector<16xi32>
      %ge3A_349 = arith.constant 0 : i32
      %ge3A_350 = vector.broadcast %ge3A_349 : i32 to vector<16xi32>
      %ge3A_351 = arith.cmpi sge, %sub3A_348, %ge3A_350 : vector<16xi32>
      %lt3A_352 = arith.constant 5000 : i32
      %lt3A_353 = vector.broadcast %lt3A_352 : i32 to vector<16xi32>
      %lt3A_354 = arith.cmpi slt, %sub3A_348, %lt3A_353 : vector<16xi32>
      %and3A_355 = arith.andi %ge3A_351, %lt3A_354 : vector<16xi1>
      %get3A_356 = arith.index_cast %scan3A_201 : i32 to index
      %get3A_357 = arith.constant 48 : index
      %get3A_358 = tpu.vector_load %arg8[%get3A_356, %get3A_357] {strides = array<i32>} : memref<160x64xi32, #tpu.memory_space<vmem>>, vector<1x16xi32>,
      %get3A_359 = vector.shape_cast %get3A_358 : vector<1x16xi32> to vector<16xi32>
      %and3A_360 = arith.constant 63 : i32
      %and3A_361 = vector.broadcast %and3A_360 : i32 to vector<16xi32>
      %and3A_362 = arith.andi %get3A_359, %and3A_361 : vector<16xi32>
      %add3A_363 = arith.constant 5000 : i32
      %add3A_364 = vector.broadcast %add3A_363 : i32 to vector<16xi32>
      %add3A_365 = arith.addi %add3A_364, %and3A_362 : vector<16xi32>
      %select_n3A_366 = arith.select %and3A_355, %sub3A_348, %add3A_365 : vector<16xi1>, vector<16xi32>
      %swap3A_367 = arith.index_cast %scan3A_201 : i32 to index
      %swap3A_368 = arith.constant 48 : index
      %swap3A_369 = tpu.vector_load %arg8[%swap3A_367, %swap3A_368] {strides = array<i32>} : memref<160x64xi32, #tpu.memory_space<vmem>>, vector<1x16xi32>,
      %swap3A_370 = vector.shape_cast %swap3A_369 : vector<1x16xi32> to vector<16xi32>
      %swap3A_371 = vector.shape_cast %select_n3A_366 : vector<16xi32> to vector<1x16xi32>
      tpu.vector_store %arg8[%swap3A_367, %swap3A_368], %swap3A_371 {strides = array<i32>} : memref<160x64xi32, #tpu.memory_space<vmem>>, vector<1x16xi32>,
      %scan3A_372 = arith.constant 1 : i32
      %scan3A_373 = arith.addi %scan3A_201, %scan3A_372 : i32
      %get3A_374 = arith.index_cast %scan3A_373 : i32 to index
      %get3A_375 = arith.constant 0 : index
      %get3A_376 = tpu.vector_load %arg7[%get3A_374, %get3A_375] {strides = array<i32>} : memref<160x64xi32, #tpu.memory_space<vmem>>, vector<1x16xi32>,
      %get3A_377 = vector.shape_cast %get3A_376 : vector<1x16xi32> to vector<16xi32>
      %mul3A_378 = arith.constant 2 : i32
      %mul3A_379 = vector.broadcast %mul3A_378 : i32 to vector<16xi32>
      %mul3A_380 = arith.muli %get3A_377, %mul3A_379 : vector<16xi32>
      %add3A_381 = vector.broadcast %arg0 : i32 to vector<16xi32>
      %add3A_382 = arith.addi %mul3A_380, %add3A_381 : vector<16xi32>
      %swap3A_383 = arith.index_cast %scan3A_373 : i32 to index
      %swap3A_384 = arith.constant 0 : index
      %swap3A_385 = tpu.vector_load %arg7[%swap3A_383, %swap3A_384] {strides = array<i32>} : memref<160x64xi32, #tpu.memory_space<vmem>>, vector<1x16xi32>,
      %swap3A_386 = vector.shape_cast %swap3A_385 : vector<1x16xi32> to vector<16xi32>
      %swap3A_387 = vector.shape_cast %add3A_382 : vector<16xi32> to vector<1x16xi32>
      tpu.vector_store %arg7[%swap3A_383, %swap3A_384], %swap3A_387 {strides = array<i32>} : memref<160x64xi32, #tpu.memory_space<vmem>>, vector<1x16xi32>,
      %get3A_388 = arith.index_cast %scan3A_373 : i32 to index
      %get3A_389 = arith.constant 0 : index
      %get3A_390 = tpu.vector_load %arg8[%get3A_388, %get3A_389] {strides = array<i32>} : memref<160x64xi32, #tpu.memory_space<vmem>>, vector<1x16xi32>,
      %get3A_391 = vector.shape_cast %get3A_390 : vector<1x16xi32> to vector<16xi32>
      %sub3A_392 = arith.constant 5000 : i32
      %sub3A_393 = vector.broadcast %sub3A_392 : i32 to vector<16xi32>
      %sub3A_394 = arith.subi %get3A_391, %sub3A_393 : vector<16xi32>
      %ge3A_395 = arith.constant 0 : i32
      %ge3A_396 = vector.broadcast %ge3A_395 : i32 to vector<16xi32>
      %ge3A_397 = arith.cmpi sge, %sub3A_394, %ge3A_396 : vector<16xi32>
      %lt3A_398 = arith.constant 5000 : i32
      %lt3A_399 = vector.broadcast %lt3A_398 : i32 to vector<16xi32>
      %lt3A_400 = arith.cmpi slt, %sub3A_394, %lt3A_399 : vector<16xi32>
      %and3A_401 = arith.andi %ge3A_397, %lt3A_400 : vector<16xi1>
      %get3A_402 = arith.index_cast %scan3A_373 : i32 to index
      %get3A_403 = arith.constant 0 : index
      %get3A_404 = tpu.vector_load %arg8[%get3A_402, %get3A_403] {strides = array<i32>} : memref<160x64xi32, #tpu.memory_space<vmem>>, vector<1x16xi32>,
      %get3A_405 = vector.shape_cast %get3A_404 : vector<1x16xi32> to vector<16xi32>
      %and3A_406 = arith.constant 63 : i32
      %and3A_407 = vector.broadcast %and3A_406 : i32 to vector<16xi32>
      %and3A_408 = arith.andi %get3A_405, %and3A_407 : vector<16xi32>
      %add3A_409 = arith.constant 5000 : i32
      %add3A_410 = vector.broadcast %add3A_409 : i32 to vector<16xi32>
      %add3A_411 = arith.addi %add3A_410, %and3A_408 : vector<16xi32>
      %select_n3A_412 = arith.select %and3A_401, %sub3A_394, %add3A_411 : vector<16xi1>, vector<16xi32>
      %swap3A_413 = arith.index_cast %scan3A_373 : i32 to index
      %swap3A_414 = arith.constant 0 : index
      %swap3A_415 = tpu.vector_load %arg8[%swap3A_413, %swap3A_414] {strides = array<i32>} : memref<160x64xi32, #tpu.memory_space<vmem>>, vector<1x16xi32>,
      %swap3A_416 = vector.shape_cast %swap3A_415 : vector<1x16xi32> to vector<16xi32>
      %swap3A_417 = vector.shape_cast %select_n3A_412 : vector<16xi32> to vector<1x16xi32>
      tpu.vector_store %arg8[%swap3A_413, %swap3A_414], %swap3A_417 {strides = array<i32>} : memref<160x64xi32, #tpu.memory_space<vmem>>, vector<1x16xi32>,
      %get3A_418 = arith.index_cast %scan3A_373 : i32 to index
      %get3A_419 = arith.constant 16 : index
      %get3A_420 = tpu.vector_load %arg7[%get3A_418, %get3A_419] {strides = array<i32>} : memref<160x64xi32, #tpu.memory_space<vmem>>, vector<1x16xi32>,
      %get3A_421 = vector.shape_cast %get3A_420 : vector<1x16xi32> to vector<16xi32>
      %mul3A_422 = arith.constant 2 : i32
      %mul3A_423 = vector.broadcast %mul3A_422 : i32 to vector<16xi32>
      %mul3A_424 = arith.muli %get3A_421, %mul3A_423 : vector<16xi32>
      %add3A_425 = vector.broadcast %arg0 : i32 to vector<16xi32>
      %add3A_426 = arith.addi %mul3A_424, %add3A_425 : vector<16xi32>
      %swap3A_427 = arith.index_cast %scan3A_373 : i32 to index
      %swap3A_428 = arith.constant 16 : index
      %swap3A_429 = tpu.vector_load %arg7[%swap3A_427, %swap3A_428] {strides = array<i32>} : memref<160x64xi32, #tpu.memory_space<vmem>>, vector<1x16xi32>,
      %swap3A_430 = vector.shape_cast %swap3A_429 : vector<1x16xi32> to vector<16xi32>
      %swap3A_431 = vector.shape_cast %add3A_426 : vector<16xi32> to vector<1x16xi32>
      tpu.vector_store %arg7[%swap3A_427, %swap3A_428], %swap3A_431 {strides = array<i32>} : memref<160x64xi32, #tpu.memory_space<vmem>>, vector<1x16xi32>,
      %get3A_432 = arith.index_cast %scan3A_373 : i32 to index
      %get3A_433 = arith.constant 16 : index
      %get3A_434 = tpu.vector_load %arg8[%get3A_432, %get3A_433] {strides = array<i32>} : memref<160x64xi32, #tpu.memory_space<vmem>>, vector<1x16xi32>,
      %get3A_435 = vector.shape_cast %get3A_434 : vector<1x16xi32> to vector<16xi32>
      %sub3A_436 = arith.constant 5000 : i32
      %sub3A_437 = vector.broadcast %sub3A_436 : i32 to vector<16xi32>
      %sub3A_438 = arith.subi %get3A_435, %sub3A_437 : vector<16xi32>
      %ge3A_439 = arith.constant 0 : i32
      %ge3A_440 = vector.broadcast %ge3A_439 : i32 to vector<16xi32>
      %ge3A_441 = arith.cmpi sge, %sub3A_438, %ge3A_440 : vector<16xi32>
      %lt3A_442 = arith.constant 5000 : i32
      %lt3A_443 = vector.broadcast %lt3A_442 : i32 to vector<16xi32>
      %lt3A_444 = arith.cmpi slt, %sub3A_438, %lt3A_443 : vector<16xi32>
      %and3A_445 = arith.andi %ge3A_441, %lt3A_444 : vector<16xi1>
      %get3A_446 = arith.index_cast %scan3A_373 : i32 to index
      %get3A_447 = arith.constant 16 : index
      %get3A_448 = tpu.vector_load %arg8[%get3A_446, %get3A_447] {strides = array<i32>} : memref<160x64xi32, #tpu.memory_space<vmem>>, vector<1x16xi32>,
      %get3A_449 = vector.shape_cast %get3A_448 : vector<1x16xi32> to vector<16xi32>
      %and3A_450 = arith.constant 63 : i32
      %and3A_451 = vector.broadcast %and3A_450 : i32 to vector<16xi32>
      %and3A_452 = arith.andi %get3A_449, %and3A_451 : vector<16xi32>
      %add3A_453 = arith.constant 5000 : i32
      %add3A_454 = vector.broadcast %add3A_453 : i32 to vector<16xi32>
      %add3A_455 = arith.addi %add3A_454, %and3A_452 : vector<16xi32>
      %select_n3A_456 = arith.select %and3A_445, %sub3A_438, %add3A_455 : vector<16xi1>, vector<16xi32>
      %swap3A_457 = arith.index_cast %scan3A_373 : i32 to index
      %swap3A_458 = arith.constant 16 : index
      %swap3A_459 = tpu.vector_load %arg8[%swap3A_457, %swap3A_458] {strides = array<i32>} : memref<160x64xi32, #tpu.memory_space<vmem>>, vector<1x16xi32>,
      %swap3A_460 = vector.shape_cast %swap3A_459 : vector<1x16xi32> to vector<16xi32>
      %swap3A_461 = vector.shape_cast %select_n3A_456 : vector<16xi32> to vector<1x16xi32>
      tpu.vector_store %arg8[%swap3A_457, %swap3A_458], %swap3A_461 {strides = array<i32>} : memref<160x64xi32, #tpu.memory_space<vmem>>, vector<1x16xi32>,
      %get3A_462 = arith.index_cast %scan3A_373 : i32 to index
      %get3A_463 = arith.constant 32 : index
      %get3A_464 = tpu.vector_load %arg7[%get3A_462, %get3A_463] {strides = array<i32>} : memref<160x64xi32, #tpu.memory_space<vmem>>, vector<1x16xi32>,
      %get3A_465 = vector.shape_cast %get3A_464 : vector<1x16xi32> to vector<16xi32>
      %mul3A_466 = arith.constant 2 : i32
      %mul3A_467 = vector.broadcast %mul3A_466 : i32 to vector<16xi32>
      %mul3A_468 = arith.muli %get3A_465, %mul3A_467 : vector<16xi32>
      %add3A_469 = vector.broadcast %arg0 : i32 to vector<16xi32>
      %add3A_470 = arith.addi %mul3A_468, %add3A_469 : vector<16xi32>
      %swap3A_471 = arith.index_cast %scan3A_373 : i32 to index
      %swap3A_472 = arith.constant 32 : index
      %swap3A_473 = tpu.vector_load %arg7[%swap3A_471, %swap3A_472] {strides = array<i32>} : memref<160x64xi32, #tpu.memory_space<vmem>>, vector<1x16xi32>,
      %swap3A_474 = vector.shape_cast %swap3A_473 : vector<1x16xi32> to vector<16xi32>
      %swap3A_475 = vector.shape_cast %add3A_470 : vector<16xi32> to vector<1x16xi32>
      tpu.vector_store %arg7[%swap3A_471, %swap3A_472], %swap3A_475 {strides = array<i32>} : memref<160x64xi32, #tpu.memory_space<vmem>>, vector<1x16xi32>,
      %get3A_476 = arith.index_cast %scan3A_373 : i32 to index
      %get3A_477 = arith.constant 32 : index
      %get3A_478 = tpu.vector_load %arg8[%get3A_476, %get3A_477] {strides = array<i32>} : memref<160x64xi32, #tpu.memory_space<vmem>>, vector<1x16xi32>,
      %get3A_479 = vector.shape_cast %get3A_478 : vector<1x16xi32> to vector<16xi32>
      %sub3A_480 = arith.constant 5000 : i32
      %sub3A_481 = vector.broadcast %sub3A_480 : i32 to vector<16xi32>
      %sub3A_482 = arith.subi %get3A_479, %sub3A_481 : vector<16xi32>
      %ge3A_483 = arith.constant 0 : i32
      %ge3A_484 = vector.broadcast %ge3A_483 : i32 to vector<16xi32>
      %ge3A_485 = arith.cmpi sge, %sub3A_482, %ge3A_484 : vector<16xi32>
      %lt3A_486 = arith.constant 5000 : i32
      %lt3A_487 = vector.broadcast %lt3A_486 : i32 to vector<16xi32>
      %lt3A_488 = arith.cmpi slt, %sub3A_482, %lt3A_487 : vector<16xi32>
      %and3A_489 = arith.andi %ge3A_485, %lt3A_488 : vector<16xi1>
      %get3A_490 = arith.index_cast %scan3A_373 : i32 to index
      %get3A_491 = arith.constant 32 : index
      %get3A_492 = tpu.vector_load %arg8[%get3A_490, %get3A_491] {strides = array<i32>} : memref<160x64xi32, #tpu.memory_space<vmem>>, vector<1x16xi32>,
      %get3A_493 = vector.shape_cast %get3A_492 : vector<1x16xi32> to vector<16xi32>
      %and3A_494 = arith.constant 63 : i32
      %and3A_495 = vector.broadcast %and3A_494 : i32 to vector<16xi32>
      %and3A_496 = arith.andi %get3A_493, %and3A_495 : vector<16xi32>
      %add3A_497 = arith.constant 5000 : i32
      %add3A_498 = vector.broadcast %add3A_497 : i32 to vector<16xi32>
      %add3A_499 = arith.addi %add3A_498, %and3A_496 : vector<16xi32>
      %select_n3A_500 = arith.select %and3A_489, %sub3A_482, %add3A_499 : vector<16xi1>, vector<16xi32>
      %swap3A_501 = arith.index_cast %scan3A_373 : i32 to index
      %swap3A_502 = arith.constant 32 : index
      %swap3A_503 = tpu.vector_load %arg8[%swap3A_501, %swap3A_502] {strides = array<i32>} : memref<160x64xi32, #tpu.memory_space<vmem>>, vector<1x16xi32>,
      %swap3A_504 = vector.shape_cast %swap3A_503 : vector<1x16xi32> to vector<16xi32>
      %swap3A_505 = vector.shape_cast %select_n3A_500 : vector<16xi32> to vector<1x16xi32>
      tpu.vector_store %arg8[%swap3A_501, %swap3A_502], %swap3A_505 {strides = array<i32>} : memref<160x64xi32, #tpu.memory_space<vmem>>, vector<1x16xi32>,
      %get3A_506 = arith.index_cast %scan3A_373 : i32 to index
      %get3A_507 = arith.constant 48 : index
      %get3A_508 = tpu.vector_load %arg7[%get3A_506, %get3A_507] {strides = array<i32>} : memref<160x64xi32, #tpu.memory_space<vmem>>, vector<1x16xi32>,
      %get3A_509 = vector.shape_cast %get3A_508 : vector<1x16xi32> to vector<16xi32>
      %mul3A_510 = arith.constant 2 : i32
      %mul3A_511 = vector.broadcast %mul3A_510 : i32 to vector<16xi32>
      %mul3A_512 = arith.muli %get3A_509, %mul3A_511 : vector<16xi32>
      %add3A_513 = vector.broadcast %arg0 : i32 to vector<16xi32>
      %add3A_514 = arith.addi %mul3A_512, %add3A_513 : vector<16xi32>
      %swap3A_515 = arith.index_cast %scan3A_373 : i32 to index
      %swap3A_516 = arith.constant 48 : index
      %swap3A_517 = tpu.vector_load %arg7[%swap3A_515, %swap3A_516] {strides = array<i32>} : memref<160x64xi32, #tpu.memory_space<vmem>>, vector<1x16xi32>,
      %swap3A_518 = vector.shape_cast %swap3A_517 : vector<1x16xi32> to vector<16xi32>
      %swap3A_519 = vector.shape_cast %add3A_514 : vector<16xi32> to vector<1x16xi32>
      tpu.vector_store %arg7[%swap3A_515, %swap3A_516], %swap3A_519 {strides = array<i32>} : memref<160x64xi32, #tpu.memory_space<vmem>>, vector<1x16xi32>,
      %get3A_520 = arith.index_cast %scan3A_373 : i32 to index
      %get3A_521 = arith.constant 48 : index
      %get3A_522 = tpu.vector_load %arg8[%get3A_520, %get3A_521] {strides = array<i32>} : memref<160x64xi32, #tpu.memory_space<vmem>>, vector<1x16xi32>,
      %get3A_523 = vector.shape_cast %get3A_522 : vector<1x16xi32> to vector<16xi32>
      %sub3A_524 = arith.constant 5000 : i32
      %sub3A_525 = vector.broadcast %sub3A_524 : i32 to vector<16xi32>
      %sub3A_526 = arith.subi %get3A_523, %sub3A_525 : vector<16xi32>
      %ge3A_527 = arith.constant 0 : i32
      %ge3A_528 = vector.broadcast %ge3A_527 : i32 to vector<16xi32>
      %ge3A_529 = arith.cmpi sge, %sub3A_526, %ge3A_528 : vector<16xi32>
      %lt3A_530 = arith.constant 5000 : i32
      %lt3A_531 = vector.broadcast %lt3A_530 : i32 to vector<16xi32>
      %lt3A_532 = arith.cmpi slt, %sub3A_526, %lt3A_531 : vector<16xi32>
      %and3A_533 = arith.andi %ge3A_529, %lt3A_532 : vector<16xi1>
      %get3A_534 = arith.index_cast %scan3A_373 : i32 to index
      %get3A_535 = arith.constant 48 : index
      %get3A_536 = tpu.vector_load %arg8[%get3A_534, %get3A_535] {strides = array<i32>} : memref<160x64xi32, #tpu.memory_space<vmem>>, vector<1x16xi32>,
      %get3A_537 = vector.shape_cast %get3A_536 : vector<1x16xi32> to vector<16xi32>
      %and3A_538 = arith.constant 63 : i32
      %and3A_539 = vector.broadcast %and3A_538 : i32 to vector<16xi32>
      %and3A_540 = arith.andi %get3A_537, %and3A_539 : vector<16xi32>
      %add3A_541 = arith.constant 5000 : i32
      %add3A_542 = vector.broadcast %add3A_541 : i32 to vector<16xi32>
      %add3A_543 = arith.addi %add3A_542, %and3A_540 : vector<16xi32>
      %select_n3A_544 = arith.select %and3A_533, %sub3A_526, %add3A_543 : vector<16xi1>, vector<16xi32>
      %swap3A_545 = arith.index_cast %scan3A_373 : i32 to index
      %swap3A_546 = arith.constant 48 : index
      %swap3A_547 = tpu.vector_load %arg8[%swap3A_545, %swap3A_546] {strides = array<i32>} : memref<160x64xi32, #tpu.memory_space<vmem>>, vector<1x16xi32>,
      %swap3A_548 = vector.shape_cast %swap3A_547 : vector<1x16xi32> to vector<16xi32>
      %swap3A_549 = vector.shape_cast %select_n3A_544 : vector<16xi32> to vector<1x16xi32>
      tpu.vector_store %arg8[%swap3A_545, %swap3A_546], %swap3A_549 {strides = array<i32>} : memref<160x64xi32, #tpu.memory_space<vmem>>, vector<1x16xi32>,
    }
    %scan3A_9 = arith.constant 160 : i32
    %dma_start3A = arith.constant 0 : i32
    %dma_start3A_10 = arith.constant 0 : i32
    %dma_start3A_11 = arith.constant 0 : i32
    %dma_start3A_12 = arith.constant 0 : i32
    %dma_start3A_13 = tpu.memref_slice %arg9[%dma_start3A_10, %dma_start3A_11, %dma_start3A_12] : memref<2x64x128xf32, #tpu.memory_space<vmem>> -> memref<1x64x128xf32, #tpu.memory_space<vmem>>
    %dma_start3A_14 = tpu.memref_squeeze %dma_start3A_13 : memref<1x64x128xf32, #tpu.memory_space<vmem>> -> memref<64x128xf32, #tpu.memory_space<vmem>>
    %dma_start3A_15 = arith.constant 0 : i32
    %dma_start3A_16 = tpu.memref_slice %arg7[%dma_start3A, %dma_start3A_15] : memref<160x64xi32, #tpu.memory_space<vmem>> -> memref<1x64xi32, #tpu.memory_space<vmem>>
    %dma_start3A_17 = tpu.memref_squeeze %dma_start3A_16 : memref<1x64xi32, #tpu.memory_space<vmem>> -> memref<64xi32, #tpu.memory_space<vmem>>
    %dma_start3A_18 = arith.constant 0 : i32
    %dma_start3A_19 = arith.constant 0 : i32
    %dma_start3A_20 = tpu.memref_slice %arg2[%dma_start3A_18, %dma_start3A_19] : memref<20000x128xf32, #tpu.memory_space<hbm>> -> memref<20000x128xf32, #tpu.memory_space<hbm>>
    tpu.enqueue_indirect_dma source(%dma_start3A_20 : memref<20000x128xf32, #tpu.memory_space<hbm>>) target(%dma_start3A_14 : memref<64x128xf32, #tpu.memory_space<vmem>>) offsets(%dma_start3A_17 : memref<64xi32, #tpu.memory_space<vmem>>) semaphore(%arg13 : memref<!tpu.dma_semaphore, #tpu.memory_space<semaphore_mem>>)
    %mul3A_21 = arith.constant 163840 : i32
    %mul3A_22 = arith.muli %arg0, %mul3A_21 : i32
    %add3A = arith.addi %mul3A_22, %mul3A_0 : i32
    %add3A_23 = arith.constant 0 : i32
    %add3A_24 = arith.addi %add3A, %add3A_23 : i32
    %dma_start3A_25 = arith.constant 0 : i32
    %dma_start3A_26 = arith.constant 0 : i32
    %dma_start3A_27 = arith.constant 0 : i32
    %dma_start3A_28 = tpu.memref_slice %arg10[%dma_start3A_25, %dma_start3A_26, %dma_start3A_27] : memref<2x64x128xf32, #tpu.memory_space<vmem>> -> memref<1x64x128xf32, #tpu.memory_space<vmem>>
    %dma_start3A_29 = tpu.memref_squeeze %dma_start3A_28 : memref<1x64x128xf32, #tpu.memory_space<vmem>> -> memref<64x128xf32, #tpu.memory_space<vmem>>
    %dma_start3A_30 = arith.constant 0 : i32
    %dma_start3A_31 = tpu.memref_slice %arg3[%add3A_24, %dma_start3A_30] : memref<327680x128xf32, #tpu.memory_space<hbm>> -> memref<64x128xf32, #tpu.memory_space<hbm>>
    %dma_start3A_32 = arith.constant 0 : i32
    %dma_start3A_33 = arith.constant 0 : i32
    %dma_start3A_34 = tpu.memref_slice %arg10[%dma_start3A_25, %dma_start3A_32, %dma_start3A_33] : memref<2x64x128xf32, #tpu.memory_space<vmem>> -> memref<1x64x128xf32, #tpu.memory_space<vmem>>
    %dma_start3A_35 = tpu.memref_squeeze %dma_start3A_34 : memref<1x64x128xf32, #tpu.memory_space<vmem>> -> memref<64x128xf32, #tpu.memory_space<vmem>>
    %dma_start3A_36 = arith.constant 0 : i32
    %dma_start3A_37 = tpu.memref_slice %arg3[%add3A_24, %dma_start3A_36] : memref<327680x128xf32, #tpu.memory_space<hbm>> -> memref<64x128xf32, #tpu.memory_space<hbm>>
    tpu.enqueue_dma source(%dma_start3A_37 : memref<64x128xf32, #tpu.memory_space<hbm>>) target(%dma_start3A_35 : memref<64x128xf32, #tpu.memory_space<vmem>>) target_semaphore(%arg15 : memref<!tpu.dma_semaphore, #tpu.memory_space<semaphore_mem>>)
    %dma_start3A_38 = arith.constant 1 : i32
    %dma_start3A_39 = arith.constant 1 : i32
    %dma_start3A_40 = arith.constant 0 : i32
    %dma_start3A_41 = arith.constant 0 : i32
    %dma_start3A_42 = tpu.memref_slice %arg9[%dma_start3A_39, %dma_start3A_40, %dma_start3A_41] : memref<2x64x128xf32, #tpu.memory_space<vmem>> -> memref<1x64x128xf32, #tpu.memory_space<vmem>>
    %dma_start3A_43 = tpu.memref_squeeze %dma_start3A_42 : memref<1x64x128xf32, #tpu.memory_space<vmem>> -> memref<64x128xf32, #tpu.memory_space<vmem>>
    %dma_start3A_44 = arith.constant 0 : i32
    %dma_start3A_45 = tpu.memref_slice %arg7[%dma_start3A_38, %dma_start3A_44] : memref<160x64xi32, #tpu.memory_space<vmem>> -> memref<1x64xi32, #tpu.memory_space<vmem>>
    %dma_start3A_46 = tpu.memref_squeeze %dma_start3A_45 : memref<1x64xi32, #tpu.memory_space<vmem>> -> memref<64xi32, #tpu.memory_space<vmem>>
    %dma_start3A_47 = arith.constant 0 : i32
    %dma_start3A_48 = arith.constant 0 : i32
    %dma_start3A_49 = tpu.memref_slice %arg2[%dma_start3A_47, %dma_start3A_48] : memref<20000x128xf32, #tpu.memory_space<hbm>> -> memref<20000x128xf32, #tpu.memory_space<hbm>>
    tpu.enqueue_indirect_dma source(%dma_start3A_49 : memref<20000x128xf32, #tpu.memory_space<hbm>>) target(%dma_start3A_43 : memref<64x128xf32, #tpu.memory_space<vmem>>) offsets(%dma_start3A_46 : memref<64xi32, #tpu.memory_space<vmem>>) semaphore(%arg14 : memref<!tpu.dma_semaphore, #tpu.memory_space<semaphore_mem>>)
    %mul3A_50 = arith.constant 163840 : i32
    %mul3A_51 = arith.muli %arg0, %mul3A_50 : i32
    %add3A_52 = arith.addi %mul3A_51, %mul3A_0 : i32
    %add3A_53 = arith.constant 64 : i32
    %add3A_54 = arith.addi %add3A_52, %add3A_53 : i32
    %dma_start3A_55 = arith.constant 1 : i32
    %dma_start3A_56 = arith.constant 0 : i32
    %dma_start3A_57 = arith.constant 0 : i32
    %dma_start3A_58 = tpu.memref_slice %arg10[%dma_start3A_55, %dma_start3A_56, %dma_start3A_57] : memref<2x64x128xf32, #tpu.memory_space<vmem>> -> memref<1x64x128xf32, #tpu.memory_space<vmem>>
    %dma_start3A_59 = tpu.memref_squeeze %dma_start3A_58 : memref<1x64x128xf32, #tpu.memory_space<vmem>> -> memref<64x128xf32, #tpu.memory_space<vmem>>
    %dma_start3A_60 = arith.constant 0 : i32
    %dma_start3A_61 = tpu.memref_slice %arg3[%add3A_54, %dma_start3A_60] : memref<327680x128xf32, #tpu.memory_space<hbm>> -> memref<64x128xf32, #tpu.memory_space<hbm>>
    %dma_start3A_62 = arith.constant 0 : i32
    %dma_start3A_63 = arith.constant 0 : i32
    %dma_start3A_64 = tpu.memref_slice %arg10[%dma_start3A_55, %dma_start3A_62, %dma_start3A_63] : memref<2x64x128xf32, #tpu.memory_space<vmem>> -> memref<1x64x128xf32, #tpu.memory_space<vmem>>
    %dma_start3A_65 = tpu.memref_squeeze %dma_start3A_64 : memref<1x64x128xf32, #tpu.memory_space<vmem>> -> memref<64x128xf32, #tpu.memory_space<vmem>>
    %dma_start3A_66 = arith.constant 0 : i32
    %dma_start3A_67 = tpu.memref_slice %arg3[%add3A_54, %dma_start3A_66] : memref<327680x128xf32, #tpu.memory_space<hbm>> -> memref<64x128xf32, #tpu.memory_space<hbm>>
    tpu.enqueue_dma source(%dma_start3A_67 : memref<64x128xf32, #tpu.memory_space<hbm>>) target(%dma_start3A_65 : memref<64x128xf32, #tpu.memory_space<vmem>>) target_semaphore(%arg16 : memref<!tpu.dma_semaphore, #tpu.memory_space<semaphore_mem>>)
    %scan3A_68 = arith.constant 0 : i32
    %scan3A_69 = arith.constant 0 : i32
    %scan3A_70 = arith.constant 40 : i32
    %scan3A_71 = arith.addi %scan3A_69, %scan3A_70 : i32
    %scan3A_72 = arith.constant 1 : i32
    scf.for %scan3A_201 = %scan3A_69 to %scan3A_71 step %scan3A_72  : i32 {
      %broadcast_in_dim3A = arith.constant 0.000000e+00 : f32
      %broadcast_in_dim3A_202 = vector.broadcast %broadcast_in_dim3A : f32 to vector<16xf32>
      %swap3A = arith.constant 0 : i32
      %swap3A_203 = arith.index_cast %swap3A : i32 to index
      %swap3A_204 = arith.index_cast %scan3A_201 : i32 to index
      %swap3A_205 = arith.constant 0 : index
      %swap3A_206 = tpu.vector_load %arg11[%swap3A_203, %swap3A_204, %swap3A_205] {strides = array<i32>} : memref<2x64x128xf32, #tpu.memory_space<vmem>>, vector<1x1x16xf32>,
      %swap3A_207 = vector.shape_cast %swap3A_206 : vector<1x1x16xf32> to vector<16xf32>
      %swap3A_208 = vector.shape_cast %broadcast_in_dim3A_202 : vector<16xf32> to vector<1x1x16xf32>
      tpu.vector_store %arg11[%swap3A_203, %swap3A_204, %swap3A_205], %swap3A_208 {strides = array<i32>} : memref<2x64x128xf32, #tpu.memory_space<vmem>>, vector<1x1x16xf32>,
      %broadcast_in_dim3A_209 = arith.constant 0.000000e+00 : f32
      %broadcast_in_dim3A_210 = vector.broadcast %broadcast_in_dim3A_209 : f32 to vector<16xf32>
      %swap3A_211 = arith.constant 0 : i32
      %swap3A_212 = arith.index_cast %swap3A_211 : i32 to index
      %swap3A_213 = arith.index_cast %scan3A_201 : i32 to index
      %swap3A_214 = arith.constant 16 : index
      %swap3A_215 = tpu.vector_load %arg11[%swap3A_212, %swap3A_213, %swap3A_214] {strides = array<i32>} : memref<2x64x128xf32, #tpu.memory_space<vmem>>, vector<1x1x16xf32>,
      %swap3A_216 = vector.shape_cast %swap3A_215 : vector<1x1x16xf32> to vector<16xf32>
      %swap3A_217 = vector.shape_cast %broadcast_in_dim3A_210 : vector<16xf32> to vector<1x1x16xf32>
      tpu.vector_store %arg11[%swap3A_212, %swap3A_213, %swap3A_214], %swap3A_217 {strides = array<i32>} : memref<2x64x128xf32, #tpu.memory_space<vmem>>, vector<1x1x16xf32>,
      %broadcast_in_dim3A_218 = arith.constant 0.000000e+00 : f32
      %broadcast_in_dim3A_219 = vector.broadcast %broadcast_in_dim3A_218 : f32 to vector<16xf32>
      %swap3A_220 = arith.constant 0 : i32
      %swap3A_221 = arith.index_cast %swap3A_220 : i32 to index
      %swap3A_222 = arith.index_cast %scan3A_201 : i32 to index
      %swap3A_223 = arith.constant 32 : index
      %swap3A_224 = tpu.vector_load %arg11[%swap3A_221, %swap3A_222, %swap3A_223] {strides = array<i32>} : memref<2x64x128xf32, #tpu.memory_space<vmem>>, vector<1x1x16xf32>,
      %swap3A_225 = vector.shape_cast %swap3A_224 : vector<1x1x16xf32> to vector<16xf32>
      %swap3A_226 = vector.shape_cast %broadcast_in_dim3A_219 : vector<16xf32> to vector<1x1x16xf32>
      tpu.vector_store %arg11[%swap3A_221, %swap3A_222, %swap3A_223], %swap3A_226 {strides = array<i32>} : memref<2x64x128xf32, #tpu.memory_space<vmem>>, vector<1x1x16xf32>,
      %broadcast_in_dim3A_227 = arith.constant 0.000000e+00 : f32
      %broadcast_in_dim3A_228 = vector.broadcast %broadcast_in_dim3A_227 : f32 to vector<16xf32>
      %swap3A_229 = arith.constant 0 : i32
      %swap3A_230 = arith.index_cast %swap3A_229 : i32 to index
      %swap3A_231 = arith.index_cast %scan3A_201 : i32 to index
      %swap3A_232 = arith.constant 48 : index
      %swap3A_233 = tpu.vector_load %arg11[%swap3A_230, %swap3A_231, %swap3A_232] {strides = array<i32>} : memref<2x64x128xf32, #tpu.memory_space<vmem>>, vector<1x1x16xf32>,
      %swap3A_234 = vector.shape_cast %swap3A_233 : vector<1x1x16xf32> to vector<16xf32>
      %swap3A_235 = vector.shape_cast %broadcast_in_dim3A_228 : vector<16xf32> to vector<1x1x16xf32>
      tpu.vector_store %arg11[%swap3A_230, %swap3A_231, %swap3A_232], %swap3A_235 {strides = array<i32>} : memref<2x64x128xf32, #tpu.memory_space<vmem>>, vector<1x1x16xf32>,
      %broadcast_in_dim3A_236 = arith.constant 0.000000e+00 : f32
      %broadcast_in_dim3A_237 = vector.broadcast %broadcast_in_dim3A_236 : f32 to vector<16xf32>
      %swap3A_238 = arith.constant 0 : i32
      %swap3A_239 = arith.index_cast %swap3A_238 : i32 to index
      %swap3A_240 = arith.index_cast %scan3A_201 : i32 to index
      %swap3A_241 = arith.constant 64 : index
      %swap3A_242 = tpu.vector_load %arg11[%swap3A_239, %swap3A_240, %swap3A_241] {strides = array<i32>} : memref<2x64x128xf32, #tpu.memory_space<vmem>>, vector<1x1x16xf32>,
      %swap3A_243 = vector.shape_cast %swap3A_242 : vector<1x1x16xf32> to vector<16xf32>
      %swap3A_244 = vector.shape_cast %broadcast_in_dim3A_237 : vector<16xf32> to vector<1x1x16xf32>
      tpu.vector_store %arg11[%swap3A_239, %swap3A_240, %swap3A_241], %swap3A_244 {strides = array<i32>} : memref<2x64x128xf32, #tpu.memory_space<vmem>>, vector<1x1x16xf32>,
      %broadcast_in_dim3A_245 = arith.constant 0.000000e+00 : f32
      %broadcast_in_dim3A_246 = vector.broadcast %broadcast_in_dim3A_245 : f32 to vector<16xf32>
      %swap3A_247 = arith.constant 0 : i32
      %swap3A_248 = arith.index_cast %swap3A_247 : i32 to index
      %swap3A_249 = arith.index_cast %scan3A_201 : i32 to index
      %swap3A_250 = arith.constant 80 : index
      %swap3A_251 = tpu.vector_load %arg11[%swap3A_248, %swap3A_249, %swap3A_250] {strides = array<i32>} : memref<2x64x128xf32, #tpu.memory_space<vmem>>, vector<1x1x16xf32>,
      %swap3A_252 = vector.shape_cast %swap3A_251 : vector<1x1x16xf32> to vector<16xf32>
      %swap3A_253 = vector.shape_cast %broadcast_in_dim3A_246 : vector<16xf32> to vector<1x1x16xf32>
      tpu.vector_store %arg11[%swap3A_248, %swap3A_249, %swap3A_250], %swap3A_253 {strides = array<i32>} : memref<2x64x128xf32, #tpu.memory_space<vmem>>, vector<1x1x16xf32>,
      %broadcast_in_dim3A_254 = arith.constant 0.000000e+00 : f32
      %broadcast_in_dim3A_255 = vector.broadcast %broadcast_in_dim3A_254 : f32 to vector<16xf32>
      %swap3A_256 = arith.constant 0 : i32
      %swap3A_257 = arith.index_cast %swap3A_256 : i32 to index
      %swap3A_258 = arith.index_cast %scan3A_201 : i32 to index
      %swap3A_259 = arith.constant 96 : index
      %swap3A_260 = tpu.vector_load %arg11[%swap3A_257, %swap3A_258, %swap3A_259] {strides = array<i32>} : memref<2x64x128xf32, #tpu.memory_space<vmem>>, vector<1x1x16xf32>,
      %swap3A_261 = vector.shape_cast %swap3A_260 : vector<1x1x16xf32> to vector<16xf32>
      %swap3A_262 = vector.shape_cast %broadcast_in_dim3A_255 : vector<16xf32> to vector<1x1x16xf32>
      tpu.vector_store %arg11[%swap3A_257, %swap3A_258, %swap3A_259], %swap3A_262 {strides = array<i32>} : memref<2x64x128xf32, #tpu.memory_space<vmem>>, vector<1x1x16xf32>,
      %broadcast_in_dim3A_263 = arith.constant 0.000000e+00 : f32
      %broadcast_in_dim3A_264 = vector.broadcast %broadcast_in_dim3A_263 : f32 to vector<16xf32>
      %swap3A_265 = arith.constant 0 : i32
      %swap3A_266 = arith.index_cast %swap3A_265 : i32 to index
      %swap3A_267 = arith.index_cast %scan3A_201 : i32 to index
      %swap3A_268 = arith.constant 112 : index
      %swap3A_269 = tpu.vector_load %arg11[%swap3A_266, %swap3A_267, %swap3A_268] {strides = array<i32>} : memref<2x64x128xf32, #tpu.memory_space<vmem>>, vector<1x1x16xf32>,
      %swap3A_270 = vector.shape_cast %swap3A_269 : vector<1x1x16xf32> to vector<16xf32>
      %swap3A_271 = vector.shape_cast %broadcast_in_dim3A_264 : vector<16xf32> to vector<1x1x16xf32>
      tpu.vector_store %arg11[%swap3A_266, %swap3A_267, %swap3A_268], %swap3A_271 {strides = array<i32>} : memref<2x64x128xf32, #tpu.memory_space<vmem>>, vector<1x1x16xf32>,
    }
    %scan3A_73 = arith.constant 40 : i32
    %add3A_74 = arith.constant 0 : i32
    %add3A_75 = arith.addi %arg1, %add3A_74 : i32
    %lt3A = arith.constant 126 : i32
    %lt3A_76 = arith.cmpi slt, %add3A_75, %lt3A : i32
    %convert_element_type3A = arith.extui %lt3A_76 : i1 to i32
    %cond3A = arith.constant 0 : i32
    %cond3A_77 = arith.cmpi ne, %convert_element_type3A, %cond3A : i32
    scf.if %cond3A_77 {
      %mul3A_201 = arith.constant 40 : i32
      %mul3A_202 = arith.muli %add3A_75, %mul3A_201 : i32
      %run_scoped3A = arith.constant 0 : i32
      "tpu.region"() ({
        %run_scoped3A_203 = tpu.sem_alloc : memref<!tpu.dma_semaphore, #tpu.memory_space<semaphore_mem>>
        %dma_start3A_204 = arith.constant 0 : i32
        %dma_start3A_205 = arith.constant 0 : i32
        %dma_start3A_206 = tpu.memref_slice %arg11[%run_scoped3A, %dma_start3A_204, %dma_start3A_205] : memref<2x64x128xf32, #tpu.memory_space<vmem>> -> memref<1x40x128xf32, #tpu.memory_space<vmem>>
        %dma_start3A_207 = tpu.memref_squeeze %dma_start3A_206 : memref<1x40x128xf32, #tpu.memory_space<vmem>> -> memref<40x128xf32, #tpu.memory_space<vmem>>
        %dma_start3A_208 = arith.constant 0 : i32
        %dma_start3A_209 = tpu.memref_slice %arg12[%mul3A_202, %dma_start3A_208] : memref<5064x128xf32, #tpu.memory_space<vmem_shared>> -> memref<40x128xf32, #tpu.memory_space<vmem_shared>>
        %dma_start3A_210 = arith.constant 0 : i32
        %dma_start3A_211 = tpu.memref_slice %arg12[%mul3A_202, %dma_start3A_210] : memref<5064x128xf32, #tpu.memory_space<vmem_shared>> -> memref<40x128xf32, #tpu.memory_space<vmem_shared>>
        %dma_start3A_212 = arith.constant 0 : i32
        %dma_start3A_213 = arith.constant 0 : i32
        %dma_start3A_214 = tpu.memref_slice %arg11[%run_scoped3A, %dma_start3A_212, %dma_start3A_213] : memref<2x64x128xf32, #tpu.memory_space<vmem>> -> memref<1x40x128xf32, #tpu.memory_space<vmem>>
        %dma_start3A_215 = tpu.memref_squeeze %dma_start3A_214 : memref<1x40x128xf32, #tpu.memory_space<vmem>> -> memref<40x128xf32, #tpu.memory_space<vmem>>
        tpu.enqueue_dma source(%dma_start3A_215 : memref<40x128xf32, #tpu.memory_space<vmem>>) target(%dma_start3A_211 : memref<40x128xf32, #tpu.memory_space<vmem_shared>>) target_semaphore(%run_scoped3A_203 : memref<!tpu.dma_semaphore, #tpu.memory_space<semaphore_mem>>)
        %dma_wait3A_216 = arith.constant 0 : i32
        %dma_wait3A_217 = arith.constant 0 : i32
        %dma_wait3A_218 = tpu.memref_slice %arg11[%run_scoped3A, %dma_wait3A_216, %dma_wait3A_217] : memref<2x64x128xf32, #tpu.memory_space<vmem>> -> memref<1x40x128xf32, #tpu.memory_space<vmem>>
        %dma_wait3A_219 = tpu.memref_squeeze %dma_wait3A_218 : memref<1x40x128xf32, #tpu.memory_space<vmem>> -> memref<40x128xf32, #tpu.memory_space<vmem>>
        %dma_wait3A_220 = arith.constant 0 : i32
        %dma_wait3A_221 = tpu.memref_slice %arg12[%mul3A_202, %dma_wait3A_220] : memref<5064x128xf32, #tpu.memory_space<vmem_shared>> -> memref<40x128xf32, #tpu.memory_space<vmem_shared>>
        %dma_wait3A_222 = arith.constant 0 : i32
        %dma_wait3A_223 = tpu.memref_slice %arg12[%mul3A_202, %dma_wait3A_222] : memref<5064x128xf32, #tpu.memory_space<vmem_shared>> -> memref<40x128xf32, #tpu.memory_space<vmem_shared>>
        %dma_wait3A_224 = arith.constant 0 : i32
        %dma_wait3A_225 = arith.constant 0 : i32
        %dma_wait3A_226 = tpu.memref_slice %arg11[%run_scoped3A, %dma_wait3A_224, %dma_wait3A_225] : memref<2x64x128xf32, #tpu.memory_space<vmem>> -> memref<1x40x128xf32, #tpu.memory_space<vmem>>
        %dma_wait3A_227 = tpu.memref_squeeze %dma_wait3A_226 : memref<1x40x128xf32, #tpu.memory_space<vmem>> -> memref<40x128xf32, #tpu.memory_space<vmem>>
        tpu.wait_dma2 semaphore(%run_scoped3A_203 : memref<!tpu.dma_semaphore, #tpu.memory_space<semaphore_mem>>) src(%dma_wait3A_227 : memref<40x128xf32, #tpu.memory_space<vmem>>) dst(%dma_wait3A_223 : memref<40x128xf32, #tpu.memory_space<vmem_shared>>)
        tpu.yield
      }) : () -> ()
    } else {
    }
    %add3A_78 = arith.constant 16 : i32
    %add3A_79 = arith.addi %arg1, %add3A_78 : i32
    %lt3A_80 = arith.constant 126 : i32
    %lt3A_81 = arith.cmpi slt, %add3A_79, %lt3A_80 : i32
    %convert_element_type3A_82 = arith.extui %lt3A_81 : i1 to i32
    %cond3A_83 = arith.constant 0 : i32
    %cond3A_84 = arith.cmpi ne, %convert_element_type3A_82, %cond3A_83 : i32
    scf.if %cond3A_84 {
      %mul3A_201 = arith.constant 40 : i32
      %mul3A_202 = arith.muli %add3A_79, %mul3A_201 : i32
      %run_scoped3A = arith.constant 0 : i32
      "tpu.region"() ({
        %run_scoped3A_203 = tpu.sem_alloc : memref<!tpu.dma_semaphore, #tpu.memory_space<semaphore_mem>>
        %dma_start3A_204 = arith.constant 0 : i32
        %dma_start3A_205 = arith.constant 0 : i32
        %dma_start3A_206 = tpu.memref_slice %arg11[%run_scoped3A, %dma_start3A_204, %dma_start3A_205] : memref<2x64x128xf32, #tpu.memory_space<vmem>> -> memref<1x40x128xf32, #tpu.memory_space<vmem>>
        %dma_start3A_207 = tpu.memref_squeeze %dma_start3A_206 : memref<1x40x128xf32, #tpu.memory_space<vmem>> -> memref<40x128xf32, #tpu.memory_space<vmem>>
        %dma_start3A_208 = arith.constant 0 : i32
        %dma_start3A_209 = tpu.memref_slice %arg12[%mul3A_202, %dma_start3A_208] : memref<5064x128xf32, #tpu.memory_space<vmem_shared>> -> memref<40x128xf32, #tpu.memory_space<vmem_shared>>
        %dma_start3A_210 = arith.constant 0 : i32
        %dma_start3A_211 = tpu.memref_slice %arg12[%mul3A_202, %dma_start3A_210] : memref<5064x128xf32, #tpu.memory_space<vmem_shared>> -> memref<40x128xf32, #tpu.memory_space<vmem_shared>>
        %dma_start3A_212 = arith.constant 0 : i32
        %dma_start3A_213 = arith.constant 0 : i32
        %dma_start3A_214 = tpu.memref_slice %arg11[%run_scoped3A, %dma_start3A_212, %dma_start3A_213] : memref<2x64x128xf32, #tpu.memory_space<vmem>> -> memref<1x40x128xf32, #tpu.memory_space<vmem>>
        %dma_start3A_215 = tpu.memref_squeeze %dma_start3A_214 : memref<1x40x128xf32, #tpu.memory_space<vmem>> -> memref<40x128xf32, #tpu.memory_space<vmem>>
        tpu.enqueue_dma source(%dma_start3A_215 : memref<40x128xf32, #tpu.memory_space<vmem>>) target(%dma_start3A_211 : memref<40x128xf32, #tpu.memory_space<vmem_shared>>) target_semaphore(%run_scoped3A_203 : memref<!tpu.dma_semaphore, #tpu.memory_space<semaphore_mem>>)
        %dma_wait3A_216 = arith.constant 0 : i32
        %dma_wait3A_217 = arith.constant 0 : i32
        %dma_wait3A_218 = tpu.memref_slice %arg11[%run_scoped3A, %dma_wait3A_216, %dma_wait3A_217] : memref<2x64x128xf32, #tpu.memory_space<vmem>> -> memref<1x40x128xf32, #tpu.memory_space<vmem>>
        %dma_wait3A_219 = tpu.memref_squeeze %dma_wait3A_218 : memref<1x40x128xf32, #tpu.memory_space<vmem>> -> memref<40x128xf32, #tpu.memory_space<vmem>>
        %dma_wait3A_220 = arith.constant 0 : i32
        %dma_wait3A_221 = tpu.memref_slice %arg12[%mul3A_202, %dma_wait3A_220] : memref<5064x128xf32, #tpu.memory_space<vmem_shared>> -> memref<40x128xf32, #tpu.memory_space<vmem_shared>>
        %dma_wait3A_222 = arith.constant 0 : i32
        %dma_wait3A_223 = tpu.memref_slice %arg12[%mul3A_202, %dma_wait3A_222] : memref<5064x128xf32, #tpu.memory_space<vmem_shared>> -> memref<40x128xf32, #tpu.memory_space<vmem_shared>>
        %dma_wait3A_224 = arith.constant 0 : i32
        %dma_wait3A_225 = arith.constant 0 : i32
        %dma_wait3A_226 = tpu.memref_slice %arg11[%run_scoped3A, %dma_wait3A_224, %dma_wait3A_225] : memref<2x64x128xf32, #tpu.memory_space<vmem>> -> memref<1x40x128xf32, #tpu.memory_space<vmem>>
        %dma_wait3A_227 = tpu.memref_squeeze %dma_wait3A_226 : memref<1x40x128xf32, #tpu.memory_space<vmem>> -> memref<40x128xf32, #tpu.memory_space<vmem>>
        tpu.wait_dma2 semaphore(%run_scoped3A_203 : memref<!tpu.dma_semaphore, #tpu.memory_space<semaphore_mem>>) src(%dma_wait3A_227 : memref<40x128xf32, #tpu.memory_space<vmem>>) dst(%dma_wait3A_223 : memref<40x128xf32, #tpu.memory_space<vmem_shared>>)
        tpu.yield
      }) : () -> ()
    } else {
    }
    %add3A_85 = arith.constant 32 : i32
    %add3A_86 = arith.addi %arg1, %add3A_85 : i32
    %lt3A_87 = arith.constant 126 : i32
    %lt3A_88 = arith.cmpi slt, %add3A_86, %lt3A_87 : i32
    %convert_element_type3A_89 = arith.extui %lt3A_88 : i1 to i32
    %cond3A_90 = arith.constant 0 : i32
    %cond3A_91 = arith.cmpi ne, %convert_element_type3A_89, %cond3A_90 : i32
    scf.if %cond3A_91 {
      %mul3A_201 = arith.constant 40 : i32
      %mul3A_202 = arith.muli %add3A_86, %mul3A_201 : i32
      %run_scoped3A = arith.constant 0 : i32
      "tpu.region"() ({
        %run_scoped3A_203 = tpu.sem_alloc : memref<!tpu.dma_semaphore, #tpu.memory_space<semaphore_mem>>
        %dma_start3A_204 = arith.constant 0 : i32
        %dma_start3A_205 = arith.constant 0 : i32
        %dma_start3A_206 = tpu.memref_slice %arg11[%run_scoped3A, %dma_start3A_204, %dma_start3A_205] : memref<2x64x128xf32, #tpu.memory_space<vmem>> -> memref<1x40x128xf32, #tpu.memory_space<vmem>>
        %dma_start3A_207 = tpu.memref_squeeze %dma_start3A_206 : memref<1x40x128xf32, #tpu.memory_space<vmem>> -> memref<40x128xf32, #tpu.memory_space<vmem>>
        %dma_start3A_208 = arith.constant 0 : i32
        %dma_start3A_209 = tpu.memref_slice %arg12[%mul3A_202, %dma_start3A_208] : memref<5064x128xf32, #tpu.memory_space<vmem_shared>> -> memref<40x128xf32, #tpu.memory_space<vmem_shared>>
        %dma_start3A_210 = arith.constant 0 : i32
        %dma_start3A_211 = tpu.memref_slice %arg12[%mul3A_202, %dma_start3A_210] : memref<5064x128xf32, #tpu.memory_space<vmem_shared>> -> memref<40x128xf32, #tpu.memory_space<vmem_shared>>
        %dma_start3A_212 = arith.constant 0 : i32
        %dma_start3A_213 = arith.constant 0 : i32
        %dma_start3A_214 = tpu.memref_slice %arg11[%run_scoped3A, %dma_start3A_212, %dma_start3A_213] : memref<2x64x128xf32, #tpu.memory_space<vmem>> -> memref<1x40x128xf32, #tpu.memory_space<vmem>>
        %dma_start3A_215 = tpu.memref_squeeze %dma_start3A_214 : memref<1x40x128xf32, #tpu.memory_space<vmem>> -> memref<40x128xf32, #tpu.memory_space<vmem>>
        tpu.enqueue_dma source(%dma_start3A_215 : memref<40x128xf32, #tpu.memory_space<vmem>>) target(%dma_start3A_211 : memref<40x128xf32, #tpu.memory_space<vmem_shared>>) target_semaphore(%run_scoped3A_203 : memref<!tpu.dma_semaphore, #tpu.memory_space<semaphore_mem>>)
        %dma_wait3A_216 = arith.constant 0 : i32
        %dma_wait3A_217 = arith.constant 0 : i32
        %dma_wait3A_218 = tpu.memref_slice %arg11[%run_scoped3A, %dma_wait3A_216, %dma_wait3A_217] : memref<2x64x128xf32, #tpu.memory_space<vmem>> -> memref<1x40x128xf32, #tpu.memory_space<vmem>>
        %dma_wait3A_219 = tpu.memref_squeeze %dma_wait3A_218 : memref<1x40x128xf32, #tpu.memory_space<vmem>> -> memref<40x128xf32, #tpu.memory_space<vmem>>
        %dma_wait3A_220 = arith.constant 0 : i32
        %dma_wait3A_221 = tpu.memref_slice %arg12[%mul3A_202, %dma_wait3A_220] : memref<5064x128xf32, #tpu.memory_space<vmem_shared>> -> memref<40x128xf32, #tpu.memory_space<vmem_shared>>
        %dma_wait3A_222 = arith.constant 0 : i32
        %dma_wait3A_223 = tpu.memref_slice %arg12[%mul3A_202, %dma_wait3A_222] : memref<5064x128xf32, #tpu.memory_space<vmem_shared>> -> memref<40x128xf32, #tpu.memory_space<vmem_shared>>
        %dma_wait3A_224 = arith.constant 0 : i32
        %dma_wait3A_225 = arith.constant 0 : i32
        %dma_wait3A_226 = tpu.memref_slice %arg11[%run_scoped3A, %dma_wait3A_224, %dma_wait3A_225] : memref<2x64x128xf32, #tpu.memory_space<vmem>> -> memref<1x40x128xf32, #tpu.memory_space<vmem>>
        %dma_wait3A_227 = tpu.memref_squeeze %dma_wait3A_226 : memref<1x40x128xf32, #tpu.memory_space<vmem>> -> memref<40x128xf32, #tpu.memory_space<vmem>>
        tpu.wait_dma2 semaphore(%run_scoped3A_203 : memref<!tpu.dma_semaphore, #tpu.memory_space<semaphore_mem>>) src(%dma_wait3A_227 : memref<40x128xf32, #tpu.memory_space<vmem>>) dst(%dma_wait3A_223 : memref<40x128xf32, #tpu.memory_space<vmem_shared>>)
        tpu.yield
      }) : () -> ()
    } else {
    }
    %add3A_92 = arith.constant 48 : i32
    %add3A_93 = arith.addi %arg1, %add3A_92 : i32
    %lt3A_94 = arith.constant 126 : i32
    %lt3A_95 = arith.cmpi slt, %add3A_93, %lt3A_94 : i32
    %convert_element_type3A_96 = arith.extui %lt3A_95 : i1 to i32
    %cond3A_97 = arith.constant 0 : i32
    %cond3A_98 = arith.cmpi ne, %convert_element_type3A_96, %cond3A_97 : i32
    scf.if %cond3A_98 {
      %mul3A_201 = arith.constant 40 : i32
      %mul3A_202 = arith.muli %add3A_93, %mul3A_201 : i32
      %run_scoped3A = arith.constant 0 : i32
      "tpu.region"() ({
        %run_scoped3A_203 = tpu.sem_alloc : memref<!tpu.dma_semaphore, #tpu.memory_space<semaphore_mem>>
        %dma_start3A_204 = arith.constant 0 : i32
        %dma_start3A_205 = arith.constant 0 : i32
        %dma_start3A_206 = tpu.memref_slice %arg11[%run_scoped3A, %dma_start3A_204, %dma_start3A_205] : memref<2x64x128xf32, #tpu.memory_space<vmem>> -> memref<1x40x128xf32, #tpu.memory_space<vmem>>
        %dma_start3A_207 = tpu.memref_squeeze %dma_start3A_206 : memref<1x40x128xf32, #tpu.memory_space<vmem>> -> memref<40x128xf32, #tpu.memory_space<vmem>>
        %dma_start3A_208 = arith.constant 0 : i32
        %dma_start3A_209 = tpu.memref_slice %arg12[%mul3A_202, %dma_start3A_208] : memref<5064x128xf32, #tpu.memory_space<vmem_shared>> -> memref<40x128xf32, #tpu.memory_space<vmem_shared>>
        %dma_start3A_210 = arith.constant 0 : i32
        %dma_start3A_211 = tpu.memref_slice %arg12[%mul3A_202, %dma_start3A_210] : memref<5064x128xf32, #tpu.memory_space<vmem_shared>> -> memref<40x128xf32, #tpu.memory_space<vmem_shared>>
        %dma_start3A_212 = arith.constant 0 : i32
        %dma_start3A_213 = arith.constant 0 : i32
        %dma_start3A_214 = tpu.memref_slice %arg11[%run_scoped3A, %dma_start3A_212, %dma_start3A_213] : memref<2x64x128xf32, #tpu.memory_space<vmem>> -> memref<1x40x128xf32, #tpu.memory_space<vmem>>
        %dma_start3A_215 = tpu.memref_squeeze %dma_start3A_214 : memref<1x40x128xf32, #tpu.memory_space<vmem>> -> memref<40x128xf32, #tpu.memory_space<vmem>>
        tpu.enqueue_dma source(%dma_start3A_215 : memref<40x128xf32, #tpu.memory_space<vmem>>) target(%dma_start3A_211 : memref<40x128xf32, #tpu.memory_space<vmem_shared>>) target_semaphore(%run_scoped3A_203 : memref<!tpu.dma_semaphore, #tpu.memory_space<semaphore_mem>>)
        %dma_wait3A_216 = arith.constant 0 : i32
        %dma_wait3A_217 = arith.constant 0 : i32
        %dma_wait3A_218 = tpu.memref_slice %arg11[%run_scoped3A, %dma_wait3A_216, %dma_wait3A_217] : memref<2x64x128xf32, #tpu.memory_space<vmem>> -> memref<1x40x128xf32, #tpu.memory_space<vmem>>
        %dma_wait3A_219 = tpu.memref_squeeze %dma_wait3A_218 : memref<1x40x128xf32, #tpu.memory_space<vmem>> -> memref<40x128xf32, #tpu.memory_space<vmem>>
        %dma_wait3A_220 = arith.constant 0 : i32
        %dma_wait3A_221 = tpu.memref_slice %arg12[%mul3A_202, %dma_wait3A_220] : memref<5064x128xf32, #tpu.memory_space<vmem_shared>> -> memref<40x128xf32, #tpu.memory_space<vmem_shared>>
        %dma_wait3A_222 = arith.constant 0 : i32
        %dma_wait3A_223 = tpu.memref_slice %arg12[%mul3A_202, %dma_wait3A_222] : memref<5064x128xf32, #tpu.memory_space<vmem_shared>> -> memref<40x128xf32, #tpu.memory_space<vmem_shared>>
        %dma_wait3A_224 = arith.constant 0 : i32
        %dma_wait3A_225 = arith.constant 0 : i32
        %dma_wait3A_226 = tpu.memref_slice %arg11[%run_scoped3A, %dma_wait3A_224, %dma_wait3A_225] : memref<2x64x128xf32, #tpu.memory_space<vmem>> -> memref<1x40x128xf32, #tpu.memory_space<vmem>>
        %dma_wait3A_227 = tpu.memref_squeeze %dma_wait3A_226 : memref<1x40x128xf32, #tpu.memory_space<vmem>> -> memref<40x128xf32, #tpu.memory_space<vmem>>
        tpu.wait_dma2 semaphore(%run_scoped3A_203 : memref<!tpu.dma_semaphore, #tpu.memory_space<semaphore_mem>>) src(%dma_wait3A_227 : memref<40x128xf32, #tpu.memory_space<vmem>>) dst(%dma_wait3A_223 : memref<40x128xf32, #tpu.memory_space<vmem_shared>>)
        tpu.yield
      }) : () -> ()
    } else {
    }
    %add3A_99 = arith.constant 64 : i32
    %add3A_100 = arith.addi %arg1, %add3A_99 : i32
    %lt3A_101 = arith.constant 126 : i32
    %lt3A_102 = arith.cmpi slt, %add3A_100, %lt3A_101 : i32
    %convert_element_type3A_103 = arith.extui %lt3A_102 : i1 to i32
    %cond3A_104 = arith.constant 0 : i32
    %cond3A_105 = arith.cmpi ne, %convert_element_type3A_103, %cond3A_104 : i32
    scf.if %cond3A_105 {
      %mul3A_201 = arith.constant 40 : i32
      %mul3A_202 = arith.muli %add3A_100, %mul3A_201 : i32
      %run_scoped3A = arith.constant 0 : i32
      "tpu.region"() ({
        %run_scoped3A_203 = tpu.sem_alloc : memref<!tpu.dma_semaphore, #tpu.memory_space<semaphore_mem>>
        %dma_start3A_204 = arith.constant 0 : i32
        %dma_start3A_205 = arith.constant 0 : i32
        %dma_start3A_206 = tpu.memref_slice %arg11[%run_scoped3A, %dma_start3A_204, %dma_start3A_205] : memref<2x64x128xf32, #tpu.memory_space<vmem>> -> memref<1x40x128xf32, #tpu.memory_space<vmem>>
        %dma_start3A_207 = tpu.memref_squeeze %dma_start3A_206 : memref<1x40x128xf32, #tpu.memory_space<vmem>> -> memref<40x128xf32, #tpu.memory_space<vmem>>
        %dma_start3A_208 = arith.constant 0 : i32
        %dma_start3A_209 = tpu.memref_slice %arg12[%mul3A_202, %dma_start3A_208] : memref<5064x128xf32, #tpu.memory_space<vmem_shared>> -> memref<40x128xf32, #tpu.memory_space<vmem_shared>>
        %dma_start3A_210 = arith.constant 0 : i32
        %dma_start3A_211 = tpu.memref_slice %arg12[%mul3A_202, %dma_start3A_210] : memref<5064x128xf32, #tpu.memory_space<vmem_shared>> -> memref<40x128xf32, #tpu.memory_space<vmem_shared>>
        %dma_start3A_212 = arith.constant 0 : i32
        %dma_start3A_213 = arith.constant 0 : i32
        %dma_start3A_214 = tpu.memref_slice %arg11[%run_scoped3A, %dma_start3A_212, %dma_start3A_213] : memref<2x64x128xf32, #tpu.memory_space<vmem>> -> memref<1x40x128xf32, #tpu.memory_space<vmem>>
        %dma_start3A_215 = tpu.memref_squeeze %dma_start3A_214 : memref<1x40x128xf32, #tpu.memory_space<vmem>> -> memref<40x128xf32, #tpu.memory_space<vmem>>
        tpu.enqueue_dma source(%dma_start3A_215 : memref<40x128xf32, #tpu.memory_space<vmem>>) target(%dma_start3A_211 : memref<40x128xf32, #tpu.memory_space<vmem_shared>>) target_semaphore(%run_scoped3A_203 : memref<!tpu.dma_semaphore, #tpu.memory_space<semaphore_mem>>)
        %dma_wait3A_216 = arith.constant 0 : i32
        %dma_wait3A_217 = arith.constant 0 : i32
        %dma_wait3A_218 = tpu.memref_slice %arg11[%run_scoped3A, %dma_wait3A_216, %dma_wait3A_217] : memref<2x64x128xf32, #tpu.memory_space<vmem>> -> memref<1x40x128xf32, #tpu.memory_space<vmem>>
        %dma_wait3A_219 = tpu.memref_squeeze %dma_wait3A_218 : memref<1x40x128xf32, #tpu.memory_space<vmem>> -> memref<40x128xf32, #tpu.memory_space<vmem>>
        %dma_wait3A_220 = arith.constant 0 : i32
        %dma_wait3A_221 = tpu.memref_slice %arg12[%mul3A_202, %dma_wait3A_220] : memref<5064x128xf32, #tpu.memory_space<vmem_shared>> -> memref<40x128xf32, #tpu.memory_space<vmem_shared>>
        %dma_wait3A_222 = arith.constant 0 : i32
        %dma_wait3A_223 = tpu.memref_slice %arg12[%mul3A_202, %dma_wait3A_222] : memref<5064x128xf32, #tpu.memory_space<vmem_shared>> -> memref<40x128xf32, #tpu.memory_space<vmem_shared>>
        %dma_wait3A_224 = arith.constant 0 : i32
        %dma_wait3A_225 = arith.constant 0 : i32
        %dma_wait3A_226 = tpu.memref_slice %arg11[%run_scoped3A, %dma_wait3A_224, %dma_wait3A_225] : memref<2x64x128xf32, #tpu.memory_space<vmem>> -> memref<1x40x128xf32, #tpu.memory_space<vmem>>
        %dma_wait3A_227 = tpu.memref_squeeze %dma_wait3A_226 : memref<1x40x128xf32, #tpu.memory_space<vmem>> -> memref<40x128xf32, #tpu.memory_space<vmem>>
        tpu.wait_dma2 semaphore(%run_scoped3A_203 : memref<!tpu.dma_semaphore, #tpu.memory_space<semaphore_mem>>) src(%dma_wait3A_227 : memref<40x128xf32, #tpu.memory_space<vmem>>) dst(%dma_wait3A_223 : memref<40x128xf32, #tpu.memory_space<vmem_shared>>)
        tpu.yield
      }) : () -> ()
    } else {
    }
    %add3A_106 = arith.constant 80 : i32
    %add3A_107 = arith.addi %arg1, %add3A_106 : i32
    %lt3A_108 = arith.constant 126 : i32
    %lt3A_109 = arith.cmpi slt, %add3A_107, %lt3A_108 : i32
    %convert_element_type3A_110 = arith.extui %lt3A_109 : i1 to i32
    %cond3A_111 = arith.constant 0 : i32
    %cond3A_112 = arith.cmpi ne, %convert_element_type3A_110, %cond3A_111 : i32
    scf.if %cond3A_112 {
      %mul3A_201 = arith.constant 40 : i32
      %mul3A_202 = arith.muli %add3A_107, %mul3A_201 : i32
      %run_scoped3A = arith.constant 0 : i32
      "tpu.region"() ({
        %run_scoped3A_203 = tpu.sem_alloc : memref<!tpu.dma_semaphore, #tpu.memory_space<semaphore_mem>>
        %dma_start3A_204 = arith.constant 0 : i32
        %dma_start3A_205 = arith.constant 0 : i32
        %dma_start3A_206 = tpu.memref_slice %arg11[%run_scoped3A, %dma_start3A_204, %dma_start3A_205] : memref<2x64x128xf32, #tpu.memory_space<vmem>> -> memref<1x40x128xf32, #tpu.memory_space<vmem>>
        %dma_start3A_207 = tpu.memref_squeeze %dma_start3A_206 : memref<1x40x128xf32, #tpu.memory_space<vmem>> -> memref<40x128xf32, #tpu.memory_space<vmem>>
        %dma_start3A_208 = arith.constant 0 : i32
        %dma_start3A_209 = tpu.memref_slice %arg12[%mul3A_202, %dma_start3A_208] : memref<5064x128xf32, #tpu.memory_space<vmem_shared>> -> memref<40x128xf32, #tpu.memory_space<vmem_shared>>
        %dma_start3A_210 = arith.constant 0 : i32
        %dma_start3A_211 = tpu.memref_slice %arg12[%mul3A_202, %dma_start3A_210] : memref<5064x128xf32, #tpu.memory_space<vmem_shared>> -> memref<40x128xf32, #tpu.memory_space<vmem_shared>>
        %dma_start3A_212 = arith.constant 0 : i32
        %dma_start3A_213 = arith.constant 0 : i32
        %dma_start3A_214 = tpu.memref_slice %arg11[%run_scoped3A, %dma_start3A_212, %dma_start3A_213] : memref<2x64x128xf32, #tpu.memory_space<vmem>> -> memref<1x40x128xf32, #tpu.memory_space<vmem>>
        %dma_start3A_215 = tpu.memref_squeeze %dma_start3A_214 : memref<1x40x128xf32, #tpu.memory_space<vmem>> -> memref<40x128xf32, #tpu.memory_space<vmem>>
        tpu.enqueue_dma source(%dma_start3A_215 : memref<40x128xf32, #tpu.memory_space<vmem>>) target(%dma_start3A_211 : memref<40x128xf32, #tpu.memory_space<vmem_shared>>) target_semaphore(%run_scoped3A_203 : memref<!tpu.dma_semaphore, #tpu.memory_space<semaphore_mem>>)
        %dma_wait3A_216 = arith.constant 0 : i32
        %dma_wait3A_217 = arith.constant 0 : i32
        %dma_wait3A_218 = tpu.memref_slice %arg11[%run_scoped3A, %dma_wait3A_216, %dma_wait3A_217] : memref<2x64x128xf32, #tpu.memory_space<vmem>> -> memref<1x40x128xf32, #tpu.memory_space<vmem>>
        %dma_wait3A_219 = tpu.memref_squeeze %dma_wait3A_218 : memref<1x40x128xf32, #tpu.memory_space<vmem>> -> memref<40x128xf32, #tpu.memory_space<vmem>>
        %dma_wait3A_220 = arith.constant 0 : i32
        %dma_wait3A_221 = tpu.memref_slice %arg12[%mul3A_202, %dma_wait3A_220] : memref<5064x128xf32, #tpu.memory_space<vmem_shared>> -> memref<40x128xf32, #tpu.memory_space<vmem_shared>>
        %dma_wait3A_222 = arith.constant 0 : i32
        %dma_wait3A_223 = tpu.memref_slice %arg12[%mul3A_202, %dma_wait3A_222] : memref<5064x128xf32, #tpu.memory_space<vmem_shared>> -> memref<40x128xf32, #tpu.memory_space<vmem_shared>>
        %dma_wait3A_224 = arith.constant 0 : i32
        %dma_wait3A_225 = arith.constant 0 : i32
        %dma_wait3A_226 = tpu.memref_slice %arg11[%run_scoped3A, %dma_wait3A_224, %dma_wait3A_225] : memref<2x64x128xf32, #tpu.memory_space<vmem>> -> memref<1x40x128xf32, #tpu.memory_space<vmem>>
        %dma_wait3A_227 = tpu.memref_squeeze %dma_wait3A_226 : memref<1x40x128xf32, #tpu.memory_space<vmem>> -> memref<40x128xf32, #tpu.memory_space<vmem>>
        tpu.wait_dma2 semaphore(%run_scoped3A_203 : memref<!tpu.dma_semaphore, #tpu.memory_space<semaphore_mem>>) src(%dma_wait3A_227 : memref<40x128xf32, #tpu.memory_space<vmem>>) dst(%dma_wait3A_223 : memref<40x128xf32, #tpu.memory_space<vmem_shared>>)
        tpu.yield
      }) : () -> ()
    } else {
    }
    %add3A_113 = arith.constant 96 : i32
    %add3A_114 = arith.addi %arg1, %add3A_113 : i32
    %lt3A_115 = arith.constant 126 : i32
    %lt3A_116 = arith.cmpi slt, %add3A_114, %lt3A_115 : i32
    %convert_element_type3A_117 = arith.extui %lt3A_116 : i1 to i32
    %cond3A_118 = arith.constant 0 : i32
    %cond3A_119 = arith.cmpi ne, %convert_element_type3A_117, %cond3A_118 : i32
    scf.if %cond3A_119 {
      %mul3A_201 = arith.constant 40 : i32
      %mul3A_202 = arith.muli %add3A_114, %mul3A_201 : i32
      %run_scoped3A = arith.constant 0 : i32
      "tpu.region"() ({
        %run_scoped3A_203 = tpu.sem_alloc : memref<!tpu.dma_semaphore, #tpu.memory_space<semaphore_mem>>
        %dma_start3A_204 = arith.constant 0 : i32
        %dma_start3A_205 = arith.constant 0 : i32
        %dma_start3A_206 = tpu.memref_slice %arg11[%run_scoped3A, %dma_start3A_204, %dma_start3A_205] : memref<2x64x128xf32, #tpu.memory_space<vmem>> -> memref<1x40x128xf32, #tpu.memory_space<vmem>>
        %dma_start3A_207 = tpu.memref_squeeze %dma_start3A_206 : memref<1x40x128xf32, #tpu.memory_space<vmem>> -> memref<40x128xf32, #tpu.memory_space<vmem>>
        %dma_start3A_208 = arith.constant 0 : i32
        %dma_start3A_209 = tpu.memref_slice %arg12[%mul3A_202, %dma_start3A_208] : memref<5064x128xf32, #tpu.memory_space<vmem_shared>> -> memref<40x128xf32, #tpu.memory_space<vmem_shared>>
        %dma_start3A_210 = arith.constant 0 : i32
        %dma_start3A_211 = tpu.memref_slice %arg12[%mul3A_202, %dma_start3A_210] : memref<5064x128xf32, #tpu.memory_space<vmem_shared>> -> memref<40x128xf32, #tpu.memory_space<vmem_shared>>
        %dma_start3A_212 = arith.constant 0 : i32
        %dma_start3A_213 = arith.constant 0 : i32
        %dma_start3A_214 = tpu.memref_slice %arg11[%run_scoped3A, %dma_start3A_212, %dma_start3A_213] : memref<2x64x128xf32, #tpu.memory_space<vmem>> -> memref<1x40x128xf32, #tpu.memory_space<vmem>>
        %dma_start3A_215 = tpu.memref_squeeze %dma_start3A_214 : memref<1x40x128xf32, #tpu.memory_space<vmem>> -> memref<40x128xf32, #tpu.memory_space<vmem>>
        tpu.enqueue_dma source(%dma_start3A_215 : memref<40x128xf32, #tpu.memory_space<vmem>>) target(%dma_start3A_211 : memref<40x128xf32, #tpu.memory_space<vmem_shared>>) target_semaphore(%run_scoped3A_203 : memref<!tpu.dma_semaphore, #tpu.memory_space<semaphore_mem>>)
        %dma_wait3A_216 = arith.constant 0 : i32
        %dma_wait3A_217 = arith.constant 0 : i32
        %dma_wait3A_218 = tpu.memref_slice %arg11[%run_scoped3A, %dma_wait3A_216, %dma_wait3A_217] : memref<2x64x128xf32, #tpu.memory_space<vmem>> -> memref<1x40x128xf32, #tpu.memory_space<vmem>>
        %dma_wait3A_219 = tpu.memref_squeeze %dma_wait3A_218 : memref<1x40x128xf32, #tpu.memory_space<vmem>> -> memref<40x128xf32, #tpu.memory_space<vmem>>
        %dma_wait3A_220 = arith.constant 0 : i32
        %dma_wait3A_221 = tpu.memref_slice %arg12[%mul3A_202, %dma_wait3A_220] : memref<5064x128xf32, #tpu.memory_space<vmem_shared>> -> memref<40x128xf32, #tpu.memory_space<vmem_shared>>
        %dma_wait3A_222 = arith.constant 0 : i32
        %dma_wait3A_223 = tpu.memref_slice %arg12[%mul3A_202, %dma_wait3A_222] : memref<5064x128xf32, #tpu.memory_space<vmem_shared>> -> memref<40x128xf32, #tpu.memory_space<vmem_shared>>
        %dma_wait3A_224 = arith.constant 0 : i32
        %dma_wait3A_225 = arith.constant 0 : i32
        %dma_wait3A_226 = tpu.memref_slice %arg11[%run_scoped3A, %dma_wait3A_224, %dma_wait3A_225] : memref<2x64x128xf32, #tpu.memory_space<vmem>> -> memref<1x40x128xf32, #tpu.memory_space<vmem>>
        %dma_wait3A_227 = tpu.memref_squeeze %dma_wait3A_226 : memref<1x40x128xf32, #tpu.memory_space<vmem>> -> memref<40x128xf32, #tpu.memory_space<vmem>>
        tpu.wait_dma2 semaphore(%run_scoped3A_203 : memref<!tpu.dma_semaphore, #tpu.memory_space<semaphore_mem>>) src(%dma_wait3A_227 : memref<40x128xf32, #tpu.memory_space<vmem>>) dst(%dma_wait3A_223 : memref<40x128xf32, #tpu.memory_space<vmem_shared>>)
        tpu.yield
      }) : () -> ()
    } else {
    }
    %add3A_120 = arith.constant 112 : i32
    %add3A_121 = arith.addi %arg1, %add3A_120 : i32
    %lt3A_122 = arith.constant 126 : i32
    %lt3A_123 = arith.cmpi slt, %add3A_121, %lt3A_122 : i32
    %convert_element_type3A_124 = arith.extui %lt3A_123 : i1 to i32
    %cond3A_125 = arith.constant 0 : i32
    %cond3A_126 = arith.cmpi ne, %convert_element_type3A_124, %cond3A_125 : i32
    scf.if %cond3A_126 {
      %mul3A_201 = arith.constant 40 : i32
      %mul3A_202 = arith.muli %add3A_121, %mul3A_201 : i32
      %run_scoped3A = arith.constant 0 : i32
      "tpu.region"() ({
        %run_scoped3A_203 = tpu.sem_alloc : memref<!tpu.dma_semaphore, #tpu.memory_space<semaphore_mem>>
        %dma_start3A_204 = arith.constant 0 : i32
        %dma_start3A_205 = arith.constant 0 : i32
        %dma_start3A_206 = tpu.memref_slice %arg11[%run_scoped3A, %dma_start3A_204, %dma_start3A_205] : memref<2x64x128xf32, #tpu.memory_space<vmem>> -> memref<1x40x128xf32, #tpu.memory_space<vmem>>
        %dma_start3A_207 = tpu.memref_squeeze %dma_start3A_206 : memref<1x40x128xf32, #tpu.memory_space<vmem>> -> memref<40x128xf32, #tpu.memory_space<vmem>>
        %dma_start3A_208 = arith.constant 0 : i32
        %dma_start3A_209 = tpu.memref_slice %arg12[%mul3A_202, %dma_start3A_208] : memref<5064x128xf32, #tpu.memory_space<vmem_shared>> -> memref<40x128xf32, #tpu.memory_space<vmem_shared>>
        %dma_start3A_210 = arith.constant 0 : i32
        %dma_start3A_211 = tpu.memref_slice %arg12[%mul3A_202, %dma_start3A_210] : memref<5064x128xf32, #tpu.memory_space<vmem_shared>> -> memref<40x128xf32, #tpu.memory_space<vmem_shared>>
        %dma_start3A_212 = arith.constant 0 : i32
        %dma_start3A_213 = arith.constant 0 : i32
        %dma_start3A_214 = tpu.memref_slice %arg11[%run_scoped3A, %dma_start3A_212, %dma_start3A_213] : memref<2x64x128xf32, #tpu.memory_space<vmem>> -> memref<1x40x128xf32, #tpu.memory_space<vmem>>
        %dma_start3A_215 = tpu.memref_squeeze %dma_start3A_214 : memref<1x40x128xf32, #tpu.memory_space<vmem>> -> memref<40x128xf32, #tpu.memory_space<vmem>>
        tpu.enqueue_dma source(%dma_start3A_215 : memref<40x128xf32, #tpu.memory_space<vmem>>) target(%dma_start3A_211 : memref<40x128xf32, #tpu.memory_space<vmem_shared>>) target_semaphore(%run_scoped3A_203 : memref<!tpu.dma_semaphore, #tpu.memory_space<semaphore_mem>>)
        %dma_wait3A_216 = arith.constant 0 : i32
        %dma_wait3A_217 = arith.constant 0 : i32
        %dma_wait3A_218 = tpu.memref_slice %arg11[%run_scoped3A, %dma_wait3A_216, %dma_wait3A_217] : memref<2x64x128xf32, #tpu.memory_space<vmem>> -> memref<1x40x128xf32, #tpu.memory_space<vmem>>
        %dma_wait3A_219 = tpu.memref_squeeze %dma_wait3A_218 : memref<1x40x128xf32, #tpu.memory_space<vmem>> -> memref<40x128xf32, #tpu.memory_space<vmem>>
        %dma_wait3A_220 = arith.constant 0 : i32
        %dma_wait3A_221 = tpu.memref_slice %arg12[%mul3A_202, %dma_wait3A_220] : memref<5064x128xf32, #tpu.memory_space<vmem_shared>> -> memref<40x128xf32, #tpu.memory_space<vmem_shared>>
        %dma_wait3A_222 = arith.constant 0 : i32
        %dma_wait3A_223 = tpu.memref_slice %arg12[%mul3A_202, %dma_wait3A_222] : memref<5064x128xf32, #tpu.memory_space<vmem_shared>> -> memref<40x128xf32, #tpu.memory_space<vmem_shared>>
        %dma_wait3A_224 = arith.constant 0 : i32
        %dma_wait3A_225 = arith.constant 0 : i32
        %dma_wait3A_226 = tpu.memref_slice %arg11[%run_scoped3A, %dma_wait3A_224, %dma_wait3A_225] : memref<2x64x128xf32, #tpu.memory_space<vmem>> -> memref<1x40x128xf32, #tpu.memory_space<vmem>>
        %dma_wait3A_227 = tpu.memref_squeeze %dma_wait3A_226 : memref<1x40x128xf32, #tpu.memory_space<vmem>> -> memref<40x128xf32, #tpu.memory_space<vmem>>
        tpu.wait_dma2 semaphore(%run_scoped3A_203 : memref<!tpu.dma_semaphore, #tpu.memory_space<semaphore_mem>>) src(%dma_wait3A_227 : memref<40x128xf32, #tpu.memory_space<vmem>>) dst(%dma_wait3A_223 : memref<40x128xf32, #tpu.memory_space<vmem_shared>>)
        tpu.yield
      }) : () -> ()
    } else {
    }
    %barrier3A = arith.constant 0 : index
    tpu.barrier barrier_id(%barrier3A)
    %scan3A_127 = arith.constant 0 : i32
    %scan3A_128 = arith.constant 0 : i32
    %scan3A_129 = arith.constant 80 : i32
    %scan3A_130 = arith.addi %scan3A_128, %scan3A_129 : i32
    %scan3A_131 = arith.constant 1 : i32
    scf.for %scan3A_201 = %scan3A_128 to %scan3A_130 step %scan3A_131  : i32 {
      %mul3A_202 = arith.constant 2 : i32
      %mul3A_203 = arith.muli %mul3A_202, %scan3A_201 : i32
      %dma_wait3A_204 = arith.constant 0 : i32
      %dma_wait3A_205 = arith.constant 0 : i32
      %dma_wait3A_206 = arith.constant 0 : i32
      %dma_wait3A_207 = tpu.memref_slice %arg9[%dma_wait3A_204, %dma_wait3A_205, %dma_wait3A_206] : memref<2x64x128xf32, #tpu.memory_space<vmem>> -> memref<1x64x128xf32, #tpu.memory_space<vmem>>
      %dma_wait3A_208 = tpu.memref_squeeze %dma_wait3A_207 : memref<1x64x128xf32, #tpu.memory_space<vmem>> -> memref<64x128xf32, #tpu.memory_space<vmem>>
      %dma_wait3A_209 = arith.constant 0 : i32
      %dma_wait3A_210 = arith.constant 0 : i32
      %dma_wait3A_211 = tpu.memref_slice %arg2[%dma_wait3A_209, %dma_wait3A_210] : memref<20000x128xf32, #tpu.memory_space<hbm>> -> memref<64x128xf32, #tpu.memory_space<hbm>>
      %dma_wait3A_212 = arith.constant 0 : i32
      %dma_wait3A_213 = arith.constant 0 : i32
      %dma_wait3A_214 = tpu.memref_slice %arg9[%dma_wait3A_204, %dma_wait3A_212, %dma_wait3A_213] : memref<2x64x128xf32, #tpu.memory_space<vmem>> -> memref<1x64x128xf32, #tpu.memory_space<vmem>>
      %dma_wait3A_215 = tpu.memref_squeeze %dma_wait3A_214 : memref<1x64x128xf32, #tpu.memory_space<vmem>> -> memref<64x128xf32, #tpu.memory_space<vmem>>
      %dma_wait3A_216 = arith.constant 0 : i32
      %dma_wait3A_217 = arith.constant 0 : i32
      %dma_wait3A_218 = tpu.memref_slice %arg2[%dma_wait3A_216, %dma_wait3A_217] : memref<20000x128xf32, #tpu.memory_space<hbm>> -> memref<64x128xf32, #tpu.memory_space<hbm>>
      tpu.wait_dma2 semaphore(%arg13 : memref<!tpu.dma_semaphore, #tpu.memory_space<semaphore_mem>>) src(%dma_wait3A_218 : memref<64x128xf32, #tpu.memory_space<hbm>>) dst(%dma_wait3A_215 : memref<64x128xf32, #tpu.memory_space<vmem>>)
      %dma_wait3A_219 = arith.constant 0 : i32
      %dma_wait3A_220 = arith.constant 0 : i32
      %dma_wait3A_221 = arith.constant 0 : i32
      %dma_wait3A_222 = tpu.memref_slice %arg10[%dma_wait3A_219, %dma_wait3A_220, %dma_wait3A_221] : memref<2x64x128xf32, #tpu.memory_space<vmem>> -> memref<1x64x128xf32, #tpu.memory_space<vmem>>
      %dma_wait3A_223 = tpu.memref_squeeze %dma_wait3A_222 : memref<1x64x128xf32, #tpu.memory_space<vmem>> -> memref<64x128xf32, #tpu.memory_space<vmem>>
      %dma_wait3A_224 = arith.constant 0 : i32
      %dma_wait3A_225 = arith.constant 0 : i32
      %dma_wait3A_226 = tpu.memref_slice %arg3[%dma_wait3A_224, %dma_wait3A_225] : memref<327680x128xf32, #tpu.memory_space<hbm>> -> memref<64x128xf32, #tpu.memory_space<hbm>>
      %dma_wait3A_227 = arith.constant 0 : i32
      %dma_wait3A_228 = arith.constant 0 : i32
      %dma_wait3A_229 = tpu.memref_slice %arg10[%dma_wait3A_219, %dma_wait3A_227, %dma_wait3A_228] : memref<2x64x128xf32, #tpu.memory_space<vmem>> -> memref<1x64x128xf32, #tpu.memory_space<vmem>>
      %dma_wait3A_230 = tpu.memref_squeeze %dma_wait3A_229 : memref<1x64x128xf32, #tpu.memory_space<vmem>> -> memref<64x128xf32, #tpu.memory_space<vmem>>
      %dma_wait3A_231 = arith.constant 0 : i32
      %dma_wait3A_232 = arith.constant 0 : i32
      %dma_wait3A_233 = tpu.memref_slice %arg3[%dma_wait3A_231, %dma_wait3A_232] : memref<327680x128xf32, #tpu.memory_space<hbm>> -> memref<64x128xf32, #tpu.memory_space<hbm>>
      tpu.wait_dma2 semaphore(%arg15 : memref<!tpu.dma_semaphore, #tpu.memory_space<semaphore_mem>>) src(%dma_wait3A_233 : memref<64x128xf32, #tpu.memory_space<hbm>>) dst(%dma_wait3A_230 : memref<64x128xf32, #tpu.memory_space<vmem>>)
      %ge3A = arith.constant 2 : i32
      %ge3A_234 = arith.cmpi sge, %mul3A_203, %ge3A : i32
      %convert_element_type3A_235 = arith.extui %ge3A_234 : i1 to i32
      %cond3A_236 = arith.constant 0 : i32
      %cond3A_237 = arith.cmpi ne, %convert_element_type3A_235, %cond3A_236 : i32
      scf.if %cond3A_237 {
        %dma_wait3A_325 = arith.constant 0 : i32
        %dma_wait3A_326 = arith.constant 0 : i32
        %dma_wait3A_327 = tpu.memref_slice %arg12[%dma_wait3A_325, %dma_wait3A_326] : memref<5064x128xf32, #tpu.memory_space<vmem_shared>> -> memref<64x128xf32, #tpu.memory_space<vmem_shared>>
        %dma_wait3A_328 = arith.constant 0 : i32
        %dma_wait3A_329 = arith.constant 0 : i32
        %dma_wait3A_330 = tpu.memref_slice %arg2[%dma_wait3A_328, %dma_wait3A_329] : memref<20000x128xf32, #tpu.memory_space<hbm>> -> memref<64x128xf32, #tpu.memory_space<hbm>>
        tpu.wait_dma2 semaphore(%arg17 : memref<!tpu.dma_semaphore, #tpu.memory_space<semaphore_mem>>) src(%dma_wait3A_330 : memref<64x128xf32, #tpu.memory_space<hbm>>) dst(%dma_wait3A_327 : memref<64x128xf32, #tpu.memory_space<vmem_shared>>)
      } else {
      }
      %scan3A_238 = arith.constant 0 : i32
      %scan3A_239 = arith.constant 0 : i32
      %scan3A_240 = arith.constant 64 : i32
      %scan3A_241 = arith.addi %scan3A_239, %scan3A_240 : i32
      %scan3A_242 = arith.constant 2 : i32
      scf.for %scan3A_325 = %scan3A_239 to %scan3A_241 step %scan3A_242  : i32 {
        %get3A = arith.constant 0 : i32
        %get3A_326 = arith.index_cast %get3A : i32 to index
        %get3A_327 = arith.index_cast %scan3A_325 : i32 to index
        %get3A_328 = arith.constant 0 : index
        %get3A_329 = tpu.vector_load %arg9[%get3A_326, %get3A_327, %get3A_328] {strides = array<i32>} : memref<2x64x128xf32, #tpu.memory_space<vmem>>, vector<1x1x16xf32>,
        %get3A_330 = vector.shape_cast %get3A_329 : vector<1x1x16xf32> to vector<16xf32>
        %get3A_331 = arith.constant 0 : i32
        %get3A_332 = arith.index_cast %get3A_331 : i32 to index
        %get3A_333 = arith.index_cast %scan3A_325 : i32 to index
        %get3A_334 = arith.constant 0 : index
        %get3A_335 = tpu.vector_load %arg10[%get3A_332, %get3A_333, %get3A_334] {strides = array<i32>} : memref<2x64x128xf32, #tpu.memory_space<vmem>>, vector<1x1x16xf32>,
        %get3A_336 = vector.shape_cast %get3A_335 : vector<1x1x16xf32> to vector<16xf32>
        %add3A_337 = arith.addf %get3A_330, %get3A_336 : vector<16xf32>
        %max3A = arith.constant 0.000000e+00 : f32
        %max3A_338 = vector.broadcast %max3A : f32 to vector<16xf32>
        %max3A_339 = arith.maximumf %add3A_337, %max3A_338 : vector<16xf32>
        %swap3A = arith.constant 0 : i32
        %swap3A_340 = arith.index_cast %swap3A : i32 to index
        %swap3A_341 = arith.index_cast %scan3A_325 : i32 to index
        %swap3A_342 = arith.constant 0 : index
        %swap3A_343 = tpu.vector_load %arg11[%swap3A_340, %swap3A_341, %swap3A_342] {strides = array<i32>} : memref<2x64x128xf32, #tpu.memory_space<vmem>>, vector<1x1x16xf32>,
        %swap3A_344 = vector.shape_cast %swap3A_343 : vector<1x1x16xf32> to vector<16xf32>
        %swap3A_345 = vector.shape_cast %max3A_339 : vector<16xf32> to vector<1x1x16xf32>
        tpu.vector_store %arg11[%swap3A_340, %swap3A_341, %swap3A_342], %swap3A_345 {strides = array<i32>} : memref<2x64x128xf32, #tpu.memory_space<vmem>>, vector<1x1x16xf32>,
        %get3A_346 = arith.constant 0 : i32
        %get3A_347 = arith.index_cast %get3A_346 : i32 to index
        %get3A_348 = arith.index_cast %scan3A_325 : i32 to index
        %get3A_349 = arith.constant 16 : index
        %get3A_350 = tpu.vector_load %arg9[%get3A_347, %get3A_348, %get3A_349] {strides = array<i32>} : memref<2x64x128xf32, #tpu.memory_space<vmem>>, vector<1x1x16xf32>,
        %get3A_351 = vector.shape_cast %get3A_350 : vector<1x1x16xf32> to vector<16xf32>
        %get3A_352 = arith.constant 0 : i32
        %get3A_353 = arith.index_cast %get3A_352 : i32 to index
        %get3A_354 = arith.index_cast %scan3A_325 : i32 to index
        %get3A_355 = arith.constant 16 : index
        %get3A_356 = tpu.vector_load %arg10[%get3A_353, %get3A_354, %get3A_355] {strides = array<i32>} : memref<2x64x128xf32, #tpu.memory_space<vmem>>, vector<1x1x16xf32>,
        %get3A_357 = vector.shape_cast %get3A_356 : vector<1x1x16xf32> to vector<16xf32>
        %add3A_358 = arith.addf %get3A_351, %get3A_357 : vector<16xf32>
        %max3A_359 = arith.constant 0.000000e+00 : f32
        %max3A_360 = vector.broadcast %max3A_359 : f32 to vector<16xf32>
        %max3A_361 = arith.maximumf %add3A_358, %max3A_360 : vector<16xf32>
        %swap3A_362 = arith.constant 0 : i32
        %swap3A_363 = arith.index_cast %swap3A_362 : i32 to index
        %swap3A_364 = arith.index_cast %scan3A_325 : i32 to index
        %swap3A_365 = arith.constant 16 : index
        %swap3A_366 = tpu.vector_load %arg11[%swap3A_363, %swap3A_364, %swap3A_365] {strides = array<i32>} : memref<2x64x128xf32, #tpu.memory_space<vmem>>, vector<1x1x16xf32>,
        %swap3A_367 = vector.shape_cast %swap3A_366 : vector<1x1x16xf32> to vector<16xf32>
        %swap3A_368 = vector.shape_cast %max3A_361 : vector<16xf32> to vector<1x1x16xf32>
        tpu.vector_store %arg11[%swap3A_363, %swap3A_364, %swap3A_365], %swap3A_368 {strides = array<i32>} : memref<2x64x128xf32, #tpu.memory_space<vmem>>, vector<1x1x16xf32>,
        %get3A_369 = arith.constant 0 : i32
        %get3A_370 = arith.index_cast %get3A_369 : i32 to index
        %get3A_371 = arith.index_cast %scan3A_325 : i32 to index
        %get3A_372 = arith.constant 32 : index
        %get3A_373 = tpu.vector_load %arg9[%get3A_370, %get3A_371, %get3A_372] {strides = array<i32>} : memref<2x64x128xf32, #tpu.memory_space<vmem>>, vector<1x1x16xf32>,
        %get3A_374 = vector.shape_cast %get3A_373 : vector<1x1x16xf32> to vector<16xf32>
        %get3A_375 = arith.constant 0 : i32
        %get3A_376 = arith.index_cast %get3A_375 : i32 to index
        %get3A_377 = arith.index_cast %scan3A_325 : i32 to index
        %get3A_378 = arith.constant 32 : index
        %get3A_379 = tpu.vector_load %arg10[%get3A_376, %get3A_377, %get3A_378] {strides = array<i32>} : memref<2x64x128xf32, #tpu.memory_space<vmem>>, vector<1x1x16xf32>,
        %get3A_380 = vector.shape_cast %get3A_379 : vector<1x1x16xf32> to vector<16xf32>
        %add3A_381 = arith.addf %get3A_374, %get3A_380 : vector<16xf32>
        %max3A_382 = arith.constant 0.000000e+00 : f32
        %max3A_383 = vector.broadcast %max3A_382 : f32 to vector<16xf32>
        %max3A_384 = arith.maximumf %add3A_381, %max3A_383 : vector<16xf32>
        %swap3A_385 = arith.constant 0 : i32
        %swap3A_386 = arith.index_cast %swap3A_385 : i32 to index
        %swap3A_387 = arith.index_cast %scan3A_325 : i32 to index
        %swap3A_388 = arith.constant 32 : index
        %swap3A_389 = tpu.vector_load %arg11[%swap3A_386, %swap3A_387, %swap3A_388] {strides = array<i32>} : memref<2x64x128xf32, #tpu.memory_space<vmem>>, vector<1x1x16xf32>,
        %swap3A_390 = vector.shape_cast %swap3A_389 : vector<1x1x16xf32> to vector<16xf32>
        %swap3A_391 = vector.shape_cast %max3A_384 : vector<16xf32> to vector<1x1x16xf32>
        tpu.vector_store %arg11[%swap3A_386, %swap3A_387, %swap3A_388], %swap3A_391 {strides = array<i32>} : memref<2x64x128xf32, #tpu.memory_space<vmem>>, vector<1x1x16xf32>,
        %get3A_392 = arith.constant 0 : i32
        %get3A_393 = arith.index_cast %get3A_392 : i32 to index
        %get3A_394 = arith.index_cast %scan3A_325 : i32 to index
        %get3A_395 = arith.constant 48 : index
        %get3A_396 = tpu.vector_load %arg9[%get3A_393, %get3A_394, %get3A_395] {strides = array<i32>} : memref<2x64x128xf32, #tpu.memory_space<vmem>>, vector<1x1x16xf32>,
        %get3A_397 = vector.shape_cast %get3A_396 : vector<1x1x16xf32> to vector<16xf32>
        %get3A_398 = arith.constant 0 : i32
        %get3A_399 = arith.index_cast %get3A_398 : i32 to index
        %get3A_400 = arith.index_cast %scan3A_325 : i32 to index
        %get3A_401 = arith.constant 48 : index
        %get3A_402 = tpu.vector_load %arg10[%get3A_399, %get3A_400, %get3A_401] {strides = array<i32>} : memref<2x64x128xf32, #tpu.memory_space<vmem>>, vector<1x1x16xf32>,
        %get3A_403 = vector.shape_cast %get3A_402 : vector<1x1x16xf32> to vector<16xf32>
        %add3A_404 = arith.addf %get3A_397, %get3A_403 : vector<16xf32>
        %max3A_405 = arith.constant 0.000000e+00 : f32
        %max3A_406 = vector.broadcast %max3A_405 : f32 to vector<16xf32>
        %max3A_407 = arith.maximumf %add3A_404, %max3A_406 : vector<16xf32>
        %swap3A_408 = arith.constant 0 : i32
        %swap3A_409 = arith.index_cast %swap3A_408 : i32 to index
        %swap3A_410 = arith.index_cast %scan3A_325 : i32 to index
        %swap3A_411 = arith.constant 48 : index
        %swap3A_412 = tpu.vector_load %arg11[%swap3A_409, %swap3A_410, %swap3A_411] {strides = array<i32>} : memref<2x64x128xf32, #tpu.memory_space<vmem>>, vector<1x1x16xf32>,
        %swap3A_413 = vector.shape_cast %swap3A_412 : vector<1x1x16xf32> to vector<16xf32>
        %swap3A_414 = vector.shape_cast %max3A_407 : vector<16xf32> to vector<1x1x16xf32>
        tpu.vector_store %arg11[%swap3A_409, %swap3A_410, %swap3A_411], %swap3A_414 {strides = array<i32>} : memref<2x64x128xf32, #tpu.memory_space<vmem>>, vector<1x1x16xf32>,
        %get3A_415 = arith.constant 0 : i32
        %get3A_416 = arith.index_cast %get3A_415 : i32 to index
        %get3A_417 = arith.index_cast %scan3A_325 : i32 to index
        %get3A_418 = arith.constant 64 : index
        %get3A_419 = tpu.vector_load %arg9[%get3A_416, %get3A_417, %get3A_418] {strides = array<i32>} : memref<2x64x128xf32, #tpu.memory_space<vmem>>, vector<1x1x16xf32>,
        %get3A_420 = vector.shape_cast %get3A_419 : vector<1x1x16xf32> to vector<16xf32>
        %get3A_421 = arith.constant 0 : i32
        %get3A_422 = arith.index_cast %get3A_421 : i32 to index
        %get3A_423 = arith.index_cast %scan3A_325 : i32 to index
        %get3A_424 = arith.constant 64 : index
        %get3A_425 = tpu.vector_load %arg10[%get3A_422, %get3A_423, %get3A_424] {strides = array<i32>} : memref<2x64x128xf32, #tpu.memory_space<vmem>>, vector<1x1x16xf32>,
        %get3A_426 = vector.shape_cast %get3A_425 : vector<1x1x16xf32> to vector<16xf32>
        %add3A_427 = arith.addf %get3A_420, %get3A_426 : vector<16xf32>
        %max3A_428 = arith.constant 0.000000e+00 : f32
        %max3A_429 = vector.broadcast %max3A_428 : f32 to vector<16xf32>
        %max3A_430 = arith.maximumf %add3A_427, %max3A_429 : vector<16xf32>
        %swap3A_431 = arith.constant 0 : i32
        %swap3A_432 = arith.index_cast %swap3A_431 : i32 to index
        %swap3A_433 = arith.index_cast %scan3A_325 : i32 to index
        %swap3A_434 = arith.constant 64 : index
        %swap3A_435 = tpu.vector_load %arg11[%swap3A_432, %swap3A_433, %swap3A_434] {strides = array<i32>} : memref<2x64x128xf32, #tpu.memory_space<vmem>>, vector<1x1x16xf32>,
        %swap3A_436 = vector.shape_cast %swap3A_435 : vector<1x1x16xf32> to vector<16xf32>
        %swap3A_437 = vector.shape_cast %max3A_430 : vector<16xf32> to vector<1x1x16xf32>
        tpu.vector_store %arg11[%swap3A_432, %swap3A_433, %swap3A_434], %swap3A_437 {strides = array<i32>} : memref<2x64x128xf32, #tpu.memory_space<vmem>>, vector<1x1x16xf32>,
        %get3A_438 = arith.constant 0 : i32
        %get3A_439 = arith.index_cast %get3A_438 : i32 to index
        %get3A_440 = arith.index_cast %scan3A_325 : i32 to index
        %get3A_441 = arith.constant 80 : index
        %get3A_442 = tpu.vector_load %arg9[%get3A_439, %get3A_440, %get3A_441] {strides = array<i32>} : memref<2x64x128xf32, #tpu.memory_space<vmem>>, vector<1x1x16xf32>,
        %get3A_443 = vector.shape_cast %get3A_442 : vector<1x1x16xf32> to vector<16xf32>
        %get3A_444 = arith.constant 0 : i32
        %get3A_445 = arith.index_cast %get3A_444 : i32 to index
        %get3A_446 = arith.index_cast %scan3A_325 : i32 to index
        %get3A_447 = arith.constant 80 : index
        %get3A_448 = tpu.vector_load %arg10[%get3A_445, %get3A_446, %get3A_447] {strides = array<i32>} : memref<2x64x128xf32, #tpu.memory_space<vmem>>, vector<1x1x16xf32>,
        %get3A_449 = vector.shape_cast %get3A_448 : vector<1x1x16xf32> to vector<16xf32>
        %add3A_450 = arith.addf %get3A_443, %get3A_449 : vector<16xf32>
        %max3A_451 = arith.constant 0.000000e+00 : f32
        %max3A_452 = vector.broadcast %max3A_451 : f32 to vector<16xf32>
        %max3A_453 = arith.maximumf %add3A_450, %max3A_452 : vector<16xf32>
        %swap3A_454 = arith.constant 0 : i32
        %swap3A_455 = arith.index_cast %swap3A_454 : i32 to index
        %swap3A_456 = arith.index_cast %scan3A_325 : i32 to index
        %swap3A_457 = arith.constant 80 : index
        %swap3A_458 = tpu.vector_load %arg11[%swap3A_455, %swap3A_456, %swap3A_457] {strides = array<i32>} : memref<2x64x128xf32, #tpu.memory_space<vmem>>, vector<1x1x16xf32>,
        %swap3A_459 = vector.shape_cast %swap3A_458 : vector<1x1x16xf32> to vector<16xf32>
        %swap3A_460 = vector.shape_cast %max3A_453 : vector<16xf32> to vector<1x1x16xf32>
        tpu.vector_store %arg11[%swap3A_455, %swap3A_456, %swap3A_457], %swap3A_460 {strides = array<i32>} : memref<2x64x128xf32, #tpu.memory_space<vmem>>, vector<1x1x16xf32>,
        %get3A_461 = arith.constant 0 : i32
        %get3A_462 = arith.index_cast %get3A_461 : i32 to index
        %get3A_463 = arith.index_cast %scan3A_325 : i32 to index
        %get3A_464 = arith.constant 96 : index
        %get3A_465 = tpu.vector_load %arg9[%get3A_462, %get3A_463, %get3A_464] {strides = array<i32>} : memref<2x64x128xf32, #tpu.memory_space<vmem>>, vector<1x1x16xf32>,
        %get3A_466 = vector.shape_cast %get3A_465 : vector<1x1x16xf32> to vector<16xf32>
        %get3A_467 = arith.constant 0 : i32
        %get3A_468 = arith.index_cast %get3A_467 : i32 to index
        %get3A_469 = arith.index_cast %scan3A_325 : i32 to index
        %get3A_470 = arith.constant 96 : index
        %get3A_471 = tpu.vector_load %arg10[%get3A_468, %get3A_469, %get3A_470] {strides = array<i32>} : memref<2x64x128xf32, #tpu.memory_space<vmem>>, vector<1x1x16xf32>,
        %get3A_472 = vector.shape_cast %get3A_471 : vector<1x1x16xf32> to vector<16xf32>
        %add3A_473 = arith.addf %get3A_466, %get3A_472 : vector<16xf32>
        %max3A_474 = arith.constant 0.000000e+00 : f32
        %max3A_475 = vector.broadcast %max3A_474 : f32 to vector<16xf32>
        %max3A_476 = arith.maximumf %add3A_473, %max3A_475 : vector<16xf32>
        %swap3A_477 = arith.constant 0 : i32
        %swap3A_478 = arith.index_cast %swap3A_477 : i32 to index
        %swap3A_479 = arith.index_cast %scan3A_325 : i32 to index
        %swap3A_480 = arith.constant 96 : index
        %swap3A_481 = tpu.vector_load %arg11[%swap3A_478, %swap3A_479, %swap3A_480] {strides = array<i32>} : memref<2x64x128xf32, #tpu.memory_space<vmem>>, vector<1x1x16xf32>,
        %swap3A_482 = vector.shape_cast %swap3A_481 : vector<1x1x16xf32> to vector<16xf32>
        %swap3A_483 = vector.shape_cast %max3A_476 : vector<16xf32> to vector<1x1x16xf32>
        tpu.vector_store %arg11[%swap3A_478, %swap3A_479, %swap3A_480], %swap3A_483 {strides = array<i32>} : memref<2x64x128xf32, #tpu.memory_space<vmem>>, vector<1x1x16xf32>,
        %get3A_484 = arith.constant 0 : i32
        %get3A_485 = arith.index_cast %get3A_484 : i32 to index
        %get3A_486 = arith.index_cast %scan3A_325 : i32 to index
        %get3A_487 = arith.constant 112 : index
        %get3A_488 = tpu.vector_load %arg9[%get3A_485, %get3A_486, %get3A_487] {strides = array<i32>} : memref<2x64x128xf32, #tpu.memory_space<vmem>>, vector<1x1x16xf32>,
        %get3A_489 = vector.shape_cast %get3A_488 : vector<1x1x16xf32> to vector<16xf32>
        %get3A_490 = arith.constant 0 : i32
        %get3A_491 = arith.index_cast %get3A_490 : i32 to index
        %get3A_492 = arith.index_cast %scan3A_325 : i32 to index
        %get3A_493 = arith.constant 112 : index
        %get3A_494 = tpu.vector_load %arg10[%get3A_491, %get3A_492, %get3A_493] {strides = array<i32>} : memref<2x64x128xf32, #tpu.memory_space<vmem>>, vector<1x1x16xf32>,
        %get3A_495 = vector.shape_cast %get3A_494 : vector<1x1x16xf32> to vector<16xf32>
        %add3A_496 = arith.addf %get3A_489, %get3A_495 : vector<16xf32>
        %max3A_497 = arith.constant 0.000000e+00 : f32
        %max3A_498 = vector.broadcast %max3A_497 : f32 to vector<16xf32>
        %max3A_499 = arith.maximumf %add3A_496, %max3A_498 : vector<16xf32>
        %swap3A_500 = arith.constant 0 : i32
        %swap3A_501 = arith.index_cast %swap3A_500 : i32 to index
        %swap3A_502 = arith.index_cast %scan3A_325 : i32 to index
        %swap3A_503 = arith.constant 112 : index
        %swap3A_504 = tpu.vector_load %arg11[%swap3A_501, %swap3A_502, %swap3A_503] {strides = array<i32>} : memref<2x64x128xf32, #tpu.memory_space<vmem>>, vector<1x1x16xf32>,
        %swap3A_505 = vector.shape_cast %swap3A_504 : vector<1x1x16xf32> to vector<16xf32>
        %swap3A_506 = vector.shape_cast %max3A_499 : vector<16xf32> to vector<1x1x16xf32>
        tpu.vector_store %arg11[%swap3A_501, %swap3A_502, %swap3A_503], %swap3A_506 {strides = array<i32>} : memref<2x64x128xf32, #tpu.memory_space<vmem>>, vector<1x1x16xf32>,
        %scan3A_507 = arith.constant 1 : i32
        %scan3A_508 = arith.addi %scan3A_325, %scan3A_507 : i32
        %get3A_509 = arith.constant 0 : i32
        %get3A_510 = arith.index_cast %get3A_509 : i32 to index
        %get3A_511 = arith.index_cast %scan3A_508 : i32 to index
        %get3A_512 = arith.constant 0 : index
        %get3A_513 = tpu.vector_load %arg9[%get3A_510, %get3A_511, %get3A_512] {strides = array<i32>} : memref<2x64x128xf32, #tpu.memory_space<vmem>>, vector<1x1x16xf32>,
        %get3A_514 = vector.shape_cast %get3A_513 : vector<1x1x16xf32> to vector<16xf32>
        %get3A_515 = arith.constant 0 : i32
        %get3A_516 = arith.index_cast %get3A_515 : i32 to index
        %get3A_517 = arith.index_cast %scan3A_508 : i32 to index
        %get3A_518 = arith.constant 0 : index
        %get3A_519 = tpu.vector_load %arg10[%get3A_516, %get3A_517, %get3A_518] {strides = array<i32>} : memref<2x64x128xf32, #tpu.memory_space<vmem>>, vector<1x1x16xf32>,
        %get3A_520 = vector.shape_cast %get3A_519 : vector<1x1x16xf32> to vector<16xf32>
        %add3A_521 = arith.addf %get3A_514, %get3A_520 : vector<16xf32>
        %max3A_522 = arith.constant 0.000000e+00 : f32
        %max3A_523 = vector.broadcast %max3A_522 : f32 to vector<16xf32>
        %max3A_524 = arith.maximumf %add3A_521, %max3A_523 : vector<16xf32>
        %swap3A_525 = arith.constant 0 : i32
        %swap3A_526 = arith.index_cast %swap3A_525 : i32 to index
        %swap3A_527 = arith.index_cast %scan3A_508 : i32 to index
        %swap3A_528 = arith.constant 0 : index
        %swap3A_529 = tpu.vector_load %arg11[%swap3A_526, %swap3A_527, %swap3A_528] {strides = array<i32>} : memref<2x64x128xf32, #tpu.memory_space<vmem>>, vector<1x1x16xf32>,
        %swap3A_530 = vector.shape_cast %swap3A_529 : vector<1x1x16xf32> to vector<16xf32>
        %swap3A_531 = vector.shape_cast %max3A_524 : vector<16xf32> to vector<1x1x16xf32>
        tpu.vector_store %arg11[%swap3A_526, %swap3A_527, %swap3A_528], %swap3A_531 {strides = array<i32>} : memref<2x64x128xf32, #tpu.memory_space<vmem>>, vector<1x1x16xf32>,
        %get3A_532 = arith.constant 0 : i32
        %get3A_533 = arith.index_cast %get3A_532 : i32 to index
        %get3A_534 = arith.index_cast %scan3A_508 : i32 to index
        %get3A_535 = arith.constant 16 : index
        %get3A_536 = tpu.vector_load %arg9[%get3A_533, %get3A_534, %get3A_535] {strides = array<i32>} : memref<2x64x128xf32, #tpu.memory_space<vmem>>, vector<1x1x16xf32>,
        %get3A_537 = vector.shape_cast %get3A_536 : vector<1x1x16xf32> to vector<16xf32>
        %get3A_538 = arith.constant 0 : i32
        %get3A_539 = arith.index_cast %get3A_538 : i32 to index
        %get3A_540 = arith.index_cast %scan3A_508 : i32 to index
        %get3A_541 = arith.constant 16 : index
        %get3A_542 = tpu.vector_load %arg10[%get3A_539, %get3A_540, %get3A_541] {strides = array<i32>} : memref<2x64x128xf32, #tpu.memory_space<vmem>>, vector<1x1x16xf32>,
        %get3A_543 = vector.shape_cast %get3A_542 : vector<1x1x16xf32> to vector<16xf32>
        %add3A_544 = arith.addf %get3A_537, %get3A_543 : vector<16xf32>
        %max3A_545 = arith.constant 0.000000e+00 : f32
        %max3A_546 = vector.broadcast %max3A_545 : f32 to vector<16xf32>
        %max3A_547 = arith.maximumf %add3A_544, %max3A_546 : vector<16xf32>
        %swap3A_548 = arith.constant 0 : i32
        %swap3A_549 = arith.index_cast %swap3A_548 : i32 to index
        %swap3A_550 = arith.index_cast %scan3A_508 : i32 to index
        %swap3A_551 = arith.constant 16 : index
        %swap3A_552 = tpu.vector_load %arg11[%swap3A_549, %swap3A_550, %swap3A_551] {strides = array<i32>} : memref<2x64x128xf32, #tpu.memory_space<vmem>>, vector<1x1x16xf32>,
        %swap3A_553 = vector.shape_cast %swap3A_552 : vector<1x1x16xf32> to vector<16xf32>
        %swap3A_554 = vector.shape_cast %max3A_547 : vector<16xf32> to vector<1x1x16xf32>
        tpu.vector_store %arg11[%swap3A_549, %swap3A_550, %swap3A_551], %swap3A_554 {strides = array<i32>} : memref<2x64x128xf32, #tpu.memory_space<vmem>>, vector<1x1x16xf32>,
        %get3A_555 = arith.constant 0 : i32
        %get3A_556 = arith.index_cast %get3A_555 : i32 to index
        %get3A_557 = arith.index_cast %scan3A_508 : i32 to index
        %get3A_558 = arith.constant 32 : index
        %get3A_559 = tpu.vector_load %arg9[%get3A_556, %get3A_557, %get3A_558] {strides = array<i32>} : memref<2x64x128xf32, #tpu.memory_space<vmem>>, vector<1x1x16xf32>,
        %get3A_560 = vector.shape_cast %get3A_559 : vector<1x1x16xf32> to vector<16xf32>
        %get3A_561 = arith.constant 0 : i32
        %get3A_562 = arith.index_cast %get3A_561 : i32 to index
        %get3A_563 = arith.index_cast %scan3A_508 : i32 to index
        %get3A_564 = arith.constant 32 : index
        %get3A_565 = tpu.vector_load %arg10[%get3A_562, %get3A_563, %get3A_564] {strides = array<i32>} : memref<2x64x128xf32, #tpu.memory_space<vmem>>, vector<1x1x16xf32>,
        %get3A_566 = vector.shape_cast %get3A_565 : vector<1x1x16xf32> to vector<16xf32>
        %add3A_567 = arith.addf %get3A_560, %get3A_566 : vector<16xf32>
        %max3A_568 = arith.constant 0.000000e+00 : f32
        %max3A_569 = vector.broadcast %max3A_568 : f32 to vector<16xf32>
        %max3A_570 = arith.maximumf %add3A_567, %max3A_569 : vector<16xf32>
        %swap3A_571 = arith.constant 0 : i32
        %swap3A_572 = arith.index_cast %swap3A_571 : i32 to index
        %swap3A_573 = arith.index_cast %scan3A_508 : i32 to index
        %swap3A_574 = arith.constant 32 : index
        %swap3A_575 = tpu.vector_load %arg11[%swap3A_572, %swap3A_573, %swap3A_574] {strides = array<i32>} : memref<2x64x128xf32, #tpu.memory_space<vmem>>, vector<1x1x16xf32>,
        %swap3A_576 = vector.shape_cast %swap3A_575 : vector<1x1x16xf32> to vector<16xf32>
        %swap3A_577 = vector.shape_cast %max3A_570 : vector<16xf32> to vector<1x1x16xf32>
        tpu.vector_store %arg11[%swap3A_572, %swap3A_573, %swap3A_574], %swap3A_577 {strides = array<i32>} : memref<2x64x128xf32, #tpu.memory_space<vmem>>, vector<1x1x16xf32>,
        %get3A_578 = arith.constant 0 : i32
        %get3A_579 = arith.index_cast %get3A_578 : i32 to index
        %get3A_580 = arith.index_cast %scan3A_508 : i32 to index
        %get3A_581 = arith.constant 48 : index
        %get3A_582 = tpu.vector_load %arg9[%get3A_579, %get3A_580, %get3A_581] {strides = array<i32>} : memref<2x64x128xf32, #tpu.memory_space<vmem>>, vector<1x1x16xf32>,
        %get3A_583 = vector.shape_cast %get3A_582 : vector<1x1x16xf32> to vector<16xf32>
        %get3A_584 = arith.constant 0 : i32
        %get3A_585 = arith.index_cast %get3A_584 : i32 to index
        %get3A_586 = arith.index_cast %scan3A_508 : i32 to index
        %get3A_587 = arith.constant 48 : index
        %get3A_588 = tpu.vector_load %arg10[%get3A_585, %get3A_586, %get3A_587] {strides = array<i32>} : memref<2x64x128xf32, #tpu.memory_space<vmem>>, vector<1x1x16xf32>,
        %get3A_589 = vector.shape_cast %get3A_588 : vector<1x1x16xf32> to vector<16xf32>
        %add3A_590 = arith.addf %get3A_583, %get3A_589 : vector<16xf32>
        %max3A_591 = arith.constant 0.000000e+00 : f32
        %max3A_592 = vector.broadcast %max3A_591 : f32 to vector<16xf32>
        %max3A_593 = arith.maximumf %add3A_590, %max3A_592 : vector<16xf32>
        %swap3A_594 = arith.constant 0 : i32
        %swap3A_595 = arith.index_cast %swap3A_594 : i32 to index
        %swap3A_596 = arith.index_cast %scan3A_508 : i32 to index
        %swap3A_597 = arith.constant 48 : index
        %swap3A_598 = tpu.vector_load %arg11[%swap3A_595, %swap3A_596, %swap3A_597] {strides = array<i32>} : memref<2x64x128xf32, #tpu.memory_space<vmem>>, vector<1x1x16xf32>,
        %swap3A_599 = vector.shape_cast %swap3A_598 : vector<1x1x16xf32> to vector<16xf32>
        %swap3A_600 = vector.shape_cast %max3A_593 : vector<16xf32> to vector<1x1x16xf32>
        tpu.vector_store %arg11[%swap3A_595, %swap3A_596, %swap3A_597], %swap3A_600 {strides = array<i32>} : memref<2x64x128xf32, #tpu.memory_space<vmem>>, vector<1x1x16xf32>,
        %get3A_601 = arith.constant 0 : i32
        %get3A_602 = arith.index_cast %get3A_601 : i32 to index
        %get3A_603 = arith.index_cast %scan3A_508 : i32 to index
        %get3A_604 = arith.constant 64 : index
        %get3A_605 = tpu.vector_load %arg9[%get3A_602, %get3A_603, %get3A_604] {strides = array<i32>} : memref<2x64x128xf32, #tpu.memory_space<vmem>>, vector<1x1x16xf32>,
        %get3A_606 = vector.shape_cast %get3A_605 : vector<1x1x16xf32> to vector<16xf32>
        %get3A_607 = arith.constant 0 : i32
        %get3A_608 = arith.index_cast %get3A_607 : i32 to index
        %get3A_609 = arith.index_cast %scan3A_508 : i32 to index
        %get3A_610 = arith.constant 64 : index
        %get3A_611 = tpu.vector_load %arg10[%get3A_608, %get3A_609, %get3A_610] {strides = array<i32>} : memref<2x64x128xf32, #tpu.memory_space<vmem>>, vector<1x1x16xf32>,
        %get3A_612 = vector.shape_cast %get3A_611 : vector<1x1x16xf32> to vector<16xf32>
        %add3A_613 = arith.addf %get3A_606, %get3A_612 : vector<16xf32>
        %max3A_614 = arith.constant 0.000000e+00 : f32
        %max3A_615 = vector.broadcast %max3A_614 : f32 to vector<16xf32>
        %max3A_616 = arith.maximumf %add3A_613, %max3A_615 : vector<16xf32>
        %swap3A_617 = arith.constant 0 : i32
        %swap3A_618 = arith.index_cast %swap3A_617 : i32 to index
        %swap3A_619 = arith.index_cast %scan3A_508 : i32 to index
        %swap3A_620 = arith.constant 64 : index
        %swap3A_621 = tpu.vector_load %arg11[%swap3A_618, %swap3A_619, %swap3A_620] {strides = array<i32>} : memref<2x64x128xf32, #tpu.memory_space<vmem>>, vector<1x1x16xf32>,
        %swap3A_622 = vector.shape_cast %swap3A_621 : vector<1x1x16xf32> to vector<16xf32>
        %swap3A_623 = vector.shape_cast %max3A_616 : vector<16xf32> to vector<1x1x16xf32>
        tpu.vector_store %arg11[%swap3A_618, %swap3A_619, %swap3A_620], %swap3A_623 {strides = array<i32>} : memref<2x64x128xf32, #tpu.memory_space<vmem>>, vector<1x1x16xf32>,
        %get3A_624 = arith.constant 0 : i32
        %get3A_625 = arith.index_cast %get3A_624 : i32 to index
        %get3A_626 = arith.index_cast %scan3A_508 : i32 to index
        %get3A_627 = arith.constant 80 : index
        %get3A_628 = tpu.vector_load %arg9[%get3A_625, %get3A_626, %get3A_627] {strides = array<i32>} : memref<2x64x128xf32, #tpu.memory_space<vmem>>, vector<1x1x16xf32>,
        %get3A_629 = vector.shape_cast %get3A_628 : vector<1x1x16xf32> to vector<16xf32>
        %get3A_630 = arith.constant 0 : i32
        %get3A_631 = arith.index_cast %get3A_630 : i32 to index
        %get3A_632 = arith.index_cast %scan3A_508 : i32 to index
        %get3A_633 = arith.constant 80 : index
        %get3A_634 = tpu.vector_load %arg10[%get3A_631, %get3A_632, %get3A_633] {strides = array<i32>} : memref<2x64x128xf32, #tpu.memory_space<vmem>>, vector<1x1x16xf32>,
        %get3A_635 = vector.shape_cast %get3A_634 : vector<1x1x16xf32> to vector<16xf32>
        %add3A_636 = arith.addf %get3A_629, %get3A_635 : vector<16xf32>
        %max3A_637 = arith.constant 0.000000e+00 : f32
        %max3A_638 = vector.broadcast %max3A_637 : f32 to vector<16xf32>
        %max3A_639 = arith.maximumf %add3A_636, %max3A_638 : vector<16xf32>
        %swap3A_640 = arith.constant 0 : i32
        %swap3A_641 = arith.index_cast %swap3A_640 : i32 to index
        %swap3A_642 = arith.index_cast %scan3A_508 : i32 to index
        %swap3A_643 = arith.constant 80 : index
        %swap3A_644 = tpu.vector_load %arg11[%swap3A_641, %swap3A_642, %swap3A_643] {strides = array<i32>} : memref<2x64x128xf32, #tpu.memory_space<vmem>>, vector<1x1x16xf32>,
        %swap3A_645 = vector.shape_cast %swap3A_644 : vector<1x1x16xf32> to vector<16xf32>
        %swap3A_646 = vector.shape_cast %max3A_639 : vector<16xf32> to vector<1x1x16xf32>
        tpu.vector_store %arg11[%swap3A_641, %swap3A_642, %swap3A_643], %swap3A_646 {strides = array<i32>} : memref<2x64x128xf32, #tpu.memory_space<vmem>>, vector<1x1x16xf32>,
        %get3A_647 = arith.constant 0 : i32
        %get3A_648 = arith.index_cast %get3A_647 : i32 to index
        %get3A_649 = arith.index_cast %scan3A_508 : i32 to index
        %get3A_650 = arith.constant 96 : index
        %get3A_651 = tpu.vector_load %arg9[%get3A_648, %get3A_649, %get3A_650] {strides = array<i32>} : memref<2x64x128xf32, #tpu.memory_space<vmem>>, vector<1x1x16xf32>,
        %get3A_652 = vector.shape_cast %get3A_651 : vector<1x1x16xf32> to vector<16xf32>
        %get3A_653 = arith.constant 0 : i32
        %get3A_654 = arith.index_cast %get3A_653 : i32 to index
        %get3A_655 = arith.index_cast %scan3A_508 : i32 to index
        %get3A_656 = arith.constant 96 : index
        %get3A_657 = tpu.vector_load %arg10[%get3A_654, %get3A_655, %get3A_656] {strides = array<i32>} : memref<2x64x128xf32, #tpu.memory_space<vmem>>, vector<1x1x16xf32>,
        %get3A_658 = vector.shape_cast %get3A_657 : vector<1x1x16xf32> to vector<16xf32>
        %add3A_659 = arith.addf %get3A_652, %get3A_658 : vector<16xf32>
        %max3A_660 = arith.constant 0.000000e+00 : f32
        %max3A_661 = vector.broadcast %max3A_660 : f32 to vector<16xf32>
        %max3A_662 = arith.maximumf %add3A_659, %max3A_661 : vector<16xf32>
        %swap3A_663 = arith.constant 0 : i32
        %swap3A_664 = arith.index_cast %swap3A_663 : i32 to index
        %swap3A_665 = arith.index_cast %scan3A_508 : i32 to index
        %swap3A_666 = arith.constant 96 : index
        %swap3A_667 = tpu.vector_load %arg11[%swap3A_664, %swap3A_665, %swap3A_666] {strides = array<i32>} : memref<2x64x128xf32, #tpu.memory_space<vmem>>, vector<1x1x16xf32>,
        %swap3A_668 = vector.shape_cast %swap3A_667 : vector<1x1x16xf32> to vector<16xf32>
        %swap3A_669 = vector.shape_cast %max3A_662 : vector<16xf32> to vector<1x1x16xf32>
        tpu.vector_store %arg11[%swap3A_664, %swap3A_665, %swap3A_666], %swap3A_669 {strides = array<i32>} : memref<2x64x128xf32, #tpu.memory_space<vmem>>, vector<1x1x16xf32>,
        %get3A_670 = arith.constant 0 : i32
        %get3A_671 = arith.index_cast %get3A_670 : i32 to index
        %get3A_672 = arith.index_cast %scan3A_508 : i32 to index
        %get3A_673 = arith.constant 112 : index
        %get3A_674 = tpu.vector_load %arg9[%get3A_671, %get3A_672, %get3A_673] {strides = array<i32>} : memref<2x64x128xf32, #tpu.memory_space<vmem>>, vector<1x1x16xf32>,
        %get3A_675 = vector.shape_cast %get3A_674 : vector<1x1x16xf32> to vector<16xf32>
        %get3A_676 = arith.constant 0 : i32
        %get3A_677 = arith.index_cast %get3A_676 : i32 to index
        %get3A_678 = arith.index_cast %scan3A_508 : i32 to index
        %get3A_679 = arith.constant 112 : index
        %get3A_680 = tpu.vector_load %arg10[%get3A_677, %get3A_678, %get3A_679] {strides = array<i32>} : memref<2x64x128xf32, #tpu.memory_space<vmem>>, vector<1x1x16xf32>,
        %get3A_681 = vector.shape_cast %get3A_680 : vector<1x1x16xf32> to vector<16xf32>
        %add3A_682 = arith.addf %get3A_675, %get3A_681 : vector<16xf32>
        %max3A_683 = arith.constant 0.000000e+00 : f32
        %max3A_684 = vector.broadcast %max3A_683 : f32 to vector<16xf32>
        %max3A_685 = arith.maximumf %add3A_682, %max3A_684 : vector<16xf32>
        %swap3A_686 = arith.constant 0 : i32
        %swap3A_687 = arith.index_cast %swap3A_686 : i32 to index
        %swap3A_688 = arith.index_cast %scan3A_508 : i32 to index
        %swap3A_689 = arith.constant 112 : index
        %swap3A_690 = tpu.vector_load %arg11[%swap3A_687, %swap3A_688, %swap3A_689] {strides = array<i32>} : memref<2x64x128xf32, #tpu.memory_space<vmem>>, vector<1x1x16xf32>,
        %swap3A_691 = vector.shape_cast %swap3A_690 : vector<1x1x16xf32> to vector<16xf32>
        %swap3A_692 = vector.shape_cast %max3A_685 : vector<16xf32> to vector<1x1x16xf32>
        tpu.vector_store %arg11[%swap3A_687, %swap3A_688, %swap3A_689], %swap3A_692 {strides = array<i32>} : memref<2x64x128xf32, #tpu.memory_space<vmem>>, vector<1x1x16xf32>,
      }
      %scan3A_243 = arith.constant 64 : i32
      %dma_start3A_244 = arith.constant 0 : i32
      %dma_start3A_245 = arith.constant 0 : i32
      %dma_start3A_246 = arith.constant 0 : i32
      %dma_start3A_247 = tpu.memref_slice %arg11[%dma_start3A_244, %dma_start3A_245, %dma_start3A_246] : memref<2x64x128xf32, #tpu.memory_space<vmem>> -> memref<1x64x128xf32, #tpu.memory_space<vmem>>
      %dma_start3A_248 = tpu.memref_squeeze %dma_start3A_247 : memref<1x64x128xf32, #tpu.memory_space<vmem>> -> memref<64x128xf32, #tpu.memory_space<vmem>>
      %dma_start3A_249 = arith.constant 0 : i32
      %dma_start3A_250 = tpu.memref_slice %arg8[%mul3A_203, %dma_start3A_249] : memref<160x64xi32, #tpu.memory_space<vmem>> -> memref<1x64xi32, #tpu.memory_space<vmem>>
      %dma_start3A_251 = tpu.memref_squeeze %dma_start3A_250 : memref<1x64xi32, #tpu.memory_space<vmem>> -> memref<64xi32, #tpu.memory_space<vmem>>
      %dma_start3A_252 = arith.constant 0 : i32
      %dma_start3A_253 = arith.constant 0 : i32
      %dma_start3A_254 = tpu.memref_slice %arg12[%dma_start3A_252, %dma_start3A_253] : memref<5064x128xf32, #tpu.memory_space<vmem_shared>> -> memref<5064x128xf32, #tpu.memory_space<vmem_shared>>
      tpu.enqueue_indirect_dma source(%dma_start3A_248 : memref<64x128xf32, #tpu.memory_space<vmem>>) target(%dma_start3A_254 : memref<5064x128xf32, #tpu.memory_space<vmem_shared>>) offsets(%dma_start3A_251 : memref<64xi32, #tpu.memory_space<vmem>>) semaphore(%arg17 : memref<!tpu.dma_semaphore, #tpu.memory_space<semaphore_mem>>) {add = true}
      %add3A_255 = arith.constant 2 : i32
      %add3A_256 = arith.addi %mul3A_203, %add3A_255 : i32
      %lt3A_257 = arith.constant 160 : i32
      %lt3A_258 = arith.cmpi slt, %add3A_256, %lt3A_257 : i32
      %convert_element_type3A_259 = arith.extui %lt3A_258 : i1 to i32
      %cond3A_260 = arith.constant 0 : i32
      %cond3A_261 = arith.cmpi ne, %convert_element_type3A_259, %cond3A_260 : i32
      scf.if %cond3A_261 {
        %add3A_325 = arith.constant 2 : i32
        %add3A_326 = arith.addi %mul3A_203, %add3A_325 : i32
        %dma_start3A_327 = arith.constant 0 : i32
        %dma_start3A_328 = arith.constant 0 : i32
        %dma_start3A_329 = arith.constant 0 : i32
        %dma_start3A_330 = tpu.memref_slice %arg9[%dma_start3A_327, %dma_start3A_328, %dma_start3A_329] : memref<2x64x128xf32, #tpu.memory_space<vmem>> -> memref<1x64x128xf32, #tpu.memory_space<vmem>>
        %dma_start3A_331 = tpu.memref_squeeze %dma_start3A_330 : memref<1x64x128xf32, #tpu.memory_space<vmem>> -> memref<64x128xf32, #tpu.memory_space<vmem>>
        %dma_start3A_332 = arith.constant 0 : i32
        %dma_start3A_333 = tpu.memref_slice %arg7[%add3A_326, %dma_start3A_332] : memref<160x64xi32, #tpu.memory_space<vmem>> -> memref<1x64xi32, #tpu.memory_space<vmem>>
        %dma_start3A_334 = tpu.memref_squeeze %dma_start3A_333 : memref<1x64xi32, #tpu.memory_space<vmem>> -> memref<64xi32, #tpu.memory_space<vmem>>
        %dma_start3A_335 = arith.constant 0 : i32
        %dma_start3A_336 = arith.constant 0 : i32
        %dma_start3A_337 = tpu.memref_slice %arg2[%dma_start3A_335, %dma_start3A_336] : memref<20000x128xf32, #tpu.memory_space<hbm>> -> memref<20000x128xf32, #tpu.memory_space<hbm>>
        tpu.enqueue_indirect_dma source(%dma_start3A_337 : memref<20000x128xf32, #tpu.memory_space<hbm>>) target(%dma_start3A_331 : memref<64x128xf32, #tpu.memory_space<vmem>>) offsets(%dma_start3A_334 : memref<64xi32, #tpu.memory_space<vmem>>) semaphore(%arg13 : memref<!tpu.dma_semaphore, #tpu.memory_space<semaphore_mem>>)
        %mul3A_338 = arith.constant 163840 : i32
        %mul3A_339 = arith.muli %arg0, %mul3A_338 : i32
        %add3A_340 = arith.addi %mul3A_339, %mul3A_0 : i32
        %mul3A_341 = arith.constant 64 : i32
        %mul3A_342 = arith.muli %add3A_326, %mul3A_341 : i32
        %add3A_343 = arith.addi %add3A_340, %mul3A_342 : i32
        %dma_start3A_344 = arith.constant 0 : i32
        %dma_start3A_345 = arith.constant 0 : i32
        %dma_start3A_346 = arith.constant 0 : i32
        %dma_start3A_347 = tpu.memref_slice %arg10[%dma_start3A_344, %dma_start3A_345, %dma_start3A_346] : memref<2x64x128xf32, #tpu.memory_space<vmem>> -> memref<1x64x128xf32, #tpu.memory_space<vmem>>
        %dma_start3A_348 = tpu.memref_squeeze %dma_start3A_347 : memref<1x64x128xf32, #tpu.memory_space<vmem>> -> memref<64x128xf32, #tpu.memory_space<vmem>>
        %dma_start3A_349 = arith.constant 0 : i32
        %dma_start3A_350 = tpu.memref_slice %arg3[%add3A_343, %dma_start3A_349] : memref<327680x128xf32, #tpu.memory_space<hbm>> -> memref<64x128xf32, #tpu.memory_space<hbm>>
        %dma_start3A_351 = arith.constant 0 : i32
        %dma_start3A_352 = arith.constant 0 : i32
        %dma_start3A_353 = tpu.memref_slice %arg10[%dma_start3A_344, %dma_start3A_351, %dma_start3A_352] : memref<2x64x128xf32, #tpu.memory_space<vmem>> -> memref<1x64x128xf32, #tpu.memory_space<vmem>>
        %dma_start3A_354 = tpu.memref_squeeze %dma_start3A_353 : memref<1x64x128xf32, #tpu.memory_space<vmem>> -> memref<64x128xf32, #tpu.memory_space<vmem>>
        %dma_start3A_355 = arith.constant 0 : i32
        %dma_start3A_356 = tpu.memref_slice %arg3[%add3A_343, %dma_start3A_355] : memref<327680x128xf32, #tpu.memory_space<hbm>> -> memref<64x128xf32, #tpu.memory_space<hbm>>
        tpu.enqueue_dma source(%dma_start3A_356 : memref<64x128xf32, #tpu.memory_space<hbm>>) target(%dma_start3A_354 : memref<64x128xf32, #tpu.memory_space<vmem>>) target_semaphore(%arg15 : memref<!tpu.dma_semaphore, #tpu.memory_space<semaphore_mem>>)
      } else {
      }
      %mul3A_262 = arith.constant 2 : i32
      %mul3A_263 = arith.muli %mul3A_262, %scan3A_201 : i32
      %add3A_264 = arith.constant 1 : i32
      %add3A_265 = arith.addi %mul3A_263, %add3A_264 : i32
      %dma_wait3A_266 = arith.constant 1 : i32
      %dma_wait3A_267 = arith.constant 0 : i32
      %dma_wait3A_268 = arith.constant 0 : i32
      %dma_wait3A_269 = tpu.memref_slice %arg9[%dma_wait3A_266, %dma_wait3A_267, %dma_wait3A_268] : memref<2x64x128xf32, #tpu.memory_space<vmem>> -> memref<1x64x128xf32, #tpu.memory_space<vmem>>
      %dma_wait3A_270 = tpu.memref_squeeze %dma_wait3A_269 : memref<1x64x128xf32, #tpu.memory_space<vmem>> -> memref<64x128xf32, #tpu.memory_space<vmem>>
      %dma_wait3A_271 = arith.constant 0 : i32
      %dma_wait3A_272 = arith.constant 0 : i32
      %dma_wait3A_273 = tpu.memref_slice %arg2[%dma_wait3A_271, %dma_wait3A_272] : memref<20000x128xf32, #tpu.memory_space<hbm>> -> memref<64x128xf32, #tpu.memory_space<hbm>>
      %dma_wait3A_274 = arith.constant 0 : i32
      %dma_wait3A_275 = arith.constant 0 : i32
      %dma_wait3A_276 = tpu.memref_slice %arg9[%dma_wait3A_266, %dma_wait3A_274, %dma_wait3A_275] : memref<2x64x128xf32, #tpu.memory_space<vmem>> -> memref<1x64x128xf32, #tpu.memory_space<vmem>>
      %dma_wait3A_277 = tpu.memref_squeeze %dma_wait3A_276 : memref<1x64x128xf32, #tpu.memory_space<vmem>> -> memref<64x128xf32, #tpu.memory_space<vmem>>
      %dma_wait3A_278 = arith.constant 0 : i32
      %dma_wait3A_279 = arith.constant 0 : i32
      %dma_wait3A_280 = tpu.memref_slice %arg2[%dma_wait3A_278, %dma_wait3A_279] : memref<20000x128xf32, #tpu.memory_space<hbm>> -> memref<64x128xf32, #tpu.memory_space<hbm>>
      tpu.wait_dma2 semaphore(%arg14 : memref<!tpu.dma_semaphore, #tpu.memory_space<semaphore_mem>>) src(%dma_wait3A_280 : memref<64x128xf32, #tpu.memory_space<hbm>>) dst(%dma_wait3A_277 : memref<64x128xf32, #tpu.memory_space<vmem>>)
      %dma_wait3A_281 = arith.constant 1 : i32
      %dma_wait3A_282 = arith.constant 0 : i32
      %dma_wait3A_283 = arith.constant 0 : i32
      %dma_wait3A_284 = tpu.memref_slice %arg10[%dma_wait3A_281, %dma_wait3A_282, %dma_wait3A_283] : memref<2x64x128xf32, #tpu.memory_space<vmem>> -> memref<1x64x128xf32, #tpu.memory_space<vmem>>
      %dma_wait3A_285 = tpu.memref_squeeze %dma_wait3A_284 : memref<1x64x128xf32, #tpu.memory_space<vmem>> -> memref<64x128xf32, #tpu.memory_space<vmem>>
      %dma_wait3A_286 = arith.constant 0 : i32
      %dma_wait3A_287 = arith.constant 0 : i32
      %dma_wait3A_288 = tpu.memref_slice %arg3[%dma_wait3A_286, %dma_wait3A_287] : memref<327680x128xf32, #tpu.memory_space<hbm>> -> memref<64x128xf32, #tpu.memory_space<hbm>>
      %dma_wait3A_289 = arith.constant 0 : i32
      %dma_wait3A_290 = arith.constant 0 : i32
      %dma_wait3A_291 = tpu.memref_slice %arg10[%dma_wait3A_281, %dma_wait3A_289, %dma_wait3A_290] : memref<2x64x128xf32, #tpu.memory_space<vmem>> -> memref<1x64x128xf32, #tpu.memory_space<vmem>>
      %dma_wait3A_292 = tpu.memref_squeeze %dma_wait3A_291 : memref<1x64x128xf32, #tpu.memory_space<vmem>> -> memref<64x128xf32, #tpu.memory_space<vmem>>
      %dma_wait3A_293 = arith.constant 0 : i32
      %dma_wait3A_294 = arith.constant 0 : i32
      %dma_wait3A_295 = tpu.memref_slice %arg3[%dma_wait3A_293, %dma_wait3A_294] : memref<327680x128xf32, #tpu.memory_space<hbm>> -> memref<64x128xf32, #tpu.memory_space<hbm>>
      tpu.wait_dma2 semaphore(%arg16 : memref<!tpu.dma_semaphore, #tpu.memory_space<semaphore_mem>>) src(%dma_wait3A_295 : memref<64x128xf32, #tpu.memory_space<hbm>>) dst(%dma_wait3A_292 : memref<64x128xf32, #tpu.memory_space<vmem>>)
      %ge3A_296 = arith.constant 2 : i32
      %ge3A_297 = arith.cmpi sge, %add3A_265, %ge3A_296 : i32
      %convert_element_type3A_298 = arith.extui %ge3A_297 : i1 to i32
      %cond3A_299 = arith.constant 0 : i32
      %cond3A_300 = arith.cmpi ne, %convert_element_type3A_298, %cond3A_299 : i32
      scf.if %cond3A_300 {
        %dma_wait3A_325 = arith.constant 0 : i32
        %dma_wait3A_326 = arith.constant 0 : i32
        %dma_wait3A_327 = tpu.memref_slice %arg12[%dma_wait3A_325, %dma_wait3A_326] : memref<5064x128xf32, #tpu.memory_space<vmem_shared>> -> memref<64x128xf32, #tpu.memory_space<vmem_shared>>
        %dma_wait3A_328 = arith.constant 0 : i32
        %dma_wait3A_329 = arith.constant 0 : i32
        %dma_wait3A_330 = tpu.memref_slice %arg2[%dma_wait3A_328, %dma_wait3A_329] : memref<20000x128xf32, #tpu.memory_space<hbm>> -> memref<64x128xf32, #tpu.memory_space<hbm>>
        tpu.wait_dma2 semaphore(%arg18 : memref<!tpu.dma_semaphore, #tpu.memory_space<semaphore_mem>>) src(%dma_wait3A_330 : memref<64x128xf32, #tpu.memory_space<hbm>>) dst(%dma_wait3A_327 : memref<64x128xf32, #tpu.memory_space<vmem_shared>>)
      } else {
      }
      %scan3A_301 = arith.constant 0 : i32
      %scan3A_302 = arith.constant 0 : i32
      %scan3A_303 = arith.constant 64 : i32
      %scan3A_304 = arith.addi %scan3A_302, %scan3A_303 : i32
      %scan3A_305 = arith.constant 2 : i32
      scf.for %scan3A_325 = %scan3A_302 to %scan3A_304 step %scan3A_305  : i32 {
        %get3A = arith.constant 1 : i32
        %get3A_326 = arith.index_cast %get3A : i32 to index
        %get3A_327 = arith.index_cast %scan3A_325 : i32 to index
        %get3A_328 = arith.constant 0 : index
        %get3A_329 = tpu.vector_load %arg9[%get3A_326, %get3A_327, %get3A_328] {strides = array<i32>} : memref<2x64x128xf32, #tpu.memory_space<vmem>>, vector<1x1x16xf32>,
        %get3A_330 = vector.shape_cast %get3A_329 : vector<1x1x16xf32> to vector<16xf32>
        %get3A_331 = arith.constant 1 : i32
        %get3A_332 = arith.index_cast %get3A_331 : i32 to index
        %get3A_333 = arith.index_cast %scan3A_325 : i32 to index
        %get3A_334 = arith.constant 0 : index
        %get3A_335 = tpu.vector_load %arg10[%get3A_332, %get3A_333, %get3A_334] {strides = array<i32>} : memref<2x64x128xf32, #tpu.memory_space<vmem>>, vector<1x1x16xf32>,
        %get3A_336 = vector.shape_cast %get3A_335 : vector<1x1x16xf32> to vector<16xf32>
        %add3A_337 = arith.addf %get3A_330, %get3A_336 : vector<16xf32>
        %max3A = arith.constant 0.000000e+00 : f32
        %max3A_338 = vector.broadcast %max3A : f32 to vector<16xf32>
        %max3A_339 = arith.maximumf %add3A_337, %max3A_338 : vector<16xf32>
        %swap3A = arith.constant 1 : i32
        %swap3A_340 = arith.index_cast %swap3A : i32 to index
        %swap3A_341 = arith.index_cast %scan3A_325 : i32 to index
        %swap3A_342 = arith.constant 0 : index
        %swap3A_343 = tpu.vector_load %arg11[%swap3A_340, %swap3A_341, %swap3A_342] {strides = array<i32>} : memref<2x64x128xf32, #tpu.memory_space<vmem>>, vector<1x1x16xf32>,
        %swap3A_344 = vector.shape_cast %swap3A_343 : vector<1x1x16xf32> to vector<16xf32>
        %swap3A_345 = vector.shape_cast %max3A_339 : vector<16xf32> to vector<1x1x16xf32>
        tpu.vector_store %arg11[%swap3A_340, %swap3A_341, %swap3A_342], %swap3A_345 {strides = array<i32>} : memref<2x64x128xf32, #tpu.memory_space<vmem>>, vector<1x1x16xf32>,
        %get3A_346 = arith.constant 1 : i32
        %get3A_347 = arith.index_cast %get3A_346 : i32 to index
        %get3A_348 = arith.index_cast %scan3A_325 : i32 to index
        %get3A_349 = arith.constant 16 : index
        %get3A_350 = tpu.vector_load %arg9[%get3A_347, %get3A_348, %get3A_349] {strides = array<i32>} : memref<2x64x128xf32, #tpu.memory_space<vmem>>, vector<1x1x16xf32>,
        %get3A_351 = vector.shape_cast %get3A_350 : vector<1x1x16xf32> to vector<16xf32>
        %get3A_352 = arith.constant 1 : i32
        %get3A_353 = arith.index_cast %get3A_352 : i32 to index
        %get3A_354 = arith.index_cast %scan3A_325 : i32 to index
        %get3A_355 = arith.constant 16 : index
        %get3A_356 = tpu.vector_load %arg10[%get3A_353, %get3A_354, %get3A_355] {strides = array<i32>} : memref<2x64x128xf32, #tpu.memory_space<vmem>>, vector<1x1x16xf32>,
        %get3A_357 = vector.shape_cast %get3A_356 : vector<1x1x16xf32> to vector<16xf32>
        %add3A_358 = arith.addf %get3A_351, %get3A_357 : vector<16xf32>
        %max3A_359 = arith.constant 0.000000e+00 : f32
        %max3A_360 = vector.broadcast %max3A_359 : f32 to vector<16xf32>
        %max3A_361 = arith.maximumf %add3A_358, %max3A_360 : vector<16xf32>
        %swap3A_362 = arith.constant 1 : i32
        %swap3A_363 = arith.index_cast %swap3A_362 : i32 to index
        %swap3A_364 = arith.index_cast %scan3A_325 : i32 to index
        %swap3A_365 = arith.constant 16 : index
        %swap3A_366 = tpu.vector_load %arg11[%swap3A_363, %swap3A_364, %swap3A_365] {strides = array<i32>} : memref<2x64x128xf32, #tpu.memory_space<vmem>>, vector<1x1x16xf32>,
        %swap3A_367 = vector.shape_cast %swap3A_366 : vector<1x1x16xf32> to vector<16xf32>
        %swap3A_368 = vector.shape_cast %max3A_361 : vector<16xf32> to vector<1x1x16xf32>
        tpu.vector_store %arg11[%swap3A_363, %swap3A_364, %swap3A_365], %swap3A_368 {strides = array<i32>} : memref<2x64x128xf32, #tpu.memory_space<vmem>>, vector<1x1x16xf32>,
        %get3A_369 = arith.constant 1 : i32
        %get3A_370 = arith.index_cast %get3A_369 : i32 to index
        %get3A_371 = arith.index_cast %scan3A_325 : i32 to index
        %get3A_372 = arith.constant 32 : index
        %get3A_373 = tpu.vector_load %arg9[%get3A_370, %get3A_371, %get3A_372] {strides = array<i32>} : memref<2x64x128xf32, #tpu.memory_space<vmem>>, vector<1x1x16xf32>,
        %get3A_374 = vector.shape_cast %get3A_373 : vector<1x1x16xf32> to vector<16xf32>
        %get3A_375 = arith.constant 1 : i32
        %get3A_376 = arith.index_cast %get3A_375 : i32 to index
        %get3A_377 = arith.index_cast %scan3A_325 : i32 to index
        %get3A_378 = arith.constant 32 : index
        %get3A_379 = tpu.vector_load %arg10[%get3A_376, %get3A_377, %get3A_378] {strides = array<i32>} : memref<2x64x128xf32, #tpu.memory_space<vmem>>, vector<1x1x16xf32>,
        %get3A_380 = vector.shape_cast %get3A_379 : vector<1x1x16xf32> to vector<16xf32>
        %add3A_381 = arith.addf %get3A_374, %get3A_380 : vector<16xf32>
        %max3A_382 = arith.constant 0.000000e+00 : f32
        %max3A_383 = vector.broadcast %max3A_382 : f32 to vector<16xf32>
        %max3A_384 = arith.maximumf %add3A_381, %max3A_383 : vector<16xf32>
        %swap3A_385 = arith.constant 1 : i32
        %swap3A_386 = arith.index_cast %swap3A_385 : i32 to index
        %swap3A_387 = arith.index_cast %scan3A_325 : i32 to index
        %swap3A_388 = arith.constant 32 : index
        %swap3A_389 = tpu.vector_load %arg11[%swap3A_386, %swap3A_387, %swap3A_388] {strides = array<i32>} : memref<2x64x128xf32, #tpu.memory_space<vmem>>, vector<1x1x16xf32>,
        %swap3A_390 = vector.shape_cast %swap3A_389 : vector<1x1x16xf32> to vector<16xf32>
        %swap3A_391 = vector.shape_cast %max3A_384 : vector<16xf32> to vector<1x1x16xf32>
        tpu.vector_store %arg11[%swap3A_386, %swap3A_387, %swap3A_388], %swap3A_391 {strides = array<i32>} : memref<2x64x128xf32, #tpu.memory_space<vmem>>, vector<1x1x16xf32>,
        %get3A_392 = arith.constant 1 : i32
        %get3A_393 = arith.index_cast %get3A_392 : i32 to index
        %get3A_394 = arith.index_cast %scan3A_325 : i32 to index
        %get3A_395 = arith.constant 48 : index
        %get3A_396 = tpu.vector_load %arg9[%get3A_393, %get3A_394, %get3A_395] {strides = array<i32>} : memref<2x64x128xf32, #tpu.memory_space<vmem>>, vector<1x1x16xf32>,
        %get3A_397 = vector.shape_cast %get3A_396 : vector<1x1x16xf32> to vector<16xf32>
        %get3A_398 = arith.constant 1 : i32
        %get3A_399 = arith.index_cast %get3A_398 : i32 to index
        %get3A_400 = arith.index_cast %scan3A_325 : i32 to index
        %get3A_401 = arith.constant 48 : index
        %get3A_402 = tpu.vector_load %arg10[%get3A_399, %get3A_400, %get3A_401] {strides = array<i32>} : memref<2x64x128xf32, #tpu.memory_space<vmem>>, vector<1x1x16xf32>,
        %get3A_403 = vector.shape_cast %get3A_402 : vector<1x1x16xf32> to vector<16xf32>
        %add3A_404 = arith.addf %get3A_397, %get3A_403 : vector<16xf32>
        %max3A_405 = arith.constant 0.000000e+00 : f32
        %max3A_406 = vector.broadcast %max3A_405 : f32 to vector<16xf32>
        %max3A_407 = arith.maximumf %add3A_404, %max3A_406 : vector<16xf32>
        %swap3A_408 = arith.constant 1 : i32
        %swap3A_409 = arith.index_cast %swap3A_408 : i32 to index
        %swap3A_410 = arith.index_cast %scan3A_325 : i32 to index
        %swap3A_411 = arith.constant 48 : index
        %swap3A_412 = tpu.vector_load %arg11[%swap3A_409, %swap3A_410, %swap3A_411] {strides = array<i32>} : memref<2x64x128xf32, #tpu.memory_space<vmem>>, vector<1x1x16xf32>,
        %swap3A_413 = vector.shape_cast %swap3A_412 : vector<1x1x16xf32> to vector<16xf32>
        %swap3A_414 = vector.shape_cast %max3A_407 : vector<16xf32> to vector<1x1x16xf32>
        tpu.vector_store %arg11[%swap3A_409, %swap3A_410, %swap3A_411], %swap3A_414 {strides = array<i32>} : memref<2x64x128xf32, #tpu.memory_space<vmem>>, vector<1x1x16xf32>,
        %get3A_415 = arith.constant 1 : i32
        %get3A_416 = arith.index_cast %get3A_415 : i32 to index
        %get3A_417 = arith.index_cast %scan3A_325 : i32 to index
        %get3A_418 = arith.constant 64 : index
        %get3A_419 = tpu.vector_load %arg9[%get3A_416, %get3A_417, %get3A_418] {strides = array<i32>} : memref<2x64x128xf32, #tpu.memory_space<vmem>>, vector<1x1x16xf32>,
        %get3A_420 = vector.shape_cast %get3A_419 : vector<1x1x16xf32> to vector<16xf32>
        %get3A_421 = arith.constant 1 : i32
        %get3A_422 = arith.index_cast %get3A_421 : i32 to index
        %get3A_423 = arith.index_cast %scan3A_325 : i32 to index
        %get3A_424 = arith.constant 64 : index
        %get3A_425 = tpu.vector_load %arg10[%get3A_422, %get3A_423, %get3A_424] {strides = array<i32>} : memref<2x64x128xf32, #tpu.memory_space<vmem>>, vector<1x1x16xf32>,
        %get3A_426 = vector.shape_cast %get3A_425 : vector<1x1x16xf32> to vector<16xf32>
        %add3A_427 = arith.addf %get3A_420, %get3A_426 : vector<16xf32>
        %max3A_428 = arith.constant 0.000000e+00 : f32
        %max3A_429 = vector.broadcast %max3A_428 : f32 to vector<16xf32>
        %max3A_430 = arith.maximumf %add3A_427, %max3A_429 : vector<16xf32>
        %swap3A_431 = arith.constant 1 : i32
        %swap3A_432 = arith.index_cast %swap3A_431 : i32 to index
        %swap3A_433 = arith.index_cast %scan3A_325 : i32 to index
        %swap3A_434 = arith.constant 64 : index
        %swap3A_435 = tpu.vector_load %arg11[%swap3A_432, %swap3A_433, %swap3A_434] {strides = array<i32>} : memref<2x64x128xf32, #tpu.memory_space<vmem>>, vector<1x1x16xf32>,
        %swap3A_436 = vector.shape_cast %swap3A_435 : vector<1x1x16xf32> to vector<16xf32>
        %swap3A_437 = vector.shape_cast %max3A_430 : vector<16xf32> to vector<1x1x16xf32>
        tpu.vector_store %arg11[%swap3A_432, %swap3A_433, %swap3A_434], %swap3A_437 {strides = array<i32>} : memref<2x64x128xf32, #tpu.memory_space<vmem>>, vector<1x1x16xf32>,
        %get3A_438 = arith.constant 1 : i32
        %get3A_439 = arith.index_cast %get3A_438 : i32 to index
        %get3A_440 = arith.index_cast %scan3A_325 : i32 to index
        %get3A_441 = arith.constant 80 : index
        %get3A_442 = tpu.vector_load %arg9[%get3A_439, %get3A_440, %get3A_441] {strides = array<i32>} : memref<2x64x128xf32, #tpu.memory_space<vmem>>, vector<1x1x16xf32>,
        %get3A_443 = vector.shape_cast %get3A_442 : vector<1x1x16xf32> to vector<16xf32>
        %get3A_444 = arith.constant 1 : i32
        %get3A_445 = arith.index_cast %get3A_444 : i32 to index
        %get3A_446 = arith.index_cast %scan3A_325 : i32 to index
        %get3A_447 = arith.constant 80 : index
        %get3A_448 = tpu.vector_load %arg10[%get3A_445, %get3A_446, %get3A_447] {strides = array<i32>} : memref<2x64x128xf32, #tpu.memory_space<vmem>>, vector<1x1x16xf32>,
        %get3A_449 = vector.shape_cast %get3A_448 : vector<1x1x16xf32> to vector<16xf32>
        %add3A_450 = arith.addf %get3A_443, %get3A_449 : vector<16xf32>
        %max3A_451 = arith.constant 0.000000e+00 : f32
        %max3A_452 = vector.broadcast %max3A_451 : f32 to vector<16xf32>
        %max3A_453 = arith.maximumf %add3A_450, %max3A_452 : vector<16xf32>
        %swap3A_454 = arith.constant 1 : i32
        %swap3A_455 = arith.index_cast %swap3A_454 : i32 to index
        %swap3A_456 = arith.index_cast %scan3A_325 : i32 to index
        %swap3A_457 = arith.constant 80 : index
        %swap3A_458 = tpu.vector_load %arg11[%swap3A_455, %swap3A_456, %swap3A_457] {strides = array<i32>} : memref<2x64x128xf32, #tpu.memory_space<vmem>>, vector<1x1x16xf32>,
        %swap3A_459 = vector.shape_cast %swap3A_458 : vector<1x1x16xf32> to vector<16xf32>
        %swap3A_460 = vector.shape_cast %max3A_453 : vector<16xf32> to vector<1x1x16xf32>
        tpu.vector_store %arg11[%swap3A_455, %swap3A_456, %swap3A_457], %swap3A_460 {strides = array<i32>} : memref<2x64x128xf32, #tpu.memory_space<vmem>>, vector<1x1x16xf32>,
        %get3A_461 = arith.constant 1 : i32
        %get3A_462 = arith.index_cast %get3A_461 : i32 to index
        %get3A_463 = arith.index_cast %scan3A_325 : i32 to index
        %get3A_464 = arith.constant 96 : index
        %get3A_465 = tpu.vector_load %arg9[%get3A_462, %get3A_463, %get3A_464] {strides = array<i32>} : memref<2x64x128xf32, #tpu.memory_space<vmem>>, vector<1x1x16xf32>,
        %get3A_466 = vector.shape_cast %get3A_465 : vector<1x1x16xf32> to vector<16xf32>
        %get3A_467 = arith.constant 1 : i32
        %get3A_468 = arith.index_cast %get3A_467 : i32 to index
        %get3A_469 = arith.index_cast %scan3A_325 : i32 to index
        %get3A_470 = arith.constant 96 : index
        %get3A_471 = tpu.vector_load %arg10[%get3A_468, %get3A_469, %get3A_470] {strides = array<i32>} : memref<2x64x128xf32, #tpu.memory_space<vmem>>, vector<1x1x16xf32>,
        %get3A_472 = vector.shape_cast %get3A_471 : vector<1x1x16xf32> to vector<16xf32>
        %add3A_473 = arith.addf %get3A_466, %get3A_472 : vector<16xf32>
        %max3A_474 = arith.constant 0.000000e+00 : f32
        %max3A_475 = vector.broadcast %max3A_474 : f32 to vector<16xf32>
        %max3A_476 = arith.maximumf %add3A_473, %max3A_475 : vector<16xf32>
        %swap3A_477 = arith.constant 1 : i32
        %swap3A_478 = arith.index_cast %swap3A_477 : i32 to index
        %swap3A_479 = arith.index_cast %scan3A_325 : i32 to index
        %swap3A_480 = arith.constant 96 : index
        %swap3A_481 = tpu.vector_load %arg11[%swap3A_478, %swap3A_479, %swap3A_480] {strides = array<i32>} : memref<2x64x128xf32, #tpu.memory_space<vmem>>, vector<1x1x16xf32>,
        %swap3A_482 = vector.shape_cast %swap3A_481 : vector<1x1x16xf32> to vector<16xf32>
        %swap3A_483 = vector.shape_cast %max3A_476 : vector<16xf32> to vector<1x1x16xf32>
        tpu.vector_store %arg11[%swap3A_478, %swap3A_479, %swap3A_480], %swap3A_483 {strides = array<i32>} : memref<2x64x128xf32, #tpu.memory_space<vmem>>, vector<1x1x16xf32>,
        %get3A_484 = arith.constant 1 : i32
        %get3A_485 = arith.index_cast %get3A_484 : i32 to index
        %get3A_486 = arith.index_cast %scan3A_325 : i32 to index
        %get3A_487 = arith.constant 112 : index
        %get3A_488 = tpu.vector_load %arg9[%get3A_485, %get3A_486, %get3A_487] {strides = array<i32>} : memref<2x64x128xf32, #tpu.memory_space<vmem>>, vector<1x1x16xf32>,
        %get3A_489 = vector.shape_cast %get3A_488 : vector<1x1x16xf32> to vector<16xf32>
        %get3A_490 = arith.constant 1 : i32
        %get3A_491 = arith.index_cast %get3A_490 : i32 to index
        %get3A_492 = arith.index_cast %scan3A_325 : i32 to index
        %get3A_493 = arith.constant 112 : index
        %get3A_494 = tpu.vector_load %arg10[%get3A_491, %get3A_492, %get3A_493] {strides = array<i32>} : memref<2x64x128xf32, #tpu.memory_space<vmem>>, vector<1x1x16xf32>,
        %get3A_495 = vector.shape_cast %get3A_494 : vector<1x1x16xf32> to vector<16xf32>
        %add3A_496 = arith.addf %get3A_489, %get3A_495 : vector<16xf32>
        %max3A_497 = arith.constant 0.000000e+00 : f32
        %max3A_498 = vector.broadcast %max3A_497 : f32 to vector<16xf32>
        %max3A_499 = arith.maximumf %add3A_496, %max3A_498 : vector<16xf32>
        %swap3A_500 = arith.constant 1 : i32
        %swap3A_501 = arith.index_cast %swap3A_500 : i32 to index
        %swap3A_502 = arith.index_cast %scan3A_325 : i32 to index
        %swap3A_503 = arith.constant 112 : index
        %swap3A_504 = tpu.vector_load %arg11[%swap3A_501, %swap3A_502, %swap3A_503] {strides = array<i32>} : memref<2x64x128xf32, #tpu.memory_space<vmem>>, vector<1x1x16xf32>,
        %swap3A_505 = vector.shape_cast %swap3A_504 : vector<1x1x16xf32> to vector<16xf32>
        %swap3A_506 = vector.shape_cast %max3A_499 : vector<16xf32> to vector<1x1x16xf32>
        tpu.vector_store %arg11[%swap3A_501, %swap3A_502, %swap3A_503], %swap3A_506 {strides = array<i32>} : memref<2x64x128xf32, #tpu.memory_space<vmem>>, vector<1x1x16xf32>,
        %scan3A_507 = arith.constant 1 : i32
        %scan3A_508 = arith.addi %scan3A_325, %scan3A_507 : i32
        %get3A_509 = arith.constant 1 : i32
        %get3A_510 = arith.index_cast %get3A_509 : i32 to index
        %get3A_511 = arith.index_cast %scan3A_508 : i32 to index
        %get3A_512 = arith.constant 0 : index
        %get3A_513 = tpu.vector_load %arg9[%get3A_510, %get3A_511, %get3A_512] {strides = array<i32>} : memref<2x64x128xf32, #tpu.memory_space<vmem>>, vector<1x1x16xf32>,
        %get3A_514 = vector.shape_cast %get3A_513 : vector<1x1x16xf32> to vector<16xf32>
        %get3A_515 = arith.constant 1 : i32
        %get3A_516 = arith.index_cast %get3A_515 : i32 to index
        %get3A_517 = arith.index_cast %scan3A_508 : i32 to index
        %get3A_518 = arith.constant 0 : index
        %get3A_519 = tpu.vector_load %arg10[%get3A_516, %get3A_517, %get3A_518] {strides = array<i32>} : memref<2x64x128xf32, #tpu.memory_space<vmem>>, vector<1x1x16xf32>,
        %get3A_520 = vector.shape_cast %get3A_519 : vector<1x1x16xf32> to vector<16xf32>
        %add3A_521 = arith.addf %get3A_514, %get3A_520 : vector<16xf32>
        %max3A_522 = arith.constant 0.000000e+00 : f32
        %max3A_523 = vector.broadcast %max3A_522 : f32 to vector<16xf32>
        %max3A_524 = arith.maximumf %add3A_521, %max3A_523 : vector<16xf32>
        %swap3A_525 = arith.constant 1 : i32
        %swap3A_526 = arith.index_cast %swap3A_525 : i32 to index
        %swap3A_527 = arith.index_cast %scan3A_508 : i32 to index
        %swap3A_528 = arith.constant 0 : index
        %swap3A_529 = tpu.vector_load %arg11[%swap3A_526, %swap3A_527, %swap3A_528] {strides = array<i32>} : memref<2x64x128xf32, #tpu.memory_space<vmem>>, vector<1x1x16xf32>,
        %swap3A_530 = vector.shape_cast %swap3A_529 : vector<1x1x16xf32> to vector<16xf32>
        %swap3A_531 = vector.shape_cast %max3A_524 : vector<16xf32> to vector<1x1x16xf32>
        tpu.vector_store %arg11[%swap3A_526, %swap3A_527, %swap3A_528], %swap3A_531 {strides = array<i32>} : memref<2x64x128xf32, #tpu.memory_space<vmem>>, vector<1x1x16xf32>,
        %get3A_532 = arith.constant 1 : i32
        %get3A_533 = arith.index_cast %get3A_532 : i32 to index
        %get3A_534 = arith.index_cast %scan3A_508 : i32 to index
        %get3A_535 = arith.constant 16 : index
        %get3A_536 = tpu.vector_load %arg9[%get3A_533, %get3A_534, %get3A_535] {strides = array<i32>} : memref<2x64x128xf32, #tpu.memory_space<vmem>>, vector<1x1x16xf32>,
        %get3A_537 = vector.shape_cast %get3A_536 : vector<1x1x16xf32> to vector<16xf32>
        %get3A_538 = arith.constant 1 : i32
        %get3A_539 = arith.index_cast %get3A_538 : i32 to index
        %get3A_540 = arith.index_cast %scan3A_508 : i32 to index
        %get3A_541 = arith.constant 16 : index
        %get3A_542 = tpu.vector_load %arg10[%get3A_539, %get3A_540, %get3A_541] {strides = array<i32>} : memref<2x64x128xf32, #tpu.memory_space<vmem>>, vector<1x1x16xf32>,
        %get3A_543 = vector.shape_cast %get3A_542 : vector<1x1x16xf32> to vector<16xf32>
        %add3A_544 = arith.addf %get3A_537, %get3A_543 : vector<16xf32>
        %max3A_545 = arith.constant 0.000000e+00 : f32
        %max3A_546 = vector.broadcast %max3A_545 : f32 to vector<16xf32>
        %max3A_547 = arith.maximumf %add3A_544, %max3A_546 : vector<16xf32>
        %swap3A_548 = arith.constant 1 : i32
        %swap3A_549 = arith.index_cast %swap3A_548 : i32 to index
        %swap3A_550 = arith.index_cast %scan3A_508 : i32 to index
        %swap3A_551 = arith.constant 16 : index
        %swap3A_552 = tpu.vector_load %arg11[%swap3A_549, %swap3A_550, %swap3A_551] {strides = array<i32>} : memref<2x64x128xf32, #tpu.memory_space<vmem>>, vector<1x1x16xf32>,
        %swap3A_553 = vector.shape_cast %swap3A_552 : vector<1x1x16xf32> to vector<16xf32>
        %swap3A_554 = vector.shape_cast %max3A_547 : vector<16xf32> to vector<1x1x16xf32>
        tpu.vector_store %arg11[%swap3A_549, %swap3A_550, %swap3A_551], %swap3A_554 {strides = array<i32>} : memref<2x64x128xf32, #tpu.memory_space<vmem>>, vector<1x1x16xf32>,
        %get3A_555 = arith.constant 1 : i32
        %get3A_556 = arith.index_cast %get3A_555 : i32 to index
        %get3A_557 = arith.index_cast %scan3A_508 : i32 to index
        %get3A_558 = arith.constant 32 : index
        %get3A_559 = tpu.vector_load %arg9[%get3A_556, %get3A_557, %get3A_558] {strides = array<i32>} : memref<2x64x128xf32, #tpu.memory_space<vmem>>, vector<1x1x16xf32>,
        %get3A_560 = vector.shape_cast %get3A_559 : vector<1x1x16xf32> to vector<16xf32>
        %get3A_561 = arith.constant 1 : i32
        %get3A_562 = arith.index_cast %get3A_561 : i32 to index
        %get3A_563 = arith.index_cast %scan3A_508 : i32 to index
        %get3A_564 = arith.constant 32 : index
        %get3A_565 = tpu.vector_load %arg10[%get3A_562, %get3A_563, %get3A_564] {strides = array<i32>} : memref<2x64x128xf32, #tpu.memory_space<vmem>>, vector<1x1x16xf32>,
        %get3A_566 = vector.shape_cast %get3A_565 : vector<1x1x16xf32> to vector<16xf32>
        %add3A_567 = arith.addf %get3A_560, %get3A_566 : vector<16xf32>
        %max3A_568 = arith.constant 0.000000e+00 : f32
        %max3A_569 = vector.broadcast %max3A_568 : f32 to vector<16xf32>
        %max3A_570 = arith.maximumf %add3A_567, %max3A_569 : vector<16xf32>
        %swap3A_571 = arith.constant 1 : i32
        %swap3A_572 = arith.index_cast %swap3A_571 : i32 to index
        %swap3A_573 = arith.index_cast %scan3A_508 : i32 to index
        %swap3A_574 = arith.constant 32 : index
        %swap3A_575 = tpu.vector_load %arg11[%swap3A_572, %swap3A_573, %swap3A_574] {strides = array<i32>} : memref<2x64x128xf32, #tpu.memory_space<vmem>>, vector<1x1x16xf32>,
        %swap3A_576 = vector.shape_cast %swap3A_575 : vector<1x1x16xf32> to vector<16xf32>
        %swap3A_577 = vector.shape_cast %max3A_570 : vector<16xf32> to vector<1x1x16xf32>
        tpu.vector_store %arg11[%swap3A_572, %swap3A_573, %swap3A_574], %swap3A_577 {strides = array<i32>} : memref<2x64x128xf32, #tpu.memory_space<vmem>>, vector<1x1x16xf32>,
        %get3A_578 = arith.constant 1 : i32
        %get3A_579 = arith.index_cast %get3A_578 : i32 to index
        %get3A_580 = arith.index_cast %scan3A_508 : i32 to index
        %get3A_581 = arith.constant 48 : index
        %get3A_582 = tpu.vector_load %arg9[%get3A_579, %get3A_580, %get3A_581] {strides = array<i32>} : memref<2x64x128xf32, #tpu.memory_space<vmem>>, vector<1x1x16xf32>,
        %get3A_583 = vector.shape_cast %get3A_582 : vector<1x1x16xf32> to vector<16xf32>
        %get3A_584 = arith.constant 1 : i32
        %get3A_585 = arith.index_cast %get3A_584 : i32 to index
        %get3A_586 = arith.index_cast %scan3A_508 : i32 to index
        %get3A_587 = arith.constant 48 : index
        %get3A_588 = tpu.vector_load %arg10[%get3A_585, %get3A_586, %get3A_587] {strides = array<i32>} : memref<2x64x128xf32, #tpu.memory_space<vmem>>, vector<1x1x16xf32>,
        %get3A_589 = vector.shape_cast %get3A_588 : vector<1x1x16xf32> to vector<16xf32>
        %add3A_590 = arith.addf %get3A_583, %get3A_589 : vector<16xf32>
        %max3A_591 = arith.constant 0.000000e+00 : f32
        %max3A_592 = vector.broadcast %max3A_591 : f32 to vector<16xf32>
        %max3A_593 = arith.maximumf %add3A_590, %max3A_592 : vector<16xf32>
        %swap3A_594 = arith.constant 1 : i32
        %swap3A_595 = arith.index_cast %swap3A_594 : i32 to index
        %swap3A_596 = arith.index_cast %scan3A_508 : i32 to index
        %swap3A_597 = arith.constant 48 : index
        %swap3A_598 = tpu.vector_load %arg11[%swap3A_595, %swap3A_596, %swap3A_597] {strides = array<i32>} : memref<2x64x128xf32, #tpu.memory_space<vmem>>, vector<1x1x16xf32>,
        %swap3A_599 = vector.shape_cast %swap3A_598 : vector<1x1x16xf32> to vector<16xf32>
        %swap3A_600 = vector.shape_cast %max3A_593 : vector<16xf32> to vector<1x1x16xf32>
        tpu.vector_store %arg11[%swap3A_595, %swap3A_596, %swap3A_597], %swap3A_600 {strides = array<i32>} : memref<2x64x128xf32, #tpu.memory_space<vmem>>, vector<1x1x16xf32>,
        %get3A_601 = arith.constant 1 : i32
        %get3A_602 = arith.index_cast %get3A_601 : i32 to index
        %get3A_603 = arith.index_cast %scan3A_508 : i32 to index
        %get3A_604 = arith.constant 64 : index
        %get3A_605 = tpu.vector_load %arg9[%get3A_602, %get3A_603, %get3A_604] {strides = array<i32>} : memref<2x64x128xf32, #tpu.memory_space<vmem>>, vector<1x1x16xf32>,
        %get3A_606 = vector.shape_cast %get3A_605 : vector<1x1x16xf32> to vector<16xf32>
        %get3A_607 = arith.constant 1 : i32
        %get3A_608 = arith.index_cast %get3A_607 : i32 to index
        %get3A_609 = arith.index_cast %scan3A_508 : i32 to index
        %get3A_610 = arith.constant 64 : index
        %get3A_611 = tpu.vector_load %arg10[%get3A_608, %get3A_609, %get3A_610] {strides = array<i32>} : memref<2x64x128xf32, #tpu.memory_space<vmem>>, vector<1x1x16xf32>,
        %get3A_612 = vector.shape_cast %get3A_611 : vector<1x1x16xf32> to vector<16xf32>
        %add3A_613 = arith.addf %get3A_606, %get3A_612 : vector<16xf32>
        %max3A_614 = arith.constant 0.000000e+00 : f32
        %max3A_615 = vector.broadcast %max3A_614 : f32 to vector<16xf32>
        %max3A_616 = arith.maximumf %add3A_613, %max3A_615 : vector<16xf32>
        %swap3A_617 = arith.constant 1 : i32
        %swap3A_618 = arith.index_cast %swap3A_617 : i32 to index
        %swap3A_619 = arith.index_cast %scan3A_508 : i32 to index
        %swap3A_620 = arith.constant 64 : index
        %swap3A_621 = tpu.vector_load %arg11[%swap3A_618, %swap3A_619, %swap3A_620] {strides = array<i32>} : memref<2x64x128xf32, #tpu.memory_space<vmem>>, vector<1x1x16xf32>,
        %swap3A_622 = vector.shape_cast %swap3A_621 : vector<1x1x16xf32> to vector<16xf32>
        %swap3A_623 = vector.shape_cast %max3A_616 : vector<16xf32> to vector<1x1x16xf32>
        tpu.vector_store %arg11[%swap3A_618, %swap3A_619, %swap3A_620], %swap3A_623 {strides = array<i32>} : memref<2x64x128xf32, #tpu.memory_space<vmem>>, vector<1x1x16xf32>,
        %get3A_624 = arith.constant 1 : i32
        %get3A_625 = arith.index_cast %get3A_624 : i32 to index
        %get3A_626 = arith.index_cast %scan3A_508 : i32 to index
        %get3A_627 = arith.constant 80 : index
        %get3A_628 = tpu.vector_load %arg9[%get3A_625, %get3A_626, %get3A_627] {strides = array<i32>} : memref<2x64x128xf32, #tpu.memory_space<vmem>>, vector<1x1x16xf32>,
        %get3A_629 = vector.shape_cast %get3A_628 : vector<1x1x16xf32> to vector<16xf32>
        %get3A_630 = arith.constant 1 : i32
        %get3A_631 = arith.index_cast %get3A_630 : i32 to index
        %get3A_632 = arith.index_cast %scan3A_508 : i32 to index
        %get3A_633 = arith.constant 80 : index
        %get3A_634 = tpu.vector_load %arg10[%get3A_631, %get3A_632, %get3A_633] {strides = array<i32>} : memref<2x64x128xf32, #tpu.memory_space<vmem>>, vector<1x1x16xf32>,
        %get3A_635 = vector.shape_cast %get3A_634 : vector<1x1x16xf32> to vector<16xf32>
        %add3A_636 = arith.addf %get3A_629, %get3A_635 : vector<16xf32>
        %max3A_637 = arith.constant 0.000000e+00 : f32
        %max3A_638 = vector.broadcast %max3A_637 : f32 to vector<16xf32>
        %max3A_639 = arith.maximumf %add3A_636, %max3A_638 : vector<16xf32>
        %swap3A_640 = arith.constant 1 : i32
        %swap3A_641 = arith.index_cast %swap3A_640 : i32 to index
        %swap3A_642 = arith.index_cast %scan3A_508 : i32 to index
        %swap3A_643 = arith.constant 80 : index
        %swap3A_644 = tpu.vector_load %arg11[%swap3A_641, %swap3A_642, %swap3A_643] {strides = array<i32>} : memref<2x64x128xf32, #tpu.memory_space<vmem>>, vector<1x1x16xf32>,
        %swap3A_645 = vector.shape_cast %swap3A_644 : vector<1x1x16xf32> to vector<16xf32>
        %swap3A_646 = vector.shape_cast %max3A_639 : vector<16xf32> to vector<1x1x16xf32>
        tpu.vector_store %arg11[%swap3A_641, %swap3A_642, %swap3A_643], %swap3A_646 {strides = array<i32>} : memref<2x64x128xf32, #tpu.memory_space<vmem>>, vector<1x1x16xf32>,
        %get3A_647 = arith.constant 1 : i32
        %get3A_648 = arith.index_cast %get3A_647 : i32 to index
        %get3A_649 = arith.index_cast %scan3A_508 : i32 to index
        %get3A_650 = arith.constant 96 : index
        %get3A_651 = tpu.vector_load %arg9[%get3A_648, %get3A_649, %get3A_650] {strides = array<i32>} : memref<2x64x128xf32, #tpu.memory_space<vmem>>, vector<1x1x16xf32>,
        %get3A_652 = vector.shape_cast %get3A_651 : vector<1x1x16xf32> to vector<16xf32>
        %get3A_653 = arith.constant 1 : i32
        %get3A_654 = arith.index_cast %get3A_653 : i32 to index
        %get3A_655 = arith.index_cast %scan3A_508 : i32 to index
        %get3A_656 = arith.constant 96 : index
        %get3A_657 = tpu.vector_load %arg10[%get3A_654, %get3A_655, %get3A_656] {strides = array<i32>} : memref<2x64x128xf32, #tpu.memory_space<vmem>>, vector<1x1x16xf32>,
        %get3A_658 = vector.shape_cast %get3A_657 : vector<1x1x16xf32> to vector<16xf32>
        %add3A_659 = arith.addf %get3A_652, %get3A_658 : vector<16xf32>
        %max3A_660 = arith.constant 0.000000e+00 : f32
        %max3A_661 = vector.broadcast %max3A_660 : f32 to vector<16xf32>
        %max3A_662 = arith.maximumf %add3A_659, %max3A_661 : vector<16xf32>
        %swap3A_663 = arith.constant 1 : i32
        %swap3A_664 = arith.index_cast %swap3A_663 : i32 to index
        %swap3A_665 = arith.index_cast %scan3A_508 : i32 to index
        %swap3A_666 = arith.constant 96 : index
        %swap3A_667 = tpu.vector_load %arg11[%swap3A_664, %swap3A_665, %swap3A_666] {strides = array<i32>} : memref<2x64x128xf32, #tpu.memory_space<vmem>>, vector<1x1x16xf32>,
        %swap3A_668 = vector.shape_cast %swap3A_667 : vector<1x1x16xf32> to vector<16xf32>
        %swap3A_669 = vector.shape_cast %max3A_662 : vector<16xf32> to vector<1x1x16xf32>
        tpu.vector_store %arg11[%swap3A_664, %swap3A_665, %swap3A_666], %swap3A_669 {strides = array<i32>} : memref<2x64x128xf32, #tpu.memory_space<vmem>>, vector<1x1x16xf32>,
        %get3A_670 = arith.constant 1 : i32
        %get3A_671 = arith.index_cast %get3A_670 : i32 to index
        %get3A_672 = arith.index_cast %scan3A_508 : i32 to index
        %get3A_673 = arith.constant 112 : index
        %get3A_674 = tpu.vector_load %arg9[%get3A_671, %get3A_672, %get3A_673] {strides = array<i32>} : memref<2x64x128xf32, #tpu.memory_space<vmem>>, vector<1x1x16xf32>,
        %get3A_675 = vector.shape_cast %get3A_674 : vector<1x1x16xf32> to vector<16xf32>
        %get3A_676 = arith.constant 1 : i32
        %get3A_677 = arith.index_cast %get3A_676 : i32 to index
        %get3A_678 = arith.index_cast %scan3A_508 : i32 to index
        %get3A_679 = arith.constant 112 : index
        %get3A_680 = tpu.vector_load %arg10[%get3A_677, %get3A_678, %get3A_679] {strides = array<i32>} : memref<2x64x128xf32, #tpu.memory_space<vmem>>, vector<1x1x16xf32>,
        %get3A_681 = vector.shape_cast %get3A_680 : vector<1x1x16xf32> to vector<16xf32>
        %add3A_682 = arith.addf %get3A_675, %get3A_681 : vector<16xf32>
        %max3A_683 = arith.constant 0.000000e+00 : f32
        %max3A_684 = vector.broadcast %max3A_683 : f32 to vector<16xf32>
        %max3A_685 = arith.maximumf %add3A_682, %max3A_684 : vector<16xf32>
        %swap3A_686 = arith.constant 1 : i32
        %swap3A_687 = arith.index_cast %swap3A_686 : i32 to index
        %swap3A_688 = arith.index_cast %scan3A_508 : i32 to index
        %swap3A_689 = arith.constant 112 : index
        %swap3A_690 = tpu.vector_load %arg11[%swap3A_687, %swap3A_688, %swap3A_689] {strides = array<i32>} : memref<2x64x128xf32, #tpu.memory_space<vmem>>, vector<1x1x16xf32>,
        %swap3A_691 = vector.shape_cast %swap3A_690 : vector<1x1x16xf32> to vector<16xf32>
        %swap3A_692 = vector.shape_cast %max3A_685 : vector<16xf32> to vector<1x1x16xf32>
        tpu.vector_store %arg11[%swap3A_687, %swap3A_688, %swap3A_689], %swap3A_692 {strides = array<i32>} : memref<2x64x128xf32, #tpu.memory_space<vmem>>, vector<1x1x16xf32>,
      }
      %scan3A_306 = arith.constant 64 : i32
      %dma_start3A_307 = arith.constant 1 : i32
      %dma_start3A_308 = arith.constant 0 : i32
      %dma_start3A_309 = arith.constant 0 : i32
      %dma_start3A_310 = tpu.memref_slice %arg11[%dma_start3A_307, %dma_start3A_308, %dma_start3A_309] : memref<2x64x128xf32, #tpu.memory_space<vmem>> -> memref<1x64x128xf32, #tpu.memory_space<vmem>>
      %dma_start3A_311 = tpu.memref_squeeze %dma_start3A_310 : memref<1x64x128xf32, #tpu.memory_space<vmem>> -> memref<64x128xf32, #tpu.memory_space<vmem>>
      %dma_start3A_312 = arith.constant 0 : i32
      %dma_start3A_313 = tpu.memref_slice %arg8[%add3A_265, %dma_start3A_312] : memref<160x64xi32, #tpu.memory_space<vmem>> -> memref<1x64xi32, #tpu.memory_space<vmem>>
      %dma_start3A_314 = tpu.memref_squeeze %dma_start3A_313 : memref<1x64xi32, #tpu.memory_space<vmem>> -> memref<64xi32, #tpu.memory_space<vmem>>
      %dma_start3A_315 = arith.constant 0 : i32
      %dma_start3A_316 = arith.constant 0 : i32
      %dma_start3A_317 = tpu.memref_slice %arg12[%dma_start3A_315, %dma_start3A_316] : memref<5064x128xf32, #tpu.memory_space<vmem_shared>> -> memref<5064x128xf32, #tpu.memory_space<vmem_shared>>
      tpu.enqueue_indirect_dma source(%dma_start3A_311 : memref<64x128xf32, #tpu.memory_space<vmem>>) target(%dma_start3A_317 : memref<5064x128xf32, #tpu.memory_space<vmem_shared>>) offsets(%dma_start3A_314 : memref<64xi32, #tpu.memory_space<vmem>>) semaphore(%arg18 : memref<!tpu.dma_semaphore, #tpu.memory_space<semaphore_mem>>) {add = true}
      %add3A_318 = arith.constant 2 : i32
      %add3A_319 = arith.addi %add3A_265, %add3A_318 : i32
      %lt3A_320 = arith.constant 160 : i32
      %lt3A_321 = arith.cmpi slt, %add3A_319, %lt3A_320 : i32
      %convert_element_type3A_322 = arith.extui %lt3A_321 : i1 to i32
      %cond3A_323 = arith.constant 0 : i32
      %cond3A_324 = arith.cmpi ne, %convert_element_type3A_322, %cond3A_323 : i32
      scf.if %cond3A_324 {
        %add3A_325 = arith.constant 2 : i32
        %add3A_326 = arith.addi %add3A_265, %add3A_325 : i32
        %dma_start3A_327 = arith.constant 1 : i32
        %dma_start3A_328 = arith.constant 0 : i32
        %dma_start3A_329 = arith.constant 0 : i32
        %dma_start3A_330 = tpu.memref_slice %arg9[%dma_start3A_327, %dma_start3A_328, %dma_start3A_329] : memref<2x64x128xf32, #tpu.memory_space<vmem>> -> memref<1x64x128xf32, #tpu.memory_space<vmem>>
        %dma_start3A_331 = tpu.memref_squeeze %dma_start3A_330 : memref<1x64x128xf32, #tpu.memory_space<vmem>> -> memref<64x128xf32, #tpu.memory_space<vmem>>
        %dma_start3A_332 = arith.constant 0 : i32
        %dma_start3A_333 = tpu.memref_slice %arg7[%add3A_326, %dma_start3A_332] : memref<160x64xi32, #tpu.memory_space<vmem>> -> memref<1x64xi32, #tpu.memory_space<vmem>>
        %dma_start3A_334 = tpu.memref_squeeze %dma_start3A_333 : memref<1x64xi32, #tpu.memory_space<vmem>> -> memref<64xi32, #tpu.memory_space<vmem>>
        %dma_start3A_335 = arith.constant 0 : i32
        %dma_start3A_336 = arith.constant 0 : i32
        %dma_start3A_337 = tpu.memref_slice %arg2[%dma_start3A_335, %dma_start3A_336] : memref<20000x128xf32, #tpu.memory_space<hbm>> -> memref<20000x128xf32, #tpu.memory_space<hbm>>
        tpu.enqueue_indirect_dma source(%dma_start3A_337 : memref<20000x128xf32, #tpu.memory_space<hbm>>) target(%dma_start3A_331 : memref<64x128xf32, #tpu.memory_space<vmem>>) offsets(%dma_start3A_334 : memref<64xi32, #tpu.memory_space<vmem>>) semaphore(%arg14 : memref<!tpu.dma_semaphore, #tpu.memory_space<semaphore_mem>>)
        %mul3A_338 = arith.constant 163840 : i32
        %mul3A_339 = arith.muli %arg0, %mul3A_338 : i32
        %add3A_340 = arith.addi %mul3A_339, %mul3A_0 : i32
        %mul3A_341 = arith.constant 64 : i32
        %mul3A_342 = arith.muli %add3A_326, %mul3A_341 : i32
        %add3A_343 = arith.addi %add3A_340, %mul3A_342 : i32
        %dma_start3A_344 = arith.constant 1 : i32
        %dma_start3A_345 = arith.constant 0 : i32
        %dma_start3A_346 = arith.constant 0 : i32
        %dma_start3A_347 = tpu.memref_slice %arg10[%dma_start3A_344, %dma_start3A_345, %dma_start3A_346] : memref<2x64x128xf32, #tpu.memory_space<vmem>> -> memref<1x64x128xf32, #tpu.memory_space<vmem>>
        %dma_start3A_348 = tpu.memref_squeeze %dma_start3A_347 : memref<1x64x128xf32, #tpu.memory_space<vmem>> -> memref<64x128xf32, #tpu.memory_space<vmem>>
        %dma_start3A_349 = arith.constant 0 : i32
        %dma_start3A_350 = tpu.memref_slice %arg3[%add3A_343, %dma_start3A_349] : memref<327680x128xf32, #tpu.memory_space<hbm>> -> memref<64x128xf32, #tpu.memory_space<hbm>>
        %dma_start3A_351 = arith.constant 0 : i32
        %dma_start3A_352 = arith.constant 0 : i32
        %dma_start3A_353 = tpu.memref_slice %arg10[%dma_start3A_344, %dma_start3A_351, %dma_start3A_352] : memref<2x64x128xf32, #tpu.memory_space<vmem>> -> memref<1x64x128xf32, #tpu.memory_space<vmem>>
        %dma_start3A_354 = tpu.memref_squeeze %dma_start3A_353 : memref<1x64x128xf32, #tpu.memory_space<vmem>> -> memref<64x128xf32, #tpu.memory_space<vmem>>
        %dma_start3A_355 = arith.constant 0 : i32
        %dma_start3A_356 = tpu.memref_slice %arg3[%add3A_343, %dma_start3A_355] : memref<327680x128xf32, #tpu.memory_space<hbm>> -> memref<64x128xf32, #tpu.memory_space<hbm>>
        tpu.enqueue_dma source(%dma_start3A_356 : memref<64x128xf32, #tpu.memory_space<hbm>>) target(%dma_start3A_354 : memref<64x128xf32, #tpu.memory_space<vmem>>) target_semaphore(%arg16 : memref<!tpu.dma_semaphore, #tpu.memory_space<semaphore_mem>>)
      } else {
      }
    }
    %scan3A_132 = arith.constant 80 : i32
    %dma_wait3A = arith.constant 0 : i32
    %dma_wait3A_133 = arith.constant 0 : i32
    %dma_wait3A_134 = tpu.memref_slice %arg12[%dma_wait3A, %dma_wait3A_133] : memref<5064x128xf32, #tpu.memory_space<vmem_shared>> -> memref<64x128xf32, #tpu.memory_space<vmem_shared>>
    %dma_wait3A_135 = arith.constant 0 : i32
    %dma_wait3A_136 = arith.constant 0 : i32
    %dma_wait3A_137 = tpu.memref_slice %arg2[%dma_wait3A_135, %dma_wait3A_136] : memref<20000x128xf32, #tpu.memory_space<hbm>> -> memref<64x128xf32, #tpu.memory_space<hbm>>
    tpu.wait_dma2 semaphore(%arg18 : memref<!tpu.dma_semaphore, #tpu.memory_space<semaphore_mem>>) src(%dma_wait3A_137 : memref<64x128xf32, #tpu.memory_space<hbm>>) dst(%dma_wait3A_134 : memref<64x128xf32, #tpu.memory_space<vmem_shared>>)
    %dma_wait3A_138 = arith.constant 0 : i32
    %dma_wait3A_139 = arith.constant 0 : i32
    %dma_wait3A_140 = tpu.memref_slice %arg12[%dma_wait3A_138, %dma_wait3A_139] : memref<5064x128xf32, #tpu.memory_space<vmem_shared>> -> memref<64x128xf32, #tpu.memory_space<vmem_shared>>
    %dma_wait3A_141 = arith.constant 0 : i32
    %dma_wait3A_142 = arith.constant 0 : i32
    %dma_wait3A_143 = tpu.memref_slice %arg2[%dma_wait3A_141, %dma_wait3A_142] : memref<20000x128xf32, #tpu.memory_space<hbm>> -> memref<64x128xf32, #tpu.memory_space<hbm>>
    tpu.wait_dma2 semaphore(%arg17 : memref<!tpu.dma_semaphore, #tpu.memory_space<semaphore_mem>>) src(%dma_wait3A_143 : memref<64x128xf32, #tpu.memory_space<hbm>>) dst(%dma_wait3A_140 : memref<64x128xf32, #tpu.memory_space<vmem_shared>>)
    %barrier3A_144 = arith.constant 0 : index
    tpu.barrier barrier_id(%barrier3A_144)
    %add3A_145 = arith.constant 0 : i32
    %add3A_146 = arith.addi %arg1, %add3A_145 : i32
    %lt3A_147 = arith.constant 125 : i32
    %lt3A_148 = arith.cmpi slt, %add3A_146, %lt3A_147 : i32
    %convert_element_type3A_149 = arith.extui %lt3A_148 : i1 to i32
    %cond3A_150 = arith.constant 0 : i32
    %cond3A_151 = arith.cmpi ne, %convert_element_type3A_149, %cond3A_150 : i32
    scf.if %cond3A_151 {
      %mul3A_201 = arith.constant 40 : i32
      %mul3A_202 = arith.muli %add3A_146, %mul3A_201 : i32
      %mul3A_203 = arith.constant 5000 : i32
      %mul3A_204 = arith.muli %arg0, %mul3A_203 : i32
      %mul3A_205 = arith.constant 40 : i32
      %mul3A_206 = arith.muli %add3A_146, %mul3A_205 : i32
      %add3A_207 = arith.addi %mul3A_204, %mul3A_206 : i32
      "tpu.region"() ({
        %run_scoped3A = tpu.sem_alloc : memref<!tpu.dma_semaphore, #tpu.memory_space<semaphore_mem>>
        %dma_start3A_208 = arith.constant 0 : i32
        %dma_start3A_209 = tpu.memref_slice %arg6[%add3A_207, %dma_start3A_208] : memref<10000x128xf32, #tpu.memory_space<hbm>> -> memref<40x128xf32, #tpu.memory_space<hbm>>
        %dma_start3A_210 = arith.constant 0 : i32
        %dma_start3A_211 = tpu.memref_slice %arg12[%mul3A_202, %dma_start3A_210] : memref<5064x128xf32, #tpu.memory_space<vmem_shared>> -> memref<40x128xf32, #tpu.memory_space<vmem_shared>>
        tpu.enqueue_dma source(%dma_start3A_211 : memref<40x128xf32, #tpu.memory_space<vmem_shared>>) target(%dma_start3A_209 : memref<40x128xf32, #tpu.memory_space<hbm>>) target_semaphore(%run_scoped3A : memref<!tpu.dma_semaphore, #tpu.memory_space<semaphore_mem>>)
        %dma_wait3A_212 = arith.constant 0 : i32
        %dma_wait3A_213 = tpu.memref_slice %arg6[%add3A_207, %dma_wait3A_212] : memref<10000x128xf32, #tpu.memory_space<hbm>> -> memref<40x128xf32, #tpu.memory_space<hbm>>
        %dma_wait3A_214 = arith.constant 0 : i32
        %dma_wait3A_215 = tpu.memref_slice %arg12[%mul3A_202, %dma_wait3A_214] : memref<5064x128xf32, #tpu.memory_space<vmem_shared>> -> memref<40x128xf32, #tpu.memory_space<vmem_shared>>
        tpu.wait_dma2 semaphore(%run_scoped3A : memref<!tpu.dma_semaphore, #tpu.memory_space<semaphore_mem>>) src(%dma_wait3A_215 : memref<40x128xf32, #tpu.memory_space<vmem_shared>>) dst(%dma_wait3A_213 : memref<40x128xf32, #tpu.memory_space<hbm>>)
        tpu.yield
      }) : () -> ()
    } else {
    }
    %add3A_152 = arith.constant 16 : i32
    %add3A_153 = arith.addi %arg1, %add3A_152 : i32
    %lt3A_154 = arith.constant 125 : i32
    %lt3A_155 = arith.cmpi slt, %add3A_153, %lt3A_154 : i32
    %convert_element_type3A_156 = arith.extui %lt3A_155 : i1 to i32
    %cond3A_157 = arith.constant 0 : i32
    %cond3A_158 = arith.cmpi ne, %convert_element_type3A_156, %cond3A_157 : i32
    scf.if %cond3A_158 {
      %mul3A_201 = arith.constant 40 : i32
      %mul3A_202 = arith.muli %add3A_153, %mul3A_201 : i32
      %mul3A_203 = arith.constant 5000 : i32
      %mul3A_204 = arith.muli %arg0, %mul3A_203 : i32
      %mul3A_205 = arith.constant 40 : i32
      %mul3A_206 = arith.muli %add3A_153, %mul3A_205 : i32
      %add3A_207 = arith.addi %mul3A_204, %mul3A_206 : i32
      "tpu.region"() ({
        %run_scoped3A = tpu.sem_alloc : memref<!tpu.dma_semaphore, #tpu.memory_space<semaphore_mem>>
        %dma_start3A_208 = arith.constant 0 : i32
        %dma_start3A_209 = tpu.memref_slice %arg6[%add3A_207, %dma_start3A_208] : memref<10000x128xf32, #tpu.memory_space<hbm>> -> memref<40x128xf32, #tpu.memory_space<hbm>>
        %dma_start3A_210 = arith.constant 0 : i32
        %dma_start3A_211 = tpu.memref_slice %arg12[%mul3A_202, %dma_start3A_210] : memref<5064x128xf32, #tpu.memory_space<vmem_shared>> -> memref<40x128xf32, #tpu.memory_space<vmem_shared>>
        tpu.enqueue_dma source(%dma_start3A_211 : memref<40x128xf32, #tpu.memory_space<vmem_shared>>) target(%dma_start3A_209 : memref<40x128xf32, #tpu.memory_space<hbm>>) target_semaphore(%run_scoped3A : memref<!tpu.dma_semaphore, #tpu.memory_space<semaphore_mem>>)
        %dma_wait3A_212 = arith.constant 0 : i32
        %dma_wait3A_213 = tpu.memref_slice %arg6[%add3A_207, %dma_wait3A_212] : memref<10000x128xf32, #tpu.memory_space<hbm>> -> memref<40x128xf32, #tpu.memory_space<hbm>>
        %dma_wait3A_214 = arith.constant 0 : i32
        %dma_wait3A_215 = tpu.memref_slice %arg12[%mul3A_202, %dma_wait3A_214] : memref<5064x128xf32, #tpu.memory_space<vmem_shared>> -> memref<40x128xf32, #tpu.memory_space<vmem_shared>>
        tpu.wait_dma2 semaphore(%run_scoped3A : memref<!tpu.dma_semaphore, #tpu.memory_space<semaphore_mem>>) src(%dma_wait3A_215 : memref<40x128xf32, #tpu.memory_space<vmem_shared>>) dst(%dma_wait3A_213 : memref<40x128xf32, #tpu.memory_space<hbm>>)
        tpu.yield
      }) : () -> ()
    } else {
    }
    %add3A_159 = arith.constant 32 : i32
    %add3A_160 = arith.addi %arg1, %add3A_159 : i32
    %lt3A_161 = arith.constant 125 : i32
    %lt3A_162 = arith.cmpi slt, %add3A_160, %lt3A_161 : i32
    %convert_element_type3A_163 = arith.extui %lt3A_162 : i1 to i32
    %cond3A_164 = arith.constant 0 : i32
    %cond3A_165 = arith.cmpi ne, %convert_element_type3A_163, %cond3A_164 : i32
    scf.if %cond3A_165 {
      %mul3A_201 = arith.constant 40 : i32
      %mul3A_202 = arith.muli %add3A_160, %mul3A_201 : i32
      %mul3A_203 = arith.constant 5000 : i32
      %mul3A_204 = arith.muli %arg0, %mul3A_203 : i32
      %mul3A_205 = arith.constant 40 : i32
      %mul3A_206 = arith.muli %add3A_160, %mul3A_205 : i32
      %add3A_207 = arith.addi %mul3A_204, %mul3A_206 : i32
      "tpu.region"() ({
        %run_scoped3A = tpu.sem_alloc : memref<!tpu.dma_semaphore, #tpu.memory_space<semaphore_mem>>
        %dma_start3A_208 = arith.constant 0 : i32
        %dma_start3A_209 = tpu.memref_slice %arg6[%add3A_207, %dma_start3A_208] : memref<10000x128xf32, #tpu.memory_space<hbm>> -> memref<40x128xf32, #tpu.memory_space<hbm>>
        %dma_start3A_210 = arith.constant 0 : i32
        %dma_start3A_211 = tpu.memref_slice %arg12[%mul3A_202, %dma_start3A_210] : memref<5064x128xf32, #tpu.memory_space<vmem_shared>> -> memref<40x128xf32, #tpu.memory_space<vmem_shared>>
        tpu.enqueue_dma source(%dma_start3A_211 : memref<40x128xf32, #tpu.memory_space<vmem_shared>>) target(%dma_start3A_209 : memref<40x128xf32, #tpu.memory_space<hbm>>) target_semaphore(%run_scoped3A : memref<!tpu.dma_semaphore, #tpu.memory_space<semaphore_mem>>)
        %dma_wait3A_212 = arith.constant 0 : i32
        %dma_wait3A_213 = tpu.memref_slice %arg6[%add3A_207, %dma_wait3A_212] : memref<10000x128xf32, #tpu.memory_space<hbm>> -> memref<40x128xf32, #tpu.memory_space<hbm>>
        %dma_wait3A_214 = arith.constant 0 : i32
        %dma_wait3A_215 = tpu.memref_slice %arg12[%mul3A_202, %dma_wait3A_214] : memref<5064x128xf32, #tpu.memory_space<vmem_shared>> -> memref<40x128xf32, #tpu.memory_space<vmem_shared>>
        tpu.wait_dma2 semaphore(%run_scoped3A : memref<!tpu.dma_semaphore, #tpu.memory_space<semaphore_mem>>) src(%dma_wait3A_215 : memref<40x128xf32, #tpu.memory_space<vmem_shared>>) dst(%dma_wait3A_213 : memref<40x128xf32, #tpu.memory_space<hbm>>)
        tpu.yield
      }) : () -> ()
    } else {
    }
    %add3A_166 = arith.constant 48 : i32
    %add3A_167 = arith.addi %arg1, %add3A_166 : i32
    %lt3A_168 = arith.constant 125 : i32
    %lt3A_169 = arith.cmpi slt, %add3A_167, %lt3A_168 : i32
    %convert_element_type3A_170 = arith.extui %lt3A_169 : i1 to i32
    %cond3A_171 = arith.constant 0 : i32
    %cond3A_172 = arith.cmpi ne, %convert_element_type3A_170, %cond3A_171 : i32
    scf.if %cond3A_172 {
      %mul3A_201 = arith.constant 40 : i32
      %mul3A_202 = arith.muli %add3A_167, %mul3A_201 : i32
      %mul3A_203 = arith.constant 5000 : i32
      %mul3A_204 = arith.muli %arg0, %mul3A_203 : i32
      %mul3A_205 = arith.constant 40 : i32
      %mul3A_206 = arith.muli %add3A_167, %mul3A_205 : i32
      %add3A_207 = arith.addi %mul3A_204, %mul3A_206 : i32
      "tpu.region"() ({
        %run_scoped3A = tpu.sem_alloc : memref<!tpu.dma_semaphore, #tpu.memory_space<semaphore_mem>>
        %dma_start3A_208 = arith.constant 0 : i32
        %dma_start3A_209 = tpu.memref_slice %arg6[%add3A_207, %dma_start3A_208] : memref<10000x128xf32, #tpu.memory_space<hbm>> -> memref<40x128xf32, #tpu.memory_space<hbm>>
        %dma_start3A_210 = arith.constant 0 : i32
        %dma_start3A_211 = tpu.memref_slice %arg12[%mul3A_202, %dma_start3A_210] : memref<5064x128xf32, #tpu.memory_space<vmem_shared>> -> memref<40x128xf32, #tpu.memory_space<vmem_shared>>
        tpu.enqueue_dma source(%dma_start3A_211 : memref<40x128xf32, #tpu.memory_space<vmem_shared>>) target(%dma_start3A_209 : memref<40x128xf32, #tpu.memory_space<hbm>>) target_semaphore(%run_scoped3A : memref<!tpu.dma_semaphore, #tpu.memory_space<semaphore_mem>>)
        %dma_wait3A_212 = arith.constant 0 : i32
        %dma_wait3A_213 = tpu.memref_slice %arg6[%add3A_207, %dma_wait3A_212] : memref<10000x128xf32, #tpu.memory_space<hbm>> -> memref<40x128xf32, #tpu.memory_space<hbm>>
        %dma_wait3A_214 = arith.constant 0 : i32
        %dma_wait3A_215 = tpu.memref_slice %arg12[%mul3A_202, %dma_wait3A_214] : memref<5064x128xf32, #tpu.memory_space<vmem_shared>> -> memref<40x128xf32, #tpu.memory_space<vmem_shared>>
        tpu.wait_dma2 semaphore(%run_scoped3A : memref<!tpu.dma_semaphore, #tpu.memory_space<semaphore_mem>>) src(%dma_wait3A_215 : memref<40x128xf32, #tpu.memory_space<vmem_shared>>) dst(%dma_wait3A_213 : memref<40x128xf32, #tpu.memory_space<hbm>>)
        tpu.yield
      }) : () -> ()
    } else {
    }
    %add3A_173 = arith.constant 64 : i32
    %add3A_174 = arith.addi %arg1, %add3A_173 : i32
    %lt3A_175 = arith.constant 125 : i32
    %lt3A_176 = arith.cmpi slt, %add3A_174, %lt3A_175 : i32
    %convert_element_type3A_177 = arith.extui %lt3A_176 : i1 to i32
    %cond3A_178 = arith.constant 0 : i32
    %cond3A_179 = arith.cmpi ne, %convert_element_type3A_177, %cond3A_178 : i32
    scf.if %cond3A_179 {
      %mul3A_201 = arith.constant 40 : i32
      %mul3A_202 = arith.muli %add3A_174, %mul3A_201 : i32
      %mul3A_203 = arith.constant 5000 : i32
      %mul3A_204 = arith.muli %arg0, %mul3A_203 : i32
      %mul3A_205 = arith.constant 40 : i32
      %mul3A_206 = arith.muli %add3A_174, %mul3A_205 : i32
      %add3A_207 = arith.addi %mul3A_204, %mul3A_206 : i32
      "tpu.region"() ({
        %run_scoped3A = tpu.sem_alloc : memref<!tpu.dma_semaphore, #tpu.memory_space<semaphore_mem>>
        %dma_start3A_208 = arith.constant 0 : i32
        %dma_start3A_209 = tpu.memref_slice %arg6[%add3A_207, %dma_start3A_208] : memref<10000x128xf32, #tpu.memory_space<hbm>> -> memref<40x128xf32, #tpu.memory_space<hbm>>
        %dma_start3A_210 = arith.constant 0 : i32
        %dma_start3A_211 = tpu.memref_slice %arg12[%mul3A_202, %dma_start3A_210] : memref<5064x128xf32, #tpu.memory_space<vmem_shared>> -> memref<40x128xf32, #tpu.memory_space<vmem_shared>>
        tpu.enqueue_dma source(%dma_start3A_211 : memref<40x128xf32, #tpu.memory_space<vmem_shared>>) target(%dma_start3A_209 : memref<40x128xf32, #tpu.memory_space<hbm>>) target_semaphore(%run_scoped3A : memref<!tpu.dma_semaphore, #tpu.memory_space<semaphore_mem>>)
        %dma_wait3A_212 = arith.constant 0 : i32
        %dma_wait3A_213 = tpu.memref_slice %arg6[%add3A_207, %dma_wait3A_212] : memref<10000x128xf32, #tpu.memory_space<hbm>> -> memref<40x128xf32, #tpu.memory_space<hbm>>
        %dma_wait3A_214 = arith.constant 0 : i32
        %dma_wait3A_215 = tpu.memref_slice %arg12[%mul3A_202, %dma_wait3A_214] : memref<5064x128xf32, #tpu.memory_space<vmem_shared>> -> memref<40x128xf32, #tpu.memory_space<vmem_shared>>
        tpu.wait_dma2 semaphore(%run_scoped3A : memref<!tpu.dma_semaphore, #tpu.memory_space<semaphore_mem>>) src(%dma_wait3A_215 : memref<40x128xf32, #tpu.memory_space<vmem_shared>>) dst(%dma_wait3A_213 : memref<40x128xf32, #tpu.memory_space<hbm>>)
        tpu.yield
      }) : () -> ()
    } else {
    }
    %add3A_180 = arith.constant 80 : i32
    %add3A_181 = arith.addi %arg1, %add3A_180 : i32
    %lt3A_182 = arith.constant 125 : i32
    %lt3A_183 = arith.cmpi slt, %add3A_181, %lt3A_182 : i32
    %convert_element_type3A_184 = arith.extui %lt3A_183 : i1 to i32
    %cond3A_185 = arith.constant 0 : i32
    %cond3A_186 = arith.cmpi ne, %convert_element_type3A_184, %cond3A_185 : i32
    scf.if %cond3A_186 {
      %mul3A_201 = arith.constant 40 : i32
      %mul3A_202 = arith.muli %add3A_181, %mul3A_201 : i32
      %mul3A_203 = arith.constant 5000 : i32
      %mul3A_204 = arith.muli %arg0, %mul3A_203 : i32
      %mul3A_205 = arith.constant 40 : i32
      %mul3A_206 = arith.muli %add3A_181, %mul3A_205 : i32
      %add3A_207 = arith.addi %mul3A_204, %mul3A_206 : i32
      "tpu.region"() ({
        %run_scoped3A = tpu.sem_alloc : memref<!tpu.dma_semaphore, #tpu.memory_space<semaphore_mem>>
        %dma_start3A_208 = arith.constant 0 : i32
        %dma_start3A_209 = tpu.memref_slice %arg6[%add3A_207, %dma_start3A_208] : memref<10000x128xf32, #tpu.memory_space<hbm>> -> memref<40x128xf32, #tpu.memory_space<hbm>>
        %dma_start3A_210 = arith.constant 0 : i32
        %dma_start3A_211 = tpu.memref_slice %arg12[%mul3A_202, %dma_start3A_210] : memref<5064x128xf32, #tpu.memory_space<vmem_shared>> -> memref<40x128xf32, #tpu.memory_space<vmem_shared>>
        tpu.enqueue_dma source(%dma_start3A_211 : memref<40x128xf32, #tpu.memory_space<vmem_shared>>) target(%dma_start3A_209 : memref<40x128xf32, #tpu.memory_space<hbm>>) target_semaphore(%run_scoped3A : memref<!tpu.dma_semaphore, #tpu.memory_space<semaphore_mem>>)
        %dma_wait3A_212 = arith.constant 0 : i32
        %dma_wait3A_213 = tpu.memref_slice %arg6[%add3A_207, %dma_wait3A_212] : memref<10000x128xf32, #tpu.memory_space<hbm>> -> memref<40x128xf32, #tpu.memory_space<hbm>>
        %dma_wait3A_214 = arith.constant 0 : i32
        %dma_wait3A_215 = tpu.memref_slice %arg12[%mul3A_202, %dma_wait3A_214] : memref<5064x128xf32, #tpu.memory_space<vmem_shared>> -> memref<40x128xf32, #tpu.memory_space<vmem_shared>>
        tpu.wait_dma2 semaphore(%run_scoped3A : memref<!tpu.dma_semaphore, #tpu.memory_space<semaphore_mem>>) src(%dma_wait3A_215 : memref<40x128xf32, #tpu.memory_space<vmem_shared>>) dst(%dma_wait3A_213 : memref<40x128xf32, #tpu.memory_space<hbm>>)
        tpu.yield
      }) : () -> ()
    } else {
    }
    %add3A_187 = arith.constant 96 : i32
    %add3A_188 = arith.addi %arg1, %add3A_187 : i32
    %lt3A_189 = arith.constant 125 : i32
    %lt3A_190 = arith.cmpi slt, %add3A_188, %lt3A_189 : i32
    %convert_element_type3A_191 = arith.extui %lt3A_190 : i1 to i32
    %cond3A_192 = arith.constant 0 : i32
    %cond3A_193 = arith.cmpi ne, %convert_element_type3A_191, %cond3A_192 : i32
    scf.if %cond3A_193 {
      %mul3A_201 = arith.constant 40 : i32
      %mul3A_202 = arith.muli %add3A_188, %mul3A_201 : i32
      %mul3A_203 = arith.constant 5000 : i32
      %mul3A_204 = arith.muli %arg0, %mul3A_203 : i32
      %mul3A_205 = arith.constant 40 : i32
      %mul3A_206 = arith.muli %add3A_188, %mul3A_205 : i32
      %add3A_207 = arith.addi %mul3A_204, %mul3A_206 : i32
      "tpu.region"() ({
        %run_scoped3A = tpu.sem_alloc : memref<!tpu.dma_semaphore, #tpu.memory_space<semaphore_mem>>
        %dma_start3A_208 = arith.constant 0 : i32
        %dma_start3A_209 = tpu.memref_slice %arg6[%add3A_207, %dma_start3A_208] : memref<10000x128xf32, #tpu.memory_space<hbm>> -> memref<40x128xf32, #tpu.memory_space<hbm>>
        %dma_start3A_210 = arith.constant 0 : i32
        %dma_start3A_211 = tpu.memref_slice %arg12[%mul3A_202, %dma_start3A_210] : memref<5064x128xf32, #tpu.memory_space<vmem_shared>> -> memref<40x128xf32, #tpu.memory_space<vmem_shared>>
        tpu.enqueue_dma source(%dma_start3A_211 : memref<40x128xf32, #tpu.memory_space<vmem_shared>>) target(%dma_start3A_209 : memref<40x128xf32, #tpu.memory_space<hbm>>) target_semaphore(%run_scoped3A : memref<!tpu.dma_semaphore, #tpu.memory_space<semaphore_mem>>)
        %dma_wait3A_212 = arith.constant 0 : i32
        %dma_wait3A_213 = tpu.memref_slice %arg6[%add3A_207, %dma_wait3A_212] : memref<10000x128xf32, #tpu.memory_space<hbm>> -> memref<40x128xf32, #tpu.memory_space<hbm>>
        %dma_wait3A_214 = arith.constant 0 : i32
        %dma_wait3A_215 = tpu.memref_slice %arg12[%mul3A_202, %dma_wait3A_214] : memref<5064x128xf32, #tpu.memory_space<vmem_shared>> -> memref<40x128xf32, #tpu.memory_space<vmem_shared>>
        tpu.wait_dma2 semaphore(%run_scoped3A : memref<!tpu.dma_semaphore, #tpu.memory_space<semaphore_mem>>) src(%dma_wait3A_215 : memref<40x128xf32, #tpu.memory_space<vmem_shared>>) dst(%dma_wait3A_213 : memref<40x128xf32, #tpu.memory_space<hbm>>)
        tpu.yield
      }) : () -> ()
    } else {
    }
    %add3A_194 = arith.constant 112 : i32
    %add3A_195 = arith.addi %arg1, %add3A_194 : i32
    %lt3A_196 = arith.constant 125 : i32
    %lt3A_197 = arith.cmpi slt, %add3A_195, %lt3A_196 : i32
    %convert_element_type3A_198 = arith.extui %lt3A_197 : i1 to i32
    %cond3A_199 = arith.constant 0 : i32
    %cond3A_200 = arith.cmpi ne, %convert_element_type3A_198, %cond3A_199 : i32
    scf.if %cond3A_200 {
      %mul3A_201 = arith.constant 40 : i32
      %mul3A_202 = arith.muli %add3A_195, %mul3A_201 : i32
      %mul3A_203 = arith.constant 5000 : i32
      %mul3A_204 = arith.muli %arg0, %mul3A_203 : i32
      %mul3A_205 = arith.constant 40 : i32
      %mul3A_206 = arith.muli %add3A_195, %mul3A_205 : i32
      %add3A_207 = arith.addi %mul3A_204, %mul3A_206 : i32
      "tpu.region"() ({
        %run_scoped3A = tpu.sem_alloc : memref<!tpu.dma_semaphore, #tpu.memory_space<semaphore_mem>>
        %dma_start3A_208 = arith.constant 0 : i32
        %dma_start3A_209 = tpu.memref_slice %arg6[%add3A_207, %dma_start3A_208] : memref<10000x128xf32, #tpu.memory_space<hbm>> -> memref<40x128xf32, #tpu.memory_space<hbm>>
        %dma_start3A_210 = arith.constant 0 : i32
        %dma_start3A_211 = tpu.memref_slice %arg12[%mul3A_202, %dma_start3A_210] : memref<5064x128xf32, #tpu.memory_space<vmem_shared>> -> memref<40x128xf32, #tpu.memory_space<vmem_shared>>
        tpu.enqueue_dma source(%dma_start3A_211 : memref<40x128xf32, #tpu.memory_space<vmem_shared>>) target(%dma_start3A_209 : memref<40x128xf32, #tpu.memory_space<hbm>>) target_semaphore(%run_scoped3A : memref<!tpu.dma_semaphore, #tpu.memory_space<semaphore_mem>>)
        %dma_wait3A_212 = arith.constant 0 : i32
        %dma_wait3A_213 = tpu.memref_slice %arg6[%add3A_207, %dma_wait3A_212] : memref<10000x128xf32, #tpu.memory_space<hbm>> -> memref<40x128xf32, #tpu.memory_space<hbm>>
        %dma_wait3A_214 = arith.constant 0 : i32
        %dma_wait3A_215 = tpu.memref_slice %arg12[%mul3A_202, %dma_wait3A_214] : memref<5064x128xf32, #tpu.memory_space<vmem_shared>> -> memref<40x128xf32, #tpu.memory_space<vmem_shared>>
        tpu.wait_dma2 semaphore(%run_scoped3A : memref<!tpu.dma_semaphore, #tpu.memory_space<semaphore_mem>>) src(%dma_wait3A_215 : memref<40x128xf32, #tpu.memory_space<vmem_shared>>) dst(%dma_wait3A_213 : memref<40x128xf32, #tpu.memory_space<hbm>>)
        tpu.yield
      }) : () -> ()
    } else {
    }
    return
  }
}

module attributes {stable_mosaic.version = 14 : i64} {
  func.func @body(%arg0: i32, %arg1: i32, %arg2: memref<2048x16xf32, #tpu.memory_space<vmem>>, %arg3: memref<1x16x128xf32, #tpu.memory_space<vmem>>, %arg4: memref<1x2048x128xf32, #tpu.memory_space<vmem>>) attributes {dimension_semantics = [#tpu.dimension_semantics<arbitrary>, #tpu.dimension_semantics<arbitrary>], iteration_bounds = array<i64: 2, 80>, scalar_prefetch = 0 : i64, scratch_operands = 0 : i64, tpu.core_type = #tpu.core_type<tc>, window_params = [{transform_indices = @transform_0, window_bounds = array<i64: 2048, 16>}, {transform_indices = @transform_1, window_bounds = array<i64: 1, 16, 128>}, {transform_indices = @transform_2, window_bounds = array<i64: 1, 2048, 128>}]} {
    %get3A = arith.constant 0 : index
    %get3A_0 = arith.constant 0 : index
    %get3A_1 = vector.load %arg2[%get3A, %get3A_0] : memref<2048x16xf32, #tpu.memory_space<vmem>>, vector<2048x16xf32>
    %get3A_2 = arith.constant 0 : index
    %get3A_3 = arith.constant 0 : index
    %get3A_4 = arith.constant 0 : index
    %get3A_5 = vector.load %arg3[%get3A_2, %get3A_3, %get3A_4] : memref<1x16x128xf32, #tpu.memory_space<vmem>>, vector<1x16x128xf32>
    %get3A_6 = vector.shape_cast %get3A_5 : vector<1x16x128xf32> to vector<16x128xf32>
    %dot_general3A = arith.constant dense<0.000000e+00> : vector<2048x128xf32>
    %dot_general3A_7 = tpu.matmul %get3A_1, %get3A_6, %dot_general3A {dimension_numbers = #tpu.dot_dimension_numbers<[1], [0], [0], [1], [0, 0, 1, 1], [], []>, precision = #tpu.contract_precision<fp32>, transpose_lhs_hint = false} : vector<2048x16xf32>, vector<16x128xf32>, vector<2048x128xf32> -> vector<2048x128xf32>
    %swap3A = arith.constant 0 : index
    %swap3A_8 = arith.constant 0 : index
    %swap3A_9 = arith.constant 0 : index
    %swap3A_10 = vector.load %arg4[%swap3A, %swap3A_8, %swap3A_9] : memref<1x2048x128xf32, #tpu.memory_space<vmem>>, vector<1x2048x128xf32>
    %swap3A_11 = vector.shape_cast %swap3A_10 : vector<1x2048x128xf32> to vector<2048x128xf32>
    %swap3A_12 = vector.shape_cast %dot_general3A_7 : vector<2048x128xf32> to vector<1x2048x128xf32>
    tpu.vector_store %arg4[%swap3A, %swap3A_8, %swap3A_9], %swap3A_12 {strides = array<i32>} : memref<1x2048x128xf32, #tpu.memory_space<vmem>>, vector<1x2048x128xf32>,
    return
  }
  func.func @transform_0(%arg0: i32, %arg1: i32) -> (i32, i32) {
    %c0_i32 = arith.constant 0 : i32
    %c0_i32_0 = arith.constant 0 : i32
    return %arg1, %c0_i32 : i32, i32
  }
  func.func @transform_1(%arg0: i32, %arg1: i32) -> (i32, i32, i32) {
    %c0_i32 = arith.constant 0 : i32
    %c0_i32_0 = arith.constant 0 : i32
    %c0_i32_1 = arith.constant 0 : i32
    return %arg0, %c0_i32, %c0_i32_0 : i32, i32, i32
  }
  func.func @transform_2(%arg0: i32, %arg1: i32) -> (i32, i32, i32) {
    %c0_i32 = arith.constant 0 : i32
    %c0_i32_0 = arith.constant 0 : i32
    return %arg0, %arg1, %c0_i32 : i32, i32, i32
  }
}

module attributes {stable_mosaic.version = 14 : i64} {
  func.func @body(%arg0: i32, %arg1: memref<1000x256xf32, #tpu.memory_space<vmem>>, %arg2: memref<1000x128xf32, #tpu.memory_space<vmem>>, %arg3: memref<1000x128xf32, #tpu.memory_space<vmem>>, %arg4: memref<256x128xf32, #tpu.memory_space<vmem>>, %arg5: memref<1x128xf32, #tpu.memory_space<vmem>>, %arg6: memref<128x1024xf32, #tpu.memory_space<vmem>>, %arg7: memref<1x1024xf32, #tpu.memory_space<vmem>>, %arg8: memref<1024x256xf32, #tpu.memory_space<vmem>>, %arg9: memref<1x256xf32, #tpu.memory_space<vmem>>, %arg10: memref<1000x256xf32, #tpu.memory_space<vmem>>) attributes {dimension_semantics = [#tpu.dimension_semantics<arbitrary>], iteration_bounds = array<i64: 10>, scalar_prefetch = 0 : i64, scratch_operands = 0 : i64, tpu.core_type = #tpu.core_type<tc>, window_params = [{transform_indices = @transform_0, window_bounds = array<i64: 1000, 256>}, {transform_indices = @transform_1, window_bounds = array<i64: 1000, 128>}, {transform_indices = @transform_2, window_bounds = array<i64: 1000, 128>}, {pipeline_mode = #tpu.pipeline_mode<synchronous>, transform_indices = @transform_3, window_bounds = array<i64: 256, 128>}, {pipeline_mode = #tpu.pipeline_mode<synchronous>, transform_indices = @transform_4, window_bounds = array<i64: 1, 128>}, {pipeline_mode = #tpu.pipeline_mode<synchronous>, transform_indices = @transform_5, window_bounds = array<i64: 128, 1024>}, {pipeline_mode = #tpu.pipeline_mode<synchronous>, transform_indices = @transform_6, window_bounds = array<i64: 1, 1024>}, {pipeline_mode = #tpu.pipeline_mode<synchronous>, transform_indices = @transform_7, window_bounds = array<i64: 1024, 256>}, {pipeline_mode = #tpu.pipeline_mode<synchronous>, transform_indices = @transform_8, window_bounds = array<i64: 1, 256>}, {transform_indices = @transform_9, window_bounds = array<i64: 1000, 256>}]} {
    %get3A = arith.constant 0 : index
    %get3A_0 = arith.constant 0 : index
    %get3A_1 = vector.load %arg1[%get3A, %get3A_0] : memref<1000x256xf32, #tpu.memory_space<vmem>>, vector<1000x128xf32>
    %get3A_2 = arith.constant 0 : index
    %get3A_3 = arith.constant 0 : index
    %get3A_4 = vector.load %arg2[%get3A_2, %get3A_3] : memref<1000x128xf32, #tpu.memory_space<vmem>>, vector<1000x128xf32>
    %add3A = arith.addf %get3A_1, %get3A_4 : vector<1000x128xf32>
    %get3A_5 = arith.constant 0 : index
    %get3A_6 = arith.constant 128 : index
    %get3A_7 = vector.load %arg1[%get3A_5, %get3A_6] : memref<1000x256xf32, #tpu.memory_space<vmem>>, vector<1000x128xf32>
    %get3A_8 = arith.constant 0 : index
    %get3A_9 = arith.constant 0 : index
    %get3A_10 = vector.load %arg3[%get3A_8, %get3A_9] : memref<1000x128xf32, #tpu.memory_space<vmem>>, vector<1000x128xf32>
    %add3A_11 = arith.addf %get3A_7, %get3A_10 : vector<1000x128xf32>
    %get3A_12 = arith.constant 0 : index
    %get3A_13 = arith.constant 0 : index
    %get3A_14 = vector.load %arg4[%get3A_12, %get3A_13] : memref<256x128xf32, #tpu.memory_space<vmem>>, vector<128x128xf32>
    %dot_general3A = arith.constant dense<0.000000e+00> : vector<1000x128xf32>
    %dot_general3A_15 = tpu.matmul %add3A, %get3A_14, %dot_general3A {dimension_numbers = #tpu.dot_dimension_numbers<[1], [0], [0], [1], [0, 0, 1, 1], [], []>, precision = #tpu.contract_precision<fp32>, transpose_lhs_hint = false} : vector<1000x128xf32>, vector<128x128xf32>, vector<1000x128xf32> -> vector<1000x128xf32>
    %get3A_16 = arith.constant 128 : index
    %get3A_17 = arith.constant 0 : index
    %get3A_18 = vector.load %arg4[%get3A_16, %get3A_17] : memref<256x128xf32, #tpu.memory_space<vmem>>, vector<128x128xf32>
    %dot_general3A_19 = arith.constant dense<0.000000e+00> : vector<1000x128xf32>
    %dot_general3A_20 = tpu.matmul %add3A_11, %get3A_18, %dot_general3A_19 {dimension_numbers = #tpu.dot_dimension_numbers<[1], [0], [0], [1], [0, 0, 1, 1], [], []>, precision = #tpu.contract_precision<fp32>, transpose_lhs_hint = false} : vector<1000x128xf32>, vector<128x128xf32>, vector<1000x128xf32> -> vector<1000x128xf32>
    %add3A_21 = arith.addf %dot_general3A_15, %dot_general3A_20 : vector<1000x128xf32>
    %get3A_22 = arith.constant 0 : index
    %get3A_23 = arith.constant 0 : index
    %get3A_24 = vector.load %arg5[%get3A_22, %get3A_23] : memref<1x128xf32, #tpu.memory_space<vmem>>, vector<1x128xf32>
    %add3A_25 = vector.broadcast %get3A_24 : vector<1x128xf32> to vector<1000x128xf32>
    %add3A_26 = arith.addf %add3A_21, %add3A_25 : vector<1000x128xf32>
    %get3A_27 = arith.constant 0 : index
    %get3A_28 = arith.constant 0 : index
    %get3A_29 = vector.load %arg6[%get3A_27, %get3A_28] : memref<128x1024xf32, #tpu.memory_space<vmem>>, vector<128x1024xf32>
    %dot_general3A_30 = arith.constant dense<0.000000e+00> : vector<1000x1024xf32>
    %dot_general3A_31 = tpu.matmul %add3A_26, %get3A_29, %dot_general3A_30 {dimension_numbers = #tpu.dot_dimension_numbers<[1], [0], [0], [1], [0, 0, 1, 1], [], []>, precision = #tpu.contract_precision<fp32>, transpose_lhs_hint = false} : vector<1000x128xf32>, vector<128x1024xf32>, vector<1000x1024xf32> -> vector<1000x1024xf32>
    %get3A_32 = arith.constant 0 : index
    %get3A_33 = arith.constant 0 : index
    %get3A_34 = vector.load %arg7[%get3A_32, %get3A_33] : memref<1x1024xf32, #tpu.memory_space<vmem>>, vector<1x1024xf32>
    %add3A_35 = vector.broadcast %get3A_34 : vector<1x1024xf32> to vector<1000x1024xf32>
    %add3A_36 = arith.addf %dot_general3A_31, %add3A_35 : vector<1000x1024xf32>
    %max3A = arith.constant 0.000000e+00 : f32
    %max3A_37 = vector.broadcast %max3A : f32 to vector<1000x1024xf32>
    %max3A_38 = arith.maximumf %add3A_36, %max3A_37 : vector<1000x1024xf32>
    %get3A_39 = arith.constant 0 : index
    %get3A_40 = arith.constant 0 : index
    %get3A_41 = vector.load %arg8[%get3A_39, %get3A_40] : memref<1024x256xf32, #tpu.memory_space<vmem>>, vector<1024x256xf32>
    %dot_general3A_42 = arith.constant dense<0.000000e+00> : vector<1000x256xf32>
    %dot_general3A_43 = tpu.matmul %max3A_38, %get3A_41, %dot_general3A_42 {dimension_numbers = #tpu.dot_dimension_numbers<[1], [0], [0], [1], [0, 0, 1, 1], [], []>, precision = #tpu.contract_precision<fp32>, transpose_lhs_hint = false} : vector<1000x1024xf32>, vector<1024x256xf32>, vector<1000x256xf32> -> vector<1000x256xf32>
    %get3A_44 = arith.constant 0 : index
    %get3A_45 = arith.constant 0 : index
    %get3A_46 = vector.load %arg9[%get3A_44, %get3A_45] : memref<1x256xf32, #tpu.memory_space<vmem>>, vector<1x256xf32>
    %add3A_47 = vector.broadcast %get3A_46 : vector<1x256xf32> to vector<1000x256xf32>
    %add3A_48 = arith.addf %dot_general3A_43, %add3A_47 : vector<1000x256xf32>
    %swap3A = arith.constant 0 : index
    %swap3A_49 = arith.constant 0 : index
    %swap3A_50 = vector.load %arg10[%swap3A, %swap3A_49] : memref<1000x256xf32, #tpu.memory_space<vmem>>, vector<1000x256xf32>
    tpu.vector_store %arg10[%swap3A, %swap3A_49], %add3A_48 {strides = array<i32>} : memref<1000x256xf32, #tpu.memory_space<vmem>>, vector<1000x256xf32>,
    return
  }
  func.func @transform_0(%arg0: i32) -> (i32, i32) {
    %c0_i32 = arith.constant 0 : i32
    %c0_i32_0 = arith.constant 0 : i32
    return %arg0, %c0_i32 : i32, i32
  }
  func.func @transform_1(%arg0: i32) -> (i32, i32) {
    %jit3A = arith.constant 5 : i32
    %div3A = arith.divsi %arg0, %jit3A : i32
    %sign3A = arith.constant 0 : i32
    %sign3A_0 = arith.cmpi sgt, %arg0, %sign3A : i32
    %sign3A_1 = arith.extui %sign3A_0 : i1 to i32
    %sign3A_2 = arith.constant 0 : i32
    %sign3A_3 = arith.cmpi slt, %arg0, %sign3A_2 : i32
    %sign3A_4 = arith.extui %sign3A_3 : i1 to i32
    %sign3A_5 = arith.subi %sign3A_1, %sign3A_4 : i32
    %sign3A_6 = arith.constant 0 : i32
    %sign3A_7 = arith.cmpi sgt, %jit3A, %sign3A_6 : i32
    %sign3A_8 = arith.extui %sign3A_7 : i1 to i32
    %sign3A_9 = arith.constant 0 : i32
    %sign3A_10 = arith.cmpi slt, %jit3A, %sign3A_9 : i32
    %sign3A_11 = arith.extui %sign3A_10 : i1 to i32
    %sign3A_12 = arith.subi %sign3A_8, %sign3A_11 : i32
    %ne3A = arith.cmpi ne, %sign3A_5, %sign3A_12 : i32
    %rem3A = arith.remsi %arg0, %jit3A : i32
    %ne3A_13 = arith.constant 0 : i32
    %ne3A_14 = arith.cmpi ne, %rem3A, %ne3A_13 : i32
    %and3A = arith.andi %ne3A, %ne3A_14 : i1
    %sub3A = arith.constant 1 : i32
    %sub3A_15 = arith.subi %div3A, %sub3A : i32
    %select_n3A = arith.select %and3A, %sub3A_15, %div3A : i32
    %mul3A = arith.constant 5 : i32
    %mul3A_16 = arith.muli %select_n3A, %mul3A : i32
    %add3A = arith.addi %arg0, %mul3A_16 : i32
    %c0_i32 = arith.constant 0 : i32
    %c0_i32_17 = arith.constant 0 : i32
    return %add3A, %c0_i32 : i32, i32
  }
  func.func @transform_2(%arg0: i32) -> (i32, i32) {
    %jit3A = arith.constant 5 : i32
    %div3A = arith.divsi %arg0, %jit3A : i32
    %sign3A = arith.constant 0 : i32
    %sign3A_0 = arith.cmpi sgt, %arg0, %sign3A : i32
    %sign3A_1 = arith.extui %sign3A_0 : i1 to i32
    %sign3A_2 = arith.constant 0 : i32
    %sign3A_3 = arith.cmpi slt, %arg0, %sign3A_2 : i32
    %sign3A_4 = arith.extui %sign3A_3 : i1 to i32
    %sign3A_5 = arith.subi %sign3A_1, %sign3A_4 : i32
    %sign3A_6 = arith.constant 0 : i32
    %sign3A_7 = arith.cmpi sgt, %jit3A, %sign3A_6 : i32
    %sign3A_8 = arith.extui %sign3A_7 : i1 to i32
    %sign3A_9 = arith.constant 0 : i32
    %sign3A_10 = arith.cmpi slt, %jit3A, %sign3A_9 : i32
    %sign3A_11 = arith.extui %sign3A_10 : i1 to i32
    %sign3A_12 = arith.subi %sign3A_8, %sign3A_11 : i32
    %ne3A = arith.cmpi ne, %sign3A_5, %sign3A_12 : i32
    %rem3A = arith.remsi %arg0, %jit3A : i32
    %ne3A_13 = arith.constant 0 : i32
    %ne3A_14 = arith.cmpi ne, %rem3A, %ne3A_13 : i32
    %and3A = arith.andi %ne3A, %ne3A_14 : i1
    %sub3A = arith.constant 1 : i32
    %sub3A_15 = arith.subi %div3A, %sub3A : i32
    %select_n3A = arith.select %and3A, %sub3A_15, %div3A : i32
    %mul3A = arith.constant 5 : i32
    %mul3A_16 = arith.muli %select_n3A, %mul3A : i32
    %add3A = arith.addi %arg0, %mul3A_16 : i32
    %add3A_17 = arith.constant 5 : i32
    %add3A_18 = arith.addi %add3A, %add3A_17 : i32
    %c0_i32 = arith.constant 0 : i32
    %c0_i32_19 = arith.constant 0 : i32
    return %add3A_18, %c0_i32 : i32, i32
  }
  func.func @transform_3(%arg0: i32) -> (i32, i32) {
    %c0_i32 = arith.constant 0 : i32
    %c0_i32_0 = arith.constant 0 : i32
    %c0_i32_1 = arith.constant 0 : i32
    return %c0_i32, %c0_i32_0 : i32, i32
  }
  func.func @transform_4(%arg0: i32) -> (i32, i32) {
    %c0_i32 = arith.constant 0 : i32
    %c0_i32_0 = arith.constant 0 : i32
    %c0_i32_1 = arith.constant 0 : i32
    return %c0_i32, %c0_i32_0 : i32, i32
  }
  func.func @transform_5(%arg0: i32) -> (i32, i32) {
    %c0_i32 = arith.constant 0 : i32
    %c0_i32_0 = arith.constant 0 : i32
    %c0_i32_1 = arith.constant 0 : i32
    return %c0_i32, %c0_i32_0 : i32, i32
  }
  func.func @transform_6(%arg0: i32) -> (i32, i32) {
    %c0_i32 = arith.constant 0 : i32
    %c0_i32_0 = arith.constant 0 : i32
    %c0_i32_1 = arith.constant 0 : i32
    return %c0_i32, %c0_i32_0 : i32, i32
  }
  func.func @transform_7(%arg0: i32) -> (i32, i32) {
    %c0_i32 = arith.constant 0 : i32
    %c0_i32_0 = arith.constant 0 : i32
    %c0_i32_1 = arith.constant 0 : i32
    return %c0_i32, %c0_i32_0 : i32, i32
  }
  func.func @transform_8(%arg0: i32) -> (i32, i32) {
    %c0_i32 = arith.constant 0 : i32
    %c0_i32_0 = arith.constant 0 : i32
    %c0_i32_1 = arith.constant 0 : i32
    return %c0_i32, %c0_i32_0 : i32, i32
  }
  func.func @transform_9(%arg0: i32) -> (i32, i32) {
    %c0_i32 = arith.constant 0 : i32
    %c0_i32_0 = arith.constant 0 : i32
    return %arg0, %c0_i32 : i32, i32
  }
}

</mosaic_0001>

<sc_bundles>
// kernel: kernel.6.cloned.1.call-start
scs
__scs_entry_jumppad:
0x0: {  	(pc) =	sbr.rel $0x88, $3  }
0x1: {  	(tag) =	ssettag $0x0;
	lr =	simm.s32 $0x1  }
0x2: {  	[smem:$0x3F97] =	sst lr;
	_ =	strace $0xD0000000  }
0x3: {  	_ = 	snop  }
0x4: {  	_ = 	snop  }
0x5: {  	_ = 	snop  }
0x6: {  	_ = 	snop  }
0x7: {  	_ = 	snop  }
__scs_overlays_trampoline_lowered:
0x8: {  	[smem:$0x3FA6] =	sst s0  }
0x9: {  	[smem:$0x3FA7] =	sst s1  }
0xa: {  	[smem:$0x3FA8] =	sst s2  }
0xb: {  	[smem:$0x3FA9] =	sst s3  }
0xc: {  	[smem:$0x3FAA] =	sst s4  }
0xd: {  	[smem:$0x3FAB] =	sst s5  }
0xe: {  	[smem:$0x3FAC] =	sst s6  }
0xf: {  	[smem:$0x3FAD] =	sst s7  }
0x10: {  	[smem:$0x3FAE] =	sst s8  }
0x11: {  	[smem:$0x3FAF] =	sst s9;
	s0 =	simm.s32 @!p0 $0x0  }
0x12: {  	s1 =	sld [smem:$0x3F95];
	s0 =	simm.s32 @p0 $0x1  }
0x13: {  	[smem:$0x3FB0] =	sst s0;
	s0 =	simm.s32 @!p1 $0x0  }
0x14: {  	s2 =	sld [smem:$0x3F94];
	s0 =	simm.s32 @p1 $0x1  }
0x15: {  	[smem:$0x3FB1] =	sst s0;
	s0 =	simm.s32 @!p2 $0x0  }
0x16: {  	s3 =	sld [smem:$0x3FDB];
	s0 =	simm.s32 @p2 $0x1  }
0x17: {  	s4 =	simm.s32 $0x1BF5;
	[smem:$0x3FB3] =	sst s0  }
0x18: {  	s0 =	sld [smem:$0x3F96];
	_ =	swait.ge [sflag:s4], $0x0  }
0x19: {  	s7 =	sld [smem:$0x3F97]  }
0x1a: {  	s8 =	sadd.s32 $0xFFFFE003, lr  }
0x1b: {  	s9 =	sadd.s32 $0xFFFFFEF7, lr;
	s5 =	simm.s32 $0xFFFFFFFF;
	p2 =	slt.u32 s8, $0xFFFFF086  }
0x1c: {  	p1 =	slt.u32 s9, $0xF7A;
	s5 =	simm.s32 @!p2 $0x0  }
0x1d: {  	s5 =	simm.s32 @p1 $0x1;
	p0 =	seq.s32 s7, s2  }
0x1e: {  	s7 =	smul.u32 @!p0 $0xF7A, s2;
	p2 =	seq.s32 @!p0 s5, $0x0  }
0x1f: {  	s9 =	smul.u32 $0xF7A, s1;
	s8 =	simm.s32 @!p0 $0x1BF5;
	p2 =	por !p2, p0  }
0x20: {  	[sflag:s8] =	ssyncset.s32 @!p0 $0xFFFFF086;
	s6 =	sadd.s32 @!p0 s3, s7;
	s7 =	simm.s32 @!p0 $0x108  }
0x21: {  	s3 =	sadd.s32 s3, s9;
	s6 =	sadd.s32 @!p0 $0x88, s6;
	s7 =	simm.s32 @p2 $0x1082  }
0x22: {  	[simem:s7], [sflag:s8] =	dma.local @!p0 [hbm:s6], $0xF7A  }
0x23: {  	s9 =	sor.u32 $0xD0000000, s2;
	s6 =	simm.s32 $0x108;
	_ =	swait.ge @!p0 [sflag:s8], $0x0  }
0x24: {  	s3 =	sadd.s32 $0x88, s3;
	s6 =	simm.s32 @!p1 $0x1082;
	[sflag:s4] =	ssyncset.s32 $0xFFFFF086  }
0x25: {  	[simem:s6], [sflag:s4] =	dma.local [hbm:s3], $0xF7A  }
0x26: {  	[smem:$0x3F97] =	sst s1;
	(tag) =	ssettag s2;
	_ =	strace s9  }
0x27: {  	s1 =	sld [smem:$0x3FA7]  }
0x28: {  	s2 =	sld [smem:$0x3FA8]  }
0x29: {  	s4 =	sld [smem:$0x3FAA]  }
0x2a: {  	p0 =	seq.s32 s5, $0x0;
	s5 =	sld [smem:$0x3FAB]  }
0x2b: {  	s6 =	sld [smem:$0x3FAC]  }
0x2c: {  	s7 =	sld [smem:$0x3FAD]  }
0x2d: {  	s3 =	simm.s32 $0x108;
	s8 =	sld [smem:$0x3FAE]  }
0x2e: {  	s3 =	simm.s32 @!p0 $0x1082;
	s9 =	sld [smem:$0x3FAF]  }
0x2f: {  	lr =	sadd.s32 s0, s3;
	s0 =	sld [smem:$0x3FA6]  }
0x30: {  	s3 =	sld [smem:$0x3FA9]  }
0x31: {  	[smem:$0x3FB2] =	sst s10  }
0x32: {  	s10 =	sld [smem:$0x3FB0];
	_ =	sdelay $0x3  }
0x33: {  	p0 =	seq.s32 s10, $0x1;
	s10 =	sld [smem:$0x3FB2];
	_ =	sdelay $0x3  }
0x34: {  	[smem:$0x3FB2] =	sst s10  }
0x35: {  	s10 =	sld [smem:$0x3FB1];
	_ =	sdelay $0x3  }
0x36: {  	p1 =	seq.s32 s10, $0x1;
	s10 =	sld [smem:$0x3FB2];
	_ =	sdelay $0x3  }
0x37: {  	[smem:$0x3FB2] =	sst s10  }
0x38: {  	s10 =	sld [smem:$0x3FB3]  }
0x39: {  	_ = 	snop;
	(pc) =	sbr.ind lr, $3  }
0x3a: {  	_ = 	snop  }
0x3b: {  	_ = 	snop  }
0x3c: {  	p2 =	seq.s32 s10, $0x1;
	s10 =	sld [smem:$0x3FB2]  }
0x3d: {  	_ =	shalt  }
0x3e: {  	_ =	shalt  }
0x3f: {  	_ =	shalt  }
0x40: {  	_ =	shalt  }
0x41: {  	_ =	shalt  }
0x42: {  	_ =	shalt  }
0x43: {  	_ =	shalt  }
0x44: {  	_ =	shalt  }
0x45: {  	_ =	shalt  }
0x46: {  	_ =	shalt  }
0x47: {  	_ =	shalt  }
0x48: {  	_ =	shalt  }
0x49: {  	_ =	shalt  }
0x4a: {  	_ =	shalt  }
0x4b: {  	_ =	shalt  }
0x4c: {  	_ =	shalt  }
0x4d: {  	_ =	shalt  }
0x4e: {  	_ =	shalt  }
0x4f: {  	_ =	shalt  }
0x50: {  	_ =	shalt  }
0x51: {  	_ =	shalt  }
0x52: {  	_ =	shalt  }
0x53: {  	_ =	shalt  }
0x54: {  	_ =	shalt  }
0x55: {  	_ =	shalt  }
0x56: {  	_ =	shalt  }
0x57: {  	_ =	shalt  }
0x58: {  	_ =	shalt  }
0x59: {  	_ =	shalt  }
0x5a: {  	_ =	shalt  }
0x5b: {  	_ =	shalt  }
0x5c: {  	_ =	shalt  }
0x5d: {  	_ =	shalt  }
0x5e: {  	_ =	shalt  }
0x5f: {  	_ =	shalt  }
0x60: {  	_ =	shalt  }
0x61: {  	_ =	shalt  }
0x62: {  	_ =	shalt  }
0x63: {  	_ =	shalt  }
0x64: {  	_ =	shalt  }
0x65: {  	_ =	shalt  }
0x66: {  	_ =	shalt  }
0x67: {  	_ =	shalt  }
0x68: {  	_ =	shalt  }
0x69: {  	_ =	shalt  }
0x6a: {  	_ =	shalt  }
0x6b: {  	_ =	shalt  }
0x6c: {  	_ =	shalt  }
0x6d: {  	_ =	shalt  }
0x6e: {  	_ =	shalt  }
0x6f: {  	_ =	shalt  }
0x70: {  	_ =	shalt  }
0x71: {  	_ =	shalt  }
0x72: {  	_ =	shalt  }
0x73: {  	_ =	shalt  }
0x74: {  	_ =	shalt  }
0x75: {  	_ =	shalt  }
0x76: {  	_ =	shalt  }
0x77: {  	_ =	shalt  }
0x78: {  	_ =	shalt  }
0x79: {  	_ =	shalt  }
0x7a: {  	_ =	shalt  }
0x7b: {  	_ =	shalt  }
0x7c: {  	_ =	shalt  }
0x7d: {  	_ =	shalt  }
0x7e: {  	_ =	shalt  }
0x7f: {  	_ =	shalt  }
0x80: {  	_ =	shalt  }
0x81: {  	_ =	shalt  }
0x82: {  	_ =	shalt  }
0x83: {  	_ =	shalt  }
0x84: {  	_ =	shalt  }
0x85: {  	_ =	shalt  }
0x86: {  	_ =	shalt  }
0x87: {  	_ =	shalt  }
.Lfunc_end0:
.L_simem_size_0:
called_computation_lowered:
.L_overlay_start_0:
0x88: {  	s2 =	sld [smem:$0x3FD9]  }
0x89: {  	s3 =	sld [smem:$0x3FFE];
	_ =	sdelay $0x1  }
0x8a: {  	s1 =	srdreg.scid  }
0x8b: {  	s0 =	sand.u32 $0x1, s1  }
0x8c: {  	s17 =	sshll.u32 s0, $0xA;
	s2 =	sadd.s32 s3, s2  }
0x8d: {  	s2 =	sadd.s32 s2, s17  }
0x8e: {  	[smem:$0x3FBE] =	sst s2  }
0x8f: {  	_ = 	snop  }
0x90: {  	s2 =	sld [smem:$0x3FD0];
	(tm) =	ssettm $0x1  }
0x91: {  	s18 =	sld [smem:$0x3FFB];
	_ =	sdelay $0x3  }
0x92: {  	_ =	strace s18  }
0x93: {  	s3 =	sld [smem:$0x3FFC];
	_ =	sdelay $0x3  }
0x94: {  	_ =	strace s3  }
0x95: {  	s3 =	sld [smem:$0x3FFD];
	_ =	sdelay $0x3  }
0x96: {  	_ =	strace s3  }
0x97: {  	_ =	strace $0x8FFFFFFF  }
0x98: {  	s19 =	sld [smem:$0x3FDB];
	_ =	sdelay $0x1  }
0x99: {  	s4 =	simm.s32 $_scs_section_size  }
0x9a: {  	s5 =	simm.s32 $_size__tile_overlayer_lowered;
	s6 =	simm.s32 $_tile_overlayer_lowered  }
0x9b: {  	s22 =	simm.s32 $0x1BFF;
	s21 =	sshll.u32 s6, $0x1;
	s3 =	sadd.s32 s4, s19  }
0x9c: {  	s7 =	simm.s32 $0x0;
	s20 =	sshll.u32 s5, $0x1;
	s5 =	sadd.s32 s21, s3  }
0x9d: {  	[timem:s7], [sflag:s22] =	dma.local [hbm:s5], s20  }
0x9e: {  	_ =	swait.ge [sflag:s22], s20  }
0x9f: {  	s4 =	ssub.s32 $0x0, s20;
	[sflag:s22] =	ssyncset.done $0x0  }
0xa0: {  	[sflag:s22] =	ssyncadd.s32 s4;
	_ =	sdelay $0x1  }
0xa1: {  	s23 =	simm.s32 $0x1B8B  }
0xa2: {  	_ =	swait.ge [sflag:s23], $0x1  }
0xa3: {  	[sflag:s23] =	ssyncset.done $0x0  }
0xa4: {  	s25 =	simm.s32 $0x1B8E;
	s24 =	sld [smem:$0x3FFE];
	[sflag:s23] =	ssyncadd.s32 $0xFFFFFFFF  }
0xa5: {  	s26 =	simm.s32 $execute0_lowered;
	[smem:$0x3FD2] =	sst s25  }
0xa6: {  	s5 =	sshll.u32 s26, $0x1;
	_ =	strace $0x80000046;
	[dreg:$0x1] =	wrdreg $0xFFFFFFFF  }
0xa7: {  	s28 =	simm.s32 $_size_execute0_lowered;
	s3 =	sadd.s32 s3, s5;
	[dreg:$0x0] =	wrdreg $0x0  }
0xa8: {  	s5 =	sshll.u32 s28, $0x1;
	[dreg:$0x2] =	wrdreg s3  }
0xa9: {  	[dreg:$0x3] =	wrdreg s5  }
0xaa: {  	[dreg:$0x4] =	wrdreg $0xC0  }
0xab: {  	_ =	task [dreg:s7], $0x5FFFF  }
0xac: {  	[dreg:$0x1] =	wrdreg $0xFFFFFFFF  }
0xad: {  	[dreg:$0x0] =	wrdreg $0x60  }
0xae: {  	[dreg:$0x2] =	wrdreg s2  }
0xaf: {  	[dreg:$0x3] =	wrdreg s24  }
0xb0: {  	[dreg:$0x4] =	wrdreg $0x160000  }
0xb1: {  	[dreg:$0x5] =	wrdreg $0x9  }
0xb2: {  	_ =	task.clear_ibuf [dreg:s7], $0x6FFFF;
	_ =	strace $0x90000046  }
0xb3: {  	s29 =	simm.s32 $0x9;
	_ =	strace $0x80000048  }
0xb4: {  	_ =	swait.ge [sflag:s29], $0x1  }
0xb5: {  	[sflag:s29] =	ssyncadd.s32 $0xFFFFFFFF  }
0xb6: {  	_ =	strace $0x90000048  }
0xb7: {  	_ =	sfence  }
0xb8: {  	s30 =	sld [smem:$0x0];
	_ =	sdelay $0x2  }
0xb9: {  	s31 =	sshll.u32 s1, $0xD;
	s1 =	sshrl.u32 s1, $0x2  }
0xba: {  	s3 =	sand.u32 $0x4000, s31;
	s1 =	sadd.s32 s1, s30  }
0xbb: {  	s0 =	sor.u32 s3, s0;
	s1 =	sshll.u32 s1, $0x11  }
0xbc: {  	s0 =	sor.u32 s1, s0  }
0xbd: {  	s0 =	sadd.s32 $0x8F2B, s0  }
0xbe: {  	[sflag:s0] =	ssyncadd.remote.s32 $0x1  }
0xbf: {  	_ =	sfence.sel $0xFFFF  }
0xc0: {  	[dreg:$0x0] =	wrdreg $0xFFFFFFFF;
	(pc) =	sbr.abs _section_cstart, $3  }
0xc1: {  	[dreg:$0x1] =	wrdreg $0xFFFFFFFF  }
0xc2: {  	_ =	task.clear_ibuf [dreg:s7], $0x2FFFF;
	_ =	strace $0x9FFFFFFF  }
0xc3: {  	(tm) =	ssettm $0x7FFFFFFF  }
tec
execute0_lowered:
.L_overlay_start_1:
0x0: {  	(tag) =	ssettag $0x1  }
0x1: {  	s1 =	rddreg [dreg:$0x0]  }
0x2: {  	s0 =	srdreg.scid;
	s2 =	rddreg [dreg:$0x1]  }
0x3: {  	s25 =	stileid.u32;
	s3 =	rddreg [dreg:$0x2]  }
0x4: {  	s4 =	simm.s32 $0x0;
	s29 =	simm.s32 $0x40;
	s8 =	smul.u32 $0x2800, s25  }
0x5: {  	s28 =	simm.s32 $0xC000;
	s9 =	sand.u32 $0x1, s0;
	s10 =	smul.u32 $0xA00, s25  }
0x6: {  	s30 =	simm.s32 $0x10000;
	s31 =	simm.s32 $0x12000;
	s5 =	smul.u32 $0x28000, s9  }
0x7: {  	[smem:$0x7FF] =	sst s4;
	s7 =	sor.u32 $0x10, s25;
	s6 =	smul.u32 $0x1388, s9  }
0x8: {  	s12 =	sor.u32 $0x30, s25;
	s16 =	sor.u32 $0x40, s25;
	s11 =	smul.u32 $0x28, s7  }
0x9: {  	s18 =	sor.u32 $0x50, s25;
	s21 =	sor.u32 $0x70, s25;
	s15 =	smul.u32 $0x28, s12  }
0xa: {  	p0 =	sgt.u32 s25, $0xD;
	p1 =	sgt.u32 s25, $0xC;
	s19 =	smul.u32 $0x28, s16  }
0xb: {  	_ =	strace $0x80000047;
	s14 =	ssub.s32 $0x2, s9;
	s20 =	smul.u32 $0x28, s18  }
0xc: {  	s23 =	smul.u32 $0x28, s21;
	s17 =	sshrl.u32 s14, $0x1;
	s0 =	sadd.s32 s8, s5  }
0xd: {  	s8 =	smul.u32 $0x28, s25;
	s5 =	sadd.s32 s10, s2;
	s10 =	sor.u32 $0x20, s25  }
0xe: {  	s14 =	ssub.s32 s14, s17;
	s17 =	sor.u32 $0x60, s25;
	s11 =	sadd.s32 s6, s11  }
0xf: {  	s15 =	sadd.s32 s6, s15;
	s19 =	sadd.s32 s6, s19;
	s13 =	smul.u32 $0x28, s10  }
0x10: {  	s20 =	sadd.s32 s6, s20;
	s0 =	sshll.u32 s0, $0x4;
	s22 =	smul.u32 $0x28, s17  }
0x11: {  	s11 =	sshll.u32 s11, $0x4;
	s15 =	sshll.u32 s15, $0x4;
	s26 =	sshll.u32 s19, $0x4  }
0x12: {  	s19 =	sadd.s32 $0x1E00, s5;
	s5 =	sadd.s32 $0xBE00, s5;
	s0 =	sadd.s32 s0, s2  }
0x13: {  	s2 =	sadd.s32 $0x15E00, s2;
	s8 =	sadd.s32 s8, s6;
	[dreg:$0xc] =	wrdreg s19  }
0x14: {  	[dreg:$0xd] =	wrdreg s5;
	s5 =	simm.s32 $0x3;
	s8 =	sshll.u32 s8, $0x4  }
0x15: {  	s13 =	sadd.s32 s6, s13;
	s22 =	sadd.s32 s6, s22;
	s24 =	sadd.s32 s2, s15  }
0x16: {  	s6 =	sadd.s32 s6, s23;
	s8 =	sadd.s32 s2, s8;
	[dreg:$0x7] =	wrdreg s24  }
0x17: {  	s23 =	smul.u32 $0x5000, s25;
	s13 =	sshll.u32 s13, $0x4;
	[dreg:$0x4] =	wrdreg s8  }
0x18: {  	s8 =	sadd.s32 s2, s11;
	s11 =	sshll.u32 s20, $0x4;
	s20 =	smul.u32 $0x5000, s7  }
0x19: {  	s6 =	sshll.u32 s6, $0x4;
	s7 =	smul.u32 $0x5000, s16;
	[dreg:$0x5] =	wrdreg s8  }
0x1a: {  	s8 =	sadd.s32 s2, s13;
	s13 =	sshll.u32 s22, $0x4;
	s22 =	smul.u32 $0x5000, s10  }
0x1b: {  	s24 =	sshrl.u32 s23, $0x2;
	s10 =	smul.u32 $0x5000, s18;
	[dreg:$0x6] =	wrdreg s8  }
0x1c: {  	s8 =	sadd.s32 s2, s26;
	s15 =	sadd.s32 s2, s13;
	s26 =	smul.u32 $0x5000, s12  }
0x1d: {  	s13 =	sadd.s32 s24, s3;
	s12 =	smul.u32 $0x5000, s17;
	[dreg:$0x8] =	wrdreg s8  }
0x1e: {  	s19 =	sshrl.u32 s7, $0x2;
	s8 =	sadd.s32 s2, s11;
	[dreg:$0xa] =	wrdreg s15  }
0x1f: {  	s7 =	simm.s32 $0x4;
	s2 =	sadd.s32 s2, s6;
	[dreg:$0x9] =	wrdreg s8  }
0x20: {  	s15 =	sadd.s32 $0x506E00, s0;
	s0 =	sadd.s32 $0x507200, s0;
	[dreg:$0xb] =	wrdreg s2  }
0x21: {  	s6 =	simm.s32 $0x2;
	[dreg:$0xe] =	wrdreg s0;
	s2 =	sshrl.u32 s20, $0x2  }
0x22: {  	s8 =	sshrl.u32 s22, $0x2;
	s11 =	sshrl.u32 s26, $0x2;
	s20 =	smul.u32 $0x5000, s21  }
0x23: {  	s0 =	sadd.s32 s19, s3;
	s21 =	sshrl.u32 s10, $0x2;
	s22 =	sshrl.u32 s12, $0x2  }
0x24: {  	s26 =	smax.u32 s14, $0x1;
	s16 =	sadd.s32 s2, s3;
	s18 =	sadd.s32 s8, s3  }
.Ltmp0:
0x25: {  	s17 =	sadd.s32 s11, s3;
	[dreg:$0xf] =	wrdreg s0;
	(pc) =	sbr.rel .LBB2_1-.Ltmp0, $4  }
0x26: {  	s0 =	sadd.s32 s21, s3;
	s23 =	sadd.s32 s22, s3;
	[dreg:$0x12] =	wrdreg s26  }
0x27: {  	s26 =	simm.s32 $0x7;
	s2 =	simm.s32 $0x80;
	s8 =	simm.s32 $0x14000  }
0x28: {  	s11 =	simm.s32 $0x0;
	[dreg:$0x10] =	wrdreg s0;
	s24 =	sshrl.u32 s20, $0x2  }
0x29: {  	v1 =	vimm.f32 $0.0e+00;
	v0 =	vmov s9;
	[dreg:$0x11] =	wrdreg s23;
	s0 =	simm.s32 $0x1;
	s24 =	sadd.s32 s24, s3  }
.LBB2_12:
0x2a: {  	s9 =	simm.s32 $0x6  }
0x2b: {  	_ =	swait.ge [sflag:s9], $0x400  }
0x2c: {  	[sflag:s9] =	ssyncset.done $0x0  }
0x2d: {  	s17 =	simm.s32 $0x5;
	[sflag:s9] =	ssyncadd.s32 $0xFFFFFC00  }
0x2e: {  	_ =	swait.ge [sflag:s17], $0x400  }
0x2f: {  	[sflag:s17] =	ssyncset.done $0x0  }
0x30: {  	s18 =	stileid.u32;
	[sflag:s17] =	ssyncadd.s32 $0xFFFFFC00  }
0x31: {  	s9 =	sshll.u32 s18, $0x6;
	[bflag:$0x0] =	sbarrier.arrive $0xFFFF  }
0x32: {  	s10 =	sshrl.u32 s20, $0x3;
	s9 =	sor.u32 $0x1C07, s9;
	s12 =	rddreg [dreg:$0x4]  }
0x33: {  	[hbm:s12], [sflag:s9] =	dma.local [spmem:s10], $0x280  }
0x34: {  	_ =	swait.ge [sflag:s26], $0x280  }
0x35: {  	s13 =	smov.u32 s20;
	[sflag:s26] =	ssyncset.done $0x0  }
0x36: {  	s19 =	sshrl.u32 s21, $0x3;
	s20 =	rddreg [dreg:$0x5];
	[sflag:s26] =	ssyncadd.s32 $0xFFFFFD80  }
0x37: {  	[hbm:s20], [sflag:s9] =	dma.local [spmem:s19], $0x280  }
0x38: {  	_ =	swait.ge [sflag:s26], $0x280  }
0x39: {  	s16 =	smov.u32 s21;
	s21 =	sshrl.u32 s22, $0x3;
	[sflag:s26] =	ssyncset.done $0x0  }
0x3a: {  	s18 =	smov.u32 s22;
	s22 =	rddreg [dreg:$0x6];
	[sflag:s26] =	ssyncadd.s32 $0xFFFFFD80  }
0x3b: {  	[hbm:s22], [sflag:s9] =	dma.local [spmem:s21], $0x280  }
0x3c: {  	_ =	swait.ge [sflag:s26], $0x280  }
0x3d: {  	s17 =	smov.u32 s23;
	[sflag:s26] =	ssyncset.done $0x0  }
0x3e: {  	s23 =	sshrl.u32 s23, $0x3;
	s25 =	rddreg [dreg:$0x7];
	[sflag:s26] =	ssyncadd.s32 $0xFFFFFD80  }
0x3f: {  	[hbm:s25], [sflag:s9] =	dma.local [spmem:s23], $0x280  }
0x40: {  	_ =	swait.ge [sflag:s26], $0x280  }
0x41: {  	[sflag:s26] =	ssyncset.done $0x0;
	s14 =	rddreg [dreg:$0xf]  }
0x42: {  	s19 =	rddreg [dreg:$0x8];
	[sflag:s26] =	ssyncadd.s32 $0xFFFFFD80;
	s10 =	sshrl.u32 s14, $0x3  }
0x43: {  	[hbm:s19], [sflag:s9] =	dma.local [spmem:s10], $0x280  }
0x44: {  	_ =	swait.ge [sflag:s26], $0x280  }
0x45: {  	[sflag:s26] =	ssyncset.done $0x0;
	s20 =	rddreg [dreg:$0x10]  }
0x46: {  	s21 =	rddreg [dreg:$0x9];
	[sflag:s26] =	ssyncadd.s32 $0xFFFFFD80;
	s10 =	sshrl.u32 s20, $0x3  }
0x47: {  	[hbm:s21], [sflag:s9] =	dma.local [spmem:s10], $0x280  }
0x48: {  	_ =	swait.ge [sflag:s26], $0x280  }
0x49: {  	[sflag:s26] =	ssyncset.done $0x0;
	s22 =	rddreg [dreg:$0x11]  }
0x4a: {  	s23 =	rddreg [dreg:$0xa];
	[sflag:s26] =	ssyncadd.s32 $0xFFFFFD80;
	s10 =	sshrl.u32 s22, $0x3  }
0x4b: {  	[hbm:s23], [sflag:s9] =	dma.local [spmem:s10], $0x280  }
0x4c: {  	_ =	swait.ge [sflag:s26], $0x280  }
0x4d: {  	[sflag:s26] =	ssyncset.done $0x0  }
0x4e: {  	s10 =	sshrl.u32 @!p1 s24, $0x3;
	s12 =	rddreg [dreg:$0xb];
	[sflag:s26] =	ssyncadd.s32 $0xFFFFFD80  }
0x4f: {  	[hbm:s12], [sflag:s9] =	dma.local @!p1 [spmem:s10], $0x280  }
0x50: {  	s9 =	simm.s32 @!p1 $0x7  }
0x51: {  	_ =	swait.ge @!p1 [sflag:s9], $0x280  }
0x52: {  	s11 =	sadd.s32 $0x1, s11;
	s25 =	rddreg [dreg:$0x12]  }
0x53: {  	p2 =	sne.s32 s11, s25  }
.Ltmp1:
0x54: {  	_ = 	snop;
	(pc) =	sbr.rel @!p2 .LBB2_13-.Ltmp1, $3  }
0x55: {  	_ =	sdelay $0x1  }
0x56: {  	[sflag:s9] =	ssyncset.done @!p1 $0x0  }
0x57: {  	[sflag:s9] =	ssyncadd.s32 @!p1 $0xFFFFFD80  }
.LBB2_1:
0x58: {  	s9 =	rddreg [dreg:$0xc]  }
0x59: {  	[tilespmem:s4], [sflag:$0x7] =	stream.linear.gather [hbm4b:s9+s4], $0x5000, $0x38;
	[tilespmem:$0x1FE40] =	vst v63  }
0x5a: {  	_ =	swait.ge [sflag:s26], $0x5000  }
0x5b: {  	[sflag:s26] =	ssyncset.done $0x0  }
0x5c: {  	s10 =	simm.s32 $0x5000;
	s25 =	rddreg [dreg:$0xd];
	[sflag:s26] =	ssyncadd.s32 $0xFFFFB000  }
0x5d: {  	[tilespmem:s10], [sflag:$0x7] =	stream.linear.gather [hbm4b:s25+s4], $0x5000, $0x38;
	[tilespmem:$0x1FE40] =	vst v63  }
0x5e: {  	_ =	swait.ge [sflag:s26], $0x5000  }
0x5f: {  	[sflag:s26] =	ssyncset.done $0x0  }
0x60: {  	[sflag:s26] =	ssyncadd.s32 $0xFFFFB000  }
0x61: {  	v2 =	vld [tilespmem:s2+$0xFFFFFF80];
	_ =	sdelay $0x4  }
0x62: {  	v2 =	vshll.u32 v2, $0x1  }
0x63: {  	v2 =	vor.u32 v0, v2  }
0x64: {  	s9 =	simm.s32 $0x5080;
	[tilespmem:s2+$0xFFFFFF80] =	vst v2  }
0x65: {  	v2 =	vld [tilespmem:s9+$0xFFFFFF80];
	_ =	sdelay $0x4  }
0x66: {  	v3 =	vand.u32 $0x3F, v2  }
0x67: {  	vm0 =	vlt.u32 v2, $0x1388;
	v3 =	vadd.s32 $0x1388, v3  }
0x68: {  	v2 =	vsel vm0, v2, v3  }
0x69: {  	[tilespmem:s9+$0xFFFFFF80] =	vst v2  }
0x6a: {  	v2 =	vld [tilespmem:s2+$0xFFFFFF90];
	_ =	sdelay $0x4  }
0x6b: {  	v2 =	vshll.u32 v2, $0x1  }
0x6c: {  	v2 =	vor.u32 v0, v2  }
0x6d: {  	[tilespmem:s2+$0xFFFFFF90] =	vst v2  }
0x6e: {  	v2 =	vld [tilespmem:s9+$0xFFFFFF90];
	_ =	sdelay $0x4  }
0x6f: {  	v3 =	vand.u32 $0x3F, v2  }
0x70: {  	vm9 =	vlt.u32 v2, $0x1388;
	v3 =	vadd.s32 $0x1388, v3  }
0x71: {  	v2 =	vsel vm9, v2, v3  }
0x72: {  	[tilespmem:s9+$0xFFFFFF90] =	vst v2  }
0x73: {  	v2 =	vld [tilespmem:s2+$0xFFFFFFA0];
	_ =	sdelay $0x4  }
0x74: {  	v2 =	vshll.u32 v2, $0x1  }
0x75: {  	v2 =	vor.u32 v0, v2  }
0x76: {  	[tilespmem:s2+$0xFFFFFFA0] =	vst v2  }
0x77: {  	v2 =	vld [tilespmem:s9+$0xFFFFFFA0];
	_ =	sdelay $0x4  }
0x78: {  	v3 =	vand.u32 $0x3F, v2  }
0x79: {  	vm10 =	vlt.u32 v2, $0x1388;
	v3 =	vadd.s32 $0x1388, v3  }
0x7a: {  	v2 =	vsel vm10, v2, v3  }
0x7b: {  	[tilespmem:s9+$0xFFFFFFA0] =	vst v2  }
0x7c: {  	v2 =	vld [tilespmem:s2+$0xFFFFFFB0];
	_ =	sdelay $0x4  }
0x7d: {  	v2 =	vshll.u32 v2, $0x1  }
0x7e: {  	v2 =	vor.u32 v0, v2  }
0x7f: {  	[tilespmem:s2+$0xFFFFFFB0] =	vst v2  }
0x80: {  	v2 =	vld [tilespmem:s9+$0xFFFFFFB0];
	_ =	sdelay $0x4  }
0x81: {  	v3 =	vand.u32 $0x3F, v2  }
0x82: {  	vm11 =	vlt.u32 v2, $0x1388;
	v3 =	vadd.s32 $0x1388, v3  }
0x83: {  	v2 =	vsel vm11, v2, v3  }
0x84: {  	[tilespmem:s9+$0xFFFFFFB0] =	vst v2  }
0x85: {  	v2 =	vld [tilespmem:s2+$0x0];
	_ =	sdelay $0x4  }
0x86: {  	v2 =	vshll.u32 v2, $0x1  }
0x87: {  	v2 =	vor.u32 v0, v2  }
0x88: {  	[tilespmem:s2+$0x0] =	vst v2  }
0x89: {  	v2 =	vld [tilespmem:s9+$0x0];
	_ =	sdelay $0x4  }
0x8a: {  	v3 =	vand.u32 $0x3F, v2  }
0x8b: {  	vm12 =	vlt.u32 v2, $0x1388;
	v3 =	vadd.s32 $0x1388, v3  }
0x8c: {  	v2 =	vsel vm12, v2, v3  }
0x8d: {  	[tilespmem:s9+$0x0] =	vst v2  }
0x8e: {  	v2 =	vld [tilespmem:s2+$0x10];
	_ =	sdelay $0x4  }
0x8f: {  	v2 =	vshll.u32 v2, $0x1  }
0x90: {  	v2 =	vor.u32 v0, v2  }
0x91: {  	[tilespmem:s2+$0x10] =	vst v2  }
0x92: {  	v2 =	vld [tilespmem:s9+$0x10];
	_ =	sdelay $0x4  }
0x93: {  	v3 =	vand.u32 $0x3F, v2  }
0x94: {  	vm13 =	vlt.u32 v2, $0x1388;
	v3 =	vadd.s32 $0x1388, v3  }
0x95: {  	v2 =	vsel vm13, v2, v3  }
0x96: {  	[tilespmem:s9+$0x10] =	vst v2  }
0x97: {  	v2 =	vld [tilespmem:s2+$0x20];
	_ =	sdelay $0x4  }
0x98: {  	v2 =	vshll.u32 v2, $0x1  }
0x99: {  	v2 =	vor.u32 v0, v2  }
0x9a: {  	[tilespmem:s2+$0x20] =	vst v2  }
0x9b: {  	v2 =	vld [tilespmem:s9+$0x20];
	_ =	sdelay $0x4  }
0x9c: {  	v3 =	vand.u32 $0x3F, v2  }
0x9d: {  	vm14 =	vlt.u32 v2, $0x1388;
	v3 =	vadd.s32 $0x1388, v3  }
0x9e: {  	v2 =	vsel vm14, v2, v3  }
0x9f: {  	[tilespmem:s9+$0x20] =	vst v2  }
0xa0: {  	v2 =	vld [tilespmem:s2+$0x30];
	_ =	sdelay $0x4  }
0xa1: {  	v2 =	vshll.u32 v2, $0x1  }
0xa2: {  	v2 =	vor.u32 v0, v2  }
0xa3: {  	[tilespmem:s2+$0x30] =	vst v2  }
0xa4: {  	v2 =	vld [tilespmem:s9+$0x30];
	_ =	sdelay $0x4  }
0xa5: {  	v3 =	vand.u32 $0x3F, v2  }
0xa6: {  	vm15 =	vlt.u32 v2, $0x1388;
	v3 =	vadd.s32 $0x1388, v3  }
0xa7: {  	s12 =	simm.s32 $0x80;
	s10 =	simm.s32 $0x0;
	v2 =	vsel vm15, v2, v3  }
.LBB2_2:
0xa8: {  	s10 =	sadd.s32 $0x2, s10;
	[tilespmem:s9+$0x30] =	vst v2;
	s9 =	sadd.s32 $0x100, s9;
	s12 =	sadd.s32 $0x100, s12  }
0xa9: {  	v2 =	vld [tilespmem:s12+$0xFFFFFF80];
	p2 =	slt.u32 s10, $0x9E;
	_ =	sdelay $0x4  }
0xaa: {  	v2 =	vshll.u32 v2, $0x1  }
0xab: {  	v2 =	vor.u32 v0, v2  }
0xac: {  	[tilespmem:s12+$0xFFFFFF80] =	vst v2  }
0xad: {  	v2 =	vld [tilespmem:s9+$0xFFFFFF80];
	_ =	sdelay $0x4  }
0xae: {  	v3 =	vand.u32 $0x3F, v2  }
0xaf: {  	vm0 =	vlt.u32 v2, $0x1388;
	v3 =	vadd.s32 $0x1388, v3  }
0xb0: {  	v2 =	vsel vm0, v2, v3  }
0xb1: {  	[tilespmem:s9+$0xFFFFFF80] =	vst v2  }
0xb2: {  	v2 =	vld [tilespmem:s12+$0xFFFFFF90];
	_ =	sdelay $0x4  }
0xb3: {  	v2 =	vshll.u32 v2, $0x1  }
0xb4: {  	v2 =	vor.u32 v0, v2  }
0xb5: {  	[tilespmem:s12+$0xFFFFFF90] =	vst v2  }
0xb6: {  	v2 =	vld [tilespmem:s9+$0xFFFFFF90];
	_ =	sdelay $0x4  }
0xb7: {  	v3 =	vand.u32 $0x3F, v2  }
0xb8: {  	vm0 =	vlt.u32 v2, $0x1388;
	v3 =	vadd.s32 $0x1388, v3  }
0xb9: {  	v2 =	vsel vm0, v2, v3  }
0xba: {  	[tilespmem:s9+$0xFFFFFF90] =	vst v2  }
0xbb: {  	v2 =	vld [tilespmem:s12+$0xFFFFFFA0];
	_ =	sdelay $0x4  }
0xbc: {  	v2 =	vshll.u32 v2, $0x1  }
0xbd: {  	v2 =	vor.u32 v0, v2  }
0xbe: {  	[tilespmem:s12+$0xFFFFFFA0] =	vst v2  }
0xbf: {  	v2 =	vld [tilespmem:s9+$0xFFFFFFA0];
	_ =	sdelay $0x4  }
0xc0: {  	v3 =	vand.u32 $0x3F, v2  }
0xc1: {  	vm0 =	vlt.u32 v2, $0x1388;
	v3 =	vadd.s32 $0x1388, v3  }
0xc2: {  	v2 =	vsel vm0, v2, v3  }
0xc3: {  	[tilespmem:s9+$0xFFFFFFA0] =	vst v2  }
0xc4: {  	v2 =	vld [tilespmem:s12+$0xFFFFFFB0];
	_ =	sdelay $0x4  }
0xc5: {  	v2 =	vshll.u32 v2, $0x1  }
0xc6: {  	v2 =	vor.u32 v0, v2  }
0xc7: {  	[tilespmem:s12+$0xFFFFFFB0] =	vst v2  }
0xc8: {  	v2 =	vld [tilespmem:s9+$0xFFFFFFB0];
	_ =	sdelay $0x4  }
0xc9: {  	v3 =	vand.u32 $0x3F, v2  }
0xca: {  	vm0 =	vlt.u32 v2, $0x1388;
	v3 =	vadd.s32 $0x1388, v3  }
0xcb: {  	v2 =	vsel vm0, v2, v3  }
0xcc: {  	[tilespmem:s9+$0xFFFFFFB0] =	vst v2  }
0xcd: {  	v2 =	vld [tilespmem:s12+$0x0];
	_ =	sdelay $0x4  }
0xce: {  	v2 =	vshll.u32 v2, $0x1  }
0xcf: {  	v2 =	vor.u32 v0, v2  }
0xd0: {  	[tilespmem:s12+$0x0] =	vst v2  }
0xd1: {  	v2 =	vld [tilespmem:s9+$0x0];
	_ =	sdelay $0x4  }
0xd2: {  	v3 =	vand.u32 $0x3F, v2  }
0xd3: {  	vm0 =	vlt.u32 v2, $0x1388;
	v3 =	vadd.s32 $0x1388, v3  }
0xd4: {  	v2 =	vsel vm0, v2, v3  }
0xd5: {  	[tilespmem:s9+$0x0] =	vst v2  }
0xd6: {  	v2 =	vld [tilespmem:s12+$0x10];
	_ =	sdelay $0x4  }
0xd7: {  	v2 =	vshll.u32 v2, $0x1  }
0xd8: {  	v2 =	vor.u32 v0, v2  }
0xd9: {  	[tilespmem:s12+$0x10] =	vst v2  }
0xda: {  	v2 =	vld [tilespmem:s9+$0x10];
	_ =	sdelay $0x4  }
0xdb: {  	v3 =	vand.u32 $0x3F, v2  }
0xdc: {  	vm0 =	vlt.u32 v2, $0x1388;
	v3 =	vadd.s32 $0x1388, v3  }
0xdd: {  	v2 =	vsel vm0, v2, v3  }
0xde: {  	[tilespmem:s9+$0x10] =	vst v2  }
0xdf: {  	v2 =	vld [tilespmem:s12+$0x20];
	_ =	sdelay $0x4  }
0xe0: {  	v2 =	vshll.u32 v2, $0x1  }
0xe1: {  	v2 =	vor.u32 v0, v2  }
0xe2: {  	[tilespmem:s12+$0x20] =	vst v2  }
0xe3: {  	v2 =	vld [tilespmem:s9+$0x20];
	_ =	sdelay $0x4  }
0xe4: {  	v3 =	vand.u32 $0x3F, v2  }
0xe5: {  	vm0 =	vlt.u32 v2, $0x1388;
	v3 =	vadd.s32 $0x1388, v3  }
0xe6: {  	v2 =	vsel vm0, v2, v3  }
0xe7: {  	[tilespmem:s9+$0x20] =	vst v2  }
0xe8: {  	v2 =	vld [tilespmem:s12+$0x30];
	_ =	sdelay $0x4  }
0xe9: {  	v2 =	vshll.u32 v2, $0x1  }
0xea: {  	v2 =	vor.u32 v0, v2  }
0xeb: {  	[tilespmem:s12+$0x30] =	vst v2  }
0xec: {  	v2 =	vld [tilespmem:s9+$0x30];
	_ =	sdelay $0x2  }
.Ltmp2:
0xed: {  	(pc) =	sbr.rel @p2 .LBB2_2-.Ltmp2, $4  }
0xee: {  	_ = 	snop  }
0xef: {  	v3 =	vand.u32 $0x3F, v2  }
0xf0: {  	vm0 =	vlt.u32 v2, $0x1388;
	v3 =	vadd.s32 $0x1388, v3  }
0xf1: {  	v2 =	vsel vm0, v2, v3  }
0xf2: {  	[tilespmem:s9+$0x30] =	vst v2;
	s22 =	simm.s32 $0x0;
	s10 =	simm.s32 $0xA000  }
0xf3: {  	[tilespmem:s10], [sflag:$0x1] =	stream.indirect.gather [hbm4b:s1+s29], $0x80, s22, s29, $0xb8;
	[tilespmem:$0x1FE40] =	vst v63  }
0xf4: {  	s23 =	simm.s32 $0xE000  }
0xf5: {  	[tilespmem:s23], [sflag:$0x3] =	stream.linear.gather [hbm4b:s15+s22], $0x2000, $0x38;
	[tilespmem:$0x1FE40] =	vst v63  }
0xf6: {  	_ = 	snop  }
0xf7: {  	[tilespmem:s28], [sflag:$0x2] =	stream.indirect.gather [hbm4b:s1+s29], $0x80, s2, s29, $0xb8;
	[tilespmem:$0x1FE40] =	vst v63  }
0xf8: {  	s25 =	rddreg [dreg:$0xe];
	s9 =	simm.s32 $0x0;
	s10 =	simm.s32 $0x200  }
0xf9: {  	[tilespmem:s30], [sflag:$0x4] =	stream.linear.gather [hbm4b:s25+s22], $0x2000, $0x38;
	[tilespmem:$0x1FE40] =	vst v63  }
.LBB2_4:
0xfa: {  	p2 =	sne.s32 s10, $0x4E00;
	[tilespmem:s9+$0x12070] =	vst v1  }
0xfb: {  	[tilespmem:s9+$0x12000] =	vst v1  }
0xfc: {  	[tilespmem:s9+$0x12010] =	vst v1  }
.Ltmp3:
0xfd: {  	[tilespmem:s9+$0x12020] =	vst v1;
	(pc) =	sbr.rel @p2 .LBB2_4-.Ltmp3, $4  }
0xfe: {  	[tilespmem:s9+$0x12030] =	vst v1  }
0xff: {  	[tilespmem:s9+$0x12040] =	vst v1  }
0x100: {  	[tilespmem:s9+$0x12050] =	vst v1  }
0x101: {  	[tilespmem:s9+$0x12060] =	vst v1;
	s9 =	sshra.s32 s10, $0x2;
	s10 =	sadd.s32 $0x200, s10  }
0x102: {  	[tilespmem:s9+$0x12070] =	vst v1  }
0x103: {  	[tilespmem:s9+$0x12000] =	vst v1  }
0x104: {  	[tilespmem:s9+$0x12010] =	vst v1  }
0x105: {  	[tilespmem:s9+$0x12020] =	vst v1  }
0x106: {  	[tilespmem:s9+$0x12030] =	vst v1  }
0x107: {  	[tilespmem:s9+$0x12040] =	vst v1  }
0x108: {  	[tilespmem:s9+$0x12050] =	vst v1  }
0x109: {  	[tilespmem:s9+$0x12060] =	vst v1  }
0x10a: {  	[spmem:s13] =	stream.linear.scatter [tilespmem:s31], [sflag:$0x7], $0x1400, $0x38;
	[tilespmem:$0x1FE40] =	vst v63  }
0x10b: {  	_ =	swait.ge [sflag:s26], $0x1400  }
0x10c: {  	[sflag:s26] =	ssyncset.done $0x0  }
0x10d: {  	[sflag:s26] =	ssyncadd.s32 $0xFFFFEC00  }
0x10e: {  	[spmem:s16] =	stream.linear.scatter [tilespmem:s31], [sflag:$0x7], $0x1400, $0x38;
	[tilespmem:$0x1FE40] =	vst v63  }
0x10f: {  	_ =	swait.ge [sflag:s26], $0x1400  }
0x110: {  	[sflag:s26] =	ssyncset.done $0x0  }
0x111: {  	[sflag:s26] =	ssyncadd.s32 $0xFFFFEC00  }
0x112: {  	[spmem:s18] =	stream.linear.scatter [tilespmem:s31], [sflag:$0x7], $0x1400, $0x38;
	[tilespmem:$0x1FE40] =	vst v63  }
0x113: {  	_ =	swait.ge [sflag:s26], $0x1400  }
0x114: {  	[sflag:s26] =	ssyncset.done $0x0  }
0x115: {  	[sflag:s26] =	ssyncadd.s32 $0xFFFFEC00  }
0x116: {  	[spmem:s17] =	stream.linear.scatter [tilespmem:s31], [sflag:$0x7], $0x1400, $0x38;
	[tilespmem:$0x1FE40] =	vst v63  }
0x117: {  	_ =	swait.ge [sflag:s26], $0x1400  }
0x118: {  	[sflag:s26] =	ssyncset.done $0x0  }
0x119: {  	s22 =	smov.u32 s18;
	s18 =	rddreg [dreg:$0xf];
	[sflag:s26] =	ssyncadd.s32 $0xFFFFEC00  }
0x11a: {  	[spmem:s18] =	stream.linear.scatter [tilespmem:s31], [sflag:$0x7], $0x1400, $0x38;
	[tilespmem:$0x1FE40] =	vst v63  }
0x11b: {  	_ =	swait.ge [sflag:s26], $0x1400  }
0x11c: {  	[sflag:s26] =	ssyncset.done $0x0  }
0x11d: {  	s19 =	rddreg [dreg:$0x10];
	[sflag:s26] =	ssyncadd.s32 $0xFFFFEC00  }
0x11e: {  	[spmem:s19] =	stream.linear.scatter [tilespmem:s31], [sflag:$0x7], $0x1400, $0x38;
	[tilespmem:$0x1FE40] =	vst v63  }
0x11f: {  	_ =	swait.ge [sflag:s26], $0x1400  }
0x120: {  	[sflag:s26] =	ssyncset.done $0x0  }
0x121: {  	s25 =	rddreg [dreg:$0x11];
	[sflag:s26] =	ssyncadd.s32 $0xFFFFEC00  }
0x122: {  	[spmem:s25] =	stream.linear.scatter [tilespmem:s31], [sflag:$0x7], $0x1400, $0x38;
	[tilespmem:$0x1FE40] =	vst v63  }
0x123: {  	_ =	swait.ge [sflag:s26], $0x1400  }
0x124: {  	[sflag:s26] =	ssyncset.done $0x0  }
0x125: {  	s9 =	simm.s32 @!p0 $0x12000;
	[sflag:s26] =	ssyncadd.s32 $0xFFFFEC00  }
0x126: {  	[spmem:s24] =	stream.linear.scatter @!p0 [tilespmem:s9], [sflag:$0x7], $0x1400, $0x38;
	[tilespmem:$0x1FE40] =	vst v63  }
0x127: {  	s9 =	simm.s32 @!p0 $0x7  }
0x128: {  	_ =	swait.ge @!p0 [sflag:s9], $0x1400  }
0x129: {  	[sflag:s9] =	ssyncset.done @!p0 $0x0  }
0x12a: {  	s20 =	smov.u32 s13;
	s21 =	smov.u32 s16;
	[sflag:s9] =	ssyncadd.s32 @!p0 $0xFFFFEC00  }
0x12b: {  	s23 =	smov.u32 s17;
	s12 =	simm.s32 $0x0;
	[bflag:$0x0] =	sbarrier.arrive $0xFFFF  }
.LBB2_6:
0x12c: {  	_ =	swait.ge [sflag:s0], $0x2000  }
0x12d: {  	[sflag:s0] =	ssyncset.done $0x0  }
0x12e: {  	[sflag:s0] =	ssyncadd.s32 $0xFFFFE000  }
0x12f: {  	_ =	swait.ge [sflag:s5], $0x2000  }
0x130: {  	p2 =	seq.s32 s12, $0x0;
	[sflag:s5] =	ssyncset.done $0x0  }
0x131: {  	s9 =	simm.s32 @!p2 $0x5;
	[sflag:s5] =	ssyncadd.s32 $0xFFFFE000  }
0x132: {  	_ =	swait.ge @!p2 [sflag:s9], $0x400  }
0x133: {  	[sflag:s9] =	ssyncset.done @!p2 $0x0  }
0x134: {  	s14 =	simm.s32 $0xA080;
	[sflag:s9] =	ssyncadd.s32 @!p2 $0xFFFFFC00  }
0x135: {  	s16 =	simm.s32 $0xE080;
	v2 =	vld [tilespmem:s14+$0xFFFFFF80]  }
0x136: {  	v3 =	vld [tilespmem:s16+$0xFFFFFF80];
	_ =	sdelay $0x4  }
0x137: {  	v2 =	vadd.f32 v3, v2;
	_ =	sdelay $0x1  }
0x138: {  	s25 =	simm.s32 $0x12080;
	v2 =	vmax.f32 v2, $0.0e+00  }
0x139: {  	[tilespmem:s25+$0xFFFFFF80] =	vst v2  }
0x13a: {  	v2 =	vld [tilespmem:s14+$0xFFFFFF90]  }
0x13b: {  	v3 =	vld [tilespmem:s16+$0xFFFFFF90];
	_ =	sdelay $0x4  }
0x13c: {  	v2 =	vadd.f32 v3, v2;
	_ =	sdelay $0x1  }
0x13d: {  	v2 =	vmax.f32 v2, $0.0e+00  }
0x13e: {  	[tilespmem:s25+$0xFFFFFF90] =	vst v2  }
0x13f: {  	v2 =	vld [tilespmem:s14+$0xFFFFFFA0]  }
0x140: {  	v3 =	vld [tilespmem:s16+$0xFFFFFFA0];
	_ =	sdelay $0x4  }
0x141: {  	v2 =	vadd.f32 v3, v2;
	_ =	sdelay $0x1  }
0x142: {  	v2 =	vmax.f32 v2, $0.0e+00  }
0x143: {  	[tilespmem:s25+$0xFFFFFFA0] =	vst v2  }
0x144: {  	v2 =	vld [tilespmem:s14+$0xFFFFFFB0]  }
0x145: {  	v3 =	vld [tilespmem:s16+$0xFFFFFFB0];
	_ =	sdelay $0x4  }
0x146: {  	v2 =	vadd.f32 v3, v2;
	_ =	sdelay $0x1  }
0x147: {  	v2 =	vmax.f32 v2, $0.0e+00  }
0x148: {  	[tilespmem:s25+$0xFFFFFFB0] =	vst v2  }
0x149: {  	v2 =	vld [tilespmem:s14+$0xFFFFFFC0]  }
0x14a: {  	v3 =	vld [tilespmem:s16+$0xFFFFFFC0];
	_ =	sdelay $0x4  }
0x14b: {  	v2 =	vadd.f32 v3, v2;
	_ =	sdelay $0x1  }
0x14c: {  	v2 =	vmax.f32 v2, $0.0e+00  }
0x14d: {  	[tilespmem:s25+$0xFFFFFFC0] =	vst v2  }
0x14e: {  	v2 =	vld [tilespmem:s14+$0xFFFFFFD0]  }
0x14f: {  	v3 =	vld [tilespmem:s16+$0xFFFFFFD0];
	_ =	sdelay $0x4  }
0x150: {  	v2 =	vadd.f32 v3, v2;
	_ =	sdelay $0x1  }
0x151: {  	v2 =	vmax.f32 v2, $0.0e+00  }
0x152: {  	[tilespmem:s25+$0xFFFFFFD0] =	vst v2  }
0x153: {  	v2 =	vld [tilespmem:s14+$0xFFFFFFE0]  }
0x154: {  	v3 =	vld [tilespmem:s16+$0xFFFFFFE0];
	_ =	sdelay $0x4  }
0x155: {  	v2 =	vadd.f32 v3, v2;
	_ =	sdelay $0x1  }
0x156: {  	v2 =	vmax.f32 v2, $0.0e+00  }
0x157: {  	[tilespmem:s25+$0xFFFFFFE0] =	vst v2  }
0x158: {  	v2 =	vld [tilespmem:s14+$0xFFFFFFF0]  }
0x159: {  	v3 =	vld [tilespmem:s16+$0xFFFFFFF0];
	_ =	sdelay $0x4  }
0x15a: {  	v2 =	vadd.f32 v3, v2;
	_ =	sdelay $0x1  }
0x15b: {  	v2 =	vmax.f32 v2, $0.0e+00  }
0x15c: {  	[tilespmem:s25+$0xFFFFFFF0] =	vst v2  }
0x15d: {  	v2 =	vld [tilespmem:s14+$0x0]  }
0x15e: {  	v3 =	vld [tilespmem:s16+$0x0];
	_ =	sdelay $0x4  }
0x15f: {  	v2 =	vadd.f32 v3, v2;
	_ =	sdelay $0x1  }
0x160: {  	v2 =	vmax.f32 v2, $0.0e+00  }
0x161: {  	[tilespmem:s25+$0x0] =	vst v2  }
0x162: {  	v2 =	vld [tilespmem:s14+$0x10]  }
0x163: {  	v3 =	vld [tilespmem:s16+$0x10];
	_ =	sdelay $0x4  }
0x164: {  	v2 =	vadd.f32 v3, v2;
	_ =	sdelay $0x1  }
0x165: {  	v2 =	vmax.f32 v2, $0.0e+00  }
0x166: {  	[tilespmem:s25+$0x10] =	vst v2  }
0x167: {  	v2 =	vld [tilespmem:s14+$0x20]  }
0x168: {  	v3 =	vld [tilespmem:s16+$0x20];
	_ =	sdelay $0x4  }
0x169: {  	v2 =	vadd.f32 v3, v2;
	_ =	sdelay $0x1  }
0x16a: {  	v2 =	vmax.f32 v2, $0.0e+00  }
0x16b: {  	[tilespmem:s25+$0x20] =	vst v2  }
0x16c: {  	v2 =	vld [tilespmem:s14+$0x30]  }
0x16d: {  	v3 =	vld [tilespmem:s16+$0x30];
	_ =	sdelay $0x4  }
0x16e: {  	v2 =	vadd.f32 v3, v2;
	_ =	sdelay $0x1  }
0x16f: {  	v2 =	vmax.f32 v2, $0.0e+00  }
0x170: {  	[tilespmem:s25+$0x30] =	vst v2  }
0x171: {  	v2 =	vld [tilespmem:s14+$0x40]  }
0x172: {  	v3 =	vld [tilespmem:s16+$0x40];
	_ =	sdelay $0x4  }
0x173: {  	v2 =	vadd.f32 v3, v2;
	_ =	sdelay $0x1  }
0x174: {  	v2 =	vmax.f32 v2, $0.0e+00  }
0x175: {  	[tilespmem:s25+$0x40] =	vst v2  }
0x176: {  	v2 =	vld [tilespmem:s14+$0x50]  }
0x177: {  	v3 =	vld [tilespmem:s16+$0x50];
	_ =	sdelay $0x4  }
0x178: {  	v2 =	vadd.f32 v3, v2;
	_ =	sdelay $0x1  }
0x179: {  	v2 =	vmax.f32 v2, $0.0e+00  }
0x17a: {  	[tilespmem:s25+$0x50] =	vst v2  }
0x17b: {  	v2 =	vld [tilespmem:s14+$0x60]  }
0x17c: {  	v3 =	vld [tilespmem:s16+$0x60]  }
0x17d: {  	s13 =	sshll.u32 s12, $0x1;
	s10 =	simm.s32 $0x0  }
0x17e: {  	s18 =	simm.s32 $0xA180;
	s17 =	simm.s32 $0xE080;
	s9 =	simm.s32 $0x12080  }
.LBB2_7:
0x17f: {  	s10 =	sadd.s32 $0x2, s10;
	s25 =	sadd.s32 $0x100, s25;
	s16 =	sadd.s32 $0x100, s16  }
0x180: {  	p3 =	slt.u32 s10, $0x3E  }
0x181: {  	v2 =	vadd.f32 v3, v2;
	_ =	sdelay $0x1  }
0x182: {  	v2 =	vmax.f32 v2, $0.0e+00  }
0x183: {  	[tilespmem:s9+$0x60] =	vst v2  }
0x184: {  	v2 =	vld [tilespmem:s14+$0x70];
	s14 =	smov.u32 s18  }
0x185: {  	v3 =	vld [tilespmem:s17+$0x70];
	s17 =	smov.u32 s16;
	_ =	sdelay $0x4  }
0x186: {  	v2 =	vadd.f32 v3, v2;
	_ =	sdelay $0x1  }
0x187: {  	v2 =	vmax.f32 v2, $0.0e+00  }
0x188: {  	[tilespmem:s9+$0x70] =	vst v2;
	s9 =	smov.u32 s25  }
0x189: {  	v2 =	vld [tilespmem:s18+$0xFFFFFF80]  }
0x18a: {  	v3 =	vld [tilespmem:s16+$0xFFFFFF80];
	_ =	sdelay $0x4  }
0x18b: {  	v2 =	vadd.f32 v3, v2;
	_ =	sdelay $0x1  }
0x18c: {  	v2 =	vmax.f32 v2, $0.0e+00  }
0x18d: {  	[tilespmem:s25+$0xFFFFFF80] =	vst v2  }
0x18e: {  	v2 =	vld [tilespmem:s18+$0xFFFFFF90]  }
0x18f: {  	v3 =	vld [tilespmem:s16+$0xFFFFFF90];
	_ =	sdelay $0x4  }
0x190: {  	v2 =	vadd.f32 v3, v2;
	_ =	sdelay $0x1  }
0x191: {  	v2 =	vmax.f32 v2, $0.0e+00  }
0x192: {  	[tilespmem:s25+$0xFFFFFF90] =	vst v2  }
0x193: {  	v2 =	vld [tilespmem:s18+$0xFFFFFFA0]  }
0x194: {  	v3 =	vld [tilespmem:s16+$0xFFFFFFA0];
	_ =	sdelay $0x4  }
0x195: {  	v2 =	vadd.f32 v3, v2;
	_ =	sdelay $0x1  }
0x196: {  	v2 =	vmax.f32 v2, $0.0e+00  }
0x197: {  	[tilespmem:s25+$0xFFFFFFA0] =	vst v2  }
0x198: {  	v2 =	vld [tilespmem:s18+$0xFFFFFFB0]  }
0x199: {  	v3 =	vld [tilespmem:s16+$0xFFFFFFB0];
	_ =	sdelay $0x4  }
0x19a: {  	v2 =	vadd.f32 v3, v2;
	_ =	sdelay $0x1  }
0x19b: {  	v2 =	vmax.f32 v2, $0.0e+00  }
0x19c: {  	[tilespmem:s25+$0xFFFFFFB0] =	vst v2  }
0x19d: {  	v2 =	vld [tilespmem:s18+$0xFFFFFFC0]  }
0x19e: {  	v3 =	vld [tilespmem:s16+$0xFFFFFFC0];
	_ =	sdelay $0x4  }
0x19f: {  	v2 =	vadd.f32 v3, v2;
	_ =	sdelay $0x1  }
0x1a0: {  	v2 =	vmax.f32 v2, $0.0e+00  }
0x1a1: {  	[tilespmem:s25+$0xFFFFFFC0] =	vst v2  }
0x1a2: {  	v2 =	vld [tilespmem:s18+$0xFFFFFFD0]  }
0x1a3: {  	v3 =	vld [tilespmem:s16+$0xFFFFFFD0];
	_ =	sdelay $0x4  }
0x1a4: {  	v2 =	vadd.f32 v3, v2;
	_ =	sdelay $0x1  }
0x1a5: {  	v2 =	vmax.f32 v2, $0.0e+00  }
0x1a6: {  	[tilespmem:s25+$0xFFFFFFD0] =	vst v2  }
0x1a7: {  	v2 =	vld [tilespmem:s18+$0xFFFFFFE0]  }
0x1a8: {  	v3 =	vld [tilespmem:s16+$0xFFFFFFE0];
	_ =	sdelay $0x4  }
0x1a9: {  	v2 =	vadd.f32 v3, v2;
	_ =	sdelay $0x1  }
0x1aa: {  	v2 =	vmax.f32 v2, $0.0e+00  }
0x1ab: {  	[tilespmem:s25+$0xFFFFFFE0] =	vst v2  }
0x1ac: {  	v2 =	vld [tilespmem:s18+$0xFFFFFFF0]  }
0x1ad: {  	v3 =	vld [tilespmem:s16+$0xFFFFFFF0];
	_ =	sdelay $0x4  }
0x1ae: {  	v2 =	vadd.f32 v3, v2;
	_ =	sdelay $0x1  }
0x1af: {  	v2 =	vmax.f32 v2, $0.0e+00  }
0x1b0: {  	[tilespmem:s25+$0xFFFFFFF0] =	vst v2  }
0x1b1: {  	v2 =	vld [tilespmem:s18+$0x0]  }
0x1b2: {  	v3 =	vld [tilespmem:s16+$0x0];
	_ =	sdelay $0x4  }
0x1b3: {  	v2 =	vadd.f32 v3, v2;
	_ =	sdelay $0x1  }
0x1b4: {  	v2 =	vmax.f32 v2, $0.0e+00  }
0x1b5: {  	[tilespmem:s25+$0x0] =	vst v2  }
0x1b6: {  	v2 =	vld [tilespmem:s18+$0x10]  }
0x1b7: {  	v3 =	vld [tilespmem:s16+$0x10];
	_ =	sdelay $0x4  }
0x1b8: {  	v2 =	vadd.f32 v3, v2;
	_ =	sdelay $0x1  }
0x1b9: {  	v2 =	vmax.f32 v2, $0.0e+00  }
0x1ba: {  	[tilespmem:s25+$0x10] =	vst v2  }
0x1bb: {  	v2 =	vld [tilespmem:s18+$0x20]  }
0x1bc: {  	v3 =	vld [tilespmem:s16+$0x20];
	_ =	sdelay $0x4  }
0x1bd: {  	v2 =	vadd.f32 v3, v2;
	_ =	sdelay $0x1  }
0x1be: {  	v2 =	vmax.f32 v2, $0.0e+00  }
0x1bf: {  	[tilespmem:s25+$0x20] =	vst v2  }
0x1c0: {  	v2 =	vld [tilespmem:s18+$0x30]  }
0x1c1: {  	v3 =	vld [tilespmem:s16+$0x30];
	_ =	sdelay $0x4  }
0x1c2: {  	v2 =	vadd.f32 v3, v2;
	_ =	sdelay $0x1  }
0x1c3: {  	v2 =	vmax.f32 v2, $0.0e+00  }
0x1c4: {  	[tilespmem:s25+$0x30] =	vst v2  }
0x1c5: {  	v2 =	vld [tilespmem:s18+$0x40]  }
0x1c6: {  	v3 =	vld [tilespmem:s16+$0x40];
	_ =	sdelay $0x4  }
0x1c7: {  	v2 =	vadd.f32 v3, v2;
	_ =	sdelay $0x1  }
0x1c8: {  	v2 =	vmax.f32 v2, $0.0e+00  }
0x1c9: {  	[tilespmem:s25+$0x40] =	vst v2  }
0x1ca: {  	v2 =	vld [tilespmem:s18+$0x50]  }
0x1cb: {  	v3 =	vld [tilespmem:s16+$0x50];
	_ =	sdelay $0x4  }
0x1cc: {  	v2 =	vadd.f32 v3, v2;
	_ =	sdelay $0x1  }
0x1cd: {  	v2 =	vmax.f32 v2, $0.0e+00  }
.Ltmp4:
0x1ce: {  	[tilespmem:s25+$0x50] =	vst v2;
	(pc) =	sbr.rel @p3 .LBB2_7-.Ltmp4, $3  }
0x1cf: {  	v2 =	vld [tilespmem:s18+$0x60]  }
0x1d0: {  	v3 =	vld [tilespmem:s16+$0x60];
	_ =	sdelay $0x1  }
0x1d1: {  	s18 =	sadd.s32 $0x100, s18  }
0x1d2: {  	_ =	sdelay $0x1  }
0x1d3: {  	v2 =	vadd.f32 v3, v2;
	_ =	sdelay $0x1  }
0x1d4: {  	v2 =	vmax.f32 v2, $0.0e+00  }
0x1d5: {  	[tilespmem:s9+$0x60] =	vst v2  }
0x1d6: {  	v2 =	vld [tilespmem:s14+$0x70]  }
0x1d7: {  	v3 =	vld [tilespmem:s17+$0x70];
	_ =	sdelay $0x4  }
0x1d8: {  	v2 =	vadd.f32 v3, v2  }
0x1d9: {  	s10 =	sshll.u32 s12, $0x8  }
0x1da: {  	p3 =	seq.s32 s12, $0x4F;
	s14 =	sand.u32 $0x3FFFFF00, s10;
	v2 =	vmax.f32 v2, $0.0e+00  }
0x1db: {  	s25 =	sadd.s32 $0x5000, s14;
	[tilespmem:s9+$0x70] =	vst v2;
	s9 =	sadd.s32 @!p3 $0x2, s13  }
0x1dc: {  	[spmem:s3] =	stream.indirect.scatter.add.f32 [tilespmem:s31], [sflag:$0x5], $0x80, s25, s29, $0xb8;
	[tilespmem:$0x1FE40] =	vst v63  }
0x1dd: {  	s16 =	simm.s32 @!p3 $0x40;
	s10 =	sshll.u32 @!p3 s9, $0x7  }
0x1de: {  	s17 =	simm.s32 @!p3 $0xA000;
	s9 =	sshll.u32 @!p3 s9, $0xA;
	s10 =	sand.u32 @!p3 $0x3FFFFF80, s10  }
0x1df: {  	[tilespmem:s17], [sflag:$0x1] =	stream.indirect.gather @!p3 [hbm4b:s1+s16], $0x80, s10, s16, $0xb8;
	[tilespmem:$0x1FE40] =	vst v63  }
0x1e0: {  	s9 =	sadd.s32 @!p3 s9, s15;
	s10 =	simm.s32 @!p3 $0x0;
	s16 =	simm.s32 @!p3 $0xE000  }
0x1e1: {  	[tilespmem:s16], [sflag:$0x3] =	stream.linear.gather @!p3 [hbm4b:s9+s10], $0x2000, $0x38;
	[tilespmem:$0x1FE40] =	vst v63  }
0x1e2: {  	_ =	swait.ge [sflag:s6], $0x2000  }
0x1e3: {  	[sflag:s6] =	ssyncset.done $0x0  }
0x1e4: {  	[sflag:s6] =	ssyncadd.s32 $0xFFFFE000  }
0x1e5: {  	_ =	swait.ge [sflag:s7], $0x2000  }
0x1e6: {  	[sflag:s7] =	ssyncset.done $0x0  }
0x1e7: {  	s9 =	simm.s32 @!p2 $0x6;
	[sflag:s7] =	ssyncadd.s32 $0xFFFFE000  }
0x1e8: {  	_ =	swait.ge @!p2 [sflag:s9], $0x400  }
0x1e9: {  	[sflag:s9] =	ssyncset.done @!p2 $0x0  }
0x1ea: {  	s16 =	simm.s32 $0xC0F0;
	[sflag:s9] =	ssyncadd.s32 @!p2 $0xFFFFFC00  }
0x1eb: {  	s25 =	simm.s32 $0x100F0;
	v2 =	vld [tilespmem:s16+$0xFFFFFF10]  }
0x1ec: {  	v3 =	vld [tilespmem:s25+$0xFFFFFF10];
	_ =	sdelay $0x4  }
0x1ed: {  	v2 =	vadd.f32 v3, v2;
	_ =	sdelay $0x1  }
0x1ee: {  	s9 =	simm.s32 $0x140F0;
	v2 =	vmax.f32 v2, $0.0e+00  }
0x1ef: {  	[tilespmem:s9+$0xFFFFFF10] =	vst v2  }
0x1f0: {  	v2 =	vld [tilespmem:s16+$0xFFFFFF20]  }
0x1f1: {  	v3 =	vld [tilespmem:s25+$0xFFFFFF20];
	_ =	sdelay $0x4  }
0x1f2: {  	v2 =	vadd.f32 v3, v2;
	_ =	sdelay $0x1  }
0x1f3: {  	v2 =	vmax.f32 v2, $0.0e+00  }
0x1f4: {  	[tilespmem:s9+$0xFFFFFF20] =	vst v2  }
0x1f5: {  	v2 =	vld [tilespmem:s16+$0xFFFFFF30]  }
0x1f6: {  	v3 =	vld [tilespmem:s25+$0xFFFFFF30];
	_ =	sdelay $0x4  }
0x1f7: {  	v2 =	vadd.f32 v3, v2;
	_ =	sdelay $0x1  }
0x1f8: {  	v2 =	vmax.f32 v2, $0.0e+00  }
0x1f9: {  	[tilespmem:s9+$0xFFFFFF30] =	vst v2  }
0x1fa: {  	v2 =	vld [tilespmem:s16+$0xFFFFFF40]  }
0x1fb: {  	v3 =	vld [tilespmem:s25+$0xFFFFFF40];
	_ =	sdelay $0x4  }
0x1fc: {  	v2 =	vadd.f32 v3, v2;
	_ =	sdelay $0x1  }
0x1fd: {  	v2 =	vmax.f32 v2, $0.0e+00  }
0x1fe: {  	[tilespmem:s9+$0xFFFFFF40] =	vst v2  }
0x1ff: {  	v2 =	vld [tilespmem:s16+$0xFFFFFF50]  }
0x200: {  	v3 =	vld [tilespmem:s25+$0xFFFFFF50];
	_ =	sdelay $0x4  }
0x201: {  	v2 =	vadd.f32 v3, v2;
	_ =	sdelay $0x1  }
0x202: {  	v2 =	vmax.f32 v2, $0.0e+00  }
0x203: {  	[tilespmem:s9+$0xFFFFFF50] =	vst v2  }
0x204: {  	v2 =	vld [tilespmem:s16+$0xFFFFFF60]  }
0x205: {  	v3 =	vld [tilespmem:s25+$0xFFFFFF60];
	_ =	sdelay $0x4  }
0x206: {  	v2 =	vadd.f32 v3, v2;
	_ =	sdelay $0x1  }
0x207: {  	v2 =	vmax.f32 v2, $0.0e+00  }
0x208: {  	[tilespmem:s9+$0xFFFFFF60] =	vst v2  }
0x209: {  	v2 =	vld [tilespmem:s16+$0xFFFFFF70]  }
0x20a: {  	v3 =	vld [tilespmem:s25+$0xFFFFFF70];
	_ =	sdelay $0x4  }
0x20b: {  	v2 =	vadd.f32 v3, v2;
	_ =	sdelay $0x1  }
0x20c: {  	v2 =	vmax.f32 v2, $0.0e+00  }
0x20d: {  	[tilespmem:s9+$0xFFFFFF70] =	vst v2  }
0x20e: {  	v2 =	vld [tilespmem:s16+$0xFFFFFF80]  }
0x20f: {  	v3 =	vld [tilespmem:s25+$0xFFFFFF80];
	_ =	sdelay $0x4  }
0x210: {  	v2 =	vadd.f32 v3, v2;
	_ =	sdelay $0x1  }
0x211: {  	v2 =	vmax.f32 v2, $0.0e+00  }
0x212: {  	[tilespmem:s9+$0xFFFFFF80] =	vst v2  }
0x213: {  	v2 =	vld [tilespmem:s16+$0xFFFFFF90]  }
0x214: {  	v3 =	vld [tilespmem:s25+$0xFFFFFF90];
	_ =	sdelay $0x4  }
0x215: {  	v2 =	vadd.f32 v3, v2;
	_ =	sdelay $0x1  }
0x216: {  	v2 =	vmax.f32 v2, $0.0e+00  }
0x217: {  	[tilespmem:s9+$0xFFFFFF90] =	vst v2  }
0x218: {  	v2 =	vld [tilespmem:s16+$0xFFFFFFA0]  }
0x219: {  	v3 =	vld [tilespmem:s25+$0xFFFFFFA0];
	_ =	sdelay $0x4  }
0x21a: {  	v2 =	vadd.f32 v3, v2;
	_ =	sdelay $0x1  }
0x21b: {  	v2 =	vmax.f32 v2, $0.0e+00  }
0x21c: {  	[tilespmem:s9+$0xFFFFFFA0] =	vst v2  }
0x21d: {  	v2 =	vld [tilespmem:s16+$0xFFFFFFB0]  }
0x21e: {  	v3 =	vld [tilespmem:s25+$0xFFFFFFB0];
	_ =	sdelay $0x4  }
0x21f: {  	v2 =	vadd.f32 v3, v2;
	_ =	sdelay $0x1  }
0x220: {  	v2 =	vmax.f32 v2, $0.0e+00  }
0x221: {  	[tilespmem:s9+$0xFFFFFFB0] =	vst v2  }
0x222: {  	v2 =	vld [tilespmem:s16+$0xFFFFFFC0]  }
0x223: {  	v3 =	vld [tilespmem:s25+$0xFFFFFFC0];
	_ =	sdelay $0x4  }
0x224: {  	v2 =	vadd.f32 v3, v2;
	_ =	sdelay $0x1  }
0x225: {  	v2 =	vmax.f32 v2, $0.0e+00  }
0x226: {  	[tilespmem:s9+$0xFFFFFFC0] =	vst v2  }
0x227: {  	v2 =	vld [tilespmem:s16+$0xFFFFFFD0]  }
0x228: {  	v3 =	vld [tilespmem:s25+$0xFFFFFFD0];
	_ =	sdelay $0x4  }
0x229: {  	v2 =	vadd.f32 v3, v2;
	_ =	sdelay $0x1  }
0x22a: {  	v2 =	vmax.f32 v2, $0.0e+00  }
0x22b: {  	[tilespmem:s9+$0xFFFFFFD0] =	vst v2  }
0x22c: {  	v2 =	vld [tilespmem:s16+$0xFFFFFFE0]  }
0x22d: {  	v3 =	vld [tilespmem:s25+$0xFFFFFFE0];
	_ =	sdelay $0x4  }
0x22e: {  	v2 =	vadd.f32 v3, v2;
	_ =	sdelay $0x1  }
0x22f: {  	v2 =	vmax.f32 v2, $0.0e+00  }
0x230: {  	[tilespmem:s9+$0xFFFFFFE0] =	vst v2  }
0x231: {  	v2 =	vld [tilespmem:s16+$0xFFFFFFF0]  }
0x232: {  	v3 =	vld [tilespmem:s25+$0xFFFFFFF0]  }
0x233: {  	s19 =	simm.s32 $0xC1F0  }
0x234: {  	s18 =	simm.s32 $0x100F0;
	s17 =	simm.s32 $0x0;
	s10 =	simm.s32 $0x140F0  }
.LBB2_9:
0x235: {  	s17 =	sadd.s32 $0x2, s17;
	s9 =	sadd.s32 $0x100, s9;
	s25 =	sadd.s32 $0x100, s25  }
0x236: {  	p2 =	slt.u32 s17, $0x3E  }
0x237: {  	v2 =	vadd.f32 v3, v2;
	_ =	sdelay $0x1  }
0x238: {  	v2 =	vmax.f32 v2, $0.0e+00  }
0x239: {  	[tilespmem:s10+$0xFFFFFFF0] =	vst v2  }
0x23a: {  	v2 =	vld [tilespmem:s16+$0x0];
	s16 =	smov.u32 s19  }
0x23b: {  	v3 =	vld [tilespmem:s18+$0x0];
	s18 =	smov.u32 s25;
	_ =	sdelay $0x4  }
0x23c: {  	v2 =	vadd.f32 v3, v2;
	_ =	sdelay $0x1  }
0x23d: {  	v2 =	vmax.f32 v2, $0.0e+00  }
0x23e: {  	[tilespmem:s10+$0x0] =	vst v2;
	s10 =	smov.u32 s9  }
0x23f: {  	v2 =	vld [tilespmem:s19+$0xFFFFFF10]  }
0x240: {  	v3 =	vld [tilespmem:s25+$0xFFFFFF10];
	_ =	sdelay $0x4  }
0x241: {  	v2 =	vadd.f32 v3, v2;
	_ =	sdelay $0x1  }
0x242: {  	v2 =	vmax.f32 v2, $0.0e+00  }
0x243: {  	[tilespmem:s9+$0xFFFFFF10] =	vst v2  }
0x244: {  	v2 =	vld [tilespmem:s19+$0xFFFFFF20]  }
0x245: {  	v3 =	vld [tilespmem:s25+$0xFFFFFF20];
	_ =	sdelay $0x4  }
0x246: {  	v2 =	vadd.f32 v3, v2;
	_ =	sdelay $0x1  }
0x247: {  	v2 =	vmax.f32 v2, $0.0e+00  }
0x248: {  	[tilespmem:s9+$0xFFFFFF20] =	vst v2  }
0x249: {  	v2 =	vld [tilespmem:s19+$0xFFFFFF30]  }
0x24a: {  	v3 =	vld [tilespmem:s25+$0xFFFFFF30];
	_ =	sdelay $0x4  }
0x24b: {  	v2 =	vadd.f32 v3, v2;
	_ =	sdelay $0x1  }
0x24c: {  	v2 =	vmax.f32 v2, $0.0e+00  }
0x24d: {  	[tilespmem:s9+$0xFFFFFF30] =	vst v2  }
0x24e: {  	v2 =	vld [tilespmem:s19+$0xFFFFFF40]  }
0x24f: {  	v3 =	vld [tilespmem:s25+$0xFFFFFF40];
	_ =	sdelay $0x4  }
0x250: {  	v2 =	vadd.f32 v3, v2;
	_ =	sdelay $0x1  }
0x251: {  	v2 =	vmax.f32 v2, $0.0e+00  }
0x252: {  	[tilespmem:s9+$0xFFFFFF40] =	vst v2  }
0x253: {  	v2 =	vld [tilespmem:s19+$0xFFFFFF50]  }
0x254: {  	v3 =	vld [tilespmem:s25+$0xFFFFFF50];
	_ =	sdelay $0x4  }
0x255: {  	v2 =	vadd.f32 v3, v2;
	_ =	sdelay $0x1  }
0x256: {  	v2 =	vmax.f32 v2, $0.0e+00  }
0x257: {  	[tilespmem:s9+$0xFFFFFF50] =	vst v2  }
0x258: {  	v2 =	vld [tilespmem:s19+$0xFFFFFF60]  }
0x259: {  	v3 =	vld [tilespmem:s25+$0xFFFFFF60];
	_ =	sdelay $0x4  }
0x25a: {  	v2 =	vadd.f32 v3, v2;
	_ =	sdelay $0x1  }
0x25b: {  	v2 =	vmax.f32 v2, $0.0e+00  }
0x25c: {  	[tilespmem:s9+$0xFFFFFF60] =	vst v2  }
0x25d: {  	v2 =	vld [tilespmem:s19+$0xFFFFFF70]  }
0x25e: {  	v3 =	vld [tilespmem:s25+$0xFFFFFF70];
	_ =	sdelay $0x4  }
0x25f: {  	v2 =	vadd.f32 v3, v2;
	_ =	sdelay $0x1  }
0x260: {  	v2 =	vmax.f32 v2, $0.0e+00  }
0x261: {  	[tilespmem:s9+$0xFFFFFF70] =	vst v2  }
0x262: {  	v2 =	vld [tilespmem:s19+$0xFFFFFF80]  }
0x263: {  	v3 =	vld [tilespmem:s25+$0xFFFFFF80];
	_ =	sdelay $0x4  }
0x264: {  	v2 =	vadd.f32 v3, v2;
	_ =	sdelay $0x1  }
0x265: {  	v2 =	vmax.f32 v2, $0.0e+00  }
0x266: {  	[tilespmem:s9+$0xFFFFFF80] =	vst v2  }
0x267: {  	v2 =	vld [tilespmem:s19+$0xFFFFFF90]  }
0x268: {  	v3 =	vld [tilespmem:s25+$0xFFFFFF90];
	_ =	sdelay $0x4  }
0x269: {  	v2 =	vadd.f32 v3, v2;
	_ =	sdelay $0x1  }
0x26a: {  	v2 =	vmax.f32 v2, $0.0e+00  }
0x26b: {  	[tilespmem:s9+$0xFFFFFF90] =	vst v2  }
0x26c: {  	v2 =	vld [tilespmem:s19+$0xFFFFFFA0]  }
0x26d: {  	v3 =	vld [tilespmem:s25+$0xFFFFFFA0];
	_ =	sdelay $0x4  }
0x26e: {  	v2 =	vadd.f32 v3, v2;
	_ =	sdelay $0x1  }
0x26f: {  	v2 =	vmax.f32 v2, $0.0e+00  }
0x270: {  	[tilespmem:s9+$0xFFFFFFA0] =	vst v2  }
0x271: {  	v2 =	vld [tilespmem:s19+$0xFFFFFFB0]  }
0x272: {  	v3 =	vld [tilespmem:s25+$0xFFFFFFB0];
	_ =	sdelay $0x4  }
0x273: {  	v2 =	vadd.f32 v3, v2;
	_ =	sdelay $0x1  }
0x274: {  	v2 =	vmax.f32 v2, $0.0e+00  }
0x275: {  	[tilespmem:s9+$0xFFFFFFB0] =	vst v2  }
0x276: {  	v2 =	vld [tilespmem:s19+$0xFFFFFFC0]  }
0x277: {  	v3 =	vld [tilespmem:s25+$0xFFFFFFC0];
	_ =	sdelay $0x4  }
0x278: {  	v2 =	vadd.f32 v3, v2;
	_ =	sdelay $0x1  }
0x279: {  	v2 =	vmax.f32 v2, $0.0e+00  }
0x27a: {  	[tilespmem:s9+$0xFFFFFFC0] =	vst v2  }
0x27b: {  	v2 =	vld [tilespmem:s19+$0xFFFFFFD0]  }
0x27c: {  	v3 =	vld [tilespmem:s25+$0xFFFFFFD0];
	_ =	sdelay $0x4  }
0x27d: {  	v2 =	vadd.f32 v3, v2;
	_ =	sdelay $0x1  }
0x27e: {  	v2 =	vmax.f32 v2, $0.0e+00  }
0x27f: {  	[tilespmem:s9+$0xFFFFFFD0] =	vst v2  }
0x280: {  	v2 =	vld [tilespmem:s19+$0xFFFFFFE0]  }
0x281: {  	v3 =	vld [tilespmem:s25+$0xFFFFFFE0];
	_ =	sdelay $0x4  }
0x282: {  	v2 =	vadd.f32 v3, v2;
	_ =	sdelay $0x1  }
0x283: {  	v2 =	vmax.f32 v2, $0.0e+00  }
.Ltmp5:
0x284: {  	[tilespmem:s9+$0xFFFFFFE0] =	vst v2;
	(pc) =	sbr.rel @p2 .LBB2_9-.Ltmp5, $3  }
0x285: {  	v2 =	vld [tilespmem:s19+$0xFFFFFFF0]  }
0x286: {  	v3 =	vld [tilespmem:s25+$0xFFFFFFF0];
	_ =	sdelay $0x1  }
0x287: {  	s19 =	sadd.s32 $0x100, s19  }
0x288: {  	_ =	sdelay $0x1  }
0x289: {  	v2 =	vadd.f32 v3, v2;
	_ =	sdelay $0x1  }
0x28a: {  	v2 =	vmax.f32 v2, $0.0e+00  }
0x28b: {  	[tilespmem:s10+$0xFFFFFFF0] =	vst v2  }
0x28c: {  	v2 =	vld [tilespmem:s16+$0x0]  }
0x28d: {  	v3 =	vld [tilespmem:s18+$0x0];
	_ =	sdelay $0x4  }
.Ltmp6:
0x28e: {  	v2 =	vadd.f32 v3, v2;
	(pc) =	sbr.rel @p3 .LBB2_12-.Ltmp6, $4  }
0x28f: {  	_ = 	snop  }
0x290: {  	v2 =	vmax.f32 v2, $0.0e+00  }
0x291: {  	s9 =	sadd.s32 $0x5080, s14;
	[tilespmem:s10+$0x0] =	vst v2  }
0x292: {  	[spmem:s3] =	stream.indirect.scatter.add.f32 [tilespmem:s8], [sflag:$0x6], $0x80, s9, s29, $0xb8;
	[tilespmem:$0x1FE40] =	vst v63  }
0x293: {  	s9 =	sadd.s32 $0x3, s13  }
.Ltmp7:
0x294: {  	s10 =	sshll.u32 s9, $0x7;
	(pc) =	sbr.rel .LBB2_6-.Ltmp7, $4  }
0x295: {  	s9 =	sshll.u32 s9, $0xA;
	s10 =	sand.u32 $0x3FFFFF80, s10  }
0x296: {  	[tilespmem:s28], [sflag:$0x2] =	stream.indirect.gather [hbm4b:s1+s29], $0x80, s10, s29, $0xb8;
	[tilespmem:$0x1FE40] =	vst v63  }
0x297: {  	s12 =	sadd.s32 $0x1, s12;
	s9 =	sadd.s32 s9, s15  }
0x298: {  	[tilespmem:s30], [sflag:$0x4] =	stream.linear.gather [hbm4b:s9+s4], $0x2000, $0x38;
	[tilespmem:$0x1FE40] =	vst v63  }
.LBB2_13:
0x299: {  	_ =	sfence.sel $0x180000  }
0x29a: {  	[bflag:$0x0] =	sbarrier.arrive $0xFFFF  }
0x29b: {  	_ =	strace $0x90000047  }
0x29c: {  	s0 =	stileid.u32;
	[bflag:$0x2] =	sbarrier.arrive $0xFFFF  }
0x29d: {  	p0 =	sne.s32 s0, $0x0;
	s0 =	rddreg [dreg:$0x3]  }
0x29e: {  	s0 =	sadd.s32 @!p0 $0x100000, s0  }
0x29f: {  	[sflag:s0] =	ssyncadd.tile.s32 @!p0 $0x1;
	_ =	shalt  }
.Lfunc_end2:
_tile_overlayer_lowered:
.L_overlay_start_2:
0x2a0: {  	(tag) =	ssettag $0x2  }
0x2a1: {  	s0 =	rddreg [dreg:$0x0];
	s2 =	stileid.u32  }
0x2a2: {  	s1 =	rddreg [dreg:$0x1];
	p0 =	sne.s32 s2, $0x0  }
0x2a3: {  	s3 =	rddreg [dreg:$0x2];
	[bflag:$0x3] =	sbarrier.arrive $0xFFFF;
	s2 =	simm.s32 @!p0 $0x1C07  }
0x2a4: {  	[timem:s3], [sflag:s2] =	dma.local @!p0 [hbm:s0], s1  }
0x2a5: {  	s0 =	simm.s32 @!p0 $0x7  }
0x2a6: {  	_ =	swait.ge @!p0 [sflag:s0], s1  }
0x2a7: {  	s1 =	ssub.s32 @!p0 $0x0, s1;
	[sflag:s0] =	ssyncset.done @!p0 $0x0  }
0x2a8: {  	[sflag:s0] =	ssyncadd.s32 @!p0 s1  }
0x2a9: {  	[bflag:$0x3] =	sbarrier.arrive $0xFFFF  }
0x2aa: {  	_ =	shalt  }

// kernel: kernel.9.cloned.1.call-start
scs
__scs_entry_jumppad:
0x0: {  	(pc) =	sbr.rel $0x88, $3  }
0x1: {  	(tag) =	ssettag $0x0;
	lr =	simm.s32 $0x1  }
0x2: {  	[smem:$0x3F97] =	sst lr;
	_ =	strace $0xD0000000  }
0x3: {  	_ = 	snop  }
0x4: {  	_ = 	snop  }
0x5: {  	_ = 	snop  }
0x6: {  	_ = 	snop  }
0x7: {  	_ = 	snop  }
__scs_overlays_trampoline_lowered:
0x8: {  	[smem:$0x3FA6] =	sst s0  }
0x9: {  	[smem:$0x3FA7] =	sst s1  }
0xa: {  	[smem:$0x3FA8] =	sst s2  }
0xb: {  	[smem:$0x3FA9] =	sst s3  }
0xc: {  	[smem:$0x3FAA] =	sst s4  }
0xd: {  	[smem:$0x3FAB] =	sst s5  }
0xe: {  	[smem:$0x3FAC] =	sst s6  }
0xf: {  	[smem:$0x3FAD] =	sst s7  }
0x10: {  	[smem:$0x3FAE] =	sst s8  }
0x11: {  	[smem:$0x3FAF] =	sst s9;
	s0 =	simm.s32 @!p0 $0x0  }
0x12: {  	s1 =	sld [smem:$0x3F95];
	s0 =	simm.s32 @p0 $0x1  }
0x13: {  	[smem:$0x3FB0] =	sst s0;
	s0 =	simm.s32 @!p1 $0x0  }
0x14: {  	s2 =	sld [smem:$0x3F94];
	s0 =	simm.s32 @p1 $0x1  }
0x15: {  	[smem:$0x3FB1] =	sst s0;
	s0 =	simm.s32 @!p2 $0x0  }
0x16: {  	s3 =	sld [smem:$0x3FDB];
	s0 =	simm.s32 @p2 $0x1  }
0x17: {  	s4 =	simm.s32 $0x1BF5;
	[smem:$0x3FB3] =	sst s0  }
0x18: {  	s0 =	sld [smem:$0x3F96];
	_ =	swait.ge [sflag:s4], $0x0  }
0x19: {  	s7 =	sld [smem:$0x3F97]  }
0x1a: {  	s8 =	sadd.s32 $0xFFFFE003, lr  }
0x1b: {  	s9 =	sadd.s32 $0xFFFFFEF7, lr;
	s5 =	simm.s32 $0xFFFFFFFF;
	p2 =	slt.u32 s8, $0xFFFFF086  }
0x1c: {  	p1 =	slt.u32 s9, $0xF7A;
	s5 =	simm.s32 @!p2 $0x0  }
0x1d: {  	s5 =	simm.s32 @p1 $0x1;
	p0 =	seq.s32 s7, s2  }
0x1e: {  	s7 =	smul.u32 @!p0 $0xF7A, s2;
	p2 =	seq.s32 @!p0 s5, $0x0  }
0x1f: {  	s9 =	smul.u32 $0xF7A, s1;
	s8 =	simm.s32 @!p0 $0x1BF5;
	p2 =	por !p2, p0  }
0x20: {  	[sflag:s8] =	ssyncset.s32 @!p0 $0xFFFFF086;
	s6 =	sadd.s32 @!p0 s3, s7;
	s7 =	simm.s32 @!p0 $0x108  }
0x21: {  	s3 =	sadd.s32 s3, s9;
	s6 =	sadd.s32 @!p0 $0x88, s6;
	s7 =	simm.s32 @p2 $0x1082  }
0x22: {  	[simem:s7], [sflag:s8] =	dma.local @!p0 [hbm:s6], $0xF7A  }
0x23: {  	s9 =	sor.u32 $0xD0000000, s2;
	s6 =	simm.s32 $0x108;
	_ =	swait.ge @!p0 [sflag:s8], $0x0  }
0x24: {  	s3 =	sadd.s32 $0x88, s3;
	s6 =	simm.s32 @!p1 $0x1082;
	[sflag:s4] =	ssyncset.s32 $0xFFFFF086  }
0x25: {  	[simem:s6], [sflag:s4] =	dma.local [hbm:s3], $0xF7A  }
0x26: {  	[smem:$0x3F97] =	sst s1;
	(tag) =	ssettag s2;
	_ =	strace s9  }
0x27: {  	s1 =	sld [smem:$0x3FA7]  }
0x28: {  	s2 =	sld [smem:$0x3FA8]  }
0x29: {  	s4 =	sld [smem:$0x3FAA]  }
0x2a: {  	p0 =	seq.s32 s5, $0x0;
	s5 =	sld [smem:$0x3FAB]  }
0x2b: {  	s6 =	sld [smem:$0x3FAC]  }
0x2c: {  	s7 =	sld [smem:$0x3FAD]  }
0x2d: {  	s3 =	simm.s32 $0x108;
	s8 =	sld [smem:$0x3FAE]  }
0x2e: {  	s3 =	simm.s32 @!p0 $0x1082;
	s9 =	sld [smem:$0x3FAF]  }
0x2f: {  	lr =	sadd.s32 s0, s3;
	s0 =	sld [smem:$0x3FA6]  }
0x30: {  	s3 =	sld [smem:$0x3FA9]  }
0x31: {  	[smem:$0x3FB2] =	sst s10  }
0x32: {  	s10 =	sld [smem:$0x3FB0];
	_ =	sdelay $0x3  }
0x33: {  	p0 =	seq.s32 s10, $0x1;
	s10 =	sld [smem:$0x3FB2];
	_ =	sdelay $0x3  }
0x34: {  	[smem:$0x3FB2] =	sst s10  }
0x35: {  	s10 =	sld [smem:$0x3FB1];
	_ =	sdelay $0x3  }
0x36: {  	p1 =	seq.s32 s10, $0x1;
	s10 =	sld [smem:$0x3FB2];
	_ =	sdelay $0x3  }
0x37: {  	[smem:$0x3FB2] =	sst s10  }
0x38: {  	s10 =	sld [smem:$0x3FB3]  }
0x39: {  	_ = 	snop;
	(pc) =	sbr.ind lr, $3  }
0x3a: {  	_ = 	snop  }
0x3b: {  	_ = 	snop  }
0x3c: {  	p2 =	seq.s32 s10, $0x1;
	s10 =	sld [smem:$0x3FB2]  }
0x3d: {  	_ =	shalt  }
0x3e: {  	_ =	shalt  }
0x3f: {  	_ =	shalt  }
0x40: {  	_ =	shalt  }
0x41: {  	_ =	shalt  }
0x42: {  	_ =	shalt  }
0x43: {  	_ =	shalt  }
0x44: {  	_ =	shalt  }
0x45: {  	_ =	shalt  }
0x46: {  	_ =	shalt  }
0x47: {  	_ =	shalt  }
0x48: {  	_ =	shalt  }
0x49: {  	_ =	shalt  }
0x4a: {  	_ =	shalt  }
0x4b: {  	_ =	shalt  }
0x4c: {  	_ =	shalt  }
0x4d: {  	_ =	shalt  }
0x4e: {  	_ =	shalt  }
0x4f: {  	_ =	shalt  }
0x50: {  	_ =	shalt  }
0x51: {  	_ =	shalt  }
0x52: {  	_ =	shalt  }
0x53: {  	_ =	shalt  }
0x54: {  	_ =	shalt  }
0x55: {  	_ =	shalt  }
0x56: {  	_ =	shalt  }
0x57: {  	_ =	shalt  }
0x58: {  	_ =	shalt  }
0x59: {  	_ =	shalt  }
0x5a: {  	_ =	shalt  }
0x5b: {  	_ =	shalt  }
0x5c: {  	_ =	shalt  }
0x5d: {  	_ =	shalt  }
0x5e: {  	_ =	shalt  }
0x5f: {  	_ =	shalt  }
0x60: {  	_ =	shalt  }
0x61: {  	_ =	shalt  }
0x62: {  	_ =	shalt  }
0x63: {  	_ =	shalt  }
0x64: {  	_ =	shalt  }
0x65: {  	_ =	shalt  }
0x66: {  	_ =	shalt  }
0x67: {  	_ =	shalt  }
0x68: {  	_ =	shalt  }
0x69: {  	_ =	shalt  }
0x6a: {  	_ =	shalt  }
0x6b: {  	_ =	shalt  }
0x6c: {  	_ =	shalt  }
0x6d: {  	_ =	shalt  }
0x6e: {  	_ =	shalt  }
0x6f: {  	_ =	shalt  }
0x70: {  	_ =	shalt  }
0x71: {  	_ =	shalt  }
0x72: {  	_ =	shalt  }
0x73: {  	_ =	shalt  }
0x74: {  	_ =	shalt  }
0x75: {  	_ =	shalt  }
0x76: {  	_ =	shalt  }
0x77: {  	_ =	shalt  }
0x78: {  	_ =	shalt  }
0x79: {  	_ =	shalt  }
0x7a: {  	_ =	shalt  }
0x7b: {  	_ =	shalt  }
0x7c: {  	_ =	shalt  }
0x7d: {  	_ =	shalt  }
0x7e: {  	_ =	shalt  }
0x7f: {  	_ =	shalt  }
0x80: {  	_ =	shalt  }
0x81: {  	_ =	shalt  }
0x82: {  	_ =	shalt  }
0x83: {  	_ =	shalt  }
0x84: {  	_ =	shalt  }
0x85: {  	_ =	shalt  }
0x86: {  	_ =	shalt  }
0x87: {  	_ =	shalt  }
.Lfunc_end0:
.L_simem_size_0:
called_computation.1_lowered:
.L_overlay_start_0:
0x88: {  	s2 =	sld [smem:$0x3FD9]  }
0x89: {  	s3 =	sld [smem:$0x3FFE];
	_ =	sdelay $0x1  }
0x8a: {  	s1 =	srdreg.scid  }
0x8b: {  	s0 =	sand.u32 $0x1, s1  }
0x8c: {  	s17 =	sshll.u32 s0, $0xA;
	s2 =	sadd.s32 s3, s2  }
0x8d: {  	s2 =	sadd.s32 s2, s17  }
0x8e: {  	[smem:$0x3FBE] =	sst s2  }
0x8f: {  	_ = 	snop  }
0x90: {  	s18 =	sld [smem:$0x3FD0];
	(tm) =	ssettm $0x1  }
0x91: {  	s19 =	sld [smem:$0x3FFB];
	_ =	sdelay $0x3  }
0x92: {  	_ =	strace s19  }
0x93: {  	s2 =	sld [smem:$0x3FFC];
	_ =	sdelay $0x3  }
0x94: {  	_ =	strace s2  }
0x95: {  	s2 =	sld [smem:$0x3FFD];
	_ =	sdelay $0x3  }
0x96: {  	_ =	strace s2  }
0x97: {  	_ =	strace $0x8FFFFFFF  }
0x98: {  	s20 =	sld [smem:$0x3FDB];
	_ =	sdelay $0x1  }
0x99: {  	s4 =	simm.s32 $_scs_section_size  }
0x9a: {  	s5 =	simm.s32 $_size__tile_overlayer_lowered;
	s6 =	simm.s32 $_tile_overlayer_lowered  }
0x9b: {  	s7 =	simm.s32 $0x1BFF;
	s21 =	sshll.u32 s6, $0x1;
	s4 =	sadd.s32 s4, s20  }
0x9c: {  	s22 =	simm.s32 $0x0;
	s5 =	sshll.u32 s5, $0x1;
	s6 =	sadd.s32 s21, s4  }
0x9d: {  	[timem:s22], [sflag:s7] =	dma.local [hbm:s6], s5  }
0x9e: {  	_ =	swait.ge [sflag:s7], s5  }
0x9f: {  	s5 =	ssub.s32 $0x0, s5;
	[sflag:s7] =	ssyncset.done $0x0  }
0xa0: {  	[sflag:s7] =	ssyncadd.s32 s5;
	_ =	sdelay $0x1  }
0xa1: {  	s23 =	simm.s32 $0x1B8B  }
0xa2: {  	_ =	swait.ge [sflag:s23], $0x1  }
0xa3: {  	[sflag:s23] =	ssyncset.done $0x0  }
0xa4: {  	[sflag:s23] =	ssyncadd.s32 $0xFFFFFFFF  }
0xa5: {  	s5 =	sld [smem:$0x0]  }
0xa6: {  	s6 =	sand.u32 $0xFFFFFFFE, s1  }
0xa7: {  	p0 =	sne.s32 s1, s6  }
0xa8: {  	s6 =	sshll.u32 @p0 s6, $0xE  }
0xa9: {  	s6 =	sadd.s32 @p0 $0x11B8D, s6;
	s7 =	sshll.u32 @p0 s5, $0x11  }
0xaa: {  	s6 =	sor.u32 @p0 s7, s6  }
0xab: {  	[sflag:s6] =	ssyncadd.remote.s32 @p0 $0x1;
	_ =	sdelay $0x1  }
0xac: {  	s6 =	simm.s32 @p0 $0x1B8D  }
0xad: {  	_ =	swait.eq @p0 [sflag:s6], $0x1  }
0xae: {  	[sflag:s6] =	ssyncadd.s32 @p0 $0xFFFFFFFF  }
0xaf: {  	s7 =	sshll.u32 @!p0 s1, $0xE  }
0xb0: {  	s7 =	sor.u32 @!p0 $0x4000, s7;
	s6 =	simm.s32 @!p0 $0x1B8D  }
0xb1: {  	s5 =	sshll.u32 @!p0 s5, $0x11;
	s7 =	sadd.s32 @!p0 $0x11B8D, s7;
	_ =	swait.eq @!p0 [sflag:s6], $0x1  }
0xb2: {  	s5 =	sor.u32 @!p0 s5, s7;
	[sflag:s6] =	ssyncadd.s32 @!p0 $0xFFFFFFFF  }
0xb3: {  	s25 =	simm.s32 $0x1B8E;
	s24 =	sld [smem:$0x3FFE];
	[sflag:s5] =	ssyncadd.remote.s32 @!p0 $0x1  }
0xb4: {  	s26 =	simm.s32 $execute0_lowered;
	[smem:$0x3FD2] =	sst s25  }
0xb5: {  	s6 =	sshll.u32 s26, $0x1;
	_ =	strace $0x80000049;
	[dreg:$0x1] =	wrdreg $0xFFFFFFFF  }
0xb6: {  	s28 =	simm.s32 $_size_execute0_lowered;
	s4 =	sadd.s32 s4, s6;
	[dreg:$0x0] =	wrdreg $0x0  }
0xb7: {  	s6 =	sshll.u32 s28, $0x1;
	[dreg:$0x2] =	wrdreg s4  }
0xb8: {  	[dreg:$0x3] =	wrdreg s6  }
0xb9: {  	[dreg:$0x4] =	wrdreg $0xC0  }
0xba: {  	_ =	task [dreg:s22], $0x5FFFF  }
0xbb: {  	[dreg:$0x1] =	wrdreg $0xFFFFFFFF  }
0xbc: {  	[dreg:$0x0] =	wrdreg $0x60  }
0xbd: {  	[dreg:$0x2] =	wrdreg s18  }
0xbe: {  	[dreg:$0x3] =	wrdreg s24  }
0xbf: {  	[dreg:$0x4] =	wrdreg $0x160000  }
0xc0: {  	[dreg:$0x5] =	wrdreg $0xA  }
0xc1: {  	_ =	task.clear_ibuf [dreg:s22], $0x6FFFF;
	_ =	strace $0x90000049  }
0xc2: {  	s29 =	simm.s32 $0xA;
	_ =	strace $0x8000004B  }
0xc3: {  	_ =	swait.ge [sflag:s29], $0x1  }
0xc4: {  	[sflag:s29] =	ssyncadd.s32 $0xFFFFFFFF  }
0xc5: {  	_ =	strace $0x9000004B  }
0xc6: {  	_ =	sfence  }
0xc7: {  	s30 =	sld [smem:$0x0];
	_ =	sdelay $0x2  }
0xc8: {  	s31 =	sshll.u32 s1, $0xD;
	s1 =	sshrl.u32 s1, $0x2  }
0xc9: {  	s4 =	sand.u32 $0x4000, s31;
	s1 =	sadd.s32 s1, s30  }
0xca: {  	s0 =	sor.u32 s4, s0;
	s1 =	sshll.u32 s1, $0x11  }
0xcb: {  	s0 =	sor.u32 s1, s0  }
0xcc: {  	s0 =	sadd.s32 $0x8F2B, s0  }
0xcd: {  	[sflag:s0] =	ssyncadd.remote.s32 $0x1  }
0xce: {  	_ =	sfence.sel $0xFFFF  }
0xcf: {  	[dreg:$0x0] =	wrdreg $0xFFFFFFFF;
	(pc) =	sbr.abs _section_cstart, $3  }
0xd0: {  	[dreg:$0x1] =	wrdreg $0xFFFFFFFF  }
0xd1: {  	_ =	task.clear_ibuf [dreg:s22], $0x2FFFF;
	_ =	strace $0x9FFFFFFF  }
0xd2: {  	(tm) =	ssettm $0x7FFFFFFF  }
0xd3: {  	_ =	shalt  }
tec
execute0_lowered:
.L_overlay_start_1:
0x0: {  	(tag) =	ssettag $0x1  }
0x1: {  	s1 =	rddreg [dreg:$0x0]  }
0x2: {  	s0 =	srdreg.scid;
	s2 =	rddreg [dreg:$0x1]  }
0x3: {  	s25 =	stileid.u32;
	s3 =	rddreg [dreg:$0x2]  }
0x4: {  	s4 =	simm.s32 $0x0;
	s29 =	simm.s32 $0x40;
	s8 =	smul.u32 $0x2800, s25  }
0x5: {  	s28 =	simm.s32 $0xC000;
	s9 =	sand.u32 $0x1, s0;
	s10 =	smul.u32 $0xA00, s25  }
0x6: {  	s30 =	simm.s32 $0x10000;
	s31 =	simm.s32 $0x12000;
	s5 =	smul.u32 $0x28000, s9  }
0x7: {  	[smem:$0x7FF] =	sst s4;
	s7 =	sor.u32 $0x10, s25;
	s6 =	smul.u32 $0x1388, s9  }
0x8: {  	s12 =	sor.u32 $0x30, s25;
	s16 =	sor.u32 $0x40, s25;
	s11 =	smul.u32 $0x28, s7  }
0x9: {  	s18 =	sor.u32 $0x50, s25;
	s21 =	sor.u32 $0x70, s25;
	s15 =	smul.u32 $0x28, s12  }
0xa: {  	p0 =	sgt.u32 s25, $0xD;
	p1 =	sgt.u32 s25, $0xC;
	s19 =	smul.u32 $0x28, s16  }
0xb: {  	_ =	strace $0x8000004A;
	s14 =	ssub.s32 $0x2, s9;
	s20 =	smul.u32 $0x28, s18  }
0xc: {  	s23 =	smul.u32 $0x28, s21;
	s17 =	sshrl.u32 s14, $0x1;
	s0 =	sadd.s32 s8, s5  }
0xd: {  	s8 =	smul.u32 $0x28, s25;
	s5 =	sadd.s32 s10, s2;
	s10 =	sor.u32 $0x20, s25  }
0xe: {  	s14 =	ssub.s32 s14, s17;
	s17 =	sor.u32 $0x60, s25;
	s11 =	sadd.s32 s6, s11  }
0xf: {  	s15 =	sadd.s32 s6, s15;
	s19 =	sadd.s32 s6, s19;
	s13 =	smul.u32 $0x28, s10  }
0x10: {  	s20 =	sadd.s32 s6, s20;
	s0 =	sshll.u32 s0, $0x4;
	s22 =	smul.u32 $0x28, s17  }
0x11: {  	s11 =	sshll.u32 s11, $0x4;
	s15 =	sshll.u32 s15, $0x4;
	s26 =	sshll.u32 s19, $0x4  }
0x12: {  	s19 =	sadd.s32 $0x1E00, s5;
	s5 =	sadd.s32 $0xBE00, s5;
	s0 =	sadd.s32 s0, s2  }
0x13: {  	s2 =	sadd.s32 $0x3D000, s2;
	s8 =	sadd.s32 s8, s6;
	[dreg:$0xc] =	wrdreg s19  }
0x14: {  	[dreg:$0xd] =	wrdreg s5;
	s5 =	simm.s32 $0x3;
	s8 =	sshll.u32 s8, $0x4  }
0x15: {  	s13 =	sadd.s32 s6, s13;
	s22 =	sadd.s32 s6, s22;
	s24 =	sadd.s32 s2, s15  }
0x16: {  	s6 =	sadd.s32 s6, s23;
	s8 =	sadd.s32 s2, s8;
	[dreg:$0x7] =	wrdreg s24  }
0x17: {  	s23 =	smul.u32 $0x5000, s25;
	s13 =	sshll.u32 s13, $0x4;
	[dreg:$0x4] =	wrdreg s8  }
0x18: {  	s8 =	sadd.s32 s2, s11;
	s11 =	sshll.u32 s20, $0x4;
	s20 =	smul.u32 $0x5000, s7  }
0x19: {  	s6 =	sshll.u32 s6, $0x4;
	s7 =	smul.u32 $0x5000, s16;
	[dreg:$0x5] =	wrdreg s8  }
0x1a: {  	s8 =	sadd.s32 s2, s13;
	s13 =	sshll.u32 s22, $0x4;
	s22 =	smul.u32 $0x5000, s10  }
0x1b: {  	s24 =	sshrl.u32 s23, $0x2;
	s10 =	smul.u32 $0x5000, s18;
	[dreg:$0x6] =	wrdreg s8  }
0x1c: {  	s8 =	sadd.s32 s2, s26;
	s15 =	sadd.s32 s2, s13;
	s26 =	smul.u32 $0x5000, s12  }
0x1d: {  	s13 =	sadd.s32 s24, s3;
	s12 =	smul.u32 $0x5000, s17;
	[dreg:$0x8] =	wrdreg s8  }
0x1e: {  	s19 =	sshrl.u32 s7, $0x2;
	s8 =	sadd.s32 s2, s11;
	[dreg:$0xa] =	wrdreg s15  }
0x1f: {  	s7 =	simm.s32 $0x4;
	s2 =	sadd.s32 s2, s6;
	[dreg:$0x9] =	wrdreg s8  }
0x20: {  	s15 =	sadd.s32 $0x506E00, s0;
	s0 =	sadd.s32 $0x507200, s0;
	[dreg:$0xb] =	wrdreg s2  }
0x21: {  	s6 =	simm.s32 $0x2;
	[dreg:$0xe] =	wrdreg s0;
	s2 =	sshrl.u32 s20, $0x2  }
0x22: {  	s8 =	sshrl.u32 s22, $0x2;
	s11 =	sshrl.u32 s26, $0x2;
	s20 =	smul.u32 $0x5000, s21  }
0x23: {  	s0 =	sadd.s32 s19, s3;
	s21 =	sshrl.u32 s10, $0x2;
	s22 =	sshrl.u32 s12, $0x2  }
0x24: {  	s26 =	smax.u32 s14, $0x1;
	s16 =	sadd.s32 s2, s3;
	s18 =	sadd.s32 s8, s3  }
.Ltmp0:
0x25: {  	s17 =	sadd.s32 s11, s3;
	[dreg:$0xf] =	wrdreg s0;
	(pc) =	sbr.rel .LBB2_1-.Ltmp0, $4  }
0x26: {  	s0 =	sadd.s32 s21, s3;
	s23 =	sadd.s32 s22, s3;
	[dreg:$0x12] =	wrdreg s26  }
0x27: {  	s26 =	simm.s32 $0x7;
	s2 =	simm.s32 $0x80;
	s8 =	simm.s32 $0x14000  }
0x28: {  	s11 =	simm.s32 $0x0;
	[dreg:$0x10] =	wrdreg s0;
	s24 =	sshrl.u32 s20, $0x2  }
0x29: {  	v1 =	vimm.f32 $0.0e+00;
	v0 =	vmov s9;
	[dreg:$0x11] =	wrdreg s23;
	s0 =	simm.s32 $0x1;
	s24 =	sadd.s32 s24, s3  }
.LBB2_12:
0x2a: {  	s9 =	simm.s32 $0x6  }
0x2b: {  	_ =	swait.ge [sflag:s9], $0x400  }
0x2c: {  	[sflag:s9] =	ssyncset.done $0x0  }
0x2d: {  	s17 =	simm.s32 $0x5;
	[sflag:s9] =	ssyncadd.s32 $0xFFFFFC00  }
0x2e: {  	_ =	swait.ge [sflag:s17], $0x400  }
0x2f: {  	[sflag:s17] =	ssyncset.done $0x0  }
0x30: {  	s18 =	stileid.u32;
	[sflag:s17] =	ssyncadd.s32 $0xFFFFFC00  }
0x31: {  	s9 =	sshll.u32 s18, $0x6;
	[bflag:$0x0] =	sbarrier.arrive $0xFFFF  }
0x32: {  	s10 =	sshrl.u32 s20, $0x3;
	s9 =	sor.u32 $0x1C07, s9;
	s12 =	rddreg [dreg:$0x4]  }
0x33: {  	[hbm:s12], [sflag:s9] =	dma.local [spmem:s10], $0x280  }
0x34: {  	_ =	swait.ge [sflag:s26], $0x280  }
0x35: {  	s13 =	smov.u32 s20;
	[sflag:s26] =	ssyncset.done $0x0  }
0x36: {  	s19 =	sshrl.u32 s21, $0x3;
	s20 =	rddreg [dreg:$0x5];
	[sflag:s26] =	ssyncadd.s32 $0xFFFFFD80  }
0x37: {  	[hbm:s20], [sflag:s9] =	dma.local [spmem:s19], $0x280  }
0x38: {  	_ =	swait.ge [sflag:s26], $0x280  }
0x39: {  	s16 =	smov.u32 s21;
	s21 =	sshrl.u32 s22, $0x3;
	[sflag:s26] =	ssyncset.done $0x0  }
0x3a: {  	s18 =	smov.u32 s22;
	s22 =	rddreg [dreg:$0x6];
	[sflag:s26] =	ssyncadd.s32 $0xFFFFFD80  }
0x3b: {  	[hbm:s22], [sflag:s9] =	dma.local [spmem:s21], $0x280  }
0x3c: {  	_ =	swait.ge [sflag:s26], $0x280  }
0x3d: {  	s17 =	smov.u32 s23;
	[sflag:s26] =	ssyncset.done $0x0  }
0x3e: {  	s23 =	sshrl.u32 s23, $0x3;
	s25 =	rddreg [dreg:$0x7];
	[sflag:s26] =	ssyncadd.s32 $0xFFFFFD80  }
0x3f: {  	[hbm:s25], [sflag:s9] =	dma.local [spmem:s23], $0x280  }
0x40: {  	_ =	swait.ge [sflag:s26], $0x280  }
0x41: {  	[sflag:s26] =	ssyncset.done $0x0;
	s14 =	rddreg [dreg:$0xf]  }
0x42: {  	s19 =	rddreg [dreg:$0x8];
	[sflag:s26] =	ssyncadd.s32 $0xFFFFFD80;
	s10 =	sshrl.u32 s14, $0x3  }
0x43: {  	[hbm:s19], [sflag:s9] =	dma.local [spmem:s10], $0x280  }
0x44: {  	_ =	swait.ge [sflag:s26], $0x280  }
0x45: {  	[sflag:s26] =	ssyncset.done $0x0;
	s20 =	rddreg [dreg:$0x10]  }
0x46: {  	s21 =	rddreg [dreg:$0x9];
	[sflag:s26] =	ssyncadd.s32 $0xFFFFFD80;
	s10 =	sshrl.u32 s20, $0x3  }
0x47: {  	[hbm:s21], [sflag:s9] =	dma.local [spmem:s10], $0x280  }
0x48: {  	_ =	swait.ge [sflag:s26], $0x280  }
0x49: {  	[sflag:s26] =	ssyncset.done $0x0;
	s22 =	rddreg [dreg:$0x11]  }
0x4a: {  	s23 =	rddreg [dreg:$0xa];
	[sflag:s26] =	ssyncadd.s32 $0xFFFFFD80;
	s10 =	sshrl.u32 s22, $0x3  }
0x4b: {  	[hbm:s23], [sflag:s9] =	dma.local [spmem:s10], $0x280  }
0x4c: {  	_ =	swait.ge [sflag:s26], $0x280  }
0x4d: {  	[sflag:s26] =	ssyncset.done $0x0  }
0x4e: {  	s10 =	sshrl.u32 @!p1 s24, $0x3;
	s12 =	rddreg [dreg:$0xb];
	[sflag:s26] =	ssyncadd.s32 $0xFFFFFD80  }
0x4f: {  	[hbm:s12], [sflag:s9] =	dma.local @!p1 [spmem:s10], $0x280  }
0x50: {  	s9 =	simm.s32 @!p1 $0x7  }
0x51: {  	_ =	swait.ge @!p1 [sflag:s9], $0x280  }
0x52: {  	s11 =	sadd.s32 $0x1, s11;
	s25 =	rddreg [dreg:$0x12]  }
0x53: {  	p2 =	sne.s32 s11, s25  }
.Ltmp1:
0x54: {  	_ = 	snop;
	(pc) =	sbr.rel @!p2 .LBB2_13-.Ltmp1, $3  }
0x55: {  	_ =	sdelay $0x1  }
0x56: {  	[sflag:s9] =	ssyncset.done @!p1 $0x0  }
0x57: {  	[sflag:s9] =	ssyncadd.s32 @!p1 $0xFFFFFD80  }
.LBB2_1:
0x58: {  	s9 =	rddreg [dreg:$0xc]  }
0x59: {  	[tilespmem:s4], [sflag:$0x7] =	stream.linear.gather [hbm4b:s9+s4], $0x5000, $0x38;
	[tilespmem:$0x1FE40] =	vst v63  }
0x5a: {  	_ =	swait.ge [sflag:s26], $0x5000  }
0x5b: {  	[sflag:s26] =	ssyncset.done $0x0  }
0x5c: {  	s10 =	simm.s32 $0x5000;
	s25 =	rddreg [dreg:$0xd];
	[sflag:s26] =	ssyncadd.s32 $0xFFFFB000  }
0x5d: {  	[tilespmem:s10], [sflag:$0x7] =	stream.linear.gather [hbm4b:s25+s4], $0x5000, $0x38;
	[tilespmem:$0x1FE40] =	vst v63  }
0x5e: {  	_ =	swait.ge [sflag:s26], $0x5000  }
0x5f: {  	[sflag:s26] =	ssyncset.done $0x0  }
0x60: {  	[sflag:s26] =	ssyncadd.s32 $0xFFFFB000  }
0x61: {  	v2 =	vld [tilespmem:s2+$0xFFFFFF80];
	_ =	sdelay $0x4  }
0x62: {  	v2 =	vshll.u32 v2, $0x1  }
0x63: {  	v2 =	vor.u32 v0, v2  }
0x64: {  	s9 =	simm.s32 $0x5080;
	[tilespmem:s2+$0xFFFFFF80] =	vst v2  }
0x65: {  	v2 =	vld [tilespmem:s9+$0xFFFFFF80];
	_ =	sdelay $0x4  }
0x66: {  	v3 =	vadd.s32 $0xFFFFEC78, v2;
	v2 =	vand.u32 $0x3F, v2  }
0x67: {  	vm0 =	vlt.u32 v3, $0x1388;
	v2 =	vadd.s32 $0x1388, v2  }
0x68: {  	v2 =	vsel vm0, v3, v2  }
0x69: {  	[tilespmem:s9+$0xFFFFFF80] =	vst v2  }
0x6a: {  	v2 =	vld [tilespmem:s2+$0xFFFFFF90];
	_ =	sdelay $0x4  }
0x6b: {  	v2 =	vshll.u32 v2, $0x1  }
0x6c: {  	v2 =	vor.u32 v0, v2  }
0x6d: {  	[tilespmem:s2+$0xFFFFFF90] =	vst v2  }
0x6e: {  	v2 =	vld [tilespmem:s9+$0xFFFFFF90];
	_ =	sdelay $0x4  }
0x6f: {  	v3 =	vadd.s32 $0xFFFFEC78, v2;
	v2 =	vand.u32 $0x3F, v2  }
0x70: {  	vm9 =	vlt.u32 v3, $0x1388;
	v2 =	vadd.s32 $0x1388, v2  }
0x71: {  	v2 =	vsel vm9, v3, v2  }
0x72: {  	[tilespmem:s9+$0xFFFFFF90] =	vst v2  }
0x73: {  	v2 =	vld [tilespmem:s2+$0xFFFFFFA0];
	_ =	sdelay $0x4  }
0x74: {  	v2 =	vshll.u32 v2, $0x1  }
0x75: {  	v2 =	vor.u32 v0, v2  }
0x76: {  	[tilespmem:s2+$0xFFFFFFA0] =	vst v2  }
0x77: {  	v2 =	vld [tilespmem:s9+$0xFFFFFFA0];
	_ =	sdelay $0x4  }
0x78: {  	v3 =	vadd.s32 $0xFFFFEC78, v2;
	v2 =	vand.u32 $0x3F, v2  }
0x79: {  	vm10 =	vlt.u32 v3, $0x1388;
	v2 =	vadd.s32 $0x1388, v2  }
0x7a: {  	v2 =	vsel vm10, v3, v2  }
0x7b: {  	[tilespmem:s9+$0xFFFFFFA0] =	vst v2  }
0x7c: {  	v2 =	vld [tilespmem:s2+$0xFFFFFFB0];
	_ =	sdelay $0x4  }
0x7d: {  	v2 =	vshll.u32 v2, $0x1  }
0x7e: {  	v2 =	vor.u32 v0, v2  }
0x7f: {  	[tilespmem:s2+$0xFFFFFFB0] =	vst v2  }
0x80: {  	v2 =	vld [tilespmem:s9+$0xFFFFFFB0];
	_ =	sdelay $0x4  }
0x81: {  	v3 =	vadd.s32 $0xFFFFEC78, v2;
	v2 =	vand.u32 $0x3F, v2  }
0x82: {  	vm11 =	vlt.u32 v3, $0x1388;
	v2 =	vadd.s32 $0x1388, v2  }
0x83: {  	v2 =	vsel vm11, v3, v2  }
0x84: {  	[tilespmem:s9+$0xFFFFFFB0] =	vst v2  }
0x85: {  	v2 =	vld [tilespmem:s2+$0x0];
	_ =	sdelay $0x4  }
0x86: {  	v2 =	vshll.u32 v2, $0x1  }
0x87: {  	v2 =	vor.u32 v0, v2  }
0x88: {  	[tilespmem:s2+$0x0] =	vst v2  }
0x89: {  	v2 =	vld [tilespmem:s9+$0x0];
	_ =	sdelay $0x4  }
0x8a: {  	v3 =	vadd.s32 $0xFFFFEC78, v2;
	v2 =	vand.u32 $0x3F, v2  }
0x8b: {  	vm12 =	vlt.u32 v3, $0x1388;
	v2 =	vadd.s32 $0x1388, v2  }
0x8c: {  	v2 =	vsel vm12, v3, v2  }
0x8d: {  	[tilespmem:s9+$0x0] =	vst v2  }
0x8e: {  	v2 =	vld [tilespmem:s2+$0x10];
	_ =	sdelay $0x4  }
0x8f: {  	v2 =	vshll.u32 v2, $0x1  }
0x90: {  	v2 =	vor.u32 v0, v2  }
0x91: {  	[tilespmem:s2+$0x10] =	vst v2  }
0x92: {  	v2 =	vld [tilespmem:s9+$0x10];
	_ =	sdelay $0x4  }
0x93: {  	v3 =	vadd.s32 $0xFFFFEC78, v2;
	v2 =	vand.u32 $0x3F, v2  }
0x94: {  	vm13 =	vlt.u32 v3, $0x1388;
	v2 =	vadd.s32 $0x1388, v2  }
0x95: {  	v2 =	vsel vm13, v3, v2  }
0x96: {  	[tilespmem:s9+$0x10] =	vst v2  }
0x97: {  	v2 =	vld [tilespmem:s2+$0x20];
	_ =	sdelay $0x4  }
0x98: {  	v2 =	vshll.u32 v2, $0x1  }
0x99: {  	v2 =	vor.u32 v0, v2  }
0x9a: {  	[tilespmem:s2+$0x20] =	vst v2  }
0x9b: {  	v2 =	vld [tilespmem:s9+$0x20];
	_ =	sdelay $0x4  }
0x9c: {  	v3 =	vadd.s32 $0xFFFFEC78, v2;
	v2 =	vand.u32 $0x3F, v2  }
0x9d: {  	vm14 =	vlt.u32 v3, $0x1388;
	v2 =	vadd.s32 $0x1388, v2  }
0x9e: {  	v2 =	vsel vm14, v3, v2  }
0x9f: {  	[tilespmem:s9+$0x20] =	vst v2  }
0xa0: {  	v2 =	vld [tilespmem:s2+$0x30];
	_ =	sdelay $0x4  }
0xa1: {  	v2 =	vshll.u32 v2, $0x1  }
0xa2: {  	v2 =	vor.u32 v0, v2  }
0xa3: {  	[tilespmem:s2+$0x30] =	vst v2  }
0xa4: {  	v2 =	vld [tilespmem:s9+$0x30];
	_ =	sdelay $0x4  }
0xa5: {  	v3 =	vadd.s32 $0xFFFFEC78, v2;
	v2 =	vand.u32 $0x3F, v2  }
0xa6: {  	vm15 =	vlt.u32 v3, $0x1388;
	v2 =	vadd.s32 $0x1388, v2  }
0xa7: {  	s12 =	simm.s32 $0x80;
	s10 =	simm.s32 $0x0;
	v2 =	vsel vm15, v3, v2  }
.LBB2_2:
0xa8: {  	s10 =	sadd.s32 $0x2, s10;
	[tilespmem:s9+$0x30] =	vst v2;
	s9 =	sadd.s32 $0x100, s9;
	s12 =	sadd.s32 $0x100, s12  }
0xa9: {  	v2 =	vld [tilespmem:s12+$0xFFFFFF80];
	p2 =	slt.u32 s10, $0x9E;
	_ =	sdelay $0x4  }
0xaa: {  	v2 =	vshll.u32 v2, $0x1  }
0xab: {  	v2 =	vor.u32 v0, v2  }
0xac: {  	[tilespmem:s12+$0xFFFFFF80] =	vst v2  }
0xad: {  	v2 =	vld [tilespmem:s9+$0xFFFFFF80];
	_ =	sdelay $0x4  }
0xae: {  	v3 =	vadd.s32 $0xFFFFEC78, v2;
	v2 =	vand.u32 $0x3F, v2  }
0xaf: {  	vm0 =	vlt.u32 v3, $0x1388;
	v2 =	vadd.s32 $0x1388, v2  }
0xb0: {  	v2 =	vsel vm0, v3, v2  }
0xb1: {  	[tilespmem:s9+$0xFFFFFF80] =	vst v2  }
0xb2: {  	v2 =	vld [tilespmem:s12+$0xFFFFFF90];
	_ =	sdelay $0x4  }
0xb3: {  	v2 =	vshll.u32 v2, $0x1  }
0xb4: {  	v2 =	vor.u32 v0, v2  }
0xb5: {  	[tilespmem:s12+$0xFFFFFF90] =	vst v2  }
0xb6: {  	v2 =	vld [tilespmem:s9+$0xFFFFFF90];
	_ =	sdelay $0x4  }
0xb7: {  	v3 =	vadd.s32 $0xFFFFEC78, v2;
	v2 =	vand.u32 $0x3F, v2  }
0xb8: {  	vm0 =	vlt.u32 v3, $0x1388;
	v2 =	vadd.s32 $0x1388, v2  }
0xb9: {  	v2 =	vsel vm0, v3, v2  }
0xba: {  	[tilespmem:s9+$0xFFFFFF90] =	vst v2  }
0xbb: {  	v2 =	vld [tilespmem:s12+$0xFFFFFFA0];
	_ =	sdelay $0x4  }
0xbc: {  	v2 =	vshll.u32 v2, $0x1  }
0xbd: {  	v2 =	vor.u32 v0, v2  }
0xbe: {  	[tilespmem:s12+$0xFFFFFFA0] =	vst v2  }
0xbf: {  	v2 =	vld [tilespmem:s9+$0xFFFFFFA0];
	_ =	sdelay $0x4  }
0xc0: {  	v3 =	vadd.s32 $0xFFFFEC78, v2;
	v2 =	vand.u32 $0x3F, v2  }
0xc1: {  	vm0 =	vlt.u32 v3, $0x1388;
	v2 =	vadd.s32 $0x1388, v2  }
0xc2: {  	v2 =	vsel vm0, v3, v2  }
0xc3: {  	[tilespmem:s9+$0xFFFFFFA0] =	vst v2  }
0xc4: {  	v2 =	vld [tilespmem:s12+$0xFFFFFFB0];
	_ =	sdelay $0x4  }
0xc5: {  	v2 =	vshll.u32 v2, $0x1  }
0xc6: {  	v2 =	vor.u32 v0, v2  }
0xc7: {  	[tilespmem:s12+$0xFFFFFFB0] =	vst v2  }
0xc8: {  	v2 =	vld [tilespmem:s9+$0xFFFFFFB0];
	_ =	sdelay $0x4  }
0xc9: {  	v3 =	vadd.s32 $0xFFFFEC78, v2;
	v2 =	vand.u32 $0x3F, v2  }
0xca: {  	vm0 =	vlt.u32 v3, $0x1388;
	v2 =	vadd.s32 $0x1388, v2  }
0xcb: {  	v2 =	vsel vm0, v3, v2  }
0xcc: {  	[tilespmem:s9+$0xFFFFFFB0] =	vst v2  }
0xcd: {  	v2 =	vld [tilespmem:s12+$0x0];
	_ =	sdelay $0x4  }
0xce: {  	v2 =	vshll.u32 v2, $0x1  }
0xcf: {  	v2 =	vor.u32 v0, v2  }
0xd0: {  	[tilespmem:s12+$0x0] =	vst v2  }
0xd1: {  	v2 =	vld [tilespmem:s9+$0x0];
	_ =	sdelay $0x4  }
0xd2: {  	v3 =	vadd.s32 $0xFFFFEC78, v2;
	v2 =	vand.u32 $0x3F, v2  }
0xd3: {  	vm0 =	vlt.u32 v3, $0x1388;
	v2 =	vadd.s32 $0x1388, v2  }
0xd4: {  	v2 =	vsel vm0, v3, v2  }
0xd5: {  	[tilespmem:s9+$0x0] =	vst v2  }
0xd6: {  	v2 =	vld [tilespmem:s12+$0x10];
	_ =	sdelay $0x4  }
0xd7: {  	v2 =	vshll.u32 v2, $0x1  }
0xd8: {  	v2 =	vor.u32 v0, v2  }
0xd9: {  	[tilespmem:s12+$0x10] =	vst v2  }
0xda: {  	v2 =	vld [tilespmem:s9+$0x10];
	_ =	sdelay $0x4  }
0xdb: {  	v3 =	vadd.s32 $0xFFFFEC78, v2;
	v2 =	vand.u32 $0x3F, v2  }
0xdc: {  	vm0 =	vlt.u32 v3, $0x1388;
	v2 =	vadd.s32 $0x1388, v2  }
0xdd: {  	v2 =	vsel vm0, v3, v2  }
0xde: {  	[tilespmem:s9+$0x10] =	vst v2  }
0xdf: {  	v2 =	vld [tilespmem:s12+$0x20];
	_ =	sdelay $0x4  }
0xe0: {  	v2 =	vshll.u32 v2, $0x1  }
0xe1: {  	v2 =	vor.u32 v0, v2  }
0xe2: {  	[tilespmem:s12+$0x20] =	vst v2  }
0xe3: {  	v2 =	vld [tilespmem:s9+$0x20];
	_ =	sdelay $0x4  }
0xe4: {  	v3 =	vadd.s32 $0xFFFFEC78, v2;
	v2 =	vand.u32 $0x3F, v2  }
0xe5: {  	vm0 =	vlt.u32 v3, $0x1388;
	v2 =	vadd.s32 $0x1388, v2  }
0xe6: {  	v2 =	vsel vm0, v3, v2  }
0xe7: {  	[tilespmem:s9+$0x20] =	vst v2  }
0xe8: {  	v2 =	vld [tilespmem:s12+$0x30];
	_ =	sdelay $0x4  }
0xe9: {  	v2 =	vshll.u32 v2, $0x1  }
0xea: {  	v2 =	vor.u32 v0, v2  }
0xeb: {  	[tilespmem:s12+$0x30] =	vst v2  }
0xec: {  	v2 =	vld [tilespmem:s9+$0x30];
	_ =	sdelay $0x2  }
.Ltmp2:
0xed: {  	(pc) =	sbr.rel @p2 .LBB2_2-.Ltmp2, $4  }
0xee: {  	_ = 	snop  }
0xef: {  	v3 =	vadd.s32 $0xFFFFEC78, v2;
	v2 =	vand.u32 $0x3F, v2  }
0xf0: {  	vm0 =	vlt.u32 v3, $0x1388;
	v2 =	vadd.s32 $0x1388, v2  }
0xf1: {  	v2 =	vsel vm0, v3, v2  }
0xf2: {  	[tilespmem:s9+$0x30] =	vst v2;
	s22 =	simm.s32 $0x0;
	s10 =	simm.s32 $0xA000  }
0xf3: {  	[tilespmem:s10], [sflag:$0x1] =	stream.indirect.gather [hbm4b:s1+s29], $0x80, s22, s29, $0xb8;
	[tilespmem:$0x1FE40] =	vst v63  }
0xf4: {  	s23 =	simm.s32 $0xE000  }
0xf5: {  	[tilespmem:s23], [sflag:$0x3] =	stream.linear.gather [hbm4b:s15+s22], $0x2000, $0x38;
	[tilespmem:$0x1FE40] =	vst v63  }
0xf6: {  	_ = 	snop  }
0xf7: {  	[tilespmem:s28], [sflag:$0x2] =	stream.indirect.gather [hbm4b:s1+s29], $0x80, s2, s29, $0xb8;
	[tilespmem:$0x1FE40] =	vst v63  }
0xf8: {  	s25 =	rddreg [dreg:$0xe];
	s9 =	simm.s32 $0x0;
	s10 =	simm.s32 $0x200  }
0xf9: {  	[tilespmem:s30], [sflag:$0x4] =	stream.linear.gather [hbm4b:s25+s22], $0x2000, $0x38;
	[tilespmem:$0x1FE40] =	vst v63  }
.LBB2_4:
0xfa: {  	p2 =	sne.s32 s10, $0x4E00;
	[tilespmem:s9+$0x12070] =	vst v1  }
0xfb: {  	[tilespmem:s9+$0x12000] =	vst v1  }
0xfc: {  	[tilespmem:s9+$0x12010] =	vst v1  }
.Ltmp3:
0xfd: {  	[tilespmem:s9+$0x12020] =	vst v1;
	(pc) =	sbr.rel @p2 .LBB2_4-.Ltmp3, $4  }
0xfe: {  	[tilespmem:s9+$0x12030] =	vst v1  }
0xff: {  	[tilespmem:s9+$0x12040] =	vst v1  }
0x100: {  	[tilespmem:s9+$0x12050] =	vst v1  }
0x101: {  	[tilespmem:s9+$0x12060] =	vst v1;
	s9 =	sshra.s32 s10, $0x2;
	s10 =	sadd.s32 $0x200, s10  }
0x102: {  	[tilespmem:s9+$0x12070] =	vst v1  }
0x103: {  	[tilespmem:s9+$0x12000] =	vst v1  }
0x104: {  	[tilespmem:s9+$0x12010] =	vst v1  }
0x105: {  	[tilespmem:s9+$0x12020] =	vst v1  }
0x106: {  	[tilespmem:s9+$0x12030] =	vst v1  }
0x107: {  	[tilespmem:s9+$0x12040] =	vst v1  }
0x108: {  	[tilespmem:s9+$0x12050] =	vst v1  }
0x109: {  	[tilespmem:s9+$0x12060] =	vst v1  }
0x10a: {  	[spmem:s13] =	stream.linear.scatter [tilespmem:s31], [sflag:$0x7], $0x1400, $0x38;
	[tilespmem:$0x1FE40] =	vst v63  }
0x10b: {  	_ =	swait.ge [sflag:s26], $0x1400  }
0x10c: {  	[sflag:s26] =	ssyncset.done $0x0  }
0x10d: {  	[sflag:s26] =	ssyncadd.s32 $0xFFFFEC00  }
0x10e: {  	[spmem:s16] =	stream.linear.scatter [tilespmem:s31], [sflag:$0x7], $0x1400, $0x38;
	[tilespmem:$0x1FE40] =	vst v63  }
0x10f: {  	_ =	swait.ge [sflag:s26], $0x1400  }
0x110: {  	[sflag:s26] =	ssyncset.done $0x0  }
0x111: {  	[sflag:s26] =	ssyncadd.s32 $0xFFFFEC00  }
0x112: {  	[spmem:s18] =	stream.linear.scatter [tilespmem:s31], [sflag:$0x7], $0x1400, $0x38;
	[tilespmem:$0x1FE40] =	vst v63  }
0x113: {  	_ =	swait.ge [sflag:s26], $0x1400  }
0x114: {  	[sflag:s26] =	ssyncset.done $0x0  }
0x115: {  	[sflag:s26] =	ssyncadd.s32 $0xFFFFEC00  }
0x116: {  	[spmem:s17] =	stream.linear.scatter [tilespmem:s31], [sflag:$0x7], $0x1400, $0x38;
	[tilespmem:$0x1FE40] =	vst v63  }
0x117: {  	_ =	swait.ge [sflag:s26], $0x1400  }
0x118: {  	[sflag:s26] =	ssyncset.done $0x0  }
0x119: {  	s22 =	smov.u32 s18;
	s18 =	rddreg [dreg:$0xf];
	[sflag:s26] =	ssyncadd.s32 $0xFFFFEC00  }
0x11a: {  	[spmem:s18] =	stream.linear.scatter [tilespmem:s31], [sflag:$0x7], $0x1400, $0x38;
	[tilespmem:$0x1FE40] =	vst v63  }
0x11b: {  	_ =	swait.ge [sflag:s26], $0x1400  }
0x11c: {  	[sflag:s26] =	ssyncset.done $0x0  }
0x11d: {  	s19 =	rddreg [dreg:$0x10];
	[sflag:s26] =	ssyncadd.s32 $0xFFFFEC00  }
0x11e: {  	[spmem:s19] =	stream.linear.scatter [tilespmem:s31], [sflag:$0x7], $0x1400, $0x38;
	[tilespmem:$0x1FE40] =	vst v63  }
0x11f: {  	_ =	swait.ge [sflag:s26], $0x1400  }
0x120: {  	[sflag:s26] =	ssyncset.done $0x0  }
0x121: {  	s25 =	rddreg [dreg:$0x11];
	[sflag:s26] =	ssyncadd.s32 $0xFFFFEC00  }
0x122: {  	[spmem:s25] =	stream.linear.scatter [tilespmem:s31], [sflag:$0x7], $0x1400, $0x38;
	[tilespmem:$0x1FE40] =	vst v63  }
0x123: {  	_ =	swait.ge [sflag:s26], $0x1400  }
0x124: {  	[sflag:s26] =	ssyncset.done $0x0  }
0x125: {  	s9 =	simm.s32 @!p0 $0x12000;
	[sflag:s26] =	ssyncadd.s32 $0xFFFFEC00  }
0x126: {  	[spmem:s24] =	stream.linear.scatter @!p0 [tilespmem:s9], [sflag:$0x7], $0x1400, $0x38;
	[tilespmem:$0x1FE40] =	vst v63  }
0x127: {  	s9 =	simm.s32 @!p0 $0x7  }
0x128: {  	_ =	swait.ge @!p0 [sflag:s9], $0x1400  }
0x129: {  	[sflag:s9] =	ssyncset.done @!p0 $0x0  }
0x12a: {  	s20 =	smov.u32 s13;
	s21 =	smov.u32 s16;
	[sflag:s9] =	ssyncadd.s32 @!p0 $0xFFFFEC00  }
0x12b: {  	s23 =	smov.u32 s17;
	s12 =	simm.s32 $0x0;
	[bflag:$0x0] =	sbarrier.arrive $0xFFFF  }
.LBB2_6:
0x12c: {  	_ =	swait.ge [sflag:s0], $0x2000  }
0x12d: {  	[sflag:s0] =	ssyncset.done $0x0  }
0x12e: {  	[sflag:s0] =	ssyncadd.s32 $0xFFFFE000  }
0x12f: {  	_ =	swait.ge [sflag:s5], $0x2000  }
0x130: {  	p2 =	seq.s32 s12, $0x0;
	[sflag:s5] =	ssyncset.done $0x0  }
0x131: {  	s9 =	simm.s32 @!p2 $0x5;
	[sflag:s5] =	ssyncadd.s32 $0xFFFFE000  }
0x132: {  	_ =	swait.ge @!p2 [sflag:s9], $0x400  }
0x133: {  	[sflag:s9] =	ssyncset.done @!p2 $0x0  }
0x134: {  	s14 =	simm.s32 $0xA080;
	[sflag:s9] =	ssyncadd.s32 @!p2 $0xFFFFFC00  }
0x135: {  	s16 =	simm.s32 $0xE080;
	v2 =	vld [tilespmem:s14+$0xFFFFFF80]  }
0x136: {  	v3 =	vld [tilespmem:s16+$0xFFFFFF80];
	_ =	sdelay $0x4  }
0x137: {  	v2 =	vadd.f32 v3, v2;
	_ =	sdelay $0x1  }
0x138: {  	s25 =	simm.s32 $0x12080;
	v2 =	vmax.f32 v2, $0.0e+00  }
0x139: {  	[tilespmem:s25+$0xFFFFFF80] =	vst v2  }
0x13a: {  	v2 =	vld [tilespmem:s14+$0xFFFFFF90]  }
0x13b: {  	v3 =	vld [tilespmem:s16+$0xFFFFFF90];
	_ =	sdelay $0x4  }
0x13c: {  	v2 =	vadd.f32 v3, v2;
	_ =	sdelay $0x1  }
0x13d: {  	v2 =	vmax.f32 v2, $0.0e+00  }
0x13e: {  	[tilespmem:s25+$0xFFFFFF90] =	vst v2  }
0x13f: {  	v2 =	vld [tilespmem:s14+$0xFFFFFFA0]  }
0x140: {  	v3 =	vld [tilespmem:s16+$0xFFFFFFA0];
	_ =	sdelay $0x4  }
0x141: {  	v2 =	vadd.f32 v3, v2;
	_ =	sdelay $0x1  }
0x142: {  	v2 =	vmax.f32 v2, $0.0e+00  }
0x143: {  	[tilespmem:s25+$0xFFFFFFA0] =	vst v2  }
0x144: {  	v2 =	vld [tilespmem:s14+$0xFFFFFFB0]  }
0x145: {  	v3 =	vld [tilespmem:s16+$0xFFFFFFB0];
	_ =	sdelay $0x4  }
0x146: {  	v2 =	vadd.f32 v3, v2;
	_ =	sdelay $0x1  }
0x147: {  	v2 =	vmax.f32 v2, $0.0e+00  }
0x148: {  	[tilespmem:s25+$0xFFFFFFB0] =	vst v2  }
0x149: {  	v2 =	vld [tilespmem:s14+$0xFFFFFFC0]  }
0x14a: {  	v3 =	vld [tilespmem:s16+$0xFFFFFFC0];
	_ =	sdelay $0x4  }
0x14b: {  	v2 =	vadd.f32 v3, v2;
	_ =	sdelay $0x1  }
0x14c: {  	v2 =	vmax.f32 v2, $0.0e+00  }
0x14d: {  	[tilespmem:s25+$0xFFFFFFC0] =	vst v2  }
0x14e: {  	v2 =	vld [tilespmem:s14+$0xFFFFFFD0]  }
0x14f: {  	v3 =	vld [tilespmem:s16+$0xFFFFFFD0];
	_ =	sdelay $0x4  }
0x150: {  	v2 =	vadd.f32 v3, v2;
	_ =	sdelay $0x1  }
0x151: {  	v2 =	vmax.f32 v2, $0.0e+00  }
0x152: {  	[tilespmem:s25+$0xFFFFFFD0] =	vst v2  }
0x153: {  	v2 =	vld [tilespmem:s14+$0xFFFFFFE0]  }
0x154: {  	v3 =	vld [tilespmem:s16+$0xFFFFFFE0];
	_ =	sdelay $0x4  }
0x155: {  	v2 =	vadd.f32 v3, v2;
	_ =	sdelay $0x1  }
0x156: {  	v2 =	vmax.f32 v2, $0.0e+00  }
0x157: {  	[tilespmem:s25+$0xFFFFFFE0] =	vst v2  }
0x158: {  	v2 =	vld [tilespmem:s14+$0xFFFFFFF0]  }
0x159: {  	v3 =	vld [tilespmem:s16+$0xFFFFFFF0];
	_ =	sdelay $0x4  }
0x15a: {  	v2 =	vadd.f32 v3, v2;
	_ =	sdelay $0x1  }
0x15b: {  	v2 =	vmax.f32 v2, $0.0e+00  }
0x15c: {  	[tilespmem:s25+$0xFFFFFFF0] =	vst v2  }
0x15d: {  	v2 =	vld [tilespmem:s14+$0x0]  }
0x15e: {  	v3 =	vld [tilespmem:s16+$0x0];
	_ =	sdelay $0x4  }
0x15f: {  	v2 =	vadd.f32 v3, v2;
	_ =	sdelay $0x1  }
0x160: {  	v2 =	vmax.f32 v2, $0.0e+00  }
0x161: {  	[tilespmem:s25+$0x0] =	vst v2  }
0x162: {  	v2 =	vld [tilespmem:s14+$0x10]  }
0x163: {  	v3 =	vld [tilespmem:s16+$0x10];
	_ =	sdelay $0x4  }
0x164: {  	v2 =	vadd.f32 v3, v2;
	_ =	sdelay $0x1  }
0x165: {  	v2 =	vmax.f32 v2, $0.0e+00  }
0x166: {  	[tilespmem:s25+$0x10] =	vst v2  }
0x167: {  	v2 =	vld [tilespmem:s14+$0x20]  }
0x168: {  	v3 =	vld [tilespmem:s16+$0x20];
	_ =	sdelay $0x4  }
0x169: {  	v2 =	vadd.f32 v3, v2;
	_ =	sdelay $0x1  }
0x16a: {  	v2 =	vmax.f32 v2, $0.0e+00  }
0x16b: {  	[tilespmem:s25+$0x20] =	vst v2  }
0x16c: {  	v2 =	vld [tilespmem:s14+$0x30]  }
0x16d: {  	v3 =	vld [tilespmem:s16+$0x30];
	_ =	sdelay $0x4  }
0x16e: {  	v2 =	vadd.f32 v3, v2;
	_ =	sdelay $0x1  }
0x16f: {  	v2 =	vmax.f32 v2, $0.0e+00  }
0x170: {  	[tilespmem:s25+$0x30] =	vst v2  }
0x171: {  	v2 =	vld [tilespmem:s14+$0x40]  }
0x172: {  	v3 =	vld [tilespmem:s16+$0x40];
	_ =	sdelay $0x4  }
0x173: {  	v2 =	vadd.f32 v3, v2;
	_ =	sdelay $0x1  }
0x174: {  	v2 =	vmax.f32 v2, $0.0e+00  }
0x175: {  	[tilespmem:s25+$0x40] =	vst v2  }
0x176: {  	v2 =	vld [tilespmem:s14+$0x50]  }
0x177: {  	v3 =	vld [tilespmem:s16+$0x50];
	_ =	sdelay $0x4  }
0x178: {  	v2 =	vadd.f32 v3, v2;
	_ =	sdelay $0x1  }
0x179: {  	v2 =	vmax.f32 v2, $0.0e+00  }
0x17a: {  	[tilespmem:s25+$0x50] =	vst v2  }
0x17b: {  	v2 =	vld [tilespmem:s14+$0x60]  }
0x17c: {  	v3 =	vld [tilespmem:s16+$0x60]  }
0x17d: {  	s13 =	sshll.u32 s12, $0x1;
	s10 =	simm.s32 $0x0  }
0x17e: {  	s18 =	simm.s32 $0xA180;
	s17 =	simm.s32 $0xE080;
	s9 =	simm.s32 $0x12080  }
.LBB2_7:
0x17f: {  	s10 =	sadd.s32 $0x2, s10;
	s25 =	sadd.s32 $0x100, s25;
	s16 =	sadd.s32 $0x100, s16  }
0x180: {  	p3 =	slt.u32 s10, $0x3E  }
0x181: {  	v2 =	vadd.f32 v3, v2;
	_ =	sdelay $0x1  }
0x182: {  	v2 =	vmax.f32 v2, $0.0e+00  }
0x183: {  	[tilespmem:s9+$0x60] =	vst v2  }
0x184: {  	v2 =	vld [tilespmem:s14+$0x70];
	s14 =	smov.u32 s18  }
0x185: {  	v3 =	vld [tilespmem:s17+$0x70];
	s17 =	smov.u32 s16;
	_ =	sdelay $0x4  }
0x186: {  	v2 =	vadd.f32 v3, v2;
	_ =	sdelay $0x1  }
0x187: {  	v2 =	vmax.f32 v2, $0.0e+00  }
0x188: {  	[tilespmem:s9+$0x70] =	vst v2;
	s9 =	smov.u32 s25  }
0x189: {  	v2 =	vld [tilespmem:s18+$0xFFFFFF80]  }
0x18a: {  	v3 =	vld [tilespmem:s16+$0xFFFFFF80];
	_ =	sdelay $0x4  }
0x18b: {  	v2 =	vadd.f32 v3, v2;
	_ =	sdelay $0x1  }
0x18c: {  	v2 =	vmax.f32 v2, $0.0e+00  }
0x18d: {  	[tilespmem:s25+$0xFFFFFF80] =	vst v2  }
0x18e: {  	v2 =	vld [tilespmem:s18+$0xFFFFFF90]  }
0x18f: {  	v3 =	vld [tilespmem:s16+$0xFFFFFF90];
	_ =	sdelay $0x4  }
0x190: {  	v2 =	vadd.f32 v3, v2;
	_ =	sdelay $0x1  }
0x191: {  	v2 =	vmax.f32 v2, $0.0e+00  }
0x192: {  	[tilespmem:s25+$0xFFFFFF90] =	vst v2  }
0x193: {  	v2 =	vld [tilespmem:s18+$0xFFFFFFA0]  }
0x194: {  	v3 =	vld [tilespmem:s16+$0xFFFFFFA0];
	_ =	sdelay $0x4  }
0x195: {  	v2 =	vadd.f32 v3, v2;
	_ =	sdelay $0x1  }
0x196: {  	v2 =	vmax.f32 v2, $0.0e+00  }
0x197: {  	[tilespmem:s25+$0xFFFFFFA0] =	vst v2  }
0x198: {  	v2 =	vld [tilespmem:s18+$0xFFFFFFB0]  }
0x199: {  	v3 =	vld [tilespmem:s16+$0xFFFFFFB0];
	_ =	sdelay $0x4  }
0x19a: {  	v2 =	vadd.f32 v3, v2;
	_ =	sdelay $0x1  }
0x19b: {  	v2 =	vmax.f32 v2, $0.0e+00  }
0x19c: {  	[tilespmem:s25+$0xFFFFFFB0] =	vst v2  }
0x19d: {  	v2 =	vld [tilespmem:s18+$0xFFFFFFC0]  }
0x19e: {  	v3 =	vld [tilespmem:s16+$0xFFFFFFC0];
	_ =	sdelay $0x4  }
0x19f: {  	v2 =	vadd.f32 v3, v2;
	_ =	sdelay $0x1  }
0x1a0: {  	v2 =	vmax.f32 v2, $0.0e+00  }
0x1a1: {  	[tilespmem:s25+$0xFFFFFFC0] =	vst v2  }
0x1a2: {  	v2 =	vld [tilespmem:s18+$0xFFFFFFD0]  }
0x1a3: {  	v3 =	vld [tilespmem:s16+$0xFFFFFFD0];
	_ =	sdelay $0x4  }
0x1a4: {  	v2 =	vadd.f32 v3, v2;
	_ =	sdelay $0x1  }
0x1a5: {  	v2 =	vmax.f32 v2, $0.0e+00  }
0x1a6: {  	[tilespmem:s25+$0xFFFFFFD0] =	vst v2  }
0x1a7: {  	v2 =	vld [tilespmem:s18+$0xFFFFFFE0]  }
0x1a8: {  	v3 =	vld [tilespmem:s16+$0xFFFFFFE0];
	_ =	sdelay $0x4  }
0x1a9: {  	v2 =	vadd.f32 v3, v2;
	_ =	sdelay $0x1  }
0x1aa: {  	v2 =	vmax.f32 v2, $0.0e+00  }
0x1ab: {  	[tilespmem:s25+$0xFFFFFFE0] =	vst v2  }
0x1ac: {  	v2 =	vld [tilespmem:s18+$0xFFFFFFF0]  }
0x1ad: {  	v3 =	vld [tilespmem:s16+$0xFFFFFFF0];
	_ =	sdelay $0x4  }
0x1ae: {  	v2 =	vadd.f32 v3, v2;
	_ =	sdelay $0x1  }
0x1af: {  	v2 =	vmax.f32 v2, $0.0e+00  }
0x1b0: {  	[tilespmem:s25+$0xFFFFFFF0] =	vst v2  }
0x1b1: {  	v2 =	vld [tilespmem:s18+$0x0]  }
0x1b2: {  	v3 =	vld [tilespmem:s16+$0x0];
	_ =	sdelay $0x4  }
0x1b3: {  	v2 =	vadd.f32 v3, v2;
	_ =	sdelay $0x1  }
0x1b4: {  	v2 =	vmax.f32 v2, $0.0e+00  }
0x1b5: {  	[tilespmem:s25+$0x0] =	vst v2  }
0x1b6: {  	v2 =	vld [tilespmem:s18+$0x10]  }
0x1b7: {  	v3 =	vld [tilespmem:s16+$0x10];
	_ =	sdelay $0x4  }
0x1b8: {  	v2 =	vadd.f32 v3, v2;
	_ =	sdelay $0x1  }
0x1b9: {  	v2 =	vmax.f32 v2, $0.0e+00  }
0x1ba: {  	[tilespmem:s25+$0x10] =	vst v2  }
0x1bb: {  	v2 =	vld [tilespmem:s18+$0x20]  }
0x1bc: {  	v3 =	vld [tilespmem:s16+$0x20];
	_ =	sdelay $0x4  }
0x1bd: {  	v2 =	vadd.f32 v3, v2;
	_ =	sdelay $0x1  }
0x1be: {  	v2 =	vmax.f32 v2, $0.0e+00  }
0x1bf: {  	[tilespmem:s25+$0x20] =	vst v2  }
0x1c0: {  	v2 =	vld [tilespmem:s18+$0x30]  }
0x1c1: {  	v3 =	vld [tilespmem:s16+$0x30];
	_ =	sdelay $0x4  }
0x1c2: {  	v2 =	vadd.f32 v3, v2;
	_ =	sdelay $0x1  }
0x1c3: {  	v2 =	vmax.f32 v2, $0.0e+00  }
0x1c4: {  	[tilespmem:s25+$0x30] =	vst v2  }
0x1c5: {  	v2 =	vld [tilespmem:s18+$0x40]  }
0x1c6: {  	v3 =	vld [tilespmem:s16+$0x40];
	_ =	sdelay $0x4  }
0x1c7: {  	v2 =	vadd.f32 v3, v2;
	_ =	sdelay $0x1  }
0x1c8: {  	v2 =	vmax.f32 v2, $0.0e+00  }
0x1c9: {  	[tilespmem:s25+$0x40] =	vst v2  }
0x1ca: {  	v2 =	vld [tilespmem:s18+$0x50]  }
0x1cb: {  	v3 =	vld [tilespmem:s16+$0x50];
	_ =	sdelay $0x4  }
0x1cc: {  	v2 =	vadd.f32 v3, v2;
	_ =	sdelay $0x1  }
0x1cd: {  	v2 =	vmax.f32 v2, $0.0e+00  }
.Ltmp4:
0x1ce: {  	[tilespmem:s25+$0x50] =	vst v2;
	(pc) =	sbr.rel @p3 .LBB2_7-.Ltmp4, $3  }
0x1cf: {  	v2 =	vld [tilespmem:s18+$0x60]  }
0x1d0: {  	v3 =	vld [tilespmem:s16+$0x60];
	_ =	sdelay $0x1  }
0x1d1: {  	s18 =	sadd.s32 $0x100, s18  }
0x1d2: {  	_ =	sdelay $0x1  }
0x1d3: {  	v2 =	vadd.f32 v3, v2;
	_ =	sdelay $0x1  }
0x1d4: {  	v2 =	vmax.f32 v2, $0.0e+00  }
0x1d5: {  	[tilespmem:s9+$0x60] =	vst v2  }
0x1d6: {  	v2 =	vld [tilespmem:s14+$0x70]  }
0x1d7: {  	v3 =	vld [tilespmem:s17+$0x70];
	_ =	sdelay $0x4  }
0x1d8: {  	v2 =	vadd.f32 v3, v2  }
0x1d9: {  	s10 =	sshll.u32 s12, $0x8  }
0x1da: {  	p3 =	seq.s32 s12, $0x4F;
	s14 =	sand.u32 $0x3FFFFF00, s10;
	v2 =	vmax.f32 v2, $0.0e+00  }
0x1db: {  	s25 =	sadd.s32 $0x5000, s14;
	[tilespmem:s9+$0x70] =	vst v2;
	s9 =	sadd.s32 @!p3 $0x2, s13  }
0x1dc: {  	[spmem:s3] =	stream.indirect.scatter.add.f32 [tilespmem:s31], [sflag:$0x5], $0x80, s25, s29, $0xb8;
	[tilespmem:$0x1FE40] =	vst v63  }
0x1dd: {  	s16 =	simm.s32 @!p3 $0x40;
	s10 =	sshll.u32 @!p3 s9, $0x7  }
0x1de: {  	s17 =	simm.s32 @!p3 $0xA000;
	s9 =	sshll.u32 @!p3 s9, $0xA;
	s10 =	sand.u32 @!p3 $0x3FFFFF80, s10  }
0x1df: {  	[tilespmem:s17], [sflag:$0x1] =	stream.indirect.gather @!p3 [hbm4b:s1+s16], $0x80, s10, s16, $0xb8;
	[tilespmem:$0x1FE40] =	vst v63  }
0x1e0: {  	s9 =	sadd.s32 @!p3 s9, s15;
	s10 =	simm.s32 @!p3 $0x0;
	s16 =	simm.s32 @!p3 $0xE000  }
0x1e1: {  	[tilespmem:s16], [sflag:$0x3] =	stream.linear.gather @!p3 [hbm4b:s9+s10], $0x2000, $0x38;
	[tilespmem:$0x1FE40] =	vst v63  }
0x1e2: {  	_ =	swait.ge [sflag:s6], $0x2000  }
0x1e3: {  	[sflag:s6] =	ssyncset.done $0x0  }
0x1e4: {  	[sflag:s6] =	ssyncadd.s32 $0xFFFFE000  }
0x1e5: {  	_ =	swait.ge [sflag:s7], $0x2000  }
0x1e6: {  	[sflag:s7] =	ssyncset.done $0x0  }
0x1e7: {  	s9 =	simm.s32 @!p2 $0x6;
	[sflag:s7] =	ssyncadd.s32 $0xFFFFE000  }
0x1e8: {  	_ =	swait.ge @!p2 [sflag:s9], $0x400  }
0x1e9: {  	[sflag:s9] =	ssyncset.done @!p2 $0x0  }
0x1ea: {  	s16 =	simm.s32 $0xC0F0;
	[sflag:s9] =	ssyncadd.s32 @!p2 $0xFFFFFC00  }
0x1eb: {  	s25 =	simm.s32 $0x100F0;
	v2 =	vld [tilespmem:s16+$0xFFFFFF10]  }
0x1ec: {  	v3 =	vld [tilespmem:s25+$0xFFFFFF10];
	_ =	sdelay $0x4  }
0x1ed: {  	v2 =	vadd.f32 v3, v2;
	_ =	sdelay $0x1  }
0x1ee: {  	s9 =	simm.s32 $0x140F0;
	v2 =	vmax.f32 v2, $0.0e+00  }
0x1ef: {  	[tilespmem:s9+$0xFFFFFF10] =	vst v2  }
0x1f0: {  	v2 =	vld [tilespmem:s16+$0xFFFFFF20]  }
0x1f1: {  	v3 =	vld [tilespmem:s25+$0xFFFFFF20];
	_ =	sdelay $0x4  }
0x1f2: {  	v2 =	vadd.f32 v3, v2;
	_ =	sdelay $0x1  }
0x1f3: {  	v2 =	vmax.f32 v2, $0.0e+00  }
0x1f4: {  	[tilespmem:s9+$0xFFFFFF20] =	vst v2  }
0x1f5: {  	v2 =	vld [tilespmem:s16+$0xFFFFFF30]  }
0x1f6: {  	v3 =	vld [tilespmem:s25+$0xFFFFFF30];
	_ =	sdelay $0x4  }
0x1f7: {  	v2 =	vadd.f32 v3, v2;
	_ =	sdelay $0x1  }
0x1f8: {  	v2 =	vmax.f32 v2, $0.0e+00  }
0x1f9: {  	[tilespmem:s9+$0xFFFFFF30] =	vst v2  }
0x1fa: {  	v2 =	vld [tilespmem:s16+$0xFFFFFF40]  }
0x1fb: {  	v3 =	vld [tilespmem:s25+$0xFFFFFF40];
	_ =	sdelay $0x4  }
0x1fc: {  	v2 =	vadd.f32 v3, v2;
	_ =	sdelay $0x1  }
0x1fd: {  	v2 =	vmax.f32 v2, $0.0e+00  }
0x1fe: {  	[tilespmem:s9+$0xFFFFFF40] =	vst v2  }
0x1ff: {  	v2 =	vld [tilespmem:s16+$0xFFFFFF50]  }
0x200: {  	v3 =	vld [tilespmem:s25+$0xFFFFFF50];
	_ =	sdelay $0x4  }
0x201: {  	v2 =	vadd.f32 v3, v2;
	_ =	sdelay $0x1  }
0x202: {  	v2 =	vmax.f32 v2, $0.0e+00  }
0x203: {  	[tilespmem:s9+$0xFFFFFF50] =	vst v2  }
0x204: {  	v2 =	vld [tilespmem:s16+$0xFFFFFF60]  }
0x205: {  	v3 =	vld [tilespmem:s25+$0xFFFFFF60];
	_ =	sdelay $0x4  }
0x206: {  	v2 =	vadd.f32 v3, v2;
	_ =	sdelay $0x1  }
0x207: {  	v2 =	vmax.f32 v2, $0.0e+00  }
0x208: {  	[tilespmem:s9+$0xFFFFFF60] =	vst v2  }
0x209: {  	v2 =	vld [tilespmem:s16+$0xFFFFFF70]  }
0x20a: {  	v3 =	vld [tilespmem:s25+$0xFFFFFF70];
	_ =	sdelay $0x4  }
0x20b: {  	v2 =	vadd.f32 v3, v2;
	_ =	sdelay $0x1  }
0x20c: {  	v2 =	vmax.f32 v2, $0.0e+00  }
0x20d: {  	[tilespmem:s9+$0xFFFFFF70] =	vst v2  }
0x20e: {  	v2 =	vld [tilespmem:s16+$0xFFFFFF80]  }
0x20f: {  	v3 =	vld [tilespmem:s25+$0xFFFFFF80];
	_ =	sdelay $0x4  }
0x210: {  	v2 =	vadd.f32 v3, v2;
	_ =	sdelay $0x1  }
0x211: {  	v2 =	vmax.f32 v2, $0.0e+00  }
0x212: {  	[tilespmem:s9+$0xFFFFFF80] =	vst v2  }
0x213: {  	v2 =	vld [tilespmem:s16+$0xFFFFFF90]  }
0x214: {  	v3 =	vld [tilespmem:s25+$0xFFFFFF90];
	_ =	sdelay $0x4  }
0x215: {  	v2 =	vadd.f32 v3, v2;
	_ =	sdelay $0x1  }
0x216: {  	v2 =	vmax.f32 v2, $0.0e+00  }
0x217: {  	[tilespmem:s9+$0xFFFFFF90] =	vst v2  }
0x218: {  	v2 =	vld [tilespmem:s16+$0xFFFFFFA0]  }
0x219: {  	v3 =	vld [tilespmem:s25+$0xFFFFFFA0];
	_ =	sdelay $0x4  }
0x21a: {  	v2 =	vadd.f32 v3, v2;
	_ =	sdelay $0x1  }
0x21b: {  	v2 =	vmax.f32 v2, $0.0e+00  }
0x21c: {  	[tilespmem:s9+$0xFFFFFFA0] =	vst v2  }
0x21d: {  	v2 =	vld [tilespmem:s16+$0xFFFFFFB0]  }
0x21e: {  	v3 =	vld [tilespmem:s25+$0xFFFFFFB0];
	_ =	sdelay $0x4  }
0x21f: {  	v2 =	vadd.f32 v3, v2;
	_ =	sdelay $0x1  }
0x220: {  	v2 =	vmax.f32 v2, $0.0e+00  }
0x221: {  	[tilespmem:s9+$0xFFFFFFB0] =	vst v2  }
0x222: {  	v2 =	vld [tilespmem:s16+$0xFFFFFFC0]  }
0x223: {  	v3 =	vld [tilespmem:s25+$0xFFFFFFC0];
	_ =	sdelay $0x4  }
0x224: {  	v2 =	vadd.f32 v3, v2;
	_ =	sdelay $0x1  }
0x225: {  	v2 =	vmax.f32 v2, $0.0e+00  }
0x226: {  	[tilespmem:s9+$0xFFFFFFC0] =	vst v2  }
0x227: {  	v2 =	vld [tilespmem:s16+$0xFFFFFFD0]  }
0x228: {  	v3 =	vld [tilespmem:s25+$0xFFFFFFD0];
	_ =	sdelay $0x4  }
0x229: {  	v2 =	vadd.f32 v3, v2;
	_ =	sdelay $0x1  }
0x22a: {  	v2 =	vmax.f32 v2, $0.0e+00  }
0x22b: {  	[tilespmem:s9+$0xFFFFFFD0] =	vst v2  }
0x22c: {  	v2 =	vld [tilespmem:s16+$0xFFFFFFE0]  }
0x22d: {  	v3 =	vld [tilespmem:s25+$0xFFFFFFE0];
	_ =	sdelay $0x4  }
0x22e: {  	v2 =	vadd.f32 v3, v2;
	_ =	sdelay $0x1  }
0x22f: {  	v2 =	vmax.f32 v2, $0.0e+00  }
0x230: {  	[tilespmem:s9+$0xFFFFFFE0] =	vst v2  }
0x231: {  	v2 =	vld [tilespmem:s16+$0xFFFFFFF0]  }
0x232: {  	v3 =	vld [tilespmem:s25+$0xFFFFFFF0]  }
0x233: {  	s19 =	simm.s32 $0xC1F0  }
0x234: {  	s18 =	simm.s32 $0x100F0;
	s17 =	simm.s32 $0x0;
	s10 =	simm.s32 $0x140F0  }
.LBB2_9:
0x235: {  	s17 =	sadd.s32 $0x2, s17;
	s9 =	sadd.s32 $0x100, s9;
	s25 =	sadd.s32 $0x100, s25  }
0x236: {  	p2 =	slt.u32 s17, $0x3E  }
0x237: {  	v2 =	vadd.f32 v3, v2;
	_ =	sdelay $0x1  }
0x238: {  	v2 =	vmax.f32 v2, $0.0e+00  }
0x239: {  	[tilespmem:s10+$0xFFFFFFF0] =	vst v2  }
0x23a: {  	v2 =	vld [tilespmem:s16+$0x0];
	s16 =	smov.u32 s19  }
0x23b: {  	v3 =	vld [tilespmem:s18+$0x0];
	s18 =	smov.u32 s25;
	_ =	sdelay $0x4  }
0x23c: {  	v2 =	vadd.f32 v3, v2;
	_ =	sdelay $0x1  }
0x23d: {  	v2 =	vmax.f32 v2, $0.0e+00  }
0x23e: {  	[tilespmem:s10+$0x0] =	vst v2;
	s10 =	smov.u32 s9  }
0x23f: {  	v2 =	vld [tilespmem:s19+$0xFFFFFF10]  }
0x240: {  	v3 =	vld [tilespmem:s25+$0xFFFFFF10];
	_ =	sdelay $0x4  }
0x241: {  	v2 =	vadd.f32 v3, v2;
	_ =	sdelay $0x1  }
0x242: {  	v2 =	vmax.f32 v2, $0.0e+00  }
0x243: {  	[tilespmem:s9+$0xFFFFFF10] =	vst v2  }
0x244: {  	v2 =	vld [tilespmem:s19+$0xFFFFFF20]  }
0x245: {  	v3 =	vld [tilespmem:s25+$0xFFFFFF20];
	_ =	sdelay $0x4  }
0x246: {  	v2 =	vadd.f32 v3, v2;
	_ =	sdelay $0x1  }
0x247: {  	v2 =	vmax.f32 v2, $0.0e+00  }
0x248: {  	[tilespmem:s9+$0xFFFFFF20] =	vst v2  }
0x249: {  	v2 =	vld [tilespmem:s19+$0xFFFFFF30]  }
0x24a: {  	v3 =	vld [tilespmem:s25+$0xFFFFFF30];
	_ =	sdelay $0x4  }
0x24b: {  	v2 =	vadd.f32 v3, v2;
	_ =	sdelay $0x1  }
0x24c: {  	v2 =	vmax.f32 v2, $0.0e+00  }
0x24d: {  	[tilespmem:s9+$0xFFFFFF30] =	vst v2  }
0x24e: {  	v2 =	vld [tilespmem:s19+$0xFFFFFF40]  }
0x24f: {  	v3 =	vld [tilespmem:s25+$0xFFFFFF40];
	_ =	sdelay $0x4  }
0x250: {  	v2 =	vadd.f32 v3, v2;
	_ =	sdelay $0x1  }
0x251: {  	v2 =	vmax.f32 v2, $0.0e+00  }
0x252: {  	[tilespmem:s9+$0xFFFFFF40] =	vst v2  }
0x253: {  	v2 =	vld [tilespmem:s19+$0xFFFFFF50]  }
0x254: {  	v3 =	vld [tilespmem:s25+$0xFFFFFF50];
	_ =	sdelay $0x4  }
0x255: {  	v2 =	vadd.f32 v3, v2;
	_ =	sdelay $0x1  }
0x256: {  	v2 =	vmax.f32 v2, $0.0e+00  }
0x257: {  	[tilespmem:s9+$0xFFFFFF50] =	vst v2  }
0x258: {  	v2 =	vld [tilespmem:s19+$0xFFFFFF60]  }
0x259: {  	v3 =	vld [tilespmem:s25+$0xFFFFFF60];
	_ =	sdelay $0x4  }
0x25a: {  	v2 =	vadd.f32 v3, v2;
	_ =	sdelay $0x1  }
0x25b: {  	v2 =	vmax.f32 v2, $0.0e+00  }
0x25c: {  	[tilespmem:s9+$0xFFFFFF60] =	vst v2  }
0x25d: {  	v2 =	vld [tilespmem:s19+$0xFFFFFF70]  }
0x25e: {  	v3 =	vld [tilespmem:s25+$0xFFFFFF70];
	_ =	sdelay $0x4  }
0x25f: {  	v2 =	vadd.f32 v3, v2;
	_ =	sdelay $0x1  }
0x260: {  	v2 =	vmax.f32 v2, $0.0e+00  }
0x261: {  	[tilespmem:s9+$0xFFFFFF70] =	vst v2  }
0x262: {  	v2 =	vld [tilespmem:s19+$0xFFFFFF80]  }
0x263: {  	v3 =	vld [tilespmem:s25+$0xFFFFFF80];
	_ =	sdelay $0x4  }
0x264: {  	v2 =	vadd.f32 v3, v2;
	_ =	sdelay $0x1  }
0x265: {  	v2 =	vmax.f32 v2, $0.0e+00  }
0x266: {  	[tilespmem:s9+$0xFFFFFF80] =	vst v2  }
0x267: {  	v2 =	vld [tilespmem:s19+$0xFFFFFF90]  }
0x268: {  	v3 =	vld [tilespmem:s25+$0xFFFFFF90];
	_ =	sdelay $0x4  }
0x269: {  	v2 =	vadd.f32 v3, v2;
	_ =	sdelay $0x1  }
0x26a: {  	v2 =	vmax.f32 v2, $0.0e+00  }
0x26b: {  	[tilespmem:s9+$0xFFFFFF90] =	vst v2  }
0x26c: {  	v2 =	vld [tilespmem:s19+$0xFFFFFFA0]  }
0x26d: {  	v3 =	vld [tilespmem:s25+$0xFFFFFFA0];
	_ =	sdelay $0x4  }
0x26e: {  	v2 =	vadd.f32 v3, v2;
	_ =	sdelay $0x1  }
0x26f: {  	v2 =	vmax.f32 v2, $0.0e+00  }
0x270: {  	[tilespmem:s9+$0xFFFFFFA0] =	vst v2  }
0x271: {  	v2 =	vld [tilespmem:s19+$0xFFFFFFB0]  }
0x272: {  	v3 =	vld [tilespmem:s25+$0xFFFFFFB0];
	_ =	sdelay $0x4  }
0x273: {  	v2 =	vadd.f32 v3, v2;
	_ =	sdelay $0x1  }
0x274: {  	v2 =	vmax.f32 v2, $0.0e+00  }
0x275: {  	[tilespmem:s9+$0xFFFFFFB0] =	vst v2  }
0x276: {  	v2 =	vld [tilespmem:s19+$0xFFFFFFC0]  }
0x277: {  	v3 =	vld [tilespmem:s25+$0xFFFFFFC0];
	_ =	sdelay $0x4  }
0x278: {  	v2 =	vadd.f32 v3, v2;
	_ =	sdelay $0x1  }
0x279: {  	v2 =	vmax.f32 v2, $0.0e+00  }
0x27a: {  	[tilespmem:s9+$0xFFFFFFC0] =	vst v2  }
0x27b: {  	v2 =	vld [tilespmem:s19+$0xFFFFFFD0]  }
0x27c: {  	v3 =	vld [tilespmem:s25+$0xFFFFFFD0];
	_ =	sdelay $0x4  }
0x27d: {  	v2 =	vadd.f32 v3, v2;
	_ =	sdelay $0x1  }
0x27e: {  	v2 =	vmax.f32 v2, $0.0e+00  }
0x27f: {  	[tilespmem:s9+$0xFFFFFFD0] =	vst v2  }
0x280: {  	v2 =	vld [tilespmem:s19+$0xFFFFFFE0]  }
0x281: {  	v3 =	vld [tilespmem:s25+$0xFFFFFFE0];
	_ =	sdelay $0x4  }
0x282: {  	v2 =	vadd.f32 v3, v2;
	_ =	sdelay $0x1  }
0x283: {  	v2 =	vmax.f32 v2, $0.0e+00  }
.Ltmp5:
0x284: {  	[tilespmem:s9+$0xFFFFFFE0] =	vst v2;
	(pc) =	sbr.rel @p2 .LBB2_9-.Ltmp5, $3  }
0x285: {  	v2 =	vld [tilespmem:s19+$0xFFFFFFF0]  }
0x286: {  	v3 =	vld [tilespmem:s25+$0xFFFFFFF0];
	_ =	sdelay $0x1  }
0x287: {  	s19 =	sadd.s32 $0x100, s19  }
0x288: {  	_ =	sdelay $0x1  }
0x289: {  	v2 =	vadd.f32 v3, v2;
	_ =	sdelay $0x1  }
0x28a: {  	v2 =	vmax.f32 v2, $0.0e+00  }
0x28b: {  	[tilespmem:s10+$0xFFFFFFF0] =	vst v2  }
0x28c: {  	v2 =	vld [tilespmem:s16+$0x0]  }
0x28d: {  	v3 =	vld [tilespmem:s18+$0x0];
	_ =	sdelay $0x4  }
.Ltmp6:
0x28e: {  	v2 =	vadd.f32 v3, v2;
	(pc) =	sbr.rel @p3 .LBB2_12-.Ltmp6, $4  }
0x28f: {  	_ = 	snop  }
0x290: {  	v2 =	vmax.f32 v2, $0.0e+00  }
0x291: {  	s9 =	sadd.s32 $0x5080, s14;
	[tilespmem:s10+$0x0] =	vst v2  }
0x292: {  	[spmem:s3] =	stream.indirect.scatter.add.f32 [tilespmem:s8], [sflag:$0x6], $0x80, s9, s29, $0xb8;
	[tilespmem:$0x1FE40] =	vst v63  }
0x293: {  	s9 =	sadd.s32 $0x3, s13  }
.Ltmp7:
0x294: {  	s10 =	sshll.u32 s9, $0x7;
	(pc) =	sbr.rel .LBB2_6-.Ltmp7, $4  }
0x295: {  	s9 =	sshll.u32 s9, $0xA;
	s10 =	sand.u32 $0x3FFFFF80, s10  }
0x296: {  	[tilespmem:s28], [sflag:$0x2] =	stream.indirect.gather [hbm4b:s1+s29], $0x80, s10, s29, $0xb8;
	[tilespmem:$0x1FE40] =	vst v63  }
0x297: {  	s12 =	sadd.s32 $0x1, s12;
	s9 =	sadd.s32 s9, s15  }
0x298: {  	[tilespmem:s30], [sflag:$0x4] =	stream.linear.gather [hbm4b:s9+s4], $0x2000, $0x38;
	[tilespmem:$0x1FE40] =	vst v63  }
.LBB2_13:
0x299: {  	_ =	sfence.sel $0x180000  }
0x29a: {  	[bflag:$0x0] =	sbarrier.arrive $0xFFFF  }
0x29b: {  	_ =	strace $0x9000004A  }
0x29c: {  	s0 =	stileid.u32;
	[bflag:$0x2] =	sbarrier.arrive $0xFFFF  }
0x29d: {  	p0 =	sne.s32 s0, $0x0;
	s0 =	rddreg [dreg:$0x3]  }
0x29e: {  	s0 =	sadd.s32 @!p0 $0x100000, s0  }
0x29f: {  	[sflag:s0] =	ssyncadd.tile.s32 @!p0 $0x1;
	_ =	shalt  }
.Lfunc_end2:
_tile_overlayer_lowered:
.L_overlay_start_2:
0x2a0: {  	(tag) =	ssettag $0x2  }
0x2a1: {  	s0 =	rddreg [dreg:$0x0];
	s2 =	stileid.u32  }
0x2a2: {  	s1 =	rddreg [dreg:$0x1];
	p0 =	sne.s32 s2, $0x0  }
0x2a3: {  	s3 =	rddreg [dreg:$0x2];
	[bflag:$0x3] =	sbarrier.arrive $0xFFFF;
	s2 =	simm.s32 @!p0 $0x1C07  }
0x2a4: {  	[timem:s3], [sflag:s2] =	dma.local @!p0 [hbm:s0], s1  }
0x2a5: {  	s0 =	simm.s32 @!p0 $0x7  }
0x2a6: {  	_ =	swait.ge @!p0 [sflag:s0], s1  }
0x2a7: {  	s1 =	ssub.s32 @!p0 $0x0, s1;
	[sflag:s0] =	ssyncset.done @!p0 $0x0  }
0x2a8: {  	[sflag:s0] =	ssyncadd.s32 @!p0 s1  }
0x2a9: {  	[bflag:$0x3] =	sbarrier.arrive $0xFFFF  }
0x2aa: {  	_ =	shalt  }

</sc_bundles>
